<compile_context>
chip_gen: v7x
topology: tpu7x:2x2x1
jax: 0.10.2.dev20260603
libtpu: 0.0.44.dev20260713+nightly
codegen_flags: <defaults>
</compile_context>

<pallas_src>
import functools

import jax
import jax.numpy as jnp
from jax import lax
from jax.experimental import pallas as pl
from jax.experimental.pallas import tpu as pltpu
from jax.experimental.pallas import tpu_sc as plsc

V = 1000000
D = 64
B = 425984
NC = 2
NS = 16
NW = NC * NS
BPW = B // NW
CHUNK = 512
NCHUNK = BPW // CHUNK
NBUF = 3
NIDX = 4
LAG = 2

_mesh = plsc.VectorSubcoreMesh(core_axis_name="c", subcore_axis_name="s")


@functools.partial(
    pl.kernel,
    mesh=_mesh,
    out_type=jax.ShapeDtypeStruct((B, D), jnp.float32),
    scratch_types=[
        pltpu.VMEM((NIDX, CHUNK), jnp.int32),
        pltpu.VMEM((NBUF, CHUNK, D), jnp.float32),
        [pltpu.SemaphoreType.DMA] * NIDX,
        [pltpu.SemaphoreType.DMA] * NBUF,
        [pltpu.SemaphoreType.DMA] * NBUF,
    ],
    compiler_params=pltpu.CompilerParams(use_tc_tiling_on_sc=False),
)
def _gather(x_hbm, y_hbm, out_hbm, idx_v, rows_v, sem_i, sem_g, sem_o):
    wid = lax.axis_index("s") * NC + lax.axis_index("c")
    base = wid * BPW

    idx_cp = [None] * NCHUNK
    g_cp = [None] * NCHUNK
    out_cp = [None] * NCHUNK

    def start_idx(i):
        idx_cp[i] = pltpu.async_copy(
            y_hbm.at[pl.ds(base + i * CHUNK, CHUNK)], idx_v.at[i % NIDX],
            sem_i[i % NIDX])

    for i in range(NIDX):
        start_idx(i)

    for i in range(NCHUNK + LAG):
        if i < NCHUNK:
            b = i % NBUF
            if i >= NBUF:
                out_cp[i - NBUF].wait()
            idx_cp[i].wait()
            g_cp[i] = pltpu.async_copy(
                x_hbm.at[idx_v.at[i % NIDX]], rows_v.at[b], sem_g[b])
        j = i - LAG
        if 0 <= j < NCHUNK:
            g_cp[j].wait()
            out_cp[j] = pltpu.async_copy(
                rows_v.at[j % NBUF],
                out_hbm.at[pl.ds(base + j * CHUNK, CHUNK)],
                sem_o[j % NBUF])
            if j + NIDX < NCHUNK:
                start_idx(j + NIDX)


def kernel(x, y):
    return _gather(x, y)

# --- scband reference (transcript-rebuilt; emitter-appended) ---
"""Pipeline reference for scband-index-select-static-module-64106681860666 (READ-ONLY COPY).

The authoritative reference and input builder live on the scoring server;
editing this copy changes nothing except your own understanding.
"""

import jax, jax.numpy as jnp
import numpy as np


def setup_inputs(seed: int = 0) -> dict:
    key = jax.random.key(seed)
    k1, k2 = jax.random.split(key)
    x = jax.random.normal(k1, (1000000, 64), dtype=jnp.float32)
    y = jax.random.randint(k2, (425984,), 0, 1000000, dtype=jnp.int32)
    return {"x": x, "y": y}


def reference(x, y):
    # torch.ops.aten.index_select(x, 0, y) -> gather rows of x at indices y
    return jnp.take(x, y, axis=0)

if __name__ == "__main__":
    import jax
    _d = setup_inputs()
    print(jax.jit(kernel)(*tuple(_d.values())))

</pallas_src>

<mosaic_0001>
#map = affine_map<(d0, d1) -> (0, 0)>
#map1 = affine_map<(d0, d1) -> (0)>
module attributes {stable_mosaic.version = 14 : i64} {
  func.func @_gather(%arg0: i32, %arg1: i32, %arg2: memref<1000000x64xf32, #tpu.memory_space<hbm>>, %arg3: memref<425984xi32, #tpu.memory_space<hbm>>, %arg4: memref<425984x64xf32, #tpu.memory_space<hbm>>, %arg5: memref<4x512xi32, #tpu.memory_space<vmem>>, %arg6: memref<3x512x64xf32, #tpu.memory_space<vmem>>, %arg7: memref<!tpu.dma_semaphore, #tpu.memory_space<semaphore_mem>>, %arg8: memref<!tpu.dma_semaphore, #tpu.memory_space<semaphore_mem>>, %arg9: memref<!tpu.dma_semaphore, #tpu.memory_space<semaphore_mem>>, %arg10: memref<!tpu.dma_semaphore, #tpu.memory_space<semaphore_mem>>, %arg11: memref<!tpu.dma_semaphore, #tpu.memory_space<semaphore_mem>>, %arg12: memref<!tpu.dma_semaphore, #tpu.memory_space<semaphore_mem>>, %arg13: memref<!tpu.dma_semaphore, #tpu.memory_space<semaphore_mem>>, %arg14: memref<!tpu.dma_semaphore, #tpu.memory_space<semaphore_mem>>, %arg15: memref<!tpu.dma_semaphore, #tpu.memory_space<semaphore_mem>>, %arg16: memref<!tpu.dma_semaphore, #tpu.memory_space<semaphore_mem>>) attributes {dimension_semantics = [#tpu.dimension_semantics<core_parallel>, #tpu.dimension_semantics<subcore_parallel>], iteration_bounds = array<i64: 2, 16>, scalar_prefetch = 0 : i64, scratch_operands = 12 : i64, tpu.core_type = #tpu.core_type<sc_vector_subcore>, window_params = [{transform_indices = #map}, {transform_indices = #map1}, {transform_indices = #map}]} {
    %mul3A = arith.constant 2 : i32
    %mul3A_0 = arith.muli %arg1, %mul3A : i32
    %add3A = arith.addi %mul3A_0, %arg0 : i32
    %mul3A_1 = arith.constant 13312 : i32
    %mul3A_2 = arith.muli %add3A, %mul3A_1 : i32
    %add3A_3 = arith.constant 0 : i32
    %add3A_4 = arith.addi %mul3A_2, %add3A_3 : i32
    %dma_start3A = arith.constant 0 : i32
    %dma_start3A_5 = arith.constant 0 : i32
    %dma_start3A_6 = tpu.memref_slice %arg5[%dma_start3A, %dma_start3A_5] : memref<4x512xi32, #tpu.memory_space<vmem>> -> memref<1x512xi32, #tpu.memory_space<vmem>>
    %dma_start3A_7 = tpu.memref_squeeze %dma_start3A_6 : memref<1x512xi32, #tpu.memory_space<vmem>> -> memref<512xi32, #tpu.memory_space<vmem>>
    %dma_start3A_8 = tpu.memref_slice %arg3[%add3A_4] : memref<425984xi32, #tpu.memory_space<hbm>> -> memref<512xi32, #tpu.memory_space<hbm>>
    %dma_start3A_9 = arith.constant 0 : i32
    %dma_start3A_10 = tpu.memref_slice %arg5[%dma_start3A, %dma_start3A_9] : memref<4x512xi32, #tpu.memory_space<vmem>> -> memref<1x512xi32, #tpu.memory_space<vmem>>
    %dma_start3A_11 = tpu.memref_squeeze %dma_start3A_10 : memref<1x512xi32, #tpu.memory_space<vmem>> -> memref<512xi32, #tpu.memory_space<vmem>>
    %dma_start3A_12 = tpu.memref_slice %arg3[%add3A_4] : memref<425984xi32, #tpu.memory_space<hbm>> -> memref<512xi32, #tpu.memory_space<hbm>>
    tpu.enqueue_dma source(%dma_start3A_12 : memref<512xi32, #tpu.memory_space<hbm>>) target(%dma_start3A_11 : memref<512xi32, #tpu.memory_space<vmem>>) target_semaphore(%arg7 : memref<!tpu.dma_semaphore, #tpu.memory_space<semaphore_mem>>)
    %add3A_13 = arith.constant 512 : i32
    %add3A_14 = arith.addi %mul3A_2, %add3A_13 : i32
    %dma_start3A_15 = arith.constant 1 : i32
    %dma_start3A_16 = arith.constant 0 : i32
    %dma_start3A_17 = tpu.memref_slice %arg5[%dma_start3A_15, %dma_start3A_16] : memref<4x512xi32, #tpu.memory_space<vmem>> -> memref<1x512xi32, #tpu.memory_space<vmem>>
    %dma_start3A_18 = tpu.memref_squeeze %dma_start3A_17 : memref<1x512xi32, #tpu.memory_space<vmem>> -> memref<512xi32, #tpu.memory_space<vmem>>
    %dma_start3A_19 = tpu.memref_slice %arg3[%add3A_14] : memref<425984xi32, #tpu.memory_space<hbm>> -> memref<512xi32, #tpu.memory_space<hbm>>
    %dma_start3A_20 = arith.constant 0 : i32
    %dma_start3A_21 = tpu.memref_slice %arg5[%dma_start3A_15, %dma_start3A_20] : memref<4x512xi32, #tpu.memory_space<vmem>> -> memref<1x512xi32, #tpu.memory_space<vmem>>
    %dma_start3A_22 = tpu.memref_squeeze %dma_start3A_21 : memref<1x512xi32, #tpu.memory_space<vmem>> -> memref<512xi32, #tpu.memory_space<vmem>>
    %dma_start3A_23 = tpu.memref_slice %arg3[%add3A_14] : memref<425984xi32, #tpu.memory_space<hbm>> -> memref<512xi32, #tpu.memory_space<hbm>>
    tpu.enqueue_dma source(%dma_start3A_23 : memref<512xi32, #tpu.memory_space<hbm>>) target(%dma_start3A_22 : memref<512xi32, #tpu.memory_space<vmem>>) target_semaphore(%arg8 : memref<!tpu.dma_semaphore, #tpu.memory_space<semaphore_mem>>)
    %add3A_24 = arith.constant 1024 : i32
    %add3A_25 = arith.addi %mul3A_2, %add3A_24 : i32
    %dma_start3A_26 = arith.constant 2 : i32
    %dma_start3A_27 = arith.constant 0 : i32
    %dma_start3A_28 = tpu.memref_slice %arg5[%dma_start3A_26, %dma_start3A_27] : memref<4x512xi32, #tpu.memory_space<vmem>> -> memref<1x512xi32, #tpu.memory_space<vmem>>
    %dma_start3A_29 = tpu.memref_squeeze %dma_start3A_28 : memref<1x512xi32, #tpu.memory_space<vmem>> -> memref<512xi32, #tpu.memory_space<vmem>>
    %dma_start3A_30 = tpu.memref_slice %arg3[%add3A_25] : memref<425984xi32, #tpu.memory_space<hbm>> -> memref<512xi32, #tpu.memory_space<hbm>>
    %dma_start3A_31 = arith.constant 0 : i32
    %dma_start3A_32 = tpu.memref_slice %arg5[%dma_start3A_26, %dma_start3A_31] : memref<4x512xi32, #tpu.memory_space<vmem>> -> memref<1x512xi32, #tpu.memory_space<vmem>>
    %dma_start3A_33 = tpu.memref_squeeze %dma_start3A_32 : memref<1x512xi32, #tpu.memory_space<vmem>> -> memref<512xi32, #tpu.memory_space<vmem>>
    %dma_start3A_34 = tpu.memref_slice %arg3[%add3A_25] : memref<425984xi32, #tpu.memory_space<hbm>> -> memref<512xi32, #tpu.memory_space<hbm>>
    tpu.enqueue_dma source(%dma_start3A_34 : memref<512xi32, #tpu.memory_space<hbm>>) target(%dma_start3A_33 : memref<512xi32, #tpu.memory_space<vmem>>) target_semaphore(%arg9 : memref<!tpu.dma_semaphore, #tpu.memory_space<semaphore_mem>>)
    %add3A_35 = arith.constant 1536 : i32
    %add3A_36 = arith.addi %mul3A_2, %add3A_35 : i32
    %dma_start3A_37 = arith.constant 3 : i32
    %dma_start3A_38 = arith.constant 0 : i32
    %dma_start3A_39 = tpu.memref_slice %arg5[%dma_start3A_37, %dma_start3A_38] : memref<4x512xi32, #tpu.memory_space<vmem>> -> memref<1x512xi32, #tpu.memory_space<vmem>>
    %dma_start3A_40 = tpu.memref_squeeze %dma_start3A_39 : memref<1x512xi32, #tpu.memory_space<vmem>> -> memref<512xi32, #tpu.memory_space<vmem>>
    %dma_start3A_41 = tpu.memref_slice %arg3[%add3A_36] : memref<425984xi32, #tpu.memory_space<hbm>> -> memref<512xi32, #tpu.memory_space<hbm>>
    %dma_start3A_42 = arith.constant 0 : i32
    %dma_start3A_43 = tpu.memref_slice %arg5[%dma_start3A_37, %dma_start3A_42] : memref<4x512xi32, #tpu.memory_space<vmem>> -> memref<1x512xi32, #tpu.memory_space<vmem>>
    %dma_start3A_44 = tpu.memref_squeeze %dma_start3A_43 : memref<1x512xi32, #tpu.memory_space<vmem>> -> memref<512xi32, #tpu.memory_space<vmem>>
    %dma_start3A_45 = tpu.memref_slice %arg3[%add3A_36] : memref<425984xi32, #tpu.memory_space<hbm>> -> memref<512xi32, #tpu.memory_space<hbm>>
    tpu.enqueue_dma source(%dma_start3A_45 : memref<512xi32, #tpu.memory_space<hbm>>) target(%dma_start3A_44 : memref<512xi32, #tpu.memory_space<vmem>>) target_semaphore(%arg10 : memref<!tpu.dma_semaphore, #tpu.memory_space<semaphore_mem>>)
    %dma_wait3A = arith.constant 0 : i32
    %dma_wait3A_46 = arith.constant 0 : i32
    %dma_wait3A_47 = tpu.memref_slice %arg5[%dma_wait3A, %dma_wait3A_46] : memref<4x512xi32, #tpu.memory_space<vmem>> -> memref<1x512xi32, #tpu.memory_space<vmem>>
    %dma_wait3A_48 = tpu.memref_squeeze %dma_wait3A_47 : memref<1x512xi32, #tpu.memory_space<vmem>> -> memref<512xi32, #tpu.memory_space<vmem>>
    %dma_wait3A_49 = tpu.memref_slice %arg3[%add3A_4] : memref<425984xi32, #tpu.memory_space<hbm>> -> memref<512xi32, #tpu.memory_space<hbm>>
    %dma_wait3A_50 = arith.constant 0 : i32
    %dma_wait3A_51 = tpu.memref_slice %arg5[%dma_wait3A, %dma_wait3A_50] : memref<4x512xi32, #tpu.memory_space<vmem>> -> memref<1x512xi32, #tpu.memory_space<vmem>>
    %dma_wait3A_52 = tpu.memref_squeeze %dma_wait3A_51 : memref<1x512xi32, #tpu.memory_space<vmem>> -> memref<512xi32, #tpu.memory_space<vmem>>
    %dma_wait3A_53 = tpu.memref_slice %arg3[%add3A_4] : memref<425984xi32, #tpu.memory_space<hbm>> -> memref<512xi32, #tpu.memory_space<hbm>>
    tpu.wait_dma2 semaphore(%arg7 : memref<!tpu.dma_semaphore, #tpu.memory_space<semaphore_mem>>) src(%dma_wait3A_53 : memref<512xi32, #tpu.memory_space<hbm>>) dst(%dma_wait3A_52 : memref<512xi32, #tpu.memory_space<vmem>>)
    %dma_start3A_54 = arith.constant 0 : i32
    %dma_start3A_55 = arith.constant 0 : i32
    %dma_start3A_56 = arith.constant 0 : i32
    %dma_start3A_57 = arith.constant 0 : i32
    %dma_start3A_58 = tpu.memref_slice %arg6[%dma_start3A_55, %dma_start3A_56, %dma_start3A_57] : memref<3x512x64xf32, #tpu.memory_space<vmem>> -> memref<1x512x64xf32, #tpu.memory_space<vmem>>
    %dma_start3A_59 = tpu.memref_squeeze %dma_start3A_58 : memref<1x512x64xf32, #tpu.memory_space<vmem>> -> memref<512x64xf32, #tpu.memory_space<vmem>>
    %dma_start3A_60 = arith.constant 0 : i32
    %dma_start3A_61 = tpu.memref_slice %arg5[%dma_start3A_54, %dma_start3A_60] : memref<4x512xi32, #tpu.memory_space<vmem>> -> memref<1x512xi32, #tpu.memory_space<vmem>>
    %dma_start3A_62 = tpu.memref_squeeze %dma_start3A_61 : memref<1x512xi32, #tpu.memory_space<vmem>> -> memref<512xi32, #tpu.memory_space<vmem>>
    %dma_start3A_63 = arith.constant 0 : i32
    %dma_start3A_64 = arith.constant 0 : i32
    %dma_start3A_65 = tpu.memref_slice %arg2[%dma_start3A_63, %dma_start3A_64] : memref<1000000x64xf32, #tpu.memory_space<hbm>> -> memref<1000000x64xf32, #tpu.memory_space<hbm>>
    tpu.enqueue_indirect_dma source(%dma_start3A_65 : memref<1000000x64xf32, #tpu.memory_space<hbm>>) target(%dma_start3A_59 : memref<512x64xf32, #tpu.memory_space<vmem>>) offsets(%dma_start3A_62 : memref<512xi32, #tpu.memory_space<vmem>>) semaphore(%arg11 : memref<!tpu.dma_semaphore, #tpu.memory_space<semaphore_mem>>)
    %dma_wait3A_66 = arith.constant 1 : i32
    %dma_wait3A_67 = arith.constant 0 : i32
    %dma_wait3A_68 = tpu.memref_slice %arg5[%dma_wait3A_66, %dma_wait3A_67] : memref<4x512xi32, #tpu.memory_space<vmem>> -> memref<1x512xi32, #tpu.memory_space<vmem>>
    %dma_wait3A_69 = tpu.memref_squeeze %dma_wait3A_68 : memref<1x512xi32, #tpu.memory_space<vmem>> -> memref<512xi32, #tpu.memory_space<vmem>>
    %dma_wait3A_70 = tpu.memref_slice %arg3[%add3A_14] : memref<425984xi32, #tpu.memory_space<hbm>> -> memref<512xi32, #tpu.memory_space<hbm>>
    %dma_wait3A_71 = arith.constant 0 : i32
    %dma_wait3A_72 = tpu.memref_slice %arg5[%dma_wait3A_66, %dma_wait3A_71] : memref<4x512xi32, #tpu.memory_space<vmem>> -> memref<1x512xi32, #tpu.memory_space<vmem>>
    %dma_wait3A_73 = tpu.memref_squeeze %dma_wait3A_72 : memref<1x512xi32, #tpu.memory_space<vmem>> -> memref<512xi32, #tpu.memory_space<vmem>>
    %dma_wait3A_74 = tpu.memref_slice %arg3[%add3A_14] : memref<425984xi32, #tpu.memory_space<hbm>> -> memref<512xi32, #tpu.memory_space<hbm>>
    tpu.wait_dma2 semaphore(%arg8 : memref<!tpu.dma_semaphore, #tpu.memory_space<semaphore_mem>>) src(%dma_wait3A_74 : memref<512xi32, #tpu.memory_space<hbm>>) dst(%dma_wait3A_73 : memref<512xi32, #tpu.memory_space<vmem>>)
    %dma_start3A_75 = arith.constant 1 : i32
    %dma_start3A_76 = arith.constant 1 : i32
    %dma_start3A_77 = arith.constant 0 : i32
    %dma_start3A_78 = arith.constant 0 : i32
    %dma_start3A_79 = tpu.memref_slice %arg6[%dma_start3A_76, %dma_start3A_77, %dma_start3A_78] : memref<3x512x64xf32, #tpu.memory_space<vmem>> -> memref<1x512x64xf32, #tpu.memory_space<vmem>>
    %dma_start3A_80 = tpu.memref_squeeze %dma_start3A_79 : memref<1x512x64xf32, #tpu.memory_space<vmem>> -> memref<512x64xf32, #tpu.memory_space<vmem>>
    %dma_start3A_81 = arith.constant 0 : i32
    %dma_start3A_82 = tpu.memref_slice %arg5[%dma_start3A_75, %dma_start3A_81] : memref<4x512xi32, #tpu.memory_space<vmem>> -> memref<1x512xi32, #tpu.memory_space<vmem>>
    %dma_start3A_83 = tpu.memref_squeeze %dma_start3A_82 : memref<1x512xi32, #tpu.memory_space<vmem>> -> memref<512xi32, #tpu.memory_space<vmem>>
    %dma_start3A_84 = arith.constant 0 : i32
    %dma_start3A_85 = arith.constant 0 : i32
    %dma_start3A_86 = tpu.memref_slice %arg2[%dma_start3A_84, %dma_start3A_85] : memref<1000000x64xf32, #tpu.memory_space<hbm>> -> memref<1000000x64xf32, #tpu.memory_space<hbm>>
    tpu.enqueue_indirect_dma source(%dma_start3A_86 : memref<1000000x64xf32, #tpu.memory_space<hbm>>) target(%dma_start3A_80 : memref<512x64xf32, #tpu.memory_space<vmem>>) offsets(%dma_start3A_83 : memref<512xi32, #tpu.memory_space<vmem>>) semaphore(%arg12 : memref<!tpu.dma_semaphore, #tpu.memory_space<semaphore_mem>>)
    %dma_wait3A_87 = arith.constant 2 : i32
    %dma_wait3A_88 = arith.constant 0 : i32
    %dma_wait3A_89 = tpu.memref_slice %arg5[%dma_wait3A_87, %dma_wait3A_88] : memref<4x512xi32, #tpu.memory_space<vmem>> -> memref<1x512xi32, #tpu.memory_space<vmem>>
    %dma_wait3A_90 = tpu.memref_squeeze %dma_wait3A_89 : memref<1x512xi32, #tpu.memory_space<vmem>> -> memref<512xi32, #tpu.memory_space<vmem>>
    %dma_wait3A_91 = tpu.memref_slice %arg3[%add3A_25] : memref<425984xi32, #tpu.memory_space<hbm>> -> memref<512xi32, #tpu.memory_space<hbm>>
    %dma_wait3A_92 = arith.constant 0 : i32
    %dma_wait3A_93 = tpu.memref_slice %arg5[%dma_wait3A_87, %dma_wait3A_92] : memref<4x512xi32, #tpu.memory_space<vmem>> -> memref<1x512xi32, #tpu.memory_space<vmem>>
    %dma_wait3A_94 = tpu.memref_squeeze %dma_wait3A_93 : memref<1x512xi32, #tpu.memory_space<vmem>> -> memref<512xi32, #tpu.memory_space<vmem>>
    %dma_wait3A_95 = tpu.memref_slice %arg3[%add3A_25] : memref<425984xi32, #tpu.memory_space<hbm>> -> memref<512xi32, #tpu.memory_space<hbm>>
    tpu.wait_dma2 semaphore(%arg9 : memref<!tpu.dma_semaphore, #tpu.memory_space<semaphore_mem>>) src(%dma_wait3A_95 : memref<512xi32, #tpu.memory_space<hbm>>) dst(%dma_wait3A_94 : memref<512xi32, #tpu.memory_space<vmem>>)
    %dma_start3A_96 = arith.constant 2 : i32
    %dma_start3A_97 = arith.constant 2 : i32
    %dma_start3A_98 = arith.constant 0 : i32
    %dma_start3A_99 = arith.constant 0 : i32
    %dma_start3A_100 = tpu.memref_slice %arg6[%dma_start3A_97, %dma_start3A_98, %dma_start3A_99] : memref<3x512x64xf32, #tpu.memory_space<vmem>> -> memref<1x512x64xf32, #tpu.memory_space<vmem>>
    %dma_start3A_101 = tpu.memref_squeeze %dma_start3A_100 : memref<1x512x64xf32, #tpu.memory_space<vmem>> -> memref<512x64xf32, #tpu.memory_space<vmem>>
    %dma_start3A_102 = arith.constant 0 : i32
    %dma_start3A_103 = tpu.memref_slice %arg5[%dma_start3A_96, %dma_start3A_102] : memref<4x512xi32, #tpu.memory_space<vmem>> -> memref<1x512xi32, #tpu.memory_space<vmem>>
    %dma_start3A_104 = tpu.memref_squeeze %dma_start3A_103 : memref<1x512xi32, #tpu.memory_space<vmem>> -> memref<512xi32, #tpu.memory_space<vmem>>
    %dma_start3A_105 = arith.constant 0 : i32
    %dma_start3A_106 = arith.constant 0 : i32
    %dma_start3A_107 = tpu.memref_slice %arg2[%dma_start3A_105, %dma_start3A_106] : memref<1000000x64xf32, #tpu.memory_space<hbm>> -> memref<1000000x64xf32, #tpu.memory_space<hbm>>
    tpu.enqueue_indirect_dma source(%dma_start3A_107 : memref<1000000x64xf32, #tpu.memory_space<hbm>>) target(%dma_start3A_101 : memref<512x64xf32, #tpu.memory_space<vmem>>) offsets(%dma_start3A_104 : memref<512xi32, #tpu.memory_space<vmem>>) semaphore(%arg13 : memref<!tpu.dma_semaphore, #tpu.memory_space<semaphore_mem>>)
    %dma_wait3A_108 = arith.constant 0 : i32
    %dma_wait3A_109 = arith.constant 0 : i32
    %dma_wait3A_110 = arith.constant 0 : i32
    %dma_wait3A_111 = arith.constant 0 : i32
    %dma_wait3A_112 = tpu.memref_slice %arg6[%dma_wait3A_109, %dma_wait3A_110, %dma_wait3A_111] : memref<3x512x64xf32, #tpu.memory_space<vmem>> -> memref<1x512x64xf32, #tpu.memory_space<vmem>>
    %dma_wait3A_113 = tpu.memref_squeeze %dma_wait3A_112 : memref<1x512x64xf32, #tpu.memory_space<vmem>> -> memref<512x64xf32, #tpu.memory_space<vmem>>
    %dma_wait3A_114 = arith.constant 0 : i32
    %dma_wait3A_115 = tpu.memref_slice %arg5[%dma_wait3A_108, %dma_wait3A_114] : memref<4x512xi32, #tpu.memory_space<vmem>> -> memref<1x512xi32, #tpu.memory_space<vmem>>
    %dma_wait3A_116 = tpu.memref_squeeze %dma_wait3A_115 : memref<1x512xi32, #tpu.memory_space<vmem>> -> memref<512xi32, #tpu.memory_space<vmem>>
    %dma_wait3A_117 = arith.constant 0 : i32
    %dma_wait3A_118 = arith.constant 0 : i32
    %dma_wait3A_119 = tpu.memref_slice %arg2[%dma_wait3A_117, %dma_wait3A_118] : memref<1000000x64xf32, #tpu.memory_space<hbm>> -> memref<1000000x64xf32, #tpu.memory_space<hbm>>
    tpu.wait_indirect_dma semaphore(%arg11 : memref<!tpu.dma_semaphore, #tpu.memory_space<semaphore_mem>>) src(%dma_wait3A_119 : memref<1000000x64xf32, #tpu.memory_space<hbm>>) dst(%dma_wait3A_113 : memref<512x64xf32, #tpu.memory_space<vmem>>)
    %add3A_120 = arith.constant 0 : i32
    %add3A_121 = arith.addi %mul3A_2, %add3A_120 : i32
    %dma_start3A_122 = arith.constant 0 : i32
    %dma_start3A_123 = arith.constant 0 : i32
    %dma_start3A_124 = arith.constant 0 : i32
    %dma_start3A_125 = tpu.memref_slice %arg6[%dma_start3A_122, %dma_start3A_123, %dma_start3A_124] : memref<3x512x64xf32, #tpu.memory_space<vmem>> -> memref<1x512x64xf32, #tpu.memory_space<vmem>>
    %dma_start3A_126 = tpu.memref_squeeze %dma_start3A_125 : memref<1x512x64xf32, #tpu.memory_space<vmem>> -> memref<512x64xf32, #tpu.memory_space<vmem>>
    %dma_start3A_127 = arith.constant 0 : i32
    %dma_start3A_128 = tpu.memref_slice %arg4[%add3A_121, %dma_start3A_127] : memref<425984x64xf32, #tpu.memory_space<hbm>> -> memref<512x64xf32, #tpu.memory_space<hbm>>
    %dma_start3A_129 = arith.constant 0 : i32
    %dma_start3A_130 = tpu.memref_slice %arg4[%add3A_121, %dma_start3A_129] : memref<425984x64xf32, #tpu.memory_space<hbm>> -> memref<512x64xf32, #tpu.memory_space<hbm>>
    %dma_start3A_131 = arith.constant 0 : i32
    %dma_start3A_132 = arith.constant 0 : i32
    %dma_start3A_133 = tpu.memref_slice %arg6[%dma_start3A_122, %dma_start3A_131, %dma_start3A_132] : memref<3x512x64xf32, #tpu.memory_space<vmem>> -> memref<1x512x64xf32, #tpu.memory_space<vmem>>
    %dma_start3A_134 = tpu.memref_squeeze %dma_start3A_133 : memref<1x512x64xf32, #tpu.memory_space<vmem>> -> memref<512x64xf32, #tpu.memory_space<vmem>>
    tpu.enqueue_dma source(%dma_start3A_134 : memref<512x64xf32, #tpu.memory_space<vmem>>) target(%dma_start3A_130 : memref<512x64xf32, #tpu.memory_space<hbm>>) target_semaphore(%arg14 : memref<!tpu.dma_semaphore, #tpu.memory_space<semaphore_mem>>)
    %add3A_135 = arith.constant 2048 : i32
    %add3A_136 = arith.addi %mul3A_2, %add3A_135 : i32
    %dma_start3A_137 = arith.constant 0 : i32
    %dma_start3A_138 = arith.constant 0 : i32
    %dma_start3A_139 = tpu.memref_slice %arg5[%dma_start3A_137, %dma_start3A_138] : memref<4x512xi32, #tpu.memory_space<vmem>> -> memref<1x512xi32, #tpu.memory_space<vmem>>
    %dma_start3A_140 = tpu.memref_squeeze %dma_start3A_139 : memref<1x512xi32, #tpu.memory_space<vmem>> -> memref<512xi32, #tpu.memory_space<vmem>>
    %dma_start3A_141 = tpu.memref_slice %arg3[%add3A_136] : memref<425984xi32, #tpu.memory_space<hbm>> -> memref<512xi32, #tpu.memory_space<hbm>>
    %dma_start3A_142 = arith.constant 0 : i32
    %dma_start3A_143 = tpu.memref_slice %arg5[%dma_start3A_137, %dma_start3A_142] : memref<4x512xi32, #tpu.memory_space<vmem>> -> memref<1x512xi32, #tpu.memory_space<vmem>>
    %dma_start3A_144 = tpu.memref_squeeze %dma_start3A_143 : memref<1x512xi32, #tpu.memory_space<vmem>> -> memref<512xi32, #tpu.memory_space<vmem>>
    %dma_start3A_145 = tpu.memref_slice %arg3[%add3A_136] : memref<425984xi32, #tpu.memory_space<hbm>> -> memref<512xi32, #tpu.memory_space<hbm>>
    tpu.enqueue_dma source(%dma_start3A_145 : memref<512xi32, #tpu.memory_space<hbm>>) target(%dma_start3A_144 : memref<512xi32, #tpu.memory_space<vmem>>) target_semaphore(%arg7 : memref<!tpu.dma_semaphore, #tpu.memory_space<semaphore_mem>>)
    %dma_wait3A_146 = arith.constant 0 : i32
    %dma_wait3A_147 = arith.constant 0 : i32
    %dma_wait3A_148 = arith.constant 0 : i32
    %dma_wait3A_149 = tpu.memref_slice %arg6[%dma_wait3A_146, %dma_wait3A_147, %dma_wait3A_148] : memref<3x512x64xf32, #tpu.memory_space<vmem>> -> memref<1x512x64xf32, #tpu.memory_space<vmem>>
    %dma_wait3A_150 = tpu.memref_squeeze %dma_wait3A_149 : memref<1x512x64xf32, #tpu.memory_space<vmem>> -> memref<512x64xf32, #tpu.memory_space<vmem>>
    %dma_wait3A_151 = arith.constant 0 : i32
    %dma_wait3A_152 = tpu.memref_slice %arg4[%add3A_121, %dma_wait3A_151] : memref<425984x64xf32, #tpu.memory_space<hbm>> -> memref<512x64xf32, #tpu.memory_space<hbm>>
    %dma_wait3A_153 = arith.constant 0 : i32
    %dma_wait3A_154 = tpu.memref_slice %arg4[%add3A_121, %dma_wait3A_153] : memref<425984x64xf32, #tpu.memory_space<hbm>> -> memref<512x64xf32, #tpu.memory_space<hbm>>
    %dma_wait3A_155 = arith.constant 0 : i32
    %dma_wait3A_156 = arith.constant 0 : i32
    %dma_wait3A_157 = tpu.memref_slice %arg6[%dma_wait3A_146, %dma_wait3A_155, %dma_wait3A_156] : memref<3x512x64xf32, #tpu.memory_space<vmem>> -> memref<1x512x64xf32, #tpu.memory_space<vmem>>
    %dma_wait3A_158 = tpu.memref_squeeze %dma_wait3A_157 : memref<1x512x64xf32, #tpu.memory_space<vmem>> -> memref<512x64xf32, #tpu.memory_space<vmem>>
    tpu.wait_dma2 semaphore(%arg14 : memref<!tpu.dma_semaphore, #tpu.memory_space<semaphore_mem>>) src(%dma_wait3A_158 : memref<512x64xf32, #tpu.memory_space<vmem>>) dst(%dma_wait3A_154 : memref<512x64xf32, #tpu.memory_space<hbm>>)
    %dma_wait3A_159 = arith.constant 3 : i32
    %dma_wait3A_160 = arith.constant 0 : i32
    %dma_wait3A_161 = tpu.memref_slice %arg5[%dma_wait3A_159, %dma_wait3A_160] : memref<4x512xi32, #tpu.memory_space<vmem>> -> memref<1x512xi32, #tpu.memory_space<vmem>>
    %dma_wait3A_162 = tpu.memref_squeeze %dma_wait3A_161 : memref<1x512xi32, #tpu.memory_space<vmem>> -> memref<512xi32, #tpu.memory_space<vmem>>
    %dma_wait3A_163 = tpu.memref_slice %arg3[%add3A_36] : memref<425984xi32, #tpu.memory_space<hbm>> -> memref<512xi32, #tpu.memory_space<hbm>>
    %dma_wait3A_164 = arith.constant 0 : i32
    %dma_wait3A_165 = tpu.memref_slice %arg5[%dma_wait3A_159, %dma_wait3A_164] : memref<4x512xi32, #tpu.memory_space<vmem>> -> memref<1x512xi32, #tpu.memory_space<vmem>>
    %dma_wait3A_166 = tpu.memref_squeeze %dma_wait3A_165 : memref<1x512xi32, #tpu.memory_space<vmem>> -> memref<512xi32, #tpu.memory_space<vmem>>
    %dma_wait3A_167 = tpu.memref_slice %arg3[%add3A_36] : memref<425984xi32, #tpu.memory_space<hbm>> -> memref<512xi32, #tpu.memory_space<hbm>>
    tpu.wait_dma2 semaphore(%arg10 : memref<!tpu.dma_semaphore, #tpu.memory_space<semaphore_mem>>) src(%dma_wait3A_167 : memref<512xi32, #tpu.memory_space<hbm>>) dst(%dma_wait3A_166 : memref<512xi32, #tpu.memory_space<vmem>>)
    %dma_start3A_168 = arith.constant 3 : i32
    %dma_start3A_169 = arith.constant 0 : i32
    %dma_start3A_170 = arith.constant 0 : i32
    %dma_start3A_171 = arith.constant 0 : i32
    %dma_start3A_172 = tpu.memref_slice %arg6[%dma_start3A_169, %dma_start3A_170, %dma_start3A_171] : memref<3x512x64xf32, #tpu.memory_space<vmem>> -> memref<1x512x64xf32, #tpu.memory_space<vmem>>
    %dma_start3A_173 = tpu.memref_squeeze %dma_start3A_172 : memref<1x512x64xf32, #tpu.memory_space<vmem>> -> memref<512x64xf32, #tpu.memory_space<vmem>>
    %dma_start3A_174 = arith.constant 0 : i32
    %dma_start3A_175 = tpu.memref_slice %arg5[%dma_start3A_168, %dma_start3A_174] : memref<4x512xi32, #tpu.memory_space<vmem>> -> memref<1x512xi32, #tpu.memory_space<vmem>>
    %dma_start3A_176 = tpu.memref_squeeze %dma_start3A_175 : memref<1x512xi32, #tpu.memory_space<vmem>> -> memref<512xi32, #tpu.memory_space<vmem>>
    %dma_start3A_177 = arith.constant 0 : i32
    %dma_start3A_178 = arith.constant 0 : i32
    %dma_start3A_179 = tpu.memref_slice %arg2[%dma_start3A_177, %dma_start3A_178] : memref<1000000x64xf32, #tpu.memory_space<hbm>> -> memref<1000000x64xf32, #tpu.memory_space<hbm>>
    tpu.enqueue_indirect_dma source(%dma_start3A_179 : memref<1000000x64xf32, #tpu.memory_space<hbm>>) target(%dma_start3A_173 : memref<512x64xf32, #tpu.memory_space<vmem>>) offsets(%dma_start3A_176 : memref<512xi32, #tpu.memory_space<vmem>>) semaphore(%arg11 : memref<!tpu.dma_semaphore, #tpu.memory_space<semaphore_mem>>)
    %dma_wait3A_180 = arith.constant 1 : i32
    %dma_wait3A_181 = arith.constant 1 : i32
    %dma_wait3A_182 = arith.constant 0 : i32
    %dma_wait3A_183 = arith.constant 0 : i32
    %dma_wait3A_184 = tpu.memref_slice %arg6[%dma_wait3A_181, %dma_wait3A_182, %dma_wait3A_183] : memref<3x512x64xf32, #tpu.memory_space<vmem>> -> memref<1x512x64xf32, #tpu.memory_space<vmem>>
    %dma_wait3A_185 = tpu.memref_squeeze %dma_wait3A_184 : memref<1x512x64xf32, #tpu.memory_space<vmem>> -> memref<512x64xf32, #tpu.memory_space<vmem>>
    %dma_wait3A_186 = arith.constant 0 : i32
    %dma_wait3A_187 = tpu.memref_slice %arg5[%dma_wait3A_180, %dma_wait3A_186] : memref<4x512xi32, #tpu.memory_space<vmem>> -> memref<1x512xi32, #tpu.memory_space<vmem>>
    %dma_wait3A_188 = tpu.memref_squeeze %dma_wait3A_187 : memref<1x512xi32, #tpu.memory_space<vmem>> -> memref<512xi32, #tpu.memory_space<vmem>>
    %dma_wait3A_189 = arith.constant 0 : i32
    %dma_wait3A_190 = arith.constant 0 : i32
    %dma_wait3A_191 = tpu.memref_slice %arg2[%dma_wait3A_189, %dma_wait3A_190] : memref<1000000x64xf32, #tpu.memory_space<hbm>> -> memref<1000000x64xf32, #tpu.memory_space<hbm>>
    tpu.wait_indirect_dma semaphore(%arg12 : memref<!tpu.dma_semaphore, #tpu.memory_space<semaphore_mem>>) src(%dma_wait3A_191 : memref<1000000x64xf32, #tpu.memory_space<hbm>>) dst(%dma_wait3A_185 : memref<512x64xf32, #tpu.memory_space<vmem>>)
    %add3A_192 = arith.constant 512 : i32
    %add3A_193 = arith.addi %mul3A_2, %add3A_192 : i32
    %dma_start3A_194 = arith.constant 1 : i32
    %dma_start3A_195 = arith.constant 0 : i32
    %dma_start3A_196 = arith.constant 0 : i32
    %dma_start3A_197 = tpu.memref_slice %arg6[%dma_start3A_194, %dma_start3A_195, %dma_start3A_196] : memref<3x512x64xf32, #tpu.memory_space<vmem>> -> memref<1x512x64xf32, #tpu.memory_space<vmem>>
    %dma_start3A_198 = tpu.memref_squeeze %dma_start3A_197 : memref<1x512x64xf32, #tpu.memory_space<vmem>> -> memref<512x64xf32, #tpu.memory_space<vmem>>
    %dma_start3A_199 = arith.constant 0 : i32
    %dma_start3A_200 = tpu.memref_slice %arg4[%add3A_193, %dma_start3A_199] : memref<425984x64xf32, #tpu.memory_space<hbm>> -> memref<512x64xf32, #tpu.memory_space<hbm>>
    %dma_start3A_201 = arith.constant 0 : i32
    %dma_start3A_202 = tpu.memref_slice %arg4[%add3A_193, %dma_start3A_201] : memref<425984x64xf32, #tpu.memory_space<hbm>> -> memref<512x64xf32, #tpu.memory_space<hbm>>
    %dma_start3A_203 = arith.constant 0 : i32
    %dma_start3A_204 = arith.constant 0 : i32
    %dma_start3A_205 = tpu.memref_slice %arg6[%dma_start3A_194, %dma_start3A_203, %dma_start3A_204] : memref<3x512x64xf32, #tpu.memory_space<vmem>> -> memref<1x512x64xf32, #tpu.memory_space<vmem>>
    %dma_start3A_206 = tpu.memref_squeeze %dma_start3A_205 : memref<1x512x64xf32, #tpu.memory_space<vmem>> -> memref<512x64xf32, #tpu.memory_space<vmem>>
    tpu.enqueue_dma source(%dma_start3A_206 : memref<512x64xf32, #tpu.memory_space<vmem>>) target(%dma_start3A_202 : memref<512x64xf32, #tpu.memory_space<hbm>>) target_semaphore(%arg15 : memref<!tpu.dma_semaphore, #tpu.memory_space<semaphore_mem>>)
    %add3A_207 = arith.constant 2560 : i32
    %add3A_208 = arith.addi %mul3A_2, %add3A_207 : i32
    %dma_start3A_209 = arith.constant 1 : i32
    %dma_start3A_210 = arith.constant 0 : i32
    %dma_start3A_211 = tpu.memref_slice %arg5[%dma_start3A_209, %dma_start3A_210] : memref<4x512xi32, #tpu.memory_space<vmem>> -> memref<1x512xi32, #tpu.memory_space<vmem>>
    %dma_start3A_212 = tpu.memref_squeeze %dma_start3A_211 : memref<1x512xi32, #tpu.memory_space<vmem>> -> memref<512xi32, #tpu.memory_space<vmem>>
    %dma_start3A_213 = tpu.memref_slice %arg3[%add3A_208] : memref<425984xi32, #tpu.memory_space<hbm>> -> memref<512xi32, #tpu.memory_space<hbm>>
    %dma_start3A_214 = arith.constant 0 : i32
    %dma_start3A_215 = tpu.memref_slice %arg5[%dma_start3A_209, %dma_start3A_214] : memref<4x512xi32, #tpu.memory_space<vmem>> -> memref<1x512xi32, #tpu.memory_space<vmem>>
    %dma_start3A_216 = tpu.memref_squeeze %dma_start3A_215 : memref<1x512xi32, #tpu.memory_space<vmem>> -> memref<512xi32, #tpu.memory_space<vmem>>
    %dma_start3A_217 = tpu.memref_slice %arg3[%add3A_208] : memref<425984xi32, #tpu.memory_space<hbm>> -> memref<512xi32, #tpu.memory_space<hbm>>
    tpu.enqueue_dma source(%dma_start3A_217 : memref<512xi32, #tpu.memory_space<hbm>>) target(%dma_start3A_216 : memref<512xi32, #tpu.memory_space<vmem>>) target_semaphore(%arg8 : memref<!tpu.dma_semaphore, #tpu.memory_space<semaphore_mem>>)
    %dma_wait3A_218 = arith.constant 1 : i32
    %dma_wait3A_219 = arith.constant 0 : i32
    %dma_wait3A_220 = arith.constant 0 : i32
    %dma_wait3A_221 = tpu.memref_slice %arg6[%dma_wait3A_218, %dma_wait3A_219, %dma_wait3A_220] : memref<3x512x64xf32, #tpu.memory_space<vmem>> -> memref<1x512x64xf32, #tpu.memory_space<vmem>>
    %dma_wait3A_222 = tpu.memref_squeeze %dma_wait3A_221 : memref<1x512x64xf32, #tpu.memory_space<vmem>> -> memref<512x64xf32, #tpu.memory_space<vmem>>
    %dma_wait3A_223 = arith.constant 0 : i32
    %dma_wait3A_224 = tpu.memref_slice %arg4[%add3A_193, %dma_wait3A_223] : memref<425984x64xf32, #tpu.memory_space<hbm>> -> memref<512x64xf32, #tpu.memory_space<hbm>>
    %dma_wait3A_225 = arith.constant 0 : i32
    %dma_wait3A_226 = tpu.memref_slice %arg4[%add3A_193, %dma_wait3A_225] : memref<425984x64xf32, #tpu.memory_space<hbm>> -> memref<512x64xf32, #tpu.memory_space<hbm>>
    %dma_wait3A_227 = arith.constant 0 : i32
    %dma_wait3A_228 = arith.constant 0 : i32
    %dma_wait3A_229 = tpu.memref_slice %arg6[%dma_wait3A_218, %dma_wait3A_227, %dma_wait3A_228] : memref<3x512x64xf32, #tpu.memory_space<vmem>> -> memref<1x512x64xf32, #tpu.memory_space<vmem>>
    %dma_wait3A_230 = tpu.memref_squeeze %dma_wait3A_229 : memref<1x512x64xf32, #tpu.memory_space<vmem>> -> memref<512x64xf32, #tpu.memory_space<vmem>>
    tpu.wait_dma2 semaphore(%arg15 : memref<!tpu.dma_semaphore, #tpu.memory_space<semaphore_mem>>) src(%dma_wait3A_230 : memref<512x64xf32, #tpu.memory_space<vmem>>) dst(%dma_wait3A_226 : memref<512x64xf32, #tpu.memory_space<hbm>>)
    %dma_wait3A_231 = arith.constant 0 : i32
    %dma_wait3A_232 = arith.constant 0 : i32
    %dma_wait3A_233 = tpu.memref_slice %arg5[%dma_wait3A_231, %dma_wait3A_232] : memref<4x512xi32, #tpu.memory_space<vmem>> -> memref<1x512xi32, #tpu.memory_space<vmem>>
    %dma_wait3A_234 = tpu.memref_squeeze %dma_wait3A_233 : memref<1x512xi32, #tpu.memory_space<vmem>> -> memref<512xi32, #tpu.memory_space<vmem>>
    %dma_wait3A_235 = tpu.memref_slice %arg3[%add3A_136] : memref<425984xi32, #tpu.memory_space<hbm>> -> memref<512xi32, #tpu.memory_space<hbm>>
    %dma_wait3A_236 = arith.constant 0 : i32
    %dma_wait3A_237 = tpu.memref_slice %arg5[%dma_wait3A_231, %dma_wait3A_236] : memref<4x512xi32, #tpu.memory_space<vmem>> -> memref<1x512xi32, #tpu.memory_space<vmem>>
    %dma_wait3A_238 = tpu.memref_squeeze %dma_wait3A_237 : memref<1x512xi32, #tpu.memory_space<vmem>> -> memref<512xi32, #tpu.memory_space<vmem>>
    %dma_wait3A_239 = tpu.memref_slice %arg3[%add3A_136] : memref<425984xi32, #tpu.memory_space<hbm>> -> memref<512xi32, #tpu.memory_space<hbm>>
    tpu.wait_dma2 semaphore(%arg7 : memref<!tpu.dma_semaphore, #tpu.memory_space<semaphore_mem>>) src(%dma_wait3A_239 : memref<512xi32, #tpu.memory_space<hbm>>) dst(%dma_wait3A_238 : memref<512xi32, #tpu.memory_space<vmem>>)
    %dma_start3A_240 = arith.constant 0 : i32
    %dma_start3A_241 = arith.constant 1 : i32
    %dma_start3A_242 = arith.constant 0 : i32
    %dma_start3A_243 = arith.constant 0 : i32
    %dma_start3A_244 = tpu.memref_slice %arg6[%dma_start3A_241, %dma_start3A_242, %dma_start3A_243] : memref<3x512x64xf32, #tpu.memory_space<vmem>> -> memref<1x512x64xf32, #tpu.memory_space<vmem>>
    %dma_start3A_245 = tpu.memref_squeeze %dma_start3A_244 : memref<1x512x64xf32, #tpu.memory_space<vmem>> -> memref<512x64xf32, #tpu.memory_space<vmem>>
    %dma_start3A_246 = arith.constant 0 : i32
    %dma_start3A_247 = tpu.memref_slice %arg5[%dma_start3A_240, %dma_start3A_246] : memref<4x512xi32, #tpu.memory_space<vmem>> -> memref<1x512xi32, #tpu.memory_space<vmem>>
    %dma_start3A_248 = tpu.memref_squeeze %dma_start3A_247 : memref<1x512xi32, #tpu.memory_space<vmem>> -> memref<512xi32, #tpu.memory_space<vmem>>
    %dma_start3A_249 = arith.constant 0 : i32
    %dma_start3A_250 = arith.constant 0 : i32
    %dma_start3A_251 = tpu.memref_slice %arg2[%dma_start3A_249, %dma_start3A_250] : memref<1000000x64xf32, #tpu.memory_space<hbm>> -> memref<1000000x64xf32, #tpu.memory_space<hbm>>
    tpu.enqueue_indirect_dma source(%dma_start3A_251 : memref<1000000x64xf32, #tpu.memory_space<hbm>>) target(%dma_start3A_245 : memref<512x64xf32, #tpu.memory_space<vmem>>) offsets(%dma_start3A_248 : memref<512xi32, #tpu.memory_space<vmem>>) semaphore(%arg12 : memref<!tpu.dma_semaphore, #tpu.memory_space<semaphore_mem>>)
    %dma_wait3A_252 = arith.constant 2 : i32
    %dma_wait3A_253 = arith.constant 2 : i32
    %dma_wait3A_254 = arith.constant 0 : i32
    %dma_wait3A_255 = arith.constant 0 : i32
    %dma_wait3A_256 = tpu.memref_slice %arg6[%dma_wait3A_253, %dma_wait3A_254, %dma_wait3A_255] : memref<3x512x64xf32, #tpu.memory_space<vmem>> -> memref<1x512x64xf32, #tpu.memory_space<vmem>>
    %dma_wait3A_257 = tpu.memref_squeeze %dma_wait3A_256 : memref<1x512x64xf32, #tpu.memory_space<vmem>> -> memref<512x64xf32, #tpu.memory_space<vmem>>
    %dma_wait3A_258 = arith.constant 0 : i32
    %dma_wait3A_259 = tpu.memref_slice %arg5[%dma_wait3A_252, %dma_wait3A_258] : memref<4x512xi32, #tpu.memory_space<vmem>> -> memref<1x512xi32, #tpu.memory_space<vmem>>
    %dma_wait3A_260 = tpu.memref_squeeze %dma_wait3A_259 : memref<1x512xi32, #tpu.memory_space<vmem>> -> memref<512xi32, #tpu.memory_space<vmem>>
    %dma_wait3A_261 = arith.constant 0 : i32
    %dma_wait3A_262 = arith.constant 0 : i32
    %dma_wait3A_263 = tpu.memref_slice %arg2[%dma_wait3A_261, %dma_wait3A_262] : memref<1000000x64xf32, #tpu.memory_space<hbm>> -> memref<1000000x64xf32, #tpu.memory_space<hbm>>
    tpu.wait_indirect_dma semaphore(%arg13 : memref<!tpu.dma_semaphore, #tpu.memory_space<semaphore_mem>>) src(%dma_wait3A_263 : memref<1000000x64xf32, #tpu.memory_space<hbm>>) dst(%dma_wait3A_257 : memref<512x64xf32, #tpu.memory_space<vmem>>)
    %add3A_264 = arith.constant 1024 : i32
    %add3A_265 = arith.addi %mul3A_2, %add3A_264 : i32
    %dma_start3A_266 = arith.constant 2 : i32
    %dma_start3A_267 = arith.constant 0 : i32
    %dma_start3A_268 = arith.constant 0 : i32
    %dma_start3A_269 = tpu.memref_slice %arg6[%dma_start3A_266, %dma_start3A_267, %dma_start3A_268] : memref<3x512x64xf32, #tpu.memory_space<vmem>> -> memref<1x512x64xf32, #tpu.memory_space<vmem>>
    %dma_start3A_270 = tpu.memref_squeeze %dma_start3A_269 : memref<1x512x64xf32, #tpu.memory_space<vmem>> -> memref<512x64xf32, #tpu.memory_space<vmem>>
    %dma_start3A_271 = arith.constant 0 : i32
    %dma_start3A_272 = tpu.memref_slice %arg4[%add3A_265, %dma_start3A_271] : memref<425984x64xf32, #tpu.memory_space<hbm>> -> memref<512x64xf32, #tpu.memory_space<hbm>>
    %dma_start3A_273 = arith.constant 0 : i32
    %dma_start3A_274 = tpu.memref_slice %arg4[%add3A_265, %dma_start3A_273] : memref<425984x64xf32, #tpu.memory_space<hbm>> -> memref<512x64xf32, #tpu.memory_space<hbm>>
    %dma_start3A_275 = arith.constant 0 : i32
    %dma_start3A_276 = arith.constant 0 : i32
    %dma_start3A_277 = tpu.memref_slice %arg6[%dma_start3A_266, %dma_start3A_275, %dma_start3A_276] : memref<3x512x64xf32, #tpu.memory_space<vmem>> -> memref<1x512x64xf32, #tpu.memory_space<vmem>>
    %dma_start3A_278 = tpu.memref_squeeze %dma_start3A_277 : memref<1x512x64xf32, #tpu.memory_space<vmem>> -> memref<512x64xf32, #tpu.memory_space<vmem>>
    tpu.enqueue_dma source(%dma_start3A_278 : memref<512x64xf32, #tpu.memory_space<vmem>>) target(%dma_start3A_274 : memref<512x64xf32, #tpu.memory_space<hbm>>) target_semaphore(%arg16 : memref<!tpu.dma_semaphore, #tpu.memory_space<semaphore_mem>>)
    %add3A_279 = arith.constant 3072 : i32
    %add3A_280 = arith.addi %mul3A_2, %add3A_279 : i32
    %dma_start3A_281 = arith.constant 2 : i32
    %dma_start3A_282 = arith.constant 0 : i32
    %dma_start3A_283 = tpu.memref_slice %arg5[%dma_start3A_281, %dma_start3A_282] : memref<4x512xi32, #tpu.memory_space<vmem>> -> memref<1x512xi32, #tpu.memory_space<vmem>>
    %dma_start3A_284 = tpu.memref_squeeze %dma_start3A_283 : memref<1x512xi32, #tpu.memory_space<vmem>> -> memref<512xi32, #tpu.memory_space<vmem>>
    %dma_start3A_285 = tpu.memref_slice %arg3[%add3A_280] : memref<425984xi32, #tpu.memory_space<hbm>> -> memref<512xi32, #tpu.memory_space<hbm>>
    %dma_start3A_286 = arith.constant 0 : i32
    %dma_start3A_287 = tpu.memref_slice %arg5[%dma_start3A_281, %dma_start3A_286] : memref<4x512xi32, #tpu.memory_space<vmem>> -> memref<1x512xi32, #tpu.memory_space<vmem>>
    %dma_start3A_288 = tpu.memref_squeeze %dma_start3A_287 : memref<1x512xi32, #tpu.memory_space<vmem>> -> memref<512xi32, #tpu.memory_space<vmem>>
    %dma_start3A_289 = tpu.memref_slice %arg3[%add3A_280] : memref<425984xi32, #tpu.memory_space<hbm>> -> memref<512xi32, #tpu.memory_space<hbm>>
    tpu.enqueue_dma source(%dma_start3A_289 : memref<512xi32, #tpu.memory_space<hbm>>) target(%dma_start3A_288 : memref<512xi32, #tpu.memory_space<vmem>>) target_semaphore(%arg9 : memref<!tpu.dma_semaphore, #tpu.memory_space<semaphore_mem>>)
    %dma_wait3A_290 = arith.constant 2 : i32
    %dma_wait3A_291 = arith.constant 0 : i32
    %dma_wait3A_292 = arith.constant 0 : i32
    %dma_wait3A_293 = tpu.memref_slice %arg6[%dma_wait3A_290, %dma_wait3A_291, %dma_wait3A_292] : memref<3x512x64xf32, #tpu.memory_space<vmem>> -> memref<1x512x64xf32, #tpu.memory_space<vmem>>
    %dma_wait3A_294 = tpu.memref_squeeze %dma_wait3A_293 : memref<1x512x64xf32, #tpu.memory_space<vmem>> -> memref<512x64xf32, #tpu.memory_space<vmem>>
    %dma_wait3A_295 = arith.constant 0 : i32
    %dma_wait3A_296 = tpu.memref_slice %arg4[%add3A_265, %dma_wait3A_295] : memref<425984x64xf32, #tpu.memory_space<hbm>> -> memref<512x64xf32, #tpu.memory_space<hbm>>
    %dma_wait3A_297 = arith.constant 0 : i32
    %dma_wait3A_298 = tpu.memref_slice %arg4[%add3A_265, %dma_wait3A_297] : memref<425984x64xf32, #tpu.memory_space<hbm>> -> memref<512x64xf32, #tpu.memory_space<hbm>>
    %dma_wait3A_299 = arith.constant 0 : i32
    %dma_wait3A_300 = arith.constant 0 : i32
    %dma_wait3A_301 = tpu.memref_slice %arg6[%dma_wait3A_290, %dma_wait3A_299, %dma_wait3A_300] : memref<3x512x64xf32, #tpu.memory_space<vmem>> -> memref<1x512x64xf32, #tpu.memory_space<vmem>>
    %dma_wait3A_302 = tpu.memref_squeeze %dma_wait3A_301 : memref<1x512x64xf32, #tpu.memory_space<vmem>> -> memref<512x64xf32, #tpu.memory_space<vmem>>
    tpu.wait_dma2 semaphore(%arg16 : memref<!tpu.dma_semaphore, #tpu.memory_space<semaphore_mem>>) src(%dma_wait3A_302 : memref<512x64xf32, #tpu.memory_space<vmem>>) dst(%dma_wait3A_298 : memref<512x64xf32, #tpu.memory_space<hbm>>)
    %dma_wait3A_303 = arith.constant 1 : i32
    %dma_wait3A_304 = arith.constant 0 : i32
    %dma_wait3A_305 = tpu.memref_slice %arg5[%dma_wait3A_303, %dma_wait3A_304] : memref<4x512xi32, #tpu.memory_space<vmem>> -> memref<1x512xi32, #tpu.memory_space<vmem>>
    %dma_wait3A_306 = tpu.memref_squeeze %dma_wait3A_305 : memref<1x512xi32, #tpu.memory_space<vmem>> -> memref<512xi32, #tpu.memory_space<vmem>>
    %dma_wait3A_307 = tpu.memref_slice %arg3[%add3A_208] : memref<425984xi32, #tpu.memory_space<hbm>> -> memref<512xi32, #tpu.memory_space<hbm>>
    %dma_wait3A_308 = arith.constant 0 : i32
    %dma_wait3A_309 = tpu.memref_slice %arg5[%dma_wait3A_303, %dma_wait3A_308] : memref<4x512xi32, #tpu.memory_space<vmem>> -> memref<1x512xi32, #tpu.memory_space<vmem>>
    %dma_wait3A_310 = tpu.memref_squeeze %dma_wait3A_309 : memref<1x512xi32, #tpu.memory_space<vmem>> -> memref<512xi32, #tpu.memory_space<vmem>>
    %dma_wait3A_311 = tpu.memref_slice %arg3[%add3A_208] : memref<425984xi32, #tpu.memory_space<hbm>> -> memref<512xi32, #tpu.memory_space<hbm>>
    tpu.wait_dma2 semaphore(%arg8 : memref<!tpu.dma_semaphore, #tpu.memory_space<semaphore_mem>>) src(%dma_wait3A_311 : memref<512xi32, #tpu.memory_space<hbm>>) dst(%dma_wait3A_310 : memref<512xi32, #tpu.memory_space<vmem>>)
    %dma_start3A_312 = arith.constant 1 : i32
    %dma_start3A_313 = arith.constant 2 : i32
    %dma_start3A_314 = arith.constant 0 : i32
    %dma_start3A_315 = arith.constant 0 : i32
    %dma_start3A_316 = tpu.memref_slice %arg6[%dma_start3A_313, %dma_start3A_314, %dma_start3A_315] : memref<3x512x64xf32, #tpu.memory_space<vmem>> -> memref<1x512x64xf32, #tpu.memory_space<vmem>>
    %dma_start3A_317 = tpu.memref_squeeze %dma_start3A_316 : memref<1x512x64xf32, #tpu.memory_space<vmem>> -> memref<512x64xf32, #tpu.memory_space<vmem>>
    %dma_start3A_318 = arith.constant 0 : i32
    %dma_start3A_319 = tpu.memref_slice %arg5[%dma_start3A_312, %dma_start3A_318] : memref<4x512xi32, #tpu.memory_space<vmem>> -> memref<1x512xi32, #tpu.memory_space<vmem>>
    %dma_start3A_320 = tpu.memref_squeeze %dma_start3A_319 : memref<1x512xi32, #tpu.memory_space<vmem>> -> memref<512xi32, #tpu.memory_space<vmem>>
    %dma_start3A_321 = arith.constant 0 : i32
    %dma_start3A_322 = arith.constant 0 : i32
    %dma_start3A_323 = tpu.memref_slice %arg2[%dma_start3A_321, %dma_start3A_322] : memref<1000000x64xf32, #tpu.memory_space<hbm>> -> memref<1000000x64xf32, #tpu.memory_space<hbm>>
    tpu.enqueue_indirect_dma source(%dma_start3A_323 : memref<1000000x64xf32, #tpu.memory_space<hbm>>) target(%dma_start3A_317 : memref<512x64xf32, #tpu.memory_space<vmem>>) offsets(%dma_start3A_320 : memref<512xi32, #tpu.memory_space<vmem>>) semaphore(%arg13 : memref<!tpu.dma_semaphore, #tpu.memory_space<semaphore_mem>>)
    %dma_wait3A_324 = arith.constant 3 : i32
    %dma_wait3A_325 = arith.constant 0 : i32
    %dma_wait3A_326 = arith.constant 0 : i32
    %dma_wait3A_327 = arith.constant 0 : i32
    %dma_wait3A_328 = tpu.memref_slice %arg6[%dma_wait3A_325, %dma_wait3A_326, %dma_wait3A_327] : memref<3x512x64xf32, #tpu.memory_space<vmem>> -> memref<1x512x64xf32, #tpu.memory_space<vmem>>
    %dma_wait3A_329 = tpu.memref_squeeze %dma_wait3A_328 : memref<1x512x64xf32, #tpu.memory_space<vmem>> -> memref<512x64xf32, #tpu.memory_space<vmem>>
    %dma_wait3A_330 = arith.constant 0 : i32
    %dma_wait3A_331 = tpu.memref_slice %arg5[%dma_wait3A_324, %dma_wait3A_330] : memref<4x512xi32, #tpu.memory_space<vmem>> -> memref<1x512xi32, #tpu.memory_space<vmem>>
    %dma_wait3A_332 = tpu.memref_squeeze %dma_wait3A_331 : memref<1x512xi32, #tpu.memory_space<vmem>> -> memref<512xi32, #tpu.memory_space<vmem>>
    %dma_wait3A_333 = arith.constant 0 : i32
    %dma_wait3A_334 = arith.constant 0 : i32
    %dma_wait3A_335 = tpu.memref_slice %arg2[%dma_wait3A_333, %dma_wait3A_334] : memref<1000000x64xf32, #tpu.memory_space<hbm>> -> memref<1000000x64xf32, #tpu.memory_space<hbm>>
    tpu.wait_indirect_dma semaphore(%arg11 : memref<!tpu.dma_semaphore, #tpu.memory_space<semaphore_mem>>) src(%dma_wait3A_335 : memref<1000000x64xf32, #tpu.memory_space<hbm>>) dst(%dma_wait3A_329 : memref<512x64xf32, #tpu.memory_space<vmem>>)
    %add3A_336 = arith.constant 1536 : i32
    %add3A_337 = arith.addi %mul3A_2, %add3A_336 : i32
    %dma_start3A_338 = arith.constant 0 : i32
    %dma_start3A_339 = arith.constant 0 : i32
    %dma_start3A_340 = arith.constant 0 : i32
    %dma_start3A_341 = tpu.memref_slice %arg6[%dma_start3A_338, %dma_start3A_339, %dma_start3A_340] : memref<3x512x64xf32, #tpu.memory_space<vmem>> -> memref<1x512x64xf32, #tpu.memory_space<vmem>>
    %dma_start3A_342 = tpu.memref_squeeze %dma_start3A_341 : memref<1x512x64xf32, #tpu.memory_space<vmem>> -> memref<512x64xf32, #tpu.memory_space<vmem>>
    %dma_start3A_343 = arith.constant 0 : i32
    %dma_start3A_344 = tpu.memref_slice %arg4[%add3A_337, %dma_start3A_343] : memref<425984x64xf32, #tpu.memory_space<hbm>> -> memref<512x64xf32, #tpu.memory_space<hbm>>
    %dma_start3A_345 = arith.constant 0 : i32
    %dma_start3A_346 = tpu.memref_slice %arg4[%add3A_337, %dma_start3A_345] : memref<425984x64xf32, #tpu.memory_space<hbm>> -> memref<512x64xf32, #tpu.memory_space<hbm>>
    %dma_start3A_347 = arith.constant 0 : i32
    %dma_start3A_348 = arith.constant 0 : i32
    %dma_start3A_349 = tpu.memref_slice %arg6[%dma_start3A_338, %dma_start3A_347, %dma_start3A_348] : memref<3x512x64xf32, #tpu.memory_space<vmem>> -> memref<1x512x64xf32, #tpu.memory_space<vmem>>
    %dma_start3A_350 = tpu.memref_squeeze %dma_start3A_349 : memref<1x512x64xf32, #tpu.memory_space<vmem>> -> memref<512x64xf32, #tpu.memory_space<vmem>>
    tpu.enqueue_dma source(%dma_start3A_350 : memref<512x64xf32, #tpu.memory_space<vmem>>) target(%dma_start3A_346 : memref<512x64xf32, #tpu.memory_space<hbm>>) target_semaphore(%arg14 : memref<!tpu.dma_semaphore, #tpu.memory_space<semaphore_mem>>)
    %add3A_351 = arith.constant 3584 : i32
    %add3A_352 = arith.addi %mul3A_2, %add3A_351 : i32
    %dma_start3A_353 = arith.constant 3 : i32
    %dma_start3A_354 = arith.constant 0 : i32
    %dma_start3A_355 = tpu.memref_slice %arg5[%dma_start3A_353, %dma_start3A_354] : memref<4x512xi32, #tpu.memory_space<vmem>> -> memref<1x512xi32, #tpu.memory_space<vmem>>
    %dma_start3A_356 = tpu.memref_squeeze %dma_start3A_355 : memref<1x512xi32, #tpu.memory_space<vmem>> -> memref<512xi32, #tpu.memory_space<vmem>>
    %dma_start3A_357 = tpu.memref_slice %arg3[%add3A_352] : memref<425984xi32, #tpu.memory_space<hbm>> -> memref<512xi32, #tpu.memory_space<hbm>>
    %dma_start3A_358 = arith.constant 0 : i32
    %dma_start3A_359 = tpu.memref_slice %arg5[%dma_start3A_353, %dma_start3A_358] : memref<4x512xi32, #tpu.memory_space<vmem>> -> memref<1x512xi32, #tpu.memory_space<vmem>>
    %dma_start3A_360 = tpu.memref_squeeze %dma_start3A_359 : memref<1x512xi32, #tpu.memory_space<vmem>> -> memref<512xi32, #tpu.memory_space<vmem>>
    %dma_start3A_361 = tpu.memref_slice %arg3[%add3A_352] : memref<425984xi32, #tpu.memory_space<hbm>> -> memref<512xi32, #tpu.memory_space<hbm>>
    tpu.enqueue_dma source(%dma_start3A_361 : memref<512xi32, #tpu.memory_space<hbm>>) target(%dma_start3A_360 : memref<512xi32, #tpu.memory_space<vmem>>) target_semaphore(%arg10 : memref<!tpu.dma_semaphore, #tpu.memory_space<semaphore_mem>>)
    %dma_wait3A_362 = arith.constant 0 : i32
    %dma_wait3A_363 = arith.constant 0 : i32
    %dma_wait3A_364 = arith.constant 0 : i32
    %dma_wait3A_365 = tpu.memref_slice %arg6[%dma_wait3A_362, %dma_wait3A_363, %dma_wait3A_364] : memref<3x512x64xf32, #tpu.memory_space<vmem>> -> memref<1x512x64xf32, #tpu.memory_space<vmem>>
    %dma_wait3A_366 = tpu.memref_squeeze %dma_wait3A_365 : memref<1x512x64xf32, #tpu.memory_space<vmem>> -> memref<512x64xf32, #tpu.memory_space<vmem>>
    %dma_wait3A_367 = arith.constant 0 : i32
    %dma_wait3A_368 = tpu.memref_slice %arg4[%add3A_337, %dma_wait3A_367] : memref<425984x64xf32, #tpu.memory_space<hbm>> -> memref<512x64xf32, #tpu.memory_space<hbm>>
    %dma_wait3A_369 = arith.constant 0 : i32
    %dma_wait3A_370 = tpu.memref_slice %arg4[%add3A_337, %dma_wait3A_369] : memref<425984x64xf32, #tpu.memory_space<hbm>> -> memref<512x64xf32, #tpu.memory_space<hbm>>
    %dma_wait3A_371 = arith.constant 0 : i32
    %dma_wait3A_372 = arith.constant 0 : i32
    %dma_wait3A_373 = tpu.memref_slice %arg6[%dma_wait3A_362, %dma_wait3A_371, %dma_wait3A_372] : memref<3x512x64xf32, #tpu.memory_space<vmem>> -> memref<1x512x64xf32, #tpu.memory_space<vmem>>
    %dma_wait3A_374 = tpu.memref_squeeze %dma_wait3A_373 : memref<1x512x64xf32, #tpu.memory_space<vmem>> -> memref<512x64xf32, #tpu.memory_space<vmem>>
    tpu.wait_dma2 semaphore(%arg14 : memref<!tpu.dma_semaphore, #tpu.memory_space<semaphore_mem>>) src(%dma_wait3A_374 : memref<512x64xf32, #tpu.memory_space<vmem>>) dst(%dma_wait3A_370 : memref<512x64xf32, #tpu.memory_space<hbm>>)
    %dma_wait3A_375 = arith.constant 2 : i32
    %dma_wait3A_376 = arith.constant 0 : i32
    %dma_wait3A_377 = tpu.memref_slice %arg5[%dma_wait3A_375, %dma_wait3A_376] : memref<4x512xi32, #tpu.memory_space<vmem>> -> memref<1x512xi32, #tpu.memory_space<vmem>>
    %dma_wait3A_378 = tpu.memref_squeeze %dma_wait3A_377 : memref<1x512xi32, #tpu.memory_space<vmem>> -> memref<512xi32, #tpu.memory_space<vmem>>
    %dma_wait3A_379 = tpu.memref_slice %arg3[%add3A_280] : memref<425984xi32, #tpu.memory_space<hbm>> -> memref<512xi32, #tpu.memory_space<hbm>>
    %dma_wait3A_380 = arith.constant 0 : i32
    %dma_wait3A_381 = tpu.memref_slice %arg5[%dma_wait3A_375, %dma_wait3A_380] : memref<4x512xi32, #tpu.memory_space<vmem>> -> memref<1x512xi32, #tpu.memory_space<vmem>>
    %dma_wait3A_382 = tpu.memref_squeeze %dma_wait3A_381 : memref<1x512xi32, #tpu.memory_space<vmem>> -> memref<512xi32, #tpu.memory_space<vmem>>
    %dma_wait3A_383 = tpu.memref_slice %arg3[%add3A_280] : memref<425984xi32, #tpu.memory_space<hbm>> -> memref<512xi32, #tpu.memory_space<hbm>>
    tpu.wait_dma2 semaphore(%arg9 : memref<!tpu.dma_semaphore, #tpu.memory_space<semaphore_mem>>) src(%dma_wait3A_383 : memref<512xi32, #tpu.memory_space<hbm>>) dst(%dma_wait3A_382 : memref<512xi32, #tpu.memory_space<vmem>>)
    %dma_start3A_384 = arith.constant 2 : i32
    %dma_start3A_385 = arith.constant 0 : i32
    %dma_start3A_386 = arith.constant 0 : i32
    %dma_start3A_387 = arith.constant 0 : i32
    %dma_start3A_388 = tpu.memref_slice %arg6[%dma_start3A_385, %dma_start3A_386, %dma_start3A_387] : memref<3x512x64xf32, #tpu.memory_space<vmem>> -> memref<1x512x64xf32, #tpu.memory_space<vmem>>
    %dma_start3A_389 = tpu.memref_squeeze %dma_start3A_388 : memref<1x512x64xf32, #tpu.memory_space<vmem>> -> memref<512x64xf32, #tpu.memory_space<vmem>>
    %dma_start3A_390 = arith.constant 0 : i32
    %dma_start3A_391 = tpu.memref_slice %arg5[%dma_start3A_384, %dma_start3A_390] : memref<4x512xi32, #tpu.memory_space<vmem>> -> memref<1x512xi32, #tpu.memory_space<vmem>>
    %dma_start3A_392 = tpu.memref_squeeze %dma_start3A_391 : memref<1x512xi32, #tpu.memory_space<vmem>> -> memref<512xi32, #tpu.memory_space<vmem>>
    %dma_start3A_393 = arith.constant 0 : i32
    %dma_start3A_394 = arith.constant 0 : i32
    %dma_start3A_395 = tpu.memref_slice %arg2[%dma_start3A_393, %dma_start3A_394] : memref<1000000x64xf32, #tpu.memory_space<hbm>> -> memref<1000000x64xf32, #tpu.memory_space<hbm>>
    tpu.enqueue_indirect_dma source(%dma_start3A_395 : memref<1000000x64xf32, #tpu.memory_space<hbm>>) target(%dma_start3A_389 : memref<512x64xf32, #tpu.memory_space<vmem>>) offsets(%dma_start3A_392 : memref<512xi32, #tpu.memory_space<vmem>>) semaphore(%arg11 : memref<!tpu.dma_semaphore, #tpu.memory_space<semaphore_mem>>)
    %dma_wait3A_396 = arith.constant 0 : i32
    %dma_wait3A_397 = arith.constant 1 : i32
    %dma_wait3A_398 = arith.constant 0 : i32
    %dma_wait3A_399 = arith.constant 0 : i32
    %dma_wait3A_400 = tpu.memref_slice %arg6[%dma_wait3A_397, %dma_wait3A_398, %dma_wait3A_399] : memref<3x512x64xf32, #tpu.memory_space<vmem>> -> memref<1x512x64xf32, #tpu.memory_space<vmem>>
    %dma_wait3A_401 = tpu.memref_squeeze %dma_wait3A_400 : memref<1x512x64xf32, #tpu.memory_space<vmem>> -> memref<512x64xf32, #tpu.memory_space<vmem>>
    %dma_wait3A_402 = arith.constant 0 : i32
    %dma_wait3A_403 = tpu.memref_slice %arg5[%dma_wait3A_396, %dma_wait3A_402] : memref<4x512xi32, #tpu.memory_space<vmem>> -> memref<1x512xi32, #tpu.memory_space<vmem>>
    %dma_wait3A_404 = tpu.memref_squeeze %dma_wait3A_403 : memref<1x512xi32, #tpu.memory_space<vmem>> -> memref<512xi32, #tpu.memory_space<vmem>>
    %dma_wait3A_405 = arith.constant 0 : i32
    %dma_wait3A_406 = arith.constant 0 : i32
    %dma_wait3A_407 = tpu.memref_slice %arg2[%dma_wait3A_405, %dma_wait3A_406] : memref<1000000x64xf32, #tpu.memory_space<hbm>> -> memref<1000000x64xf32, #tpu.memory_space<hbm>>
    tpu.wait_indirect_dma semaphore(%arg12 : memref<!tpu.dma_semaphore, #tpu.memory_space<semaphore_mem>>) src(%dma_wait3A_407 : memref<1000000x64xf32, #tpu.memory_space<hbm>>) dst(%dma_wait3A_401 : memref<512x64xf32, #tpu.memory_space<vmem>>)
    %add3A_408 = arith.constant 2048 : i32
    %add3A_409 = arith.addi %mul3A_2, %add3A_408 : i32
    %dma_start3A_410 = arith.constant 1 : i32
    %dma_start3A_411 = arith.constant 0 : i32
    %dma_start3A_412 = arith.constant 0 : i32
    %dma_start3A_413 = tpu.memref_slice %arg6[%dma_start3A_410, %dma_start3A_411, %dma_start3A_412] : memref<3x512x64xf32, #tpu.memory_space<vmem>> -> memref<1x512x64xf32, #tpu.memory_space<vmem>>
    %dma_start3A_414 = tpu.memref_squeeze %dma_start3A_413 : memref<1x512x64xf32, #tpu.memory_space<vmem>> -> memref<512x64xf32, #tpu.memory_space<vmem>>
    %dma_start3A_415 = arith.constant 0 : i32
    %dma_start3A_416 = tpu.memref_slice %arg4[%add3A_409, %dma_start3A_415] : memref<425984x64xf32, #tpu.memory_space<hbm>> -> memref<512x64xf32, #tpu.memory_space<hbm>>
    %dma_start3A_417 = arith.constant 0 : i32
    %dma_start3A_418 = tpu.memref_slice %arg4[%add3A_409, %dma_start3A_417] : memref<425984x64xf32, #tpu.memory_space<hbm>> -> memref<512x64xf32, #tpu.memory_space<hbm>>
    %dma_start3A_419 = arith.constant 0 : i32
    %dma_start3A_420 = arith.constant 0 : i32
    %dma_start3A_421 = tpu.memref_slice %arg6[%dma_start3A_410, %dma_start3A_419, %dma_start3A_420] : memref<3x512x64xf32, #tpu.memory_space<vmem>> -> memref<1x512x64xf32, #tpu.memory_space<vmem>>
    %dma_start3A_422 = tpu.memref_squeeze %dma_start3A_421 : memref<1x512x64xf32, #tpu.memory_space<vmem>> -> memref<512x64xf32, #tpu.memory_space<vmem>>
    tpu.enqueue_dma source(%dma_start3A_422 : memref<512x64xf32, #tpu.memory_space<vmem>>) target(%dma_start3A_418 : memref<512x64xf32, #tpu.memory_space<hbm>>) target_semaphore(%arg15 : memref<!tpu.dma_semaphore, #tpu.memory_space<semaphore_mem>>)
    %add3A_423 = arith.constant 4096 : i32
    %add3A_424 = arith.addi %mul3A_2, %add3A_423 : i32
    %dma_start3A_425 = arith.constant 0 : i32
    %dma_start3A_426 = arith.constant 0 : i32
    %dma_start3A_427 = tpu.memref_slice %arg5[%dma_start3A_425, %dma_start3A_426] : memref<4x512xi32, #tpu.memory_space<vmem>> -> memref<1x512xi32, #tpu.memory_space<vmem>>
    %dma_start3A_428 = tpu.memref_squeeze %dma_start3A_427 : memref<1x512xi32, #tpu.memory_space<vmem>> -> memref<512xi32, #tpu.memory_space<vmem>>
    %dma_start3A_429 = tpu.memref_slice %arg3[%add3A_424] : memref<425984xi32, #tpu.memory_space<hbm>> -> memref<512xi32, #tpu.memory_space<hbm>>
    %dma_start3A_430 = arith.constant 0 : i32
    %dma_start3A_431 = tpu.memref_slice %arg5[%dma_start3A_425, %dma_start3A_430] : memref<4x512xi32, #tpu.memory_space<vmem>> -> memref<1x512xi32, #tpu.memory_space<vmem>>
    %dma_start3A_432 = tpu.memref_squeeze %dma_start3A_431 : memref<1x512xi32, #tpu.memory_space<vmem>> -> memref<512xi32, #tpu.memory_space<vmem>>
    %dma_start3A_433 = tpu.memref_slice %arg3[%add3A_424] : memref<425984xi32, #tpu.memory_space<hbm>> -> memref<512xi32, #tpu.memory_space<hbm>>
    tpu.enqueue_dma source(%dma_start3A_433 : memref<512xi32, #tpu.memory_space<hbm>>) target(%dma_start3A_432 : memref<512xi32, #tpu.memory_space<vmem>>) target_semaphore(%arg7 : memref<!tpu.dma_semaphore, #tpu.memory_space<semaphore_mem>>)
    %dma_wait3A_434 = arith.constant 1 : i32
    %dma_wait3A_435 = arith.constant 0 : i32
    %dma_wait3A_436 = arith.constant 0 : i32
    %dma_wait3A_437 = tpu.memref_slice %arg6[%dma_wait3A_434, %dma_wait3A_435, %dma_wait3A_436] : memref<3x512x64xf32, #tpu.memory_space<vmem>> -> memref<1x512x64xf32, #tpu.memory_space<vmem>>
    %dma_wait3A_438 = tpu.memref_squeeze %dma_wait3A_437 : memref<1x512x64xf32, #tpu.memory_space<vmem>> -> memref<512x64xf32, #tpu.memory_space<vmem>>
    %dma_wait3A_439 = arith.constant 0 : i32
    %dma_wait3A_440 = tpu.memref_slice %arg4[%add3A_409, %dma_wait3A_439] : memref<425984x64xf32, #tpu.memory_space<hbm>> -> memref<512x64xf32, #tpu.memory_space<hbm>>
    %dma_wait3A_441 = arith.constant 0 : i32
    %dma_wait3A_442 = tpu.memref_slice %arg4[%add3A_409, %dma_wait3A_441] : memref<425984x64xf32, #tpu.memory_space<hbm>> -> memref<512x64xf32, #tpu.memory_space<hbm>>
    %dma_wait3A_443 = arith.constant 0 : i32
    %dma_wait3A_444 = arith.constant 0 : i32
    %dma_wait3A_445 = tpu.memref_slice %arg6[%dma_wait3A_434, %dma_wait3A_443, %dma_wait3A_444] : memref<3x512x64xf32, #tpu.memory_space<vmem>> -> memref<1x512x64xf32, #tpu.memory_space<vmem>>
    %dma_wait3A_446 = tpu.memref_squeeze %dma_wait3A_445 : memref<1x512x64xf32, #tpu.memory_space<vmem>> -> memref<512x64xf32, #tpu.memory_space<vmem>>
    tpu.wait_dma2 semaphore(%arg15 : memref<!tpu.dma_semaphore, #tpu.memory_space<semaphore_mem>>) src(%dma_wait3A_446 : memref<512x64xf32, #tpu.memory_space<vmem>>) dst(%dma_wait3A_442 : memref<512x64xf32, #tpu.memory_space<hbm>>)
    %dma_wait3A_447 = arith.constant 3 : i32
    %dma_wait3A_448 = arith.constant 0 : i32
    %dma_wait3A_449 = tpu.memref_slice %arg5[%dma_wait3A_447, %dma_wait3A_448] : memref<4x512xi32, #tpu.memory_space<vmem>> -> memref<1x512xi32, #tpu.memory_space<vmem>>
    %dma_wait3A_450 = tpu.memref_squeeze %dma_wait3A_449 : memref<1x512xi32, #tpu.memory_space<vmem>> -> memref<512xi32, #tpu.memory_space<vmem>>
    %dma_wait3A_451 = tpu.memref_slice %arg3[%add3A_352] : memref<425984xi32, #tpu.memory_space<hbm>> -> memref<512xi32, #tpu.memory_space<hbm>>
    %dma_wait3A_452 = arith.constant 0 : i32
    %dma_wait3A_453 = tpu.memref_slice %arg5[%dma_wait3A_447, %dma_wait3A_452] : memref<4x512xi32, #tpu.memory_space<vmem>> -> memref<1x512xi32, #tpu.memory_space<vmem>>
    %dma_wait3A_454 = tpu.memref_squeeze %dma_wait3A_453 : memref<1x512xi32, #tpu.memory_space<vmem>> -> memref<512xi32, #tpu.memory_space<vmem>>
    %dma_wait3A_455 = tpu.memref_slice %arg3[%add3A_352] : memref<425984xi32, #tpu.memory_space<hbm>> -> memref<512xi32, #tpu.memory_space<hbm>>
    tpu.wait_dma2 semaphore(%arg10 : memref<!tpu.dma_semaphore, #tpu.memory_space<semaphore_mem>>) src(%dma_wait3A_455 : memref<512xi32, #tpu.memory_space<hbm>>) dst(%dma_wait3A_454 : memref<512xi32, #tpu.memory_space<vmem>>)
    %dma_start3A_456 = arith.constant 3 : i32
    %dma_start3A_457 = arith.constant 1 : i32
    %dma_start3A_458 = arith.constant 0 : i32
    %dma_start3A_459 = arith.constant 0 : i32
    %dma_start3A_460 = tpu.memref_slice %arg6[%dma_start3A_457, %dma_start3A_458, %dma_start3A_459] : memref<3x512x64xf32, #tpu.memory_space<vmem>> -> memref<1x512x64xf32, #tpu.memory_space<vmem>>
    %dma_start3A_461 = tpu.memref_squeeze %dma_start3A_460 : memref<1x512x64xf32, #tpu.memory_space<vmem>> -> memref<512x64xf32, #tpu.memory_space<vmem>>
    %dma_start3A_462 = arith.constant 0 : i32
    %dma_start3A_463 = tpu.memref_slice %arg5[%dma_start3A_456, %dma_start3A_462] : memref<4x512xi32, #tpu.memory_space<vmem>> -> memref<1x512xi32, #tpu.memory_space<vmem>>
    %dma_start3A_464 = tpu.memref_squeeze %dma_start3A_463 : memref<1x512xi32, #tpu.memory_space<vmem>> -> memref<512xi32, #tpu.memory_space<vmem>>
    %dma_start3A_465 = arith.constant 0 : i32
    %dma_start3A_466 = arith.constant 0 : i32
    %dma_start3A_467 = tpu.memref_slice %arg2[%dma_start3A_465, %dma_start3A_466] : memref<1000000x64xf32, #tpu.memory_space<hbm>> -> memref<1000000x64xf32, #tpu.memory_space<hbm>>
    tpu.enqueue_indirect_dma source(%dma_start3A_467 : memref<1000000x64xf32, #tpu.memory_space<hbm>>) target(%dma_start3A_461 : memref<512x64xf32, #tpu.memory_space<vmem>>) offsets(%dma_start3A_464 : memref<512xi32, #tpu.memory_space<vmem>>) semaphore(%arg12 : memref<!tpu.dma_semaphore, #tpu.memory_space<semaphore_mem>>)
    %dma_wait3A_468 = arith.constant 1 : i32
    %dma_wait3A_469 = arith.constant 2 : i32
    %dma_wait3A_470 = arith.constant 0 : i32
    %dma_wait3A_471 = arith.constant 0 : i32
    %dma_wait3A_472 = tpu.memref_slice %arg6[%dma_wait3A_469, %dma_wait3A_470, %dma_wait3A_471] : memref<3x512x64xf32, #tpu.memory_space<vmem>> -> memref<1x512x64xf32, #tpu.memory_space<vmem>>
    %dma_wait3A_473 = tpu.memref_squeeze %dma_wait3A_472 : memref<1x512x64xf32, #tpu.memory_space<vmem>> -> memref<512x64xf32, #tpu.memory_space<vmem>>
    %dma_wait3A_474 = arith.constant 0 : i32
    %dma_wait3A_475 = tpu.memref_slice %arg5[%dma_wait3A_468, %dma_wait3A_474] : memref<4x512xi32, #tpu.memory_space<vmem>> -> memref<1x512xi32, #tpu.memory_space<vmem>>
    %dma_wait3A_476 = tpu.memref_squeeze %dma_wait3A_475 : memref<1x512xi32, #tpu.memory_space<vmem>> -> memref<512xi32, #tpu.memory_space<vmem>>
    %dma_wait3A_477 = arith.constant 0 : i32
    %dma_wait3A_478 = arith.constant 0 : i32
    %dma_wait3A_479 = tpu.memref_slice %arg2[%dma_wait3A_477, %dma_wait3A_478] : memref<1000000x64xf32, #tpu.memory_space<hbm>> -> memref<1000000x64xf32, #tpu.memory_space<hbm>>
    tpu.wait_indirect_dma semaphore(%arg13 : memref<!tpu.dma_semaphore, #tpu.memory_space<semaphore_mem>>) src(%dma_wait3A_479 : memref<1000000x64xf32, #tpu.memory_space<hbm>>) dst(%dma_wait3A_473 : memref<512x64xf32, #tpu.memory_space<vmem>>)
    %add3A_480 = arith.constant 2560 : i32
    %add3A_481 = arith.addi %mul3A_2, %add3A_480 : i32
    %dma_start3A_482 = arith.constant 2 : i32
    %dma_start3A_483 = arith.constant 0 : i32
    %dma_start3A_484 = arith.constant 0 : i32
    %dma_start3A_485 = tpu.memref_slice %arg6[%dma_start3A_482, %dma_start3A_483, %dma_start3A_484] : memref<3x512x64xf32, #tpu.memory_space<vmem>> -> memref<1x512x64xf32, #tpu.memory_space<vmem>>
    %dma_start3A_486 = tpu.memref_squeeze %dma_start3A_485 : memref<1x512x64xf32, #tpu.memory_space<vmem>> -> memref<512x64xf32, #tpu.memory_space<vmem>>
    %dma_start3A_487 = arith.constant 0 : i32
    %dma_start3A_488 = tpu.memref_slice %arg4[%add3A_481, %dma_start3A_487] : memref<425984x64xf32, #tpu.memory_space<hbm>> -> memref<512x64xf32, #tpu.memory_space<hbm>>
    %dma_start3A_489 = arith.constant 0 : i32
    %dma_start3A_490 = tpu.memref_slice %arg4[%add3A_481, %dma_start3A_489] : memref<425984x64xf32, #tpu.memory_space<hbm>> -> memref<512x64xf32, #tpu.memory_space<hbm>>
    %dma_start3A_491 = arith.constant 0 : i32
    %dma_start3A_492 = arith.constant 0 : i32
    %dma_start3A_493 = tpu.memref_slice %arg6[%dma_start3A_482, %dma_start3A_491, %dma_start3A_492] : memref<3x512x64xf32, #tpu.memory_space<vmem>> -> memref<1x512x64xf32, #tpu.memory_space<vmem>>
    %dma_start3A_494 = tpu.memref_squeeze %dma_start3A_493 : memref<1x512x64xf32, #tpu.memory_space<vmem>> -> memref<512x64xf32, #tpu.memory_space<vmem>>
    tpu.enqueue_dma source(%dma_start3A_494 : memref<512x64xf32, #tpu.memory_space<vmem>>) target(%dma_start3A_490 : memref<512x64xf32, #tpu.memory_space<hbm>>) target_semaphore(%arg16 : memref<!tpu.dma_semaphore, #tpu.memory_space<semaphore_mem>>)
    %add3A_495 = arith.constant 4608 : i32
    %add3A_496 = arith.addi %mul3A_2, %add3A_495 : i32
    %dma_start3A_497 = arith.constant 1 : i32
    %dma_start3A_498 = arith.constant 0 : i32
    %dma_start3A_499 = tpu.memref_slice %arg5[%dma_start3A_497, %dma_start3A_498] : memref<4x512xi32, #tpu.memory_space<vmem>> -> memref<1x512xi32, #tpu.memory_space<vmem>>
    %dma_start3A_500 = tpu.memref_squeeze %dma_start3A_499 : memref<1x512xi32, #tpu.memory_space<vmem>> -> memref<512xi32, #tpu.memory_space<vmem>>
    %dma_start3A_501 = tpu.memref_slice %arg3[%add3A_496] : memref<425984xi32, #tpu.memory_space<hbm>> -> memref<512xi32, #tpu.memory_space<hbm>>
    %dma_start3A_502 = arith.constant 0 : i32
    %dma_start3A_503 = tpu.memref_slice %arg5[%dma_start3A_497, %dma_start3A_502] : memref<4x512xi32, #tpu.memory_space<vmem>> -> memref<1x512xi32, #tpu.memory_space<vmem>>
    %dma_start3A_504 = tpu.memref_squeeze %dma_start3A_503 : memref<1x512xi32, #tpu.memory_space<vmem>> -> memref<512xi32, #tpu.memory_space<vmem>>
    %dma_start3A_505 = tpu.memref_slice %arg3[%add3A_496] : memref<425984xi32, #tpu.memory_space<hbm>> -> memref<512xi32, #tpu.memory_space<hbm>>
    tpu.enqueue_dma source(%dma_start3A_505 : memref<512xi32, #tpu.memory_space<hbm>>) target(%dma_start3A_504 : memref<512xi32, #tpu.memory_space<vmem>>) target_semaphore(%arg8 : memref<!tpu.dma_semaphore, #tpu.memory_space<semaphore_mem>>)
    %dma_wait3A_506 = arith.constant 2 : i32
    %dma_wait3A_507 = arith.constant 0 : i32
    %dma_wait3A_508 = arith.constant 0 : i32
    %dma_wait3A_509 = tpu.memref_slice %arg6[%dma_wait3A_506, %dma_wait3A_507, %dma_wait3A_508] : memref<3x512x64xf32, #tpu.memory_space<vmem>> -> memref<1x512x64xf32, #tpu.memory_space<vmem>>
    %dma_wait3A_510 = tpu.memref_squeeze %dma_wait3A_509 : memref<1x512x64xf32, #tpu.memory_space<vmem>> -> memref<512x64xf32, #tpu.memory_space<vmem>>
    %dma_wait3A_511 = arith.constant 0 : i32
    %dma_wait3A_512 = tpu.memref_slice %arg4[%add3A_481, %dma_wait3A_511] : memref<425984x64xf32, #tpu.memory_space<hbm>> -> memref<512x64xf32, #tpu.memory_space<hbm>>
    %dma_wait3A_513 = arith.constant 0 : i32
    %dma_wait3A_514 = tpu.memref_slice %arg4[%add3A_481, %dma_wait3A_513] : memref<425984x64xf32, #tpu.memory_space<hbm>> -> memref<512x64xf32, #tpu.memory_space<hbm>>
    %dma_wait3A_515 = arith.constant 0 : i32
    %dma_wait3A_516 = arith.constant 0 : i32
    %dma_wait3A_517 = tpu.memref_slice %arg6[%dma_wait3A_506, %dma_wait3A_515, %dma_wait3A_516] : memref<3x512x64xf32, #tpu.memory_space<vmem>> -> memref<1x512x64xf32, #tpu.memory_space<vmem>>
    %dma_wait3A_518 = tpu.memref_squeeze %dma_wait3A_517 : memref<1x512x64xf32, #tpu.memory_space<vmem>> -> memref<512x64xf32, #tpu.memory_space<vmem>>
    tpu.wait_dma2 semaphore(%arg16 : memref<!tpu.dma_semaphore, #tpu.memory_space<semaphore_mem>>) src(%dma_wait3A_518 : memref<512x64xf32, #tpu.memory_space<vmem>>) dst(%dma_wait3A_514 : memref<512x64xf32, #tpu.memory_space<hbm>>)
    %dma_wait3A_519 = arith.constant 0 : i32
    %dma_wait3A_520 = arith.constant 0 : i32
    %dma_wait3A_521 = tpu.memref_slice %arg5[%dma_wait3A_519, %dma_wait3A_520] : memref<4x512xi32, #tpu.memory_space<vmem>> -> memref<1x512xi32, #tpu.memory_space<vmem>>
    %dma_wait3A_522 = tpu.memref_squeeze %dma_wait3A_521 : memref<1x512xi32, #tpu.memory_space<vmem>> -> memref<512xi32, #tpu.memory_space<vmem>>
    %dma_wait3A_523 = tpu.memref_slice %arg3[%add3A_424] : memref<425984xi32, #tpu.memory_space<hbm>> -> memref<512xi32, #tpu.memory_space<hbm>>
    %dma_wait3A_524 = arith.constant 0 : i32
    %dma_wait3A_525 = tpu.memref_slice %arg5[%dma_wait3A_519, %dma_wait3A_524] : memref<4x512xi32, #tpu.memory_space<vmem>> -> memref<1x512xi32, #tpu.memory_space<vmem>>
    %dma_wait3A_526 = tpu.memref_squeeze %dma_wait3A_525 : memref<1x512xi32, #tpu.memory_space<vmem>> -> memref<512xi32, #tpu.memory_space<vmem>>
    %dma_wait3A_527 = tpu.memref_slice %arg3[%add3A_424] : memref<425984xi32, #tpu.memory_space<hbm>> -> memref<512xi32, #tpu.memory_space<hbm>>
    tpu.wait_dma2 semaphore(%arg7 : memref<!tpu.dma_semaphore, #tpu.memory_space<semaphore_mem>>) src(%dma_wait3A_527 : memref<512xi32, #tpu.memory_space<hbm>>) dst(%dma_wait3A_526 : memref<512xi32, #tpu.memory_space<vmem>>)
    %dma_start3A_528 = arith.constant 0 : i32
    %dma_start3A_529 = arith.constant 2 : i32
    %dma_start3A_530 = arith.constant 0 : i32
    %dma_start3A_531 = arith.constant 0 : i32
    %dma_start3A_532 = tpu.memref_slice %arg6[%dma_start3A_529, %dma_start3A_530, %dma_start3A_531] : memref<3x512x64xf32, #tpu.memory_space<vmem>> -> memref<1x512x64xf32, #tpu.memory_space<vmem>>
    %dma_start3A_533 = tpu.memref_squeeze %dma_start3A_532 : memref<1x512x64xf32, #tpu.memory_space<vmem>> -> memref<512x64xf32, #tpu.memory_space<vmem>>
    %dma_start3A_534 = arith.constant 0 : i32
    %dma_start3A_535 = tpu.memref_slice %arg5[%dma_start3A_528, %dma_start3A_534] : memref<4x512xi32, #tpu.memory_space<vmem>> -> memref<1x512xi32, #tpu.memory_space<vmem>>
    %dma_start3A_536 = tpu.memref_squeeze %dma_start3A_535 : memref<1x512xi32, #tpu.memory_space<vmem>> -> memref<512xi32, #tpu.memory_space<vmem>>
    %dma_start3A_537 = arith.constant 0 : i32
    %dma_start3A_538 = arith.constant 0 : i32
    %dma_start3A_539 = tpu.memref_slice %arg2[%dma_start3A_537, %dma_start3A_538] : memref<1000000x64xf32, #tpu.memory_space<hbm>> -> memref<1000000x64xf32, #tpu.memory_space<hbm>>
    tpu.enqueue_indirect_dma source(%dma_start3A_539 : memref<1000000x64xf32, #tpu.memory_space<hbm>>) target(%dma_start3A_533 : memref<512x64xf32, #tpu.memory_space<vmem>>) offsets(%dma_start3A_536 : memref<512xi32, #tpu.memory_space<vmem>>) semaphore(%arg13 : memref<!tpu.dma_semaphore, #tpu.memory_space<semaphore_mem>>)
    %dma_wait3A_540 = arith.constant 2 : i32
    %dma_wait3A_541 = arith.constant 0 : i32
    %dma_wait3A_542 = arith.constant 0 : i32
    %dma_wait3A_543 = arith.constant 0 : i32
    %dma_wait3A_544 = tpu.memref_slice %arg6[%dma_wait3A_541, %dma_wait3A_542, %dma_wait3A_543] : memref<3x512x64xf32, #tpu.memory_space<vmem>> -> memref<1x512x64xf32, #tpu.memory_space<vmem>>
    %dma_wait3A_545 = tpu.memref_squeeze %dma_wait3A_544 : memref<1x512x64xf32, #tpu.memory_space<vmem>> -> memref<512x64xf32, #tpu.memory_space<vmem>>
    %dma_wait3A_546 = arith.constant 0 : i32
    %dma_wait3A_547 = tpu.memref_slice %arg5[%dma_wait3A_540, %dma_wait3A_546] : memref<4x512xi32, #tpu.memory_space<vmem>> -> memref<1x512xi32, #tpu.memory_space<vmem>>
    %dma_wait3A_548 = tpu.memref_squeeze %dma_wait3A_547 : memref<1x512xi32, #tpu.memory_space<vmem>> -> memref<512xi32, #tpu.memory_space<vmem>>
    %dma_wait3A_549 = arith.constant 0 : i32
    %dma_wait3A_550 = arith.constant 0 : i32
    %dma_wait3A_551 = tpu.memref_slice %arg2[%dma_wait3A_549, %dma_wait3A_550] : memref<1000000x64xf32, #tpu.memory_space<hbm>> -> memref<1000000x64xf32, #tpu.memory_space<hbm>>
    tpu.wait_indirect_dma semaphore(%arg11 : memref<!tpu.dma_semaphore, #tpu.memory_space<semaphore_mem>>) src(%dma_wait3A_551 : memref<1000000x64xf32, #tpu.memory_space<hbm>>) dst(%dma_wait3A_545 : memref<512x64xf32, #tpu.memory_space<vmem>>)
    %add3A_552 = arith.constant 3072 : i32
    %add3A_553 = arith.addi %mul3A_2, %add3A_552 : i32
    %dma_start3A_554 = arith.constant 0 : i32
    %dma_start3A_555 = arith.constant 0 : i32
    %dma_start3A_556 = arith.constant 0 : i32
    %dma_start3A_557 = tpu.memref_slice %arg6[%dma_start3A_554, %dma_start3A_555, %dma_start3A_556] : memref<3x512x64xf32, #tpu.memory_space<vmem>> -> memref<1x512x64xf32, #tpu.memory_space<vmem>>
    %dma_start3A_558 = tpu.memref_squeeze %dma_start3A_557 : memref<1x512x64xf32, #tpu.memory_space<vmem>> -> memref<512x64xf32, #tpu.memory_space<vmem>>
    %dma_start3A_559 = arith.constant 0 : i32
    %dma_start3A_560 = tpu.memref_slice %arg4[%add3A_553, %dma_start3A_559] : memref<425984x64xf32, #tpu.memory_space<hbm>> -> memref<512x64xf32, #tpu.memory_space<hbm>>
    %dma_start3A_561 = arith.constant 0 : i32
    %dma_start3A_562 = tpu.memref_slice %arg4[%add3A_553, %dma_start3A_561] : memref<425984x64xf32, #tpu.memory_space<hbm>> -> memref<512x64xf32, #tpu.memory_space<hbm>>
    %dma_start3A_563 = arith.constant 0 : i32
    %dma_start3A_564 = arith.constant 0 : i32
    %dma_start3A_565 = tpu.memref_slice %arg6[%dma_start3A_554, %dma_start3A_563, %dma_start3A_564] : memref<3x512x64xf32, #tpu.memory_space<vmem>> -> memref<1x512x64xf32, #tpu.memory_space<vmem>>
    %dma_start3A_566 = tpu.memref_squeeze %dma_start3A_565 : memref<1x512x64xf32, #tpu.memory_space<vmem>> -> memref<512x64xf32, #tpu.memory_space<vmem>>
    tpu.enqueue_dma source(%dma_start3A_566 : memref<512x64xf32, #tpu.memory_space<vmem>>) target(%dma_start3A_562 : memref<512x64xf32, #tpu.memory_space<hbm>>) target_semaphore(%arg14 : memref<!tpu.dma_semaphore, #tpu.memory_space<semaphore_mem>>)
    %add3A_567 = arith.constant 5120 : i32
    %add3A_568 = arith.addi %mul3A_2, %add3A_567 : i32
    %dma_start3A_569 = arith.constant 2 : i32
    %dma_start3A_570 = arith.constant 0 : i32
    %dma_start3A_571 = tpu.memref_slice %arg5[%dma_start3A_569, %dma_start3A_570] : memref<4x512xi32, #tpu.memory_space<vmem>> -> memref<1x512xi32, #tpu.memory_space<vmem>>
    %dma_start3A_572 = tpu.memref_squeeze %dma_start3A_571 : memref<1x512xi32, #tpu.memory_space<vmem>> -> memref<512xi32, #tpu.memory_space<vmem>>
    %dma_start3A_573 = tpu.memref_slice %arg3[%add3A_568] : memref<425984xi32, #tpu.memory_space<hbm>> -> memref<512xi32, #tpu.memory_space<hbm>>
    %dma_start3A_574 = arith.constant 0 : i32
    %dma_start3A_575 = tpu.memref_slice %arg5[%dma_start3A_569, %dma_start3A_574] : memref<4x512xi32, #tpu.memory_space<vmem>> -> memref<1x512xi32, #tpu.memory_space<vmem>>
    %dma_start3A_576 = tpu.memref_squeeze %dma_start3A_575 : memref<1x512xi32, #tpu.memory_space<vmem>> -> memref<512xi32, #tpu.memory_space<vmem>>
    %dma_start3A_577 = tpu.memref_slice %arg3[%add3A_568] : memref<425984xi32, #tpu.memory_space<hbm>> -> memref<512xi32, #tpu.memory_space<hbm>>
    tpu.enqueue_dma source(%dma_start3A_577 : memref<512xi32, #tpu.memory_space<hbm>>) target(%dma_start3A_576 : memref<512xi32, #tpu.memory_space<vmem>>) target_semaphore(%arg9 : memref<!tpu.dma_semaphore, #tpu.memory_space<semaphore_mem>>)
    %dma_wait3A_578 = arith.constant 0 : i32
    %dma_wait3A_579 = arith.constant 0 : i32
    %dma_wait3A_580 = arith.constant 0 : i32
    %dma_wait3A_581 = tpu.memref_slice %arg6[%dma_wait3A_578, %dma_wait3A_579, %dma_wait3A_580] : memref<3x512x64xf32, #tpu.memory_space<vmem>> -> memref<1x512x64xf32, #tpu.memory_space<vmem>>
    %dma_wait3A_582 = tpu.memref_squeeze %dma_wait3A_581 : memref<1x512x64xf32, #tpu.memory_space<vmem>> -> memref<512x64xf32, #tpu.memory_space<vmem>>
    %dma_wait3A_583 = arith.constant 0 : i32
    %dma_wait3A_584 = tpu.memref_slice %arg4[%add3A_553, %dma_wait3A_583] : memref<425984x64xf32, #tpu.memory_space<hbm>> -> memref<512x64xf32, #tpu.memory_space<hbm>>
    %dma_wait3A_585 = arith.constant 0 : i32
    %dma_wait3A_586 = tpu.memref_slice %arg4[%add3A_553, %dma_wait3A_585] : memref<425984x64xf32, #tpu.memory_space<hbm>> -> memref<512x64xf32, #tpu.memory_space<hbm>>
    %dma_wait3A_587 = arith.constant 0 : i32
    %dma_wait3A_588 = arith.constant 0 : i32
    %dma_wait3A_589 = tpu.memref_slice %arg6[%dma_wait3A_578, %dma_wait3A_587, %dma_wait3A_588] : memref<3x512x64xf32, #tpu.memory_space<vmem>> -> memref<1x512x64xf32, #tpu.memory_space<vmem>>
    %dma_wait3A_590 = tpu.memref_squeeze %dma_wait3A_589 : memref<1x512x64xf32, #tpu.memory_space<vmem>> -> memref<512x64xf32, #tpu.memory_space<vmem>>
    tpu.wait_dma2 semaphore(%arg14 : memref<!tpu.dma_semaphore, #tpu.memory_space<semaphore_mem>>) src(%dma_wait3A_590 : memref<512x64xf32, #tpu.memory_space<vmem>>) dst(%dma_wait3A_586 : memref<512x64xf32, #tpu.memory_space<hbm>>)
    %dma_wait3A_591 = arith.constant 1 : i32
    %dma_wait3A_592 = arith.constant 0 : i32
    %dma_wait3A_593 = tpu.memref_slice %arg5[%dma_wait3A_591, %dma_wait3A_592] : memref<4x512xi32, #tpu.memory_space<vmem>> -> memref<1x512xi32, #tpu.memory_space<vmem>>
    %dma_wait3A_594 = tpu.memref_squeeze %dma_wait3A_593 : memref<1x512xi32, #tpu.memory_space<vmem>> -> memref<512xi32, #tpu.memory_space<vmem>>
    %dma_wait3A_595 = tpu.memref_slice %arg3[%add3A_496] : memref<425984xi32, #tpu.memory_space<hbm>> -> memref<512xi32, #tpu.memory_space<hbm>>
    %dma_wait3A_596 = arith.constant 0 : i32
    %dma_wait3A_597 = tpu.memref_slice %arg5[%dma_wait3A_591, %dma_wait3A_596] : memref<4x512xi32, #tpu.memory_space<vmem>> -> memref<1x512xi32, #tpu.memory_space<vmem>>
    %dma_wait3A_598 = tpu.memref_squeeze %dma_wait3A_597 : memref<1x512xi32, #tpu.memory_space<vmem>> -> memref<512xi32, #tpu.memory_space<vmem>>
    %dma_wait3A_599 = tpu.memref_slice %arg3[%add3A_496] : memref<425984xi32, #tpu.memory_space<hbm>> -> memref<512xi32, #tpu.memory_space<hbm>>
    tpu.wait_dma2 semaphore(%arg8 : memref<!tpu.dma_semaphore, #tpu.memory_space<semaphore_mem>>) src(%dma_wait3A_599 : memref<512xi32, #tpu.memory_space<hbm>>) dst(%dma_wait3A_598 : memref<512xi32, #tpu.memory_space<vmem>>)
    %dma_start3A_600 = arith.constant 1 : i32
    %dma_start3A_601 = arith.constant 0 : i32
    %dma_start3A_602 = arith.constant 0 : i32
    %dma_start3A_603 = arith.constant 0 : i32
    %dma_start3A_604 = tpu.memref_slice %arg6[%dma_start3A_601, %dma_start3A_602, %dma_start3A_603] : memref<3x512x64xf32, #tpu.memory_space<vmem>> -> memref<1x512x64xf32, #tpu.memory_space<vmem>>
    %dma_start3A_605 = tpu.memref_squeeze %dma_start3A_604 : memref<1x512x64xf32, #tpu.memory_space<vmem>> -> memref<512x64xf32, #tpu.memory_space<vmem>>
    %dma_start3A_606 = arith.constant 0 : i32
    %dma_start3A_607 = tpu.memref_slice %arg5[%dma_start3A_600, %dma_start3A_606] : memref<4x512xi32, #tpu.memory_space<vmem>> -> memref<1x512xi32, #tpu.memory_space<vmem>>
    %dma_start3A_608 = tpu.memref_squeeze %dma_start3A_607 : memref<1x512xi32, #tpu.memory_space<vmem>> -> memref<512xi32, #tpu.memory_space<vmem>>
    %dma_start3A_609 = arith.constant 0 : i32
    %dma_start3A_610 = arith.constant 0 : i32
    %dma_start3A_611 = tpu.memref_slice %arg2[%dma_start3A_609, %dma_start3A_610] : memref<1000000x64xf32, #tpu.memory_space<hbm>> -> memref<1000000x64xf32, #tpu.memory_space<hbm>>
    tpu.enqueue_indirect_dma source(%dma_start3A_611 : memref<1000000x64xf32, #tpu.memory_space<hbm>>) target(%dma_start3A_605 : memref<512x64xf32, #tpu.memory_space<vmem>>) offsets(%dma_start3A_608 : memref<512xi32, #tpu.memory_space<vmem>>) semaphore(%arg11 : memref<!tpu.dma_semaphore, #tpu.memory_space<semaphore_mem>>)
    %dma_wait3A_612 = arith.constant 3 : i32
    %dma_wait3A_613 = arith.constant 1 : i32
    %dma_wait3A_614 = arith.constant 0 : i32
    %dma_wait3A_615 = arith.constant 0 : i32
    %dma_wait3A_616 = tpu.memref_slice %arg6[%dma_wait3A_613, %dma_wait3A_614, %dma_wait3A_615] : memref<3x512x64xf32, #tpu.memory_space<vmem>> -> memref<1x512x64xf32, #tpu.memory_space<vmem>>
    %dma_wait3A_617 = tpu.memref_squeeze %dma_wait3A_616 : memref<1x512x64xf32, #tpu.memory_space<vmem>> -> memref<512x64xf32, #tpu.memory_space<vmem>>
    %dma_wait3A_618 = arith.constant 0 : i32
    %dma_wait3A_619 = tpu.memref_slice %arg5[%dma_wait3A_612, %dma_wait3A_618] : memref<4x512xi32, #tpu.memory_space<vmem>> -> memref<1x512xi32, #tpu.memory_space<vmem>>
    %dma_wait3A_620 = tpu.memref_squeeze %dma_wait3A_619 : memref<1x512xi32, #tpu.memory_space<vmem>> -> memref<512xi32, #tpu.memory_space<vmem>>
    %dma_wait3A_621 = arith.constant 0 : i32
    %dma_wait3A_622 = arith.constant 0 : i32
    %dma_wait3A_623 = tpu.memref_slice %arg2[%dma_wait3A_621, %dma_wait3A_622] : memref<1000000x64xf32, #tpu.memory_space<hbm>> -> memref<1000000x64xf32, #tpu.memory_space<hbm>>
    tpu.wait_indirect_dma semaphore(%arg12 : memref<!tpu.dma_semaphore, #tpu.memory_space<semaphore_mem>>) src(%dma_wait3A_623 : memref<1000000x64xf32, #tpu.memory_space<hbm>>) dst(%dma_wait3A_617 : memref<512x64xf32, #tpu.memory_space<vmem>>)
    %add3A_624 = arith.constant 3584 : i32
    %add3A_625 = arith.addi %mul3A_2, %add3A_624 : i32
    %dma_start3A_626 = arith.constant 1 : i32
    %dma_start3A_627 = arith.constant 0 : i32
    %dma_start3A_628 = arith.constant 0 : i32
    %dma_start3A_629 = tpu.memref_slice %arg6[%dma_start3A_626, %dma_start3A_627, %dma_start3A_628] : memref<3x512x64xf32, #tpu.memory_space<vmem>> -> memref<1x512x64xf32, #tpu.memory_space<vmem>>
    %dma_start3A_630 = tpu.memref_squeeze %dma_start3A_629 : memref<1x512x64xf32, #tpu.memory_space<vmem>> -> memref<512x64xf32, #tpu.memory_space<vmem>>
    %dma_start3A_631 = arith.constant 0 : i32
    %dma_start3A_632 = tpu.memref_slice %arg4[%add3A_625, %dma_start3A_631] : memref<425984x64xf32, #tpu.memory_space<hbm>> -> memref<512x64xf32, #tpu.memory_space<hbm>>
    %dma_start3A_633 = arith.constant 0 : i32
    %dma_start3A_634 = tpu.memref_slice %arg4[%add3A_625, %dma_start3A_633] : memref<425984x64xf32, #tpu.memory_space<hbm>> -> memref<512x64xf32, #tpu.memory_space<hbm>>
    %dma_start3A_635 = arith.constant 0 : i32
    %dma_start3A_636 = arith.constant 0 : i32
    %dma_start3A_637 = tpu.memref_slice %arg6[%dma_start3A_626, %dma_start3A_635, %dma_start3A_636] : memref<3x512x64xf32, #tpu.memory_space<vmem>> -> memref<1x512x64xf32, #tpu.memory_space<vmem>>
    %dma_start3A_638 = tpu.memref_squeeze %dma_start3A_637 : memref<1x512x64xf32, #tpu.memory_space<vmem>> -> memref<512x64xf32, #tpu.memory_space<vmem>>
    tpu.enqueue_dma source(%dma_start3A_638 : memref<512x64xf32, #tpu.memory_space<vmem>>) target(%dma_start3A_634 : memref<512x64xf32, #tpu.memory_space<hbm>>) target_semaphore(%arg15 : memref<!tpu.dma_semaphore, #tpu.memory_space<semaphore_mem>>)
    %add3A_639 = arith.constant 5632 : i32
    %add3A_640 = arith.addi %mul3A_2, %add3A_639 : i32
    %dma_start3A_641 = arith.constant 3 : i32
    %dma_start3A_642 = arith.constant 0 : i32
    %dma_start3A_643 = tpu.memref_slice %arg5[%dma_start3A_641, %dma_start3A_642] : memref<4x512xi32, #tpu.memory_space<vmem>> -> memref<1x512xi32, #tpu.memory_space<vmem>>
    %dma_start3A_644 = tpu.memref_squeeze %dma_start3A_643 : memref<1x512xi32, #tpu.memory_space<vmem>> -> memref<512xi32, #tpu.memory_space<vmem>>
    %dma_start3A_645 = tpu.memref_slice %arg3[%add3A_640] : memref<425984xi32, #tpu.memory_space<hbm>> -> memref<512xi32, #tpu.memory_space<hbm>>
    %dma_start3A_646 = arith.constant 0 : i32
    %dma_start3A_647 = tpu.memref_slice %arg5[%dma_start3A_641, %dma_start3A_646] : memref<4x512xi32, #tpu.memory_space<vmem>> -> memref<1x512xi32, #tpu.memory_space<vmem>>
    %dma_start3A_648 = tpu.memref_squeeze %dma_start3A_647 : memref<1x512xi32, #tpu.memory_space<vmem>> -> memref<512xi32, #tpu.memory_space<vmem>>
    %dma_start3A_649 = tpu.memref_slice %arg3[%add3A_640] : memref<425984xi32, #tpu.memory_space<hbm>> -> memref<512xi32, #tpu.memory_space<hbm>>
    tpu.enqueue_dma source(%dma_start3A_649 : memref<512xi32, #tpu.memory_space<hbm>>) target(%dma_start3A_648 : memref<512xi32, #tpu.memory_space<vmem>>) target_semaphore(%arg10 : memref<!tpu.dma_semaphore, #tpu.memory_space<semaphore_mem>>)
    %dma_wait3A_650 = arith.constant 1 : i32
    %dma_wait3A_651 = arith.constant 0 : i32
    %dma_wait3A_652 = arith.constant 0 : i32
    %dma_wait3A_653 = tpu.memref_slice %arg6[%dma_wait3A_650, %dma_wait3A_651, %dma_wait3A_652] : memref<3x512x64xf32, #tpu.memory_space<vmem>> -> memref<1x512x64xf32, #tpu.memory_space<vmem>>
    %dma_wait3A_654 = tpu.memref_squeeze %dma_wait3A_653 : memref<1x512x64xf32, #tpu.memory_space<vmem>> -> memref<512x64xf32, #tpu.memory_space<vmem>>
    %dma_wait3A_655 = arith.constant 0 : i32
    %dma_wait3A_656 = tpu.memref_slice %arg4[%add3A_625, %dma_wait3A_655] : memref<425984x64xf32, #tpu.memory_space<hbm>> -> memref<512x64xf32, #tpu.memory_space<hbm>>
    %dma_wait3A_657 = arith.constant 0 : i32
    %dma_wait3A_658 = tpu.memref_slice %arg4[%add3A_625, %dma_wait3A_657] : memref<425984x64xf32, #tpu.memory_space<hbm>> -> memref<512x64xf32, #tpu.memory_space<hbm>>
    %dma_wait3A_659 = arith.constant 0 : i32
    %dma_wait3A_660 = arith.constant 0 : i32
    %dma_wait3A_661 = tpu.memref_slice %arg6[%dma_wait3A_650, %dma_wait3A_659, %dma_wait3A_660] : memref<3x512x64xf32, #tpu.memory_space<vmem>> -> memref<1x512x64xf32, #tpu.memory_space<vmem>>
    %dma_wait3A_662 = tpu.memref_squeeze %dma_wait3A_661 : memref<1x512x64xf32, #tpu.memory_space<vmem>> -> memref<512x64xf32, #tpu.memory_space<vmem>>
    tpu.wait_dma2 semaphore(%arg15 : memref<!tpu.dma_semaphore, #tpu.memory_space<semaphore_mem>>) src(%dma_wait3A_662 : memref<512x64xf32, #tpu.memory_space<vmem>>) dst(%dma_wait3A_658 : memref<512x64xf32, #tpu.memory_space<hbm>>)
    %dma_wait3A_663 = arith.constant 2 : i32
    %dma_wait3A_664 = arith.constant 0 : i32
    %dma_wait3A_665 = tpu.memref_slice %arg5[%dma_wait3A_663, %dma_wait3A_664] : memref<4x512xi32, #tpu.memory_space<vmem>> -> memref<1x512xi32, #tpu.memory_space<vmem>>
    %dma_wait3A_666 = tpu.memref_squeeze %dma_wait3A_665 : memref<1x512xi32, #tpu.memory_space<vmem>> -> memref<512xi32, #tpu.memory_space<vmem>>
    %dma_wait3A_667 = tpu.memref_slice %arg3[%add3A_568] : memref<425984xi32, #tpu.memory_space<hbm>> -> memref<512xi32, #tpu.memory_space<hbm>>
    %dma_wait3A_668 = arith.constant 0 : i32
    %dma_wait3A_669 = tpu.memref_slice %arg5[%dma_wait3A_663, %dma_wait3A_668] : memref<4x512xi32, #tpu.memory_space<vmem>> -> memref<1x512xi32, #tpu.memory_space<vmem>>
    %dma_wait3A_670 = tpu.memref_squeeze %dma_wait3A_669 : memref<1x512xi32, #tpu.memory_space<vmem>> -> memref<512xi32, #tpu.memory_space<vmem>>
    %dma_wait3A_671 = tpu.memref_slice %arg3[%add3A_568] : memref<425984xi32, #tpu.memory_space<hbm>> -> memref<512xi32, #tpu.memory_space<hbm>>
    tpu.wait_dma2 semaphore(%arg9 : memref<!tpu.dma_semaphore, #tpu.memory_space<semaphore_mem>>) src(%dma_wait3A_671 : memref<512xi32, #tpu.memory_space<hbm>>) dst(%dma_wait3A_670 : memref<512xi32, #tpu.memory_space<vmem>>)
    %dma_start3A_672 = arith.constant 2 : i32
    %dma_start3A_673 = arith.constant 1 : i32
    %dma_start3A_674 = arith.constant 0 : i32
    %dma_start3A_675 = arith.constant 0 : i32
    %dma_start3A_676 = tpu.memref_slice %arg6[%dma_start3A_673, %dma_start3A_674, %dma_start3A_675] : memref<3x512x64xf32, #tpu.memory_space<vmem>> -> memref<1x512x64xf32, #tpu.memory_space<vmem>>
    %dma_start3A_677 = tpu.memref_squeeze %dma_start3A_676 : memref<1x512x64xf32, #tpu.memory_space<vmem>> -> memref<512x64xf32, #tpu.memory_space<vmem>>
    %dma_start3A_678 = arith.constant 0 : i32
    %dma_start3A_679 = tpu.memref_slice %arg5[%dma_start3A_672, %dma_start3A_678] : memref<4x512xi32, #tpu.memory_space<vmem>> -> memref<1x512xi32, #tpu.memory_space<vmem>>
    %dma_start3A_680 = tpu.memref_squeeze %dma_start3A_679 : memref<1x512xi32, #tpu.memory_space<vmem>> -> memref<512xi32, #tpu.memory_space<vmem>>
    %dma_start3A_681 = arith.constant 0 : i32
    %dma_start3A_682 = arith.constant 0 : i32
    %dma_start3A_683 = tpu.memref_slice %arg2[%dma_start3A_681, %dma_start3A_682] : memref<1000000x64xf32, #tpu.memory_space<hbm>> -> memref<1000000x64xf32, #tpu.memory_space<hbm>>
    tpu.enqueue_indirect_dma source(%dma_start3A_683 : memref<1000000x64xf32, #tpu.memory_space<hbm>>) target(%dma_start3A_677 : memref<512x64xf32, #tpu.memory_space<vmem>>) offsets(%dma_start3A_680 : memref<512xi32, #tpu.memory_space<vmem>>) semaphore(%arg12 : memref<!tpu.dma_semaphore, #tpu.memory_space<semaphore_mem>>)
    %dma_wait3A_684 = arith.constant 0 : i32
    %dma_wait3A_685 = arith.constant 2 : i32
    %dma_wait3A_686 = arith.constant 0 : i32
    %dma_wait3A_687 = arith.constant 0 : i32
    %dma_wait3A_688 = tpu.memref_slice %arg6[%dma_wait3A_685, %dma_wait3A_686, %dma_wait3A_687] : memref<3x512x64xf32, #tpu.memory_space<vmem>> -> memref<1x512x64xf32, #tpu.memory_space<vmem>>
    %dma_wait3A_689 = tpu.memref_squeeze %dma_wait3A_688 : memref<1x512x64xf32, #tpu.memory_space<vmem>> -> memref<512x64xf32, #tpu.memory_space<vmem>>
    %dma_wait3A_690 = arith.constant 0 : i32
    %dma_wait3A_691 = tpu.memref_slice %arg5[%dma_wait3A_684, %dma_wait3A_690] : memref<4x512xi32, #tpu.memory_space<vmem>> -> memref<1x512xi32, #tpu.memory_space<vmem>>
    %dma_wait3A_692 = tpu.memref_squeeze %dma_wait3A_691 : memref<1x512xi32, #tpu.memory_space<vmem>> -> memref<512xi32, #tpu.memory_space<vmem>>
    %dma_wait3A_693 = arith.constant 0 : i32
    %dma_wait3A_694 = arith.constant 0 : i32
    %dma_wait3A_695 = tpu.memref_slice %arg2[%dma_wait3A_693, %dma_wait3A_694] : memref<1000000x64xf32, #tpu.memory_space<hbm>> -> memref<1000000x64xf32, #tpu.memory_space<hbm>>
    tpu.wait_indirect_dma semaphore(%arg13 : memref<!tpu.dma_semaphore, #tpu.memory_space<semaphore_mem>>) src(%dma_wait3A_695 : memref<1000000x64xf32, #tpu.memory_space<hbm>>) dst(%dma_wait3A_689 : memref<512x64xf32, #tpu.memory_space<vmem>>)
    %add3A_696 = arith.constant 4096 : i32
    %add3A_697 = arith.addi %mul3A_2, %add3A_696 : i32
    %dma_start3A_698 = arith.constant 2 : i32
    %dma_start3A_699 = arith.constant 0 : i32
    %dma_start3A_700 = arith.constant 0 : i32
    %dma_start3A_701 = tpu.memref_slice %arg6[%dma_start3A_698, %dma_start3A_699, %dma_start3A_700] : memref<3x512x64xf32, #tpu.memory_space<vmem>> -> memref<1x512x64xf32, #tpu.memory_space<vmem>>
    %dma_start3A_702 = tpu.memref_squeeze %dma_start3A_701 : memref<1x512x64xf32, #tpu.memory_space<vmem>> -> memref<512x64xf32, #tpu.memory_space<vmem>>
    %dma_start3A_703 = arith.constant 0 : i32
    %dma_start3A_704 = tpu.memref_slice %arg4[%add3A_697, %dma_start3A_703] : memref<425984x64xf32, #tpu.memory_space<hbm>> -> memref<512x64xf32, #tpu.memory_space<hbm>>
    %dma_start3A_705 = arith.constant 0 : i32
    %dma_start3A_706 = tpu.memref_slice %arg4[%add3A_697, %dma_start3A_705] : memref<425984x64xf32, #tpu.memory_space<hbm>> -> memref<512x64xf32, #tpu.memory_space<hbm>>
    %dma_start3A_707 = arith.constant 0 : i32
    %dma_start3A_708 = arith.constant 0 : i32
    %dma_start3A_709 = tpu.memref_slice %arg6[%dma_start3A_698, %dma_start3A_707, %dma_start3A_708] : memref<3x512x64xf32, #tpu.memory_space<vmem>> -> memref<1x512x64xf32, #tpu.memory_space<vmem>>
    %dma_start3A_710 = tpu.memref_squeeze %dma_start3A_709 : memref<1x512x64xf32, #tpu.memory_space<vmem>> -> memref<512x64xf32, #tpu.memory_space<vmem>>
    tpu.enqueue_dma source(%dma_start3A_710 : memref<512x64xf32, #tpu.memory_space<vmem>>) target(%dma_start3A_706 : memref<512x64xf32, #tpu.memory_space<hbm>>) target_semaphore(%arg16 : memref<!tpu.dma_semaphore, #tpu.memory_space<semaphore_mem>>)
    %add3A_711 = arith.constant 6144 : i32
    %add3A_712 = arith.addi %mul3A_2, %add3A_711 : i32
    %dma_start3A_713 = arith.constant 0 : i32
    %dma_start3A_714 = arith.constant 0 : i32
    %dma_start3A_715 = tpu.memref_slice %arg5[%dma_start3A_713, %dma_start3A_714] : memref<4x512xi32, #tpu.memory_space<vmem>> -> memref<1x512xi32, #tpu.memory_space<vmem>>
    %dma_start3A_716 = tpu.memref_squeeze %dma_start3A_715 : memref<1x512xi32, #tpu.memory_space<vmem>> -> memref<512xi32, #tpu.memory_space<vmem>>
    %dma_start3A_717 = tpu.memref_slice %arg3[%add3A_712] : memref<425984xi32, #tpu.memory_space<hbm>> -> memref<512xi32, #tpu.memory_space<hbm>>
    %dma_start3A_718 = arith.constant 0 : i32
    %dma_start3A_719 = tpu.memref_slice %arg5[%dma_start3A_713, %dma_start3A_718] : memref<4x512xi32, #tpu.memory_space<vmem>> -> memref<1x512xi32, #tpu.memory_space<vmem>>
    %dma_start3A_720 = tpu.memref_squeeze %dma_start3A_719 : memref<1x512xi32, #tpu.memory_space<vmem>> -> memref<512xi32, #tpu.memory_space<vmem>>
    %dma_start3A_721 = tpu.memref_slice %arg3[%add3A_712] : memref<425984xi32, #tpu.memory_space<hbm>> -> memref<512xi32, #tpu.memory_space<hbm>>
    tpu.enqueue_dma source(%dma_start3A_721 : memref<512xi32, #tpu.memory_space<hbm>>) target(%dma_start3A_720 : memref<512xi32, #tpu.memory_space<vmem>>) target_semaphore(%arg7 : memref<!tpu.dma_semaphore, #tpu.memory_space<semaphore_mem>>)
    %dma_wait3A_722 = arith.constant 2 : i32
    %dma_wait3A_723 = arith.constant 0 : i32
    %dma_wait3A_724 = arith.constant 0 : i32
    %dma_wait3A_725 = tpu.memref_slice %arg6[%dma_wait3A_722, %dma_wait3A_723, %dma_wait3A_724] : memref<3x512x64xf32, #tpu.memory_space<vmem>> -> memref<1x512x64xf32, #tpu.memory_space<vmem>>
    %dma_wait3A_726 = tpu.memref_squeeze %dma_wait3A_725 : memref<1x512x64xf32, #tpu.memory_space<vmem>> -> memref<512x64xf32, #tpu.memory_space<vmem>>
    %dma_wait3A_727 = arith.constant 0 : i32
    %dma_wait3A_728 = tpu.memref_slice %arg4[%add3A_697, %dma_wait3A_727] : memref<425984x64xf32, #tpu.memory_space<hbm>> -> memref<512x64xf32, #tpu.memory_space<hbm>>
    %dma_wait3A_729 = arith.constant 0 : i32
    %dma_wait3A_730 = tpu.memref_slice %arg4[%add3A_697, %dma_wait3A_729] : memref<425984x64xf32, #tpu.memory_space<hbm>> -> memref<512x64xf32, #tpu.memory_space<hbm>>
    %dma_wait3A_731 = arith.constant 0 : i32
    %dma_wait3A_732 = arith.constant 0 : i32
    %dma_wait3A_733 = tpu.memref_slice %arg6[%dma_wait3A_722, %dma_wait3A_731, %dma_wait3A_732] : memref<3x512x64xf32, #tpu.memory_space<vmem>> -> memref<1x512x64xf32, #tpu.memory_space<vmem>>
    %dma_wait3A_734 = tpu.memref_squeeze %dma_wait3A_733 : memref<1x512x64xf32, #tpu.memory_space<vmem>> -> memref<512x64xf32, #tpu.memory_space<vmem>>
    tpu.wait_dma2 semaphore(%arg16 : memref<!tpu.dma_semaphore, #tpu.memory_space<semaphore_mem>>) src(%dma_wait3A_734 : memref<512x64xf32, #tpu.memory_space<vmem>>) dst(%dma_wait3A_730 : memref<512x64xf32, #tpu.memory_space<hbm>>)
    %dma_wait3A_735 = arith.constant 3 : i32
    %dma_wait3A_736 = arith.constant 0 : i32
    %dma_wait3A_737 = tpu.memref_slice %arg5[%dma_wait3A_735, %dma_wait3A_736] : memref<4x512xi32, #tpu.memory_space<vmem>> -> memref<1x512xi32, #tpu.memory_space<vmem>>
    %dma_wait3A_738 = tpu.memref_squeeze %dma_wait3A_737 : memref<1x512xi32, #tpu.memory_space<vmem>> -> memref<512xi32, #tpu.memory_space<vmem>>
    %dma_wait3A_739 = tpu.memref_slice %arg3[%add3A_640] : memref<425984xi32, #tpu.memory_space<hbm>> -> memref<512xi32, #tpu.memory_space<hbm>>
    %dma_wait3A_740 = arith.constant 0 : i32
    %dma_wait3A_741 = tpu.memref_slice %arg5[%dma_wait3A_735, %dma_wait3A_740] : memref<4x512xi32, #tpu.memory_space<vmem>> -> memref<1x512xi32, #tpu.memory_space<vmem>>
    %dma_wait3A_742 = tpu.memref_squeeze %dma_wait3A_741 : memref<1x512xi32, #tpu.memory_space<vmem>> -> memref<512xi32, #tpu.memory_space<vmem>>
    %dma_wait3A_743 = tpu.memref_slice %arg3[%add3A_640] : memref<425984xi32, #tpu.memory_space<hbm>> -> memref<512xi32, #tpu.memory_space<hbm>>
    tpu.wait_dma2 semaphore(%arg10 : memref<!tpu.dma_semaphore, #tpu.memory_space<semaphore_mem>>) src(%dma_wait3A_743 : memref<512xi32, #tpu.memory_space<hbm>>) dst(%dma_wait3A_742 : memref<512xi32, #tpu.memory_space<vmem>>)
    %dma_start3A_744 = arith.constant 3 : i32
    %dma_start3A_745 = arith.constant 2 : i32
    %dma_start3A_746 = arith.constant 0 : i32
    %dma_start3A_747 = arith.constant 0 : i32
    %dma_start3A_748 = tpu.memref_slice %arg6[%dma_start3A_745, %dma_start3A_746, %dma_start3A_747] : memref<3x512x64xf32, #tpu.memory_space<vmem>> -> memref<1x512x64xf32, #tpu.memory_space<vmem>>
    %dma_start3A_749 = tpu.memref_squeeze %dma_start3A_748 : memref<1x512x64xf32, #tpu.memory_space<vmem>> -> memref<512x64xf32, #tpu.memory_space<vmem>>
    %dma_start3A_750 = arith.constant 0 : i32
    %dma_start3A_751 = tpu.memref_slice %arg5[%dma_start3A_744, %dma_start3A_750] : memref<4x512xi32, #tpu.memory_space<vmem>> -> memref<1x512xi32, #tpu.memory_space<vmem>>
    %dma_start3A_752 = tpu.memref_squeeze %dma_start3A_751 : memref<1x512xi32, #tpu.memory_space<vmem>> -> memref<512xi32, #tpu.memory_space<vmem>>
    %dma_start3A_753 = arith.constant 0 : i32
    %dma_start3A_754 = arith.constant 0 : i32
    %dma_start3A_755 = tpu.memref_slice %arg2[%dma_start3A_753, %dma_start3A_754] : memref<1000000x64xf32, #tpu.memory_space<hbm>> -> memref<1000000x64xf32, #tpu.memory_space<hbm>>
    tpu.enqueue_indirect_dma source(%dma_start3A_755 : memref<1000000x64xf32, #tpu.memory_space<hbm>>) target(%dma_start3A_749 : memref<512x64xf32, #tpu.memory_space<vmem>>) offsets(%dma_start3A_752 : memref<512xi32, #tpu.memory_space<vmem>>) semaphore(%arg13 : memref<!tpu.dma_semaphore, #tpu.memory_space<semaphore_mem>>)
    %dma_wait3A_756 = arith.constant 1 : i32
    %dma_wait3A_757 = arith.constant 0 : i32
    %dma_wait3A_758 = arith.constant 0 : i32
    %dma_wait3A_759 = arith.constant 0 : i32
    %dma_wait3A_760 = tpu.memref_slice %arg6[%dma_wait3A_757, %dma_wait3A_758, %dma_wait3A_759] : memref<3x512x64xf32, #tpu.memory_space<vmem>> -> memref<1x512x64xf32, #tpu.memory_space<vmem>>
    %dma_wait3A_761 = tpu.memref_squeeze %dma_wait3A_760 : memref<1x512x64xf32, #tpu.memory_space<vmem>> -> memref<512x64xf32, #tpu.memory_space<vmem>>
    %dma_wait3A_762 = arith.constant 0 : i32
    %dma_wait3A_763 = tpu.memref_slice %arg5[%dma_wait3A_756, %dma_wait3A_762] : memref<4x512xi32, #tpu.memory_space<vmem>> -> memref<1x512xi32, #tpu.memory_space<vmem>>
    %dma_wait3A_764 = tpu.memref_squeeze %dma_wait3A_763 : memref<1x512xi32, #tpu.memory_space<vmem>> -> memref<512xi32, #tpu.memory_space<vmem>>
    %dma_wait3A_765 = arith.constant 0 : i32
    %dma_wait3A_766 = arith.constant 0 : i32
    %dma_wait3A_767 = tpu.memref_slice %arg2[%dma_wait3A_765, %dma_wait3A_766] : memref<1000000x64xf32, #tpu.memory_space<hbm>> -> memref<1000000x64xf32, #tpu.memory_space<hbm>>
    tpu.wait_indirect_dma semaphore(%arg11 : memref<!tpu.dma_semaphore, #tpu.memory_space<semaphore_mem>>) src(%dma_wait3A_767 : memref<1000000x64xf32, #tpu.memory_space<hbm>>) dst(%dma_wait3A_761 : memref<512x64xf32, #tpu.memory_space<vmem>>)
    %add3A_768 = arith.constant 4608 : i32
    %add3A_769 = arith.addi %mul3A_2, %add3A_768 : i32
    %dma_start3A_770 = arith.constant 0 : i32
    %dma_start3A_771 = arith.constant 0 : i32
    %dma_start3A_772 = arith.constant 0 : i32
    %dma_start3A_773 = tpu.memref_slice %arg6[%dma_start3A_770, %dma_start3A_771, %dma_start3A_772] : memref<3x512x64xf32, #tpu.memory_space<vmem>> -> memref<1x512x64xf32, #tpu.memory_space<vmem>>
    %dma_start3A_774 = tpu.memref_squeeze %dma_start3A_773 : memref<1x512x64xf32, #tpu.memory_space<vmem>> -> memref<512x64xf32, #tpu.memory_space<vmem>>
    %dma_start3A_775 = arith.constant 0 : i32
    %dma_start3A_776 = tpu.memref_slice %arg4[%add3A_769, %dma_start3A_775] : memref<425984x64xf32, #tpu.memory_space<hbm>> -> memref<512x64xf32, #tpu.memory_space<hbm>>
    %dma_start3A_777 = arith.constant 0 : i32
    %dma_start3A_778 = tpu.memref_slice %arg4[%add3A_769, %dma_start3A_777] : memref<425984x64xf32, #tpu.memory_space<hbm>> -> memref<512x64xf32, #tpu.memory_space<hbm>>
    %dma_start3A_779 = arith.constant 0 : i32
    %dma_start3A_780 = arith.constant 0 : i32
    %dma_start3A_781 = tpu.memref_slice %arg6[%dma_start3A_770, %dma_start3A_779, %dma_start3A_780] : memref<3x512x64xf32, #tpu.memory_space<vmem>> -> memref<1x512x64xf32, #tpu.memory_space<vmem>>
    %dma_start3A_782 = tpu.memref_squeeze %dma_start3A_781 : memref<1x512x64xf32, #tpu.memory_space<vmem>> -> memref<512x64xf32, #tpu.memory_space<vmem>>
    tpu.enqueue_dma source(%dma_start3A_782 : memref<512x64xf32, #tpu.memory_space<vmem>>) target(%dma_start3A_778 : memref<512x64xf32, #tpu.memory_space<hbm>>) target_semaphore(%arg14 : memref<!tpu.dma_semaphore, #tpu.memory_space<semaphore_mem>>)
    %add3A_783 = arith.constant 6656 : i32
    %add3A_784 = arith.addi %mul3A_2, %add3A_783 : i32
    %dma_start3A_785 = arith.constant 1 : i32
    %dma_start3A_786 = arith.constant 0 : i32
    %dma_start3A_787 = tpu.memref_slice %arg5[%dma_start3A_785, %dma_start3A_786] : memref<4x512xi32, #tpu.memory_space<vmem>> -> memref<1x512xi32, #tpu.memory_space<vmem>>
    %dma_start3A_788 = tpu.memref_squeeze %dma_start3A_787 : memref<1x512xi32, #tpu.memory_space<vmem>> -> memref<512xi32, #tpu.memory_space<vmem>>
    %dma_start3A_789 = tpu.memref_slice %arg3[%add3A_784] : memref<425984xi32, #tpu.memory_space<hbm>> -> memref<512xi32, #tpu.memory_space<hbm>>
    %dma_start3A_790 = arith.constant 0 : i32
    %dma_start3A_791 = tpu.memref_slice %arg5[%dma_start3A_785, %dma_start3A_790] : memref<4x512xi32, #tpu.memory_space<vmem>> -> memref<1x512xi32, #tpu.memory_space<vmem>>
    %dma_start3A_792 = tpu.memref_squeeze %dma_start3A_791 : memref<1x512xi32, #tpu.memory_space<vmem>> -> memref<512xi32, #tpu.memory_space<vmem>>
    %dma_start3A_793 = tpu.memref_slice %arg3[%add3A_784] : memref<425984xi32, #tpu.memory_space<hbm>> -> memref<512xi32, #tpu.memory_space<hbm>>
    tpu.enqueue_dma source(%dma_start3A_793 : memref<512xi32, #tpu.memory_space<hbm>>) target(%dma_start3A_792 : memref<512xi32, #tpu.memory_space<vmem>>) target_semaphore(%arg8 : memref<!tpu.dma_semaphore, #tpu.memory_space<semaphore_mem>>)
    %dma_wait3A_794 = arith.constant 0 : i32
    %dma_wait3A_795 = arith.constant 0 : i32
    %dma_wait3A_796 = arith.constant 0 : i32
    %dma_wait3A_797 = tpu.memref_slice %arg6[%dma_wait3A_794, %dma_wait3A_795, %dma_wait3A_796] : memref<3x512x64xf32, #tpu.memory_space<vmem>> -> memref<1x512x64xf32, #tpu.memory_space<vmem>>
    %dma_wait3A_798 = tpu.memref_squeeze %dma_wait3A_797 : memref<1x512x64xf32, #tpu.memory_space<vmem>> -> memref<512x64xf32, #tpu.memory_space<vmem>>
    %dma_wait3A_799 = arith.constant 0 : i32
    %dma_wait3A_800 = tpu.memref_slice %arg4[%add3A_769, %dma_wait3A_799] : memref<425984x64xf32, #tpu.memory_space<hbm>> -> memref<512x64xf32, #tpu.memory_space<hbm>>
    %dma_wait3A_801 = arith.constant 0 : i32
    %dma_wait3A_802 = tpu.memref_slice %arg4[%add3A_769, %dma_wait3A_801] : memref<425984x64xf32, #tpu.memory_space<hbm>> -> memref<512x64xf32, #tpu.memory_space<hbm>>
    %dma_wait3A_803 = arith.constant 0 : i32
    %dma_wait3A_804 = arith.constant 0 : i32
    %dma_wait3A_805 = tpu.memref_slice %arg6[%dma_wait3A_794, %dma_wait3A_803, %dma_wait3A_804] : memref<3x512x64xf32, #tpu.memory_space<vmem>> -> memref<1x512x64xf32, #tpu.memory_space<vmem>>
    %dma_wait3A_806 = tpu.memref_squeeze %dma_wait3A_805 : memref<1x512x64xf32, #tpu.memory_space<vmem>> -> memref<512x64xf32, #tpu.memory_space<vmem>>
    tpu.wait_dma2 semaphore(%arg14 : memref<!tpu.dma_semaphore, #tpu.memory_space<semaphore_mem>>) src(%dma_wait3A_806 : memref<512x64xf32, #tpu.memory_space<vmem>>) dst(%dma_wait3A_802 : memref<512x64xf32, #tpu.memory_space<hbm>>)
    %dma_wait3A_807 = arith.constant 0 : i32
    %dma_wait3A_808 = arith.constant 0 : i32
    %dma_wait3A_809 = tpu.memref_slice %arg5[%dma_wait3A_807, %dma_wait3A_808] : memref<4x512xi32, #tpu.memory_space<vmem>> -> memref<1x512xi32, #tpu.memory_space<vmem>>
    %dma_wait3A_810 = tpu.memref_squeeze %dma_wait3A_809 : memref<1x512xi32, #tpu.memory_space<vmem>> -> memref<512xi32, #tpu.memory_space<vmem>>
    %dma_wait3A_811 = tpu.memref_slice %arg3[%add3A_712] : memref<425984xi32, #tpu.memory_space<hbm>> -> memref<512xi32, #tpu.memory_space<hbm>>
    %dma_wait3A_812 = arith.constant 0 : i32
    %dma_wait3A_813 = tpu.memref_slice %arg5[%dma_wait3A_807, %dma_wait3A_812] : memref<4x512xi32, #tpu.memory_space<vmem>> -> memref<1x512xi32, #tpu.memory_space<vmem>>
    %dma_wait3A_814 = tpu.memref_squeeze %dma_wait3A_813 : memref<1x512xi32, #tpu.memory_space<vmem>> -> memref<512xi32, #tpu.memory_space<vmem>>
    %dma_wait3A_815 = tpu.memref_slice %arg3[%add3A_712] : memref<425984xi32, #tpu.memory_space<hbm>> -> memref<512xi32, #tpu.memory_space<hbm>>
    tpu.wait_dma2 semaphore(%arg7 : memref<!tpu.dma_semaphore, #tpu.memory_space<semaphore_mem>>) src(%dma_wait3A_815 : memref<512xi32, #tpu.memory_space<hbm>>) dst(%dma_wait3A_814 : memref<512xi32, #tpu.memory_space<vmem>>)
    %dma_start3A_816 = arith.constant 0 : i32
    %dma_start3A_817 = arith.constant 0 : i32
    %dma_start3A_818 = arith.constant 0 : i32
    %dma_start3A_819 = arith.constant 0 : i32
    %dma_start3A_820 = tpu.memref_slice %arg6[%dma_start3A_817, %dma_start3A_818, %dma_start3A_819] : memref<3x512x64xf32, #tpu.memory_space<vmem>> -> memref<1x512x64xf32, #tpu.memory_space<vmem>>
    %dma_start3A_821 = tpu.memref_squeeze %dma_start3A_820 : memref<1x512x64xf32, #tpu.memory_space<vmem>> -> memref<512x64xf32, #tpu.memory_space<vmem>>
    %dma_start3A_822 = arith.constant 0 : i32
    %dma_start3A_823 = tpu.memref_slice %arg5[%dma_start3A_816, %dma_start3A_822] : memref<4x512xi32, #tpu.memory_space<vmem>> -> memref<1x512xi32, #tpu.memory_space<vmem>>
    %dma_start3A_824 = tpu.memref_squeeze %dma_start3A_823 : memref<1x512xi32, #tpu.memory_space<vmem>> -> memref<512xi32, #tpu.memory_space<vmem>>
    %dma_start3A_825 = arith.constant 0 : i32
    %dma_start3A_826 = arith.constant 0 : i32
    %dma_start3A_827 = tpu.memref_slice %arg2[%dma_start3A_825, %dma_start3A_826] : memref<1000000x64xf32, #tpu.memory_space<hbm>> -> memref<1000000x64xf32, #tpu.memory_space<hbm>>
    tpu.enqueue_indirect_dma source(%dma_start3A_827 : memref<1000000x64xf32, #tpu.memory_space<hbm>>) target(%dma_start3A_821 : memref<512x64xf32, #tpu.memory_space<vmem>>) offsets(%dma_start3A_824 : memref<512xi32, #tpu.memory_space<vmem>>) semaphore(%arg11 : memref<!tpu.dma_semaphore, #tpu.memory_space<semaphore_mem>>)
    %dma_wait3A_828 = arith.constant 2 : i32
    %dma_wait3A_829 = arith.constant 1 : i32
    %dma_wait3A_830 = arith.constant 0 : i32
    %dma_wait3A_831 = arith.constant 0 : i32
    %dma_wait3A_832 = tpu.memref_slice %arg6[%dma_wait3A_829, %dma_wait3A_830, %dma_wait3A_831] : memref<3x512x64xf32, #tpu.memory_space<vmem>> -> memref<1x512x64xf32, #tpu.memory_space<vmem>>
    %dma_wait3A_833 = tpu.memref_squeeze %dma_wait3A_832 : memref<1x512x64xf32, #tpu.memory_space<vmem>> -> memref<512x64xf32, #tpu.memory_space<vmem>>
    %dma_wait3A_834 = arith.constant 0 : i32
    %dma_wait3A_835 = tpu.memref_slice %arg5[%dma_wait3A_828, %dma_wait3A_834] : memref<4x512xi32, #tpu.memory_space<vmem>> -> memref<1x512xi32, #tpu.memory_space<vmem>>
    %dma_wait3A_836 = tpu.memref_squeeze %dma_wait3A_835 : memref<1x512xi32, #tpu.memory_space<vmem>> -> memref<512xi32, #tpu.memory_space<vmem>>
    %dma_wait3A_837 = arith.constant 0 : i32
    %dma_wait3A_838 = arith.constant 0 : i32
    %dma_wait3A_839 = tpu.memref_slice %arg2[%dma_wait3A_837, %dma_wait3A_838] : memref<1000000x64xf32, #tpu.memory_space<hbm>> -> memref<1000000x64xf32, #tpu.memory_space<hbm>>
    tpu.wait_indirect_dma semaphore(%arg12 : memref<!tpu.dma_semaphore, #tpu.memory_space<semaphore_mem>>) src(%dma_wait3A_839 : memref<1000000x64xf32, #tpu.memory_space<hbm>>) dst(%dma_wait3A_833 : memref<512x64xf32, #tpu.memory_space<vmem>>)
    %add3A_840 = arith.constant 5120 : i32
    %add3A_841 = arith.addi %mul3A_2, %add3A_840 : i32
    %dma_start3A_842 = arith.constant 1 : i32
    %dma_start3A_843 = arith.constant 0 : i32
    %dma_start3A_844 = arith.constant 0 : i32
    %dma_start3A_845 = tpu.memref_slice %arg6[%dma_start3A_842, %dma_start3A_843, %dma_start3A_844] : memref<3x512x64xf32, #tpu.memory_space<vmem>> -> memref<1x512x64xf32, #tpu.memory_space<vmem>>
    %dma_start3A_846 = tpu.memref_squeeze %dma_start3A_845 : memref<1x512x64xf32, #tpu.memory_space<vmem>> -> memref<512x64xf32, #tpu.memory_space<vmem>>
    %dma_start3A_847 = arith.constant 0 : i32
    %dma_start3A_848 = tpu.memref_slice %arg4[%add3A_841, %dma_start3A_847] : memref<425984x64xf32, #tpu.memory_space<hbm>> -> memref<512x64xf32, #tpu.memory_space<hbm>>
    %dma_start3A_849 = arith.constant 0 : i32
    %dma_start3A_850 = tpu.memref_slice %arg4[%add3A_841, %dma_start3A_849] : memref<425984x64xf32, #tpu.memory_space<hbm>> -> memref<512x64xf32, #tpu.memory_space<hbm>>
    %dma_start3A_851 = arith.constant 0 : i32
    %dma_start3A_852 = arith.constant 0 : i32
    %dma_start3A_853 = tpu.memref_slice %arg6[%dma_start3A_842, %dma_start3A_851, %dma_start3A_852] : memref<3x512x64xf32, #tpu.memory_space<vmem>> -> memref<1x512x64xf32, #tpu.memory_space<vmem>>
    %dma_start3A_854 = tpu.memref_squeeze %dma_start3A_853 : memref<1x512x64xf32, #tpu.memory_space<vmem>> -> memref<512x64xf32, #tpu.memory_space<vmem>>
    tpu.enqueue_dma source(%dma_start3A_854 : memref<512x64xf32, #tpu.memory_space<vmem>>) target(%dma_start3A_850 : memref<512x64xf32, #tpu.memory_space<hbm>>) target_semaphore(%arg15 : memref<!tpu.dma_semaphore, #tpu.memory_space<semaphore_mem>>)
    %add3A_855 = arith.constant 7168 : i32
    %add3A_856 = arith.addi %mul3A_2, %add3A_855 : i32
    %dma_start3A_857 = arith.constant 2 : i32
    %dma_start3A_858 = arith.constant 0 : i32
    %dma_start3A_859 = tpu.memref_slice %arg5[%dma_start3A_857, %dma_start3A_858] : memref<4x512xi32, #tpu.memory_space<vmem>> -> memref<1x512xi32, #tpu.memory_space<vmem>>
    %dma_start3A_860 = tpu.memref_squeeze %dma_start3A_859 : memref<1x512xi32, #tpu.memory_space<vmem>> -> memref<512xi32, #tpu.memory_space<vmem>>
    %dma_start3A_861 = tpu.memref_slice %arg3[%add3A_856] : memref<425984xi32, #tpu.memory_space<hbm>> -> memref<512xi32, #tpu.memory_space<hbm>>
    %dma_start3A_862 = arith.constant 0 : i32
    %dma_start3A_863 = tpu.memref_slice %arg5[%dma_start3A_857, %dma_start3A_862] : memref<4x512xi32, #tpu.memory_space<vmem>> -> memref<1x512xi32, #tpu.memory_space<vmem>>
    %dma_start3A_864 = tpu.memref_squeeze %dma_start3A_863 : memref<1x512xi32, #tpu.memory_space<vmem>> -> memref<512xi32, #tpu.memory_space<vmem>>
    %dma_start3A_865 = tpu.memref_slice %arg3[%add3A_856] : memref<425984xi32, #tpu.memory_space<hbm>> -> memref<512xi32, #tpu.memory_space<hbm>>
    tpu.enqueue_dma source(%dma_start3A_865 : memref<512xi32, #tpu.memory_space<hbm>>) target(%dma_start3A_864 : memref<512xi32, #tpu.memory_space<vmem>>) target_semaphore(%arg9 : memref<!tpu.dma_semaphore, #tpu.memory_space<semaphore_mem>>)
    %dma_wait3A_866 = arith.constant 1 : i32
    %dma_wait3A_867 = arith.constant 0 : i32
    %dma_wait3A_868 = arith.constant 0 : i32
    %dma_wait3A_869 = tpu.memref_slice %arg6[%dma_wait3A_866, %dma_wait3A_867, %dma_wait3A_868] : memref<3x512x64xf32, #tpu.memory_space<vmem>> -> memref<1x512x64xf32, #tpu.memory_space<vmem>>
    %dma_wait3A_870 = tpu.memref_squeeze %dma_wait3A_869 : memref<1x512x64xf32, #tpu.memory_space<vmem>> -> memref<512x64xf32, #tpu.memory_space<vmem>>
    %dma_wait3A_871 = arith.constant 0 : i32
    %dma_wait3A_872 = tpu.memref_slice %arg4[%add3A_841, %dma_wait3A_871] : memref<425984x64xf32, #tpu.memory_space<hbm>> -> memref<512x64xf32, #tpu.memory_space<hbm>>
    %dma_wait3A_873 = arith.constant 0 : i32
    %dma_wait3A_874 = tpu.memref_slice %arg4[%add3A_841, %dma_wait3A_873] : memref<425984x64xf32, #tpu.memory_space<hbm>> -> memref<512x64xf32, #tpu.memory_space<hbm>>
    %dma_wait3A_875 = arith.constant 0 : i32
    %dma_wait3A_876 = arith.constant 0 : i32
    %dma_wait3A_877 = tpu.memref_slice %arg6[%dma_wait3A_866, %dma_wait3A_875, %dma_wait3A_876] : memref<3x512x64xf32, #tpu.memory_space<vmem>> -> memref<1x512x64xf32, #tpu.memory_space<vmem>>
    %dma_wait3A_878 = tpu.memref_squeeze %dma_wait3A_877 : memref<1x512x64xf32, #tpu.memory_space<vmem>> -> memref<512x64xf32, #tpu.memory_space<vmem>>
    tpu.wait_dma2 semaphore(%arg15 : memref<!tpu.dma_semaphore, #tpu.memory_space<semaphore_mem>>) src(%dma_wait3A_878 : memref<512x64xf32, #tpu.memory_space<vmem>>) dst(%dma_wait3A_874 : memref<512x64xf32, #tpu.memory_space<hbm>>)
    %dma_wait3A_879 = arith.constant 1 : i32
    %dma_wait3A_880 = arith.constant 0 : i32
    %dma_wait3A_881 = tpu.memref_slice %arg5[%dma_wait3A_879, %dma_wait3A_880] : memref<4x512xi32, #tpu.memory_space<vmem>> -> memref<1x512xi32, #tpu.memory_space<vmem>>
    %dma_wait3A_882 = tpu.memref_squeeze %dma_wait3A_881 : memref<1x512xi32, #tpu.memory_space<vmem>> -> memref<512xi32, #tpu.memory_space<vmem>>
    %dma_wait3A_883 = tpu.memref_slice %arg3[%add3A_784] : memref<425984xi32, #tpu.memory_space<hbm>> -> memref<512xi32, #tpu.memory_space<hbm>>
    %dma_wait3A_884 = arith.constant 0 : i32
    %dma_wait3A_885 = tpu.memref_slice %arg5[%dma_wait3A_879, %dma_wait3A_884] : memref<4x512xi32, #tpu.memory_space<vmem>> -> memref<1x512xi32, #tpu.memory_space<vmem>>
    %dma_wait3A_886 = tpu.memref_squeeze %dma_wait3A_885 : memref<1x512xi32, #tpu.memory_space<vmem>> -> memref<512xi32, #tpu.memory_space<vmem>>
    %dma_wait3A_887 = tpu.memref_slice %arg3[%add3A_784] : memref<425984xi32, #tpu.memory_space<hbm>> -> memref<512xi32, #tpu.memory_space<hbm>>
    tpu.wait_dma2 semaphore(%arg8 : memref<!tpu.dma_semaphore, #tpu.memory_space<semaphore_mem>>) src(%dma_wait3A_887 : memref<512xi32, #tpu.memory_space<hbm>>) dst(%dma_wait3A_886 : memref<512xi32, #tpu.memory_space<vmem>>)
    %dma_start3A_888 = arith.constant 1 : i32
    %dma_start3A_889 = arith.constant 1 : i32
    %dma_start3A_890 = arith.constant 0 : i32
    %dma_start3A_891 = arith.constant 0 : i32
    %dma_start3A_892 = tpu.memref_slice %arg6[%dma_start3A_889, %dma_start3A_890, %dma_start3A_891] : memref<3x512x64xf32, #tpu.memory_space<vmem>> -> memref<1x512x64xf32, #tpu.memory_space<vmem>>
    %dma_start3A_893 = tpu.memref_squeeze %dma_start3A_892 : memref<1x512x64xf32, #tpu.memory_space<vmem>> -> memref<512x64xf32, #tpu.memory_space<vmem>>
    %dma_start3A_894 = arith.constant 0 : i32
    %dma_start3A_895 = tpu.memref_slice %arg5[%dma_start3A_888, %dma_start3A_894] : memref<4x512xi32, #tpu.memory_space<vmem>> -> memref<1x512xi32, #tpu.memory_space<vmem>>
    %dma_start3A_896 = tpu.memref_squeeze %dma_start3A_895 : memref<1x512xi32, #tpu.memory_space<vmem>> -> memref<512xi32, #tpu.memory_space<vmem>>
    %dma_start3A_897 = arith.constant 0 : i32
    %dma_start3A_898 = arith.constant 0 : i32
    %dma_start3A_899 = tpu.memref_slice %arg2[%dma_start3A_897, %dma_start3A_898] : memref<1000000x64xf32, #tpu.memory_space<hbm>> -> memref<1000000x64xf32, #tpu.memory_space<hbm>>
    tpu.enqueue_indirect_dma source(%dma_start3A_899 : memref<1000000x64xf32, #tpu.memory_space<hbm>>) target(%dma_start3A_893 : memref<512x64xf32, #tpu.memory_space<vmem>>) offsets(%dma_start3A_896 : memref<512xi32, #tpu.memory_space<vmem>>) semaphore(%arg12 : memref<!tpu.dma_semaphore, #tpu.memory_space<semaphore_mem>>)
    %dma_wait3A_900 = arith.constant 3 : i32
    %dma_wait3A_901 = arith.constant 2 : i32
    %dma_wait3A_902 = arith.constant 0 : i32
    %dma_wait3A_903 = arith.constant 0 : i32
    %dma_wait3A_904 = tpu.memref_slice %arg6[%dma_wait3A_901, %dma_wait3A_902, %dma_wait3A_903] : memref<3x512x64xf32, #tpu.memory_space<vmem>> -> memref<1x512x64xf32, #tpu.memory_space<vmem>>
    %dma_wait3A_905 = tpu.memref_squeeze %dma_wait3A_904 : memref<1x512x64xf32, #tpu.memory_space<vmem>> -> memref<512x64xf32, #tpu.memory_space<vmem>>
    %dma_wait3A_906 = arith.constant 0 : i32
    %dma_wait3A_907 = tpu.memref_slice %arg5[%dma_wait3A_900, %dma_wait3A_906] : memref<4x512xi32, #tpu.memory_space<vmem>> -> memref<1x512xi32, #tpu.memory_space<vmem>>
    %dma_wait3A_908 = tpu.memref_squeeze %dma_wait3A_907 : memref<1x512xi32, #tpu.memory_space<vmem>> -> memref<512xi32, #tpu.memory_space<vmem>>
    %dma_wait3A_909 = arith.constant 0 : i32
    %dma_wait3A_910 = arith.constant 0 : i32
    %dma_wait3A_911 = tpu.memref_slice %arg2[%dma_wait3A_909, %dma_wait3A_910] : memref<1000000x64xf32, #tpu.memory_space<hbm>> -> memref<1000000x64xf32, #tpu.memory_space<hbm>>
    tpu.wait_indirect_dma semaphore(%arg13 : memref<!tpu.dma_semaphore, #tpu.memory_space<semaphore_mem>>) src(%dma_wait3A_911 : memref<1000000x64xf32, #tpu.memory_space<hbm>>) dst(%dma_wait3A_905 : memref<512x64xf32, #tpu.memory_space<vmem>>)
    %add3A_912 = arith.constant 5632 : i32
    %add3A_913 = arith.addi %mul3A_2, %add3A_912 : i32
    %dma_start3A_914 = arith.constant 2 : i32
    %dma_start3A_915 = arith.constant 0 : i32
    %dma_start3A_916 = arith.constant 0 : i32
    %dma_start3A_917 = tpu.memref_slice %arg6[%dma_start3A_914, %dma_start3A_915, %dma_start3A_916] : memref<3x512x64xf32, #tpu.memory_space<vmem>> -> memref<1x512x64xf32, #tpu.memory_space<vmem>>
    %dma_start3A_918 = tpu.memref_squeeze %dma_start3A_917 : memref<1x512x64xf32, #tpu.memory_space<vmem>> -> memref<512x64xf32, #tpu.memory_space<vmem>>
    %dma_start3A_919 = arith.constant 0 : i32
    %dma_start3A_920 = tpu.memref_slice %arg4[%add3A_913, %dma_start3A_919] : memref<425984x64xf32, #tpu.memory_space<hbm>> -> memref<512x64xf32, #tpu.memory_space<hbm>>
    %dma_start3A_921 = arith.constant 0 : i32
    %dma_start3A_922 = tpu.memref_slice %arg4[%add3A_913, %dma_start3A_921] : memref<425984x64xf32, #tpu.memory_space<hbm>> -> memref<512x64xf32, #tpu.memory_space<hbm>>
    %dma_start3A_923 = arith.constant 0 : i32
    %dma_start3A_924 = arith.constant 0 : i32
    %dma_start3A_925 = tpu.memref_slice %arg6[%dma_start3A_914, %dma_start3A_923, %dma_start3A_924] : memref<3x512x64xf32, #tpu.memory_space<vmem>> -> memref<1x512x64xf32, #tpu.memory_space<vmem>>
    %dma_start3A_926 = tpu.memref_squeeze %dma_start3A_925 : memref<1x512x64xf32, #tpu.memory_space<vmem>> -> memref<512x64xf32, #tpu.memory_space<vmem>>
    tpu.enqueue_dma source(%dma_start3A_926 : memref<512x64xf32, #tpu.memory_space<vmem>>) target(%dma_start3A_922 : memref<512x64xf32, #tpu.memory_space<hbm>>) target_semaphore(%arg16 : memref<!tpu.dma_semaphore, #tpu.memory_space<semaphore_mem>>)
    %add3A_927 = arith.constant 7680 : i32
    %add3A_928 = arith.addi %mul3A_2, %add3A_927 : i32
    %dma_start3A_929 = arith.constant 3 : i32
    %dma_start3A_930 = arith.constant 0 : i32
    %dma_start3A_931 = tpu.memref_slice %arg5[%dma_start3A_929, %dma_start3A_930] : memref<4x512xi32, #tpu.memory_space<vmem>> -> memref<1x512xi32, #tpu.memory_space<vmem>>
    %dma_start3A_932 = tpu.memref_squeeze %dma_start3A_931 : memref<1x512xi32, #tpu.memory_space<vmem>> -> memref<512xi32, #tpu.memory_space<vmem>>
    %dma_start3A_933 = tpu.memref_slice %arg3[%add3A_928] : memref<425984xi32, #tpu.memory_space<hbm>> -> memref<512xi32, #tpu.memory_space<hbm>>
    %dma_start3A_934 = arith.constant 0 : i32
    %dma_start3A_935 = tpu.memref_slice %arg5[%dma_start3A_929, %dma_start3A_934] : memref<4x512xi32, #tpu.memory_space<vmem>> -> memref<1x512xi32, #tpu.memory_space<vmem>>
    %dma_start3A_936 = tpu.memref_squeeze %dma_start3A_935 : memref<1x512xi32, #tpu.memory_space<vmem>> -> memref<512xi32, #tpu.memory_space<vmem>>
    %dma_start3A_937 = tpu.memref_slice %arg3[%add3A_928] : memref<425984xi32, #tpu.memory_space<hbm>> -> memref<512xi32, #tpu.memory_space<hbm>>
    tpu.enqueue_dma source(%dma_start3A_937 : memref<512xi32, #tpu.memory_space<hbm>>) target(%dma_start3A_936 : memref<512xi32, #tpu.memory_space<vmem>>) target_semaphore(%arg10 : memref<!tpu.dma_semaphore, #tpu.memory_space<semaphore_mem>>)
    %dma_wait3A_938 = arith.constant 2 : i32
    %dma_wait3A_939 = arith.constant 0 : i32
    %dma_wait3A_940 = arith.constant 0 : i32
    %dma_wait3A_941 = tpu.memref_slice %arg6[%dma_wait3A_938, %dma_wait3A_939, %dma_wait3A_940] : memref<3x512x64xf32, #tpu.memory_space<vmem>> -> memref<1x512x64xf32, #tpu.memory_space<vmem>>
    %dma_wait3A_942 = tpu.memref_squeeze %dma_wait3A_941 : memref<1x512x64xf32, #tpu.memory_space<vmem>> -> memref<512x64xf32, #tpu.memory_space<vmem>>
    %dma_wait3A_943 = arith.constant 0 : i32
    %dma_wait3A_944 = tpu.memref_slice %arg4[%add3A_913, %dma_wait3A_943] : memref<425984x64xf32, #tpu.memory_space<hbm>> -> memref<512x64xf32, #tpu.memory_space<hbm>>
    %dma_wait3A_945 = arith.constant 0 : i32
    %dma_wait3A_946 = tpu.memref_slice %arg4[%add3A_913, %dma_wait3A_945] : memref<425984x64xf32, #tpu.memory_space<hbm>> -> memref<512x64xf32, #tpu.memory_space<hbm>>
    %dma_wait3A_947 = arith.constant 0 : i32
    %dma_wait3A_948 = arith.constant 0 : i32
    %dma_wait3A_949 = tpu.memref_slice %arg6[%dma_wait3A_938, %dma_wait3A_947, %dma_wait3A_948] : memref<3x512x64xf32, #tpu.memory_space<vmem>> -> memref<1x512x64xf32, #tpu.memory_space<vmem>>
    %dma_wait3A_950 = tpu.memref_squeeze %dma_wait3A_949 : memref<1x512x64xf32, #tpu.memory_space<vmem>> -> memref<512x64xf32, #tpu.memory_space<vmem>>
    tpu.wait_dma2 semaphore(%arg16 : memref<!tpu.dma_semaphore, #tpu.memory_space<semaphore_mem>>) src(%dma_wait3A_950 : memref<512x64xf32, #tpu.memory_space<vmem>>) dst(%dma_wait3A_946 : memref<512x64xf32, #tpu.memory_space<hbm>>)
    %dma_wait3A_951 = arith.constant 2 : i32
    %dma_wait3A_952 = arith.constant 0 : i32
    %dma_wait3A_953 = tpu.memref_slice %arg5[%dma_wait3A_951, %dma_wait3A_952] : memref<4x512xi32, #tpu.memory_space<vmem>> -> memref<1x512xi32, #tpu.memory_space<vmem>>
    %dma_wait3A_954 = tpu.memref_squeeze %dma_wait3A_953 : memref<1x512xi32, #tpu.memory_space<vmem>> -> memref<512xi32, #tpu.memory_space<vmem>>
    %dma_wait3A_955 = tpu.memref_slice %arg3[%add3A_856] : memref<425984xi32, #tpu.memory_space<hbm>> -> memref<512xi32, #tpu.memory_space<hbm>>
    %dma_wait3A_956 = arith.constant 0 : i32
    %dma_wait3A_957 = tpu.memref_slice %arg5[%dma_wait3A_951, %dma_wait3A_956] : memref<4x512xi32, #tpu.memory_space<vmem>> -> memref<1x512xi32, #tpu.memory_space<vmem>>
    %dma_wait3A_958 = tpu.memref_squeeze %dma_wait3A_957 : memref<1x512xi32, #tpu.memory_space<vmem>> -> memref<512xi32, #tpu.memory_space<vmem>>
    %dma_wait3A_959 = tpu.memref_slice %arg3[%add3A_856] : memref<425984xi32, #tpu.memory_space<hbm>> -> memref<512xi32, #tpu.memory_space<hbm>>
    tpu.wait_dma2 semaphore(%arg9 : memref<!tpu.dma_semaphore, #tpu.memory_space<semaphore_mem>>) src(%dma_wait3A_959 : memref<512xi32, #tpu.memory_space<hbm>>) dst(%dma_wait3A_958 : memref<512xi32, #tpu.memory_space<vmem>>)
    %dma_start3A_960 = arith.constant 2 : i32
    %dma_start3A_961 = arith.constant 2 : i32
    %dma_start3A_962 = arith.constant 0 : i32
    %dma_start3A_963 = arith.constant 0 : i32
    %dma_start3A_964 = tpu.memref_slice %arg6[%dma_start3A_961, %dma_start3A_962, %dma_start3A_963] : memref<3x512x64xf32, #tpu.memory_space<vmem>> -> memref<1x512x64xf32, #tpu.memory_space<vmem>>
    %dma_start3A_965 = tpu.memref_squeeze %dma_start3A_964 : memref<1x512x64xf32, #tpu.memory_space<vmem>> -> memref<512x64xf32, #tpu.memory_space<vmem>>
    %dma_start3A_966 = arith.constant 0 : i32
    %dma_start3A_967 = tpu.memref_slice %arg5[%dma_start3A_960, %dma_start3A_966] : memref<4x512xi32, #tpu.memory_space<vmem>> -> memref<1x512xi32, #tpu.memory_space<vmem>>
    %dma_start3A_968 = tpu.memref_squeeze %dma_start3A_967 : memref<1x512xi32, #tpu.memory_space<vmem>> -> memref<512xi32, #tpu.memory_space<vmem>>
    %dma_start3A_969 = arith.constant 0 : i32
    %dma_start3A_970 = arith.constant 0 : i32
    %dma_start3A_971 = tpu.memref_slice %arg2[%dma_start3A_969, %dma_start3A_970] : memref<1000000x64xf32, #tpu.memory_space<hbm>> -> memref<1000000x64xf32, #tpu.memory_space<hbm>>
    tpu.enqueue_indirect_dma source(%dma_start3A_971 : memref<1000000x64xf32, #tpu.memory_space<hbm>>) target(%dma_start3A_965 : memref<512x64xf32, #tpu.memory_space<vmem>>) offsets(%dma_start3A_968 : memref<512xi32, #tpu.memory_space<vmem>>) semaphore(%arg13 : memref<!tpu.dma_semaphore, #tpu.memory_space<semaphore_mem>>)
    %dma_wait3A_972 = arith.constant 0 : i32
    %dma_wait3A_973 = arith.constant 0 : i32
    %dma_wait3A_974 = arith.constant 0 : i32
    %dma_wait3A_975 = arith.constant 0 : i32
    %dma_wait3A_976 = tpu.memref_slice %arg6[%dma_wait3A_973, %dma_wait3A_974, %dma_wait3A_975] : memref<3x512x64xf32, #tpu.memory_space<vmem>> -> memref<1x512x64xf32, #tpu.memory_space<vmem>>
    %dma_wait3A_977 = tpu.memref_squeeze %dma_wait3A_976 : memref<1x512x64xf32, #tpu.memory_space<vmem>> -> memref<512x64xf32, #tpu.memory_space<vmem>>
    %dma_wait3A_978 = arith.constant 0 : i32
    %dma_wait3A_979 = tpu.memref_slice %arg5[%dma_wait3A_972, %dma_wait3A_978] : memref<4x512xi32, #tpu.memory_space<vmem>> -> memref<1x512xi32, #tpu.memory_space<vmem>>
    %dma_wait3A_980 = tpu.memref_squeeze %dma_wait3A_979 : memref<1x512xi32, #tpu.memory_space<vmem>> -> memref<512xi32, #tpu.memory_space<vmem>>
    %dma_wait3A_981 = arith.constant 0 : i32
    %dma_wait3A_982 = arith.constant 0 : i32
    %dma_wait3A_983 = tpu.memref_slice %arg2[%dma_wait3A_981, %dma_wait3A_982] : memref<1000000x64xf32, #tpu.memory_space<hbm>> -> memref<1000000x64xf32, #tpu.memory_space<hbm>>
    tpu.wait_indirect_dma semaphore(%arg11 : memref<!tpu.dma_semaphore, #tpu.memory_space<semaphore_mem>>) src(%dma_wait3A_983 : memref<1000000x64xf32, #tpu.memory_space<hbm>>) dst(%dma_wait3A_977 : memref<512x64xf32, #tpu.memory_space<vmem>>)
    %add3A_984 = arith.constant 6144 : i32
    %add3A_985 = arith.addi %mul3A_2, %add3A_984 : i32
    %dma_start3A_986 = arith.constant 0 : i32
    %dma_start3A_987 = arith.constant 0 : i32
    %dma_start3A_988 = arith.constant 0 : i32
    %dma_start3A_989 = tpu.memref_slice %arg6[%dma_start3A_986, %dma_start3A_987, %dma_start3A_988] : memref<3x512x64xf32, #tpu.memory_space<vmem>> -> memref<1x512x64xf32, #tpu.memory_space<vmem>>
    %dma_start3A_990 = tpu.memref_squeeze %dma_start3A_989 : memref<1x512x64xf32, #tpu.memory_space<vmem>> -> memref<512x64xf32, #tpu.memory_space<vmem>>
    %dma_start3A_991 = arith.constant 0 : i32
    %dma_start3A_992 = tpu.memref_slice %arg4[%add3A_985, %dma_start3A_991] : memref<425984x64xf32, #tpu.memory_space<hbm>> -> memref<512x64xf32, #tpu.memory_space<hbm>>
    %dma_start3A_993 = arith.constant 0 : i32
    %dma_start3A_994 = tpu.memref_slice %arg4[%add3A_985, %dma_start3A_993] : memref<425984x64xf32, #tpu.memory_space<hbm>> -> memref<512x64xf32, #tpu.memory_space<hbm>>
    %dma_start3A_995 = arith.constant 0 : i32
    %dma_start3A_996 = arith.constant 0 : i32
    %dma_start3A_997 = tpu.memref_slice %arg6[%dma_start3A_986, %dma_start3A_995, %dma_start3A_996] : memref<3x512x64xf32, #tpu.memory_space<vmem>> -> memref<1x512x64xf32, #tpu.memory_space<vmem>>
    %dma_start3A_998 = tpu.memref_squeeze %dma_start3A_997 : memref<1x512x64xf32, #tpu.memory_space<vmem>> -> memref<512x64xf32, #tpu.memory_space<vmem>>
    tpu.enqueue_dma source(%dma_start3A_998 : memref<512x64xf32, #tpu.memory_space<vmem>>) target(%dma_start3A_994 : memref<512x64xf32, #tpu.memory_space<hbm>>) target_semaphore(%arg14 : memref<!tpu.dma_semaphore, #tpu.memory_space<semaphore_mem>>)
    %add3A_999 = arith.constant 8192 : i32
    %add3A_1000 = arith.addi %mul3A_2, %add3A_999 : i32
    %dma_start3A_1001 = arith.constant 0 : i32
    %dma_start3A_1002 = arith.constant 0 : i32
    %dma_start3A_1003 = tpu.memref_slice %arg5[%dma_start3A_1001, %dma_start3A_1002] : memref<4x512xi32, #tpu.memory_space<vmem>> -> memref<1x512xi32, #tpu.memory_space<vmem>>
    %dma_start3A_1004 = tpu.memref_squeeze %dma_start3A_1003 : memref<1x512xi32, #tpu.memory_space<vmem>> -> memref<512xi32, #tpu.memory_space<vmem>>
    %dma_start3A_1005 = tpu.memref_slice %arg3[%add3A_1000] : memref<425984xi32, #tpu.memory_space<hbm>> -> memref<512xi32, #tpu.memory_space<hbm>>
    %dma_start3A_1006 = arith.constant 0 : i32
    %dma_start3A_1007 = tpu.memref_slice %arg5[%dma_start3A_1001, %dma_start3A_1006] : memref<4x512xi32, #tpu.memory_space<vmem>> -> memref<1x512xi32, #tpu.memory_space<vmem>>
    %dma_start3A_1008 = tpu.memref_squeeze %dma_start3A_1007 : memref<1x512xi32, #tpu.memory_space<vmem>> -> memref<512xi32, #tpu.memory_space<vmem>>
    %dma_start3A_1009 = tpu.memref_slice %arg3[%add3A_1000] : memref<425984xi32, #tpu.memory_space<hbm>> -> memref<512xi32, #tpu.memory_space<hbm>>
    tpu.enqueue_dma source(%dma_start3A_1009 : memref<512xi32, #tpu.memory_space<hbm>>) target(%dma_start3A_1008 : memref<512xi32, #tpu.memory_space<vmem>>) target_semaphore(%arg7 : memref<!tpu.dma_semaphore, #tpu.memory_space<semaphore_mem>>)
    %dma_wait3A_1010 = arith.constant 0 : i32
    %dma_wait3A_1011 = arith.constant 0 : i32
    %dma_wait3A_1012 = arith.constant 0 : i32
    %dma_wait3A_1013 = tpu.memref_slice %arg6[%dma_wait3A_1010, %dma_wait3A_1011, %dma_wait3A_1012] : memref<3x512x64xf32, #tpu.memory_space<vmem>> -> memref<1x512x64xf32, #tpu.memory_space<vmem>>
    %dma_wait3A_1014 = tpu.memref_squeeze %dma_wait3A_1013 : memref<1x512x64xf32, #tpu.memory_space<vmem>> -> memref<512x64xf32, #tpu.memory_space<vmem>>
    %dma_wait3A_1015 = arith.constant 0 : i32
    %dma_wait3A_1016 = tpu.memref_slice %arg4[%add3A_985, %dma_wait3A_1015] : memref<425984x64xf32, #tpu.memory_space<hbm>> -> memref<512x64xf32, #tpu.memory_space<hbm>>
    %dma_wait3A_1017 = arith.constant 0 : i32
    %dma_wait3A_1018 = tpu.memref_slice %arg4[%add3A_985, %dma_wait3A_1017] : memref<425984x64xf32, #tpu.memory_space<hbm>> -> memref<512x64xf32, #tpu.memory_space<hbm>>
    %dma_wait3A_1019 = arith.constant 0 : i32
    %dma_wait3A_1020 = arith.constant 0 : i32
    %dma_wait3A_1021 = tpu.memref_slice %arg6[%dma_wait3A_1010, %dma_wait3A_1019, %dma_wait3A_1020] : memref<3x512x64xf32, #tpu.memory_space<vmem>> -> memref<1x512x64xf32, #tpu.memory_space<vmem>>
    %dma_wait3A_1022 = tpu.memref_squeeze %dma_wait3A_1021 : memref<1x512x64xf32, #tpu.memory_space<vmem>> -> memref<512x64xf32, #tpu.memory_space<vmem>>
    tpu.wait_dma2 semaphore(%arg14 : memref<!tpu.dma_semaphore, #tpu.memory_space<semaphore_mem>>) src(%dma_wait3A_1022 : memref<512x64xf32, #tpu.memory_space<vmem>>) dst(%dma_wait3A_1018 : memref<512x64xf32, #tpu.memory_space<hbm>>)
    %dma_wait3A_1023 = arith.constant 3 : i32
    %dma_wait3A_1024 = arith.constant 0 : i32
    %dma_wait3A_1025 = tpu.memref_slice %arg5[%dma_wait3A_1023, %dma_wait3A_1024] : memref<4x512xi32, #tpu.memory_space<vmem>> -> memref<1x512xi32, #tpu.memory_space<vmem>>
    %dma_wait3A_1026 = tpu.memref_squeeze %dma_wait3A_1025 : memref<1x512xi32, #tpu.memory_space<vmem>> -> memref<512xi32, #tpu.memory_space<vmem>>
    %dma_wait3A_1027 = tpu.memref_slice %arg3[%add3A_928] : memref<425984xi32, #tpu.memory_space<hbm>> -> memref<512xi32, #tpu.memory_space<hbm>>
    %dma_wait3A_1028 = arith.constant 0 : i32
    %dma_wait3A_1029 = tpu.memref_slice %arg5[%dma_wait3A_1023, %dma_wait3A_1028] : memref<4x512xi32, #tpu.memory_space<vmem>> -> memref<1x512xi32, #tpu.memory_space<vmem>>
    %dma_wait3A_1030 = tpu.memref_squeeze %dma_wait3A_1029 : memref<1x512xi32, #tpu.memory_space<vmem>> -> memref<512xi32, #tpu.memory_space<vmem>>
    %dma_wait3A_1031 = tpu.memref_slice %arg3[%add3A_928] : memref<425984xi32, #tpu.memory_space<hbm>> -> memref<512xi32, #tpu.memory_space<hbm>>
    tpu.wait_dma2 semaphore(%arg10 : memref<!tpu.dma_semaphore, #tpu.memory_space<semaphore_mem>>) src(%dma_wait3A_1031 : memref<512xi32, #tpu.memory_space<hbm>>) dst(%dma_wait3A_1030 : memref<512xi32, #tpu.memory_space<vmem>>)
    %dma_start3A_1032 = arith.constant 3 : i32
    %dma_start3A_1033 = arith.constant 0 : i32
    %dma_start3A_1034 = arith.constant 0 : i32
    %dma_start3A_1035 = arith.constant 0 : i32
    %dma_start3A_1036 = tpu.memref_slice %arg6[%dma_start3A_1033, %dma_start3A_1034, %dma_start3A_1035] : memref<3x512x64xf32, #tpu.memory_space<vmem>> -> memref<1x512x64xf32, #tpu.memory_space<vmem>>
    %dma_start3A_1037 = tpu.memref_squeeze %dma_start3A_1036 : memref<1x512x64xf32, #tpu.memory_space<vmem>> -> memref<512x64xf32, #tpu.memory_space<vmem>>
    %dma_start3A_1038 = arith.constant 0 : i32
    %dma_start3A_1039 = tpu.memref_slice %arg5[%dma_start3A_1032, %dma_start3A_1038] : memref<4x512xi32, #tpu.memory_space<vmem>> -> memref<1x512xi32, #tpu.memory_space<vmem>>
    %dma_start3A_1040 = tpu.memref_squeeze %dma_start3A_1039 : memref<1x512xi32, #tpu.memory_space<vmem>> -> memref<512xi32, #tpu.memory_space<vmem>>
    %dma_start3A_1041 = arith.constant 0 : i32
    %dma_start3A_1042 = arith.constant 0 : i32
    %dma_start3A_1043 = tpu.memref_slice %arg2[%dma_start3A_1041, %dma_start3A_1042] : memref<1000000x64xf32, #tpu.memory_space<hbm>> -> memref<1000000x64xf32, #tpu.memory_space<hbm>>
    tpu.enqueue_indirect_dma source(%dma_start3A_1043 : memref<1000000x64xf32, #tpu.memory_space<hbm>>) target(%dma_start3A_1037 : memref<512x64xf32, #tpu.memory_space<vmem>>) offsets(%dma_start3A_1040 : memref<512xi32, #tpu.memory_space<vmem>>) semaphore(%arg11 : memref<!tpu.dma_semaphore, #tpu.memory_space<semaphore_mem>>)
    %dma_wait3A_1044 = arith.constant 1 : i32
    %dma_wait3A_1045 = arith.constant 1 : i32
    %dma_wait3A_1046 = arith.constant 0 : i32
    %dma_wait3A_1047 = arith.constant 0 : i32
    %dma_wait3A_1048 = tpu.memref_slice %arg6[%dma_wait3A_1045, %dma_wait3A_1046, %dma_wait3A_1047] : memref<3x512x64xf32, #tpu.memory_space<vmem>> -> memref<1x512x64xf32, #tpu.memory_space<vmem>>
    %dma_wait3A_1049 = tpu.memref_squeeze %dma_wait3A_1048 : memref<1x512x64xf32, #tpu.memory_space<vmem>> -> memref<512x64xf32, #tpu.memory_space<vmem>>
    %dma_wait3A_1050 = arith.constant 0 : i32
    %dma_wait3A_1051 = tpu.memref_slice %arg5[%dma_wait3A_1044, %dma_wait3A_1050] : memref<4x512xi32, #tpu.memory_space<vmem>> -> memref<1x512xi32, #tpu.memory_space<vmem>>
    %dma_wait3A_1052 = tpu.memref_squeeze %dma_wait3A_1051 : memref<1x512xi32, #tpu.memory_space<vmem>> -> memref<512xi32, #tpu.memory_space<vmem>>
    %dma_wait3A_1053 = arith.constant 0 : i32
    %dma_wait3A_1054 = arith.constant 0 : i32
    %dma_wait3A_1055 = tpu.memref_slice %arg2[%dma_wait3A_1053, %dma_wait3A_1054] : memref<1000000x64xf32, #tpu.memory_space<hbm>> -> memref<1000000x64xf32, #tpu.memory_space<hbm>>
    tpu.wait_indirect_dma semaphore(%arg12 : memref<!tpu.dma_semaphore, #tpu.memory_space<semaphore_mem>>) src(%dma_wait3A_1055 : memref<1000000x64xf32, #tpu.memory_space<hbm>>) dst(%dma_wait3A_1049 : memref<512x64xf32, #tpu.memory_space<vmem>>)
    %add3A_1056 = arith.constant 6656 : i32
    %add3A_1057 = arith.addi %mul3A_2, %add3A_1056 : i32
    %dma_start3A_1058 = arith.constant 1 : i32
    %dma_start3A_1059 = arith.constant 0 : i32
    %dma_start3A_1060 = arith.constant 0 : i32
    %dma_start3A_1061 = tpu.memref_slice %arg6[%dma_start3A_1058, %dma_start3A_1059, %dma_start3A_1060] : memref<3x512x64xf32, #tpu.memory_space<vmem>> -> memref<1x512x64xf32, #tpu.memory_space<vmem>>
    %dma_start3A_1062 = tpu.memref_squeeze %dma_start3A_1061 : memref<1x512x64xf32, #tpu.memory_space<vmem>> -> memref<512x64xf32, #tpu.memory_space<vmem>>
    %dma_start3A_1063 = arith.constant 0 : i32
    %dma_start3A_1064 = tpu.memref_slice %arg4[%add3A_1057, %dma_start3A_1063] : memref<425984x64xf32, #tpu.memory_space<hbm>> -> memref<512x64xf32, #tpu.memory_space<hbm>>
    %dma_start3A_1065 = arith.constant 0 : i32
    %dma_start3A_1066 = tpu.memref_slice %arg4[%add3A_1057, %dma_start3A_1065] : memref<425984x64xf32, #tpu.memory_space<hbm>> -> memref<512x64xf32, #tpu.memory_space<hbm>>
    %dma_start3A_1067 = arith.constant 0 : i32
    %dma_start3A_1068 = arith.constant 0 : i32
    %dma_start3A_1069 = tpu.memref_slice %arg6[%dma_start3A_1058, %dma_start3A_1067, %dma_start3A_1068] : memref<3x512x64xf32, #tpu.memory_space<vmem>> -> memref<1x512x64xf32, #tpu.memory_space<vmem>>
    %dma_start3A_1070 = tpu.memref_squeeze %dma_start3A_1069 : memref<1x512x64xf32, #tpu.memory_space<vmem>> -> memref<512x64xf32, #tpu.memory_space<vmem>>
    tpu.enqueue_dma source(%dma_start3A_1070 : memref<512x64xf32, #tpu.memory_space<vmem>>) target(%dma_start3A_1066 : memref<512x64xf32, #tpu.memory_space<hbm>>) target_semaphore(%arg15 : memref<!tpu.dma_semaphore, #tpu.memory_space<semaphore_mem>>)
    %add3A_1071 = arith.constant 8704 : i32
    %add3A_1072 = arith.addi %mul3A_2, %add3A_1071 : i32
    %dma_start3A_1073 = arith.constant 1 : i32
    %dma_start3A_1074 = arith.constant 0 : i32
    %dma_start3A_1075 = tpu.memref_slice %arg5[%dma_start3A_1073, %dma_start3A_1074] : memref<4x512xi32, #tpu.memory_space<vmem>> -> memref<1x512xi32, #tpu.memory_space<vmem>>
    %dma_start3A_1076 = tpu.memref_squeeze %dma_start3A_1075 : memref<1x512xi32, #tpu.memory_space<vmem>> -> memref<512xi32, #tpu.memory_space<vmem>>
    %dma_start3A_1077 = tpu.memref_slice %arg3[%add3A_1072] : memref<425984xi32, #tpu.memory_space<hbm>> -> memref<512xi32, #tpu.memory_space<hbm>>
    %dma_start3A_1078 = arith.constant 0 : i32
    %dma_start3A_1079 = tpu.memref_slice %arg5[%dma_start3A_1073, %dma_start3A_1078] : memref<4x512xi32, #tpu.memory_space<vmem>> -> memref<1x512xi32, #tpu.memory_space<vmem>>
    %dma_start3A_1080 = tpu.memref_squeeze %dma_start3A_1079 : memref<1x512xi32, #tpu.memory_space<vmem>> -> memref<512xi32, #tpu.memory_space<vmem>>
    %dma_start3A_1081 = tpu.memref_slice %arg3[%add3A_1072] : memref<425984xi32, #tpu.memory_space<hbm>> -> memref<512xi32, #tpu.memory_space<hbm>>
    tpu.enqueue_dma source(%dma_start3A_1081 : memref<512xi32, #tpu.memory_space<hbm>>) target(%dma_start3A_1080 : memref<512xi32, #tpu.memory_space<vmem>>) target_semaphore(%arg8 : memref<!tpu.dma_semaphore, #tpu.memory_space<semaphore_mem>>)
    %dma_wait3A_1082 = arith.constant 1 : i32
    %dma_wait3A_1083 = arith.constant 0 : i32
    %dma_wait3A_1084 = arith.constant 0 : i32
    %dma_wait3A_1085 = tpu.memref_slice %arg6[%dma_wait3A_1082, %dma_wait3A_1083, %dma_wait3A_1084] : memref<3x512x64xf32, #tpu.memory_space<vmem>> -> memref<1x512x64xf32, #tpu.memory_space<vmem>>
    %dma_wait3A_1086 = tpu.memref_squeeze %dma_wait3A_1085 : memref<1x512x64xf32, #tpu.memory_space<vmem>> -> memref<512x64xf32, #tpu.memory_space<vmem>>
    %dma_wait3A_1087 = arith.constant 0 : i32
    %dma_wait3A_1088 = tpu.memref_slice %arg4[%add3A_1057, %dma_wait3A_1087] : memref<425984x64xf32, #tpu.memory_space<hbm>> -> memref<512x64xf32, #tpu.memory_space<hbm>>
    %dma_wait3A_1089 = arith.constant 0 : i32
    %dma_wait3A_1090 = tpu.memref_slice %arg4[%add3A_1057, %dma_wait3A_1089] : memref<425984x64xf32, #tpu.memory_space<hbm>> -> memref<512x64xf32, #tpu.memory_space<hbm>>
    %dma_wait3A_1091 = arith.constant 0 : i32
    %dma_wait3A_1092 = arith.constant 0 : i32
    %dma_wait3A_1093 = tpu.memref_slice %arg6[%dma_wait3A_1082, %dma_wait3A_1091, %dma_wait3A_1092] : memref<3x512x64xf32, #tpu.memory_space<vmem>> -> memref<1x512x64xf32, #tpu.memory_space<vmem>>
    %dma_wait3A_1094 = tpu.memref_squeeze %dma_wait3A_1093 : memref<1x512x64xf32, #tpu.memory_space<vmem>> -> memref<512x64xf32, #tpu.memory_space<vmem>>
    tpu.wait_dma2 semaphore(%arg15 : memref<!tpu.dma_semaphore, #tpu.memory_space<semaphore_mem>>) src(%dma_wait3A_1094 : memref<512x64xf32, #tpu.memory_space<vmem>>) dst(%dma_wait3A_1090 : memref<512x64xf32, #tpu.memory_space<hbm>>)
    %dma_wait3A_1095 = arith.constant 0 : i32
    %dma_wait3A_1096 = arith.constant 0 : i32
    %dma_wait3A_1097 = tpu.memref_slice %arg5[%dma_wait3A_1095, %dma_wait3A_1096] : memref<4x512xi32, #tpu.memory_space<vmem>> -> memref<1x512xi32, #tpu.memory_space<vmem>>
    %dma_wait3A_1098 = tpu.memref_squeeze %dma_wait3A_1097 : memref<1x512xi32, #tpu.memory_space<vmem>> -> memref<512xi32, #tpu.memory_space<vmem>>
    %dma_wait3A_1099 = tpu.memref_slice %arg3[%add3A_1000] : memref<425984xi32, #tpu.memory_space<hbm>> -> memref<512xi32, #tpu.memory_space<hbm>>
    %dma_wait3A_1100 = arith.constant 0 : i32
    %dma_wait3A_1101 = tpu.memref_slice %arg5[%dma_wait3A_1095, %dma_wait3A_1100] : memref<4x512xi32, #tpu.memory_space<vmem>> -> memref<1x512xi32, #tpu.memory_space<vmem>>
    %dma_wait3A_1102 = tpu.memref_squeeze %dma_wait3A_1101 : memref<1x512xi32, #tpu.memory_space<vmem>> -> memref<512xi32, #tpu.memory_space<vmem>>
    %dma_wait3A_1103 = tpu.memref_slice %arg3[%add3A_1000] : memref<425984xi32, #tpu.memory_space<hbm>> -> memref<512xi32, #tpu.memory_space<hbm>>
    tpu.wait_dma2 semaphore(%arg7 : memref<!tpu.dma_semaphore, #tpu.memory_space<semaphore_mem>>) src(%dma_wait3A_1103 : memref<512xi32, #tpu.memory_space<hbm>>) dst(%dma_wait3A_1102 : memref<512xi32, #tpu.memory_space<vmem>>)
    %dma_start3A_1104 = arith.constant 0 : i32
    %dma_start3A_1105 = arith.constant 1 : i32
    %dma_start3A_1106 = arith.constant 0 : i32
    %dma_start3A_1107 = arith.constant 0 : i32
    %dma_start3A_1108 = tpu.memref_slice %arg6[%dma_start3A_1105, %dma_start3A_1106, %dma_start3A_1107] : memref<3x512x64xf32, #tpu.memory_space<vmem>> -> memref<1x512x64xf32, #tpu.memory_space<vmem>>
    %dma_start3A_1109 = tpu.memref_squeeze %dma_start3A_1108 : memref<1x512x64xf32, #tpu.memory_space<vmem>> -> memref<512x64xf32, #tpu.memory_space<vmem>>
    %dma_start3A_1110 = arith.constant 0 : i32
    %dma_start3A_1111 = tpu.memref_slice %arg5[%dma_start3A_1104, %dma_start3A_1110] : memref<4x512xi32, #tpu.memory_space<vmem>> -> memref<1x512xi32, #tpu.memory_space<vmem>>
    %dma_start3A_1112 = tpu.memref_squeeze %dma_start3A_1111 : memref<1x512xi32, #tpu.memory_space<vmem>> -> memref<512xi32, #tpu.memory_space<vmem>>
    %dma_start3A_1113 = arith.constant 0 : i32
    %dma_start3A_1114 = arith.constant 0 : i32
    %dma_start3A_1115 = tpu.memref_slice %arg2[%dma_start3A_1113, %dma_start3A_1114] : memref<1000000x64xf32, #tpu.memory_space<hbm>> -> memref<1000000x64xf32, #tpu.memory_space<hbm>>
    tpu.enqueue_indirect_dma source(%dma_start3A_1115 : memref<1000000x64xf32, #tpu.memory_space<hbm>>) target(%dma_start3A_1109 : memref<512x64xf32, #tpu.memory_space<vmem>>) offsets(%dma_start3A_1112 : memref<512xi32, #tpu.memory_space<vmem>>) semaphore(%arg12 : memref<!tpu.dma_semaphore, #tpu.memory_space<semaphore_mem>>)
    %dma_wait3A_1116 = arith.constant 2 : i32
    %dma_wait3A_1117 = arith.constant 2 : i32
    %dma_wait3A_1118 = arith.constant 0 : i32
    %dma_wait3A_1119 = arith.constant 0 : i32
    %dma_wait3A_1120 = tpu.memref_slice %arg6[%dma_wait3A_1117, %dma_wait3A_1118, %dma_wait3A_1119] : memref<3x512x64xf32, #tpu.memory_space<vmem>> -> memref<1x512x64xf32, #tpu.memory_space<vmem>>
    %dma_wait3A_1121 = tpu.memref_squeeze %dma_wait3A_1120 : memref<1x512x64xf32, #tpu.memory_space<vmem>> -> memref<512x64xf32, #tpu.memory_space<vmem>>
    %dma_wait3A_1122 = arith.constant 0 : i32
    %dma_wait3A_1123 = tpu.memref_slice %arg5[%dma_wait3A_1116, %dma_wait3A_1122] : memref<4x512xi32, #tpu.memory_space<vmem>> -> memref<1x512xi32, #tpu.memory_space<vmem>>
    %dma_wait3A_1124 = tpu.memref_squeeze %dma_wait3A_1123 : memref<1x512xi32, #tpu.memory_space<vmem>> -> memref<512xi32, #tpu.memory_space<vmem>>
    %dma_wait3A_1125 = arith.constant 0 : i32
    %dma_wait3A_1126 = arith.constant 0 : i32
    %dma_wait3A_1127 = tpu.memref_slice %arg2[%dma_wait3A_1125, %dma_wait3A_1126] : memref<1000000x64xf32, #tpu.memory_space<hbm>> -> memref<1000000x64xf32, #tpu.memory_space<hbm>>
    tpu.wait_indirect_dma semaphore(%arg13 : memref<!tpu.dma_semaphore, #tpu.memory_space<semaphore_mem>>) src(%dma_wait3A_1127 : memref<1000000x64xf32, #tpu.memory_space<hbm>>) dst(%dma_wait3A_1121 : memref<512x64xf32, #tpu.memory_space<vmem>>)
    %add3A_1128 = arith.constant 7168 : i32
    %add3A_1129 = arith.addi %mul3A_2, %add3A_1128 : i32
    %dma_start3A_1130 = arith.constant 2 : i32
    %dma_start3A_1131 = arith.constant 0 : i32
    %dma_start3A_1132 = arith.constant 0 : i32
    %dma_start3A_1133 = tpu.memref_slice %arg6[%dma_start3A_1130, %dma_start3A_1131, %dma_start3A_1132] : memref<3x512x64xf32, #tpu.memory_space<vmem>> -> memref<1x512x64xf32, #tpu.memory_space<vmem>>
    %dma_start3A_1134 = tpu.memref_squeeze %dma_start3A_1133 : memref<1x512x64xf32, #tpu.memory_space<vmem>> -> memref<512x64xf32, #tpu.memory_space<vmem>>
    %dma_start3A_1135 = arith.constant 0 : i32
    %dma_start3A_1136 = tpu.memref_slice %arg4[%add3A_1129, %dma_start3A_1135] : memref<425984x64xf32, #tpu.memory_space<hbm>> -> memref<512x64xf32, #tpu.memory_space<hbm>>
    %dma_start3A_1137 = arith.constant 0 : i32
    %dma_start3A_1138 = tpu.memref_slice %arg4[%add3A_1129, %dma_start3A_1137] : memref<425984x64xf32, #tpu.memory_space<hbm>> -> memref<512x64xf32, #tpu.memory_space<hbm>>
    %dma_start3A_1139 = arith.constant 0 : i32
    %dma_start3A_1140 = arith.constant 0 : i32
    %dma_start3A_1141 = tpu.memref_slice %arg6[%dma_start3A_1130, %dma_start3A_1139, %dma_start3A_1140] : memref<3x512x64xf32, #tpu.memory_space<vmem>> -> memref<1x512x64xf32, #tpu.memory_space<vmem>>
    %dma_start3A_1142 = tpu.memref_squeeze %dma_start3A_1141 : memref<1x512x64xf32, #tpu.memory_space<vmem>> -> memref<512x64xf32, #tpu.memory_space<vmem>>
    tpu.enqueue_dma source(%dma_start3A_1142 : memref<512x64xf32, #tpu.memory_space<vmem>>) target(%dma_start3A_1138 : memref<512x64xf32, #tpu.memory_space<hbm>>) target_semaphore(%arg16 : memref<!tpu.dma_semaphore, #tpu.memory_space<semaphore_mem>>)
    %add3A_1143 = arith.constant 9216 : i32
    %add3A_1144 = arith.addi %mul3A_2, %add3A_1143 : i32
    %dma_start3A_1145 = arith.constant 2 : i32
    %dma_start3A_1146 = arith.constant 0 : i32
    %dma_start3A_1147 = tpu.memref_slice %arg5[%dma_start3A_1145, %dma_start3A_1146] : memref<4x512xi32, #tpu.memory_space<vmem>> -> memref<1x512xi32, #tpu.memory_space<vmem>>
    %dma_start3A_1148 = tpu.memref_squeeze %dma_start3A_1147 : memref<1x512xi32, #tpu.memory_space<vmem>> -> memref<512xi32, #tpu.memory_space<vmem>>
    %dma_start3A_1149 = tpu.memref_slice %arg3[%add3A_1144] : memref<425984xi32, #tpu.memory_space<hbm>> -> memref<512xi32, #tpu.memory_space<hbm>>
    %dma_start3A_1150 = arith.constant 0 : i32
    %dma_start3A_1151 = tpu.memref_slice %arg5[%dma_start3A_1145, %dma_start3A_1150] : memref<4x512xi32, #tpu.memory_space<vmem>> -> memref<1x512xi32, #tpu.memory_space<vmem>>
    %dma_start3A_1152 = tpu.memref_squeeze %dma_start3A_1151 : memref<1x512xi32, #tpu.memory_space<vmem>> -> memref<512xi32, #tpu.memory_space<vmem>>
    %dma_start3A_1153 = tpu.memref_slice %arg3[%add3A_1144] : memref<425984xi32, #tpu.memory_space<hbm>> -> memref<512xi32, #tpu.memory_space<hbm>>
    tpu.enqueue_dma source(%dma_start3A_1153 : memref<512xi32, #tpu.memory_space<hbm>>) target(%dma_start3A_1152 : memref<512xi32, #tpu.memory_space<vmem>>) target_semaphore(%arg9 : memref<!tpu.dma_semaphore, #tpu.memory_space<semaphore_mem>>)
    %dma_wait3A_1154 = arith.constant 2 : i32
    %dma_wait3A_1155 = arith.constant 0 : i32
    %dma_wait3A_1156 = arith.constant 0 : i32
    %dma_wait3A_1157 = tpu.memref_slice %arg6[%dma_wait3A_1154, %dma_wait3A_1155, %dma_wait3A_1156] : memref<3x512x64xf32, #tpu.memory_space<vmem>> -> memref<1x512x64xf32, #tpu.memory_space<vmem>>
    %dma_wait3A_1158 = tpu.memref_squeeze %dma_wait3A_1157 : memref<1x512x64xf32, #tpu.memory_space<vmem>> -> memref<512x64xf32, #tpu.memory_space<vmem>>
    %dma_wait3A_1159 = arith.constant 0 : i32
    %dma_wait3A_1160 = tpu.memref_slice %arg4[%add3A_1129, %dma_wait3A_1159] : memref<425984x64xf32, #tpu.memory_space<hbm>> -> memref<512x64xf32, #tpu.memory_space<hbm>>
    %dma_wait3A_1161 = arith.constant 0 : i32
    %dma_wait3A_1162 = tpu.memref_slice %arg4[%add3A_1129, %dma_wait3A_1161] : memref<425984x64xf32, #tpu.memory_space<hbm>> -> memref<512x64xf32, #tpu.memory_space<hbm>>
    %dma_wait3A_1163 = arith.constant 0 : i32
    %dma_wait3A_1164 = arith.constant 0 : i32
    %dma_wait3A_1165 = tpu.memref_slice %arg6[%dma_wait3A_1154, %dma_wait3A_1163, %dma_wait3A_1164] : memref<3x512x64xf32, #tpu.memory_space<vmem>> -> memref<1x512x64xf32, #tpu.memory_space<vmem>>
    %dma_wait3A_1166 = tpu.memref_squeeze %dma_wait3A_1165 : memref<1x512x64xf32, #tpu.memory_space<vmem>> -> memref<512x64xf32, #tpu.memory_space<vmem>>
    tpu.wait_dma2 semaphore(%arg16 : memref<!tpu.dma_semaphore, #tpu.memory_space<semaphore_mem>>) src(%dma_wait3A_1166 : memref<512x64xf32, #tpu.memory_space<vmem>>) dst(%dma_wait3A_1162 : memref<512x64xf32, #tpu.memory_space<hbm>>)
    %dma_wait3A_1167 = arith.constant 1 : i32
    %dma_wait3A_1168 = arith.constant 0 : i32
    %dma_wait3A_1169 = tpu.memref_slice %arg5[%dma_wait3A_1167, %dma_wait3A_1168] : memref<4x512xi32, #tpu.memory_space<vmem>> -> memref<1x512xi32, #tpu.memory_space<vmem>>
    %dma_wait3A_1170 = tpu.memref_squeeze %dma_wait3A_1169 : memref<1x512xi32, #tpu.memory_space<vmem>> -> memref<512xi32, #tpu.memory_space<vmem>>
    %dma_wait3A_1171 = tpu.memref_slice %arg3[%add3A_1072] : memref<425984xi32, #tpu.memory_space<hbm>> -> memref<512xi32, #tpu.memory_space<hbm>>
    %dma_wait3A_1172 = arith.constant 0 : i32
    %dma_wait3A_1173 = tpu.memref_slice %arg5[%dma_wait3A_1167, %dma_wait3A_1172] : memref<4x512xi32, #tpu.memory_space<vmem>> -> memref<1x512xi32, #tpu.memory_space<vmem>>
    %dma_wait3A_1174 = tpu.memref_squeeze %dma_wait3A_1173 : memref<1x512xi32, #tpu.memory_space<vmem>> -> memref<512xi32, #tpu.memory_space<vmem>>
    %dma_wait3A_1175 = tpu.memref_slice %arg3[%add3A_1072] : memref<425984xi32, #tpu.memory_space<hbm>> -> memref<512xi32, #tpu.memory_space<hbm>>
    tpu.wait_dma2 semaphore(%arg8 : memref<!tpu.dma_semaphore, #tpu.memory_space<semaphore_mem>>) src(%dma_wait3A_1175 : memref<512xi32, #tpu.memory_space<hbm>>) dst(%dma_wait3A_1174 : memref<512xi32, #tpu.memory_space<vmem>>)
    %dma_start3A_1176 = arith.constant 1 : i32
    %dma_start3A_1177 = arith.constant 2 : i32
    %dma_start3A_1178 = arith.constant 0 : i32
    %dma_start3A_1179 = arith.constant 0 : i32
    %dma_start3A_1180 = tpu.memref_slice %arg6[%dma_start3A_1177, %dma_start3A_1178, %dma_start3A_1179] : memref<3x512x64xf32, #tpu.memory_space<vmem>> -> memref<1x512x64xf32, #tpu.memory_space<vmem>>
    %dma_start3A_1181 = tpu.memref_squeeze %dma_start3A_1180 : memref<1x512x64xf32, #tpu.memory_space<vmem>> -> memref<512x64xf32, #tpu.memory_space<vmem>>
    %dma_start3A_1182 = arith.constant 0 : i32
    %dma_start3A_1183 = tpu.memref_slice %arg5[%dma_start3A_1176, %dma_start3A_1182] : memref<4x512xi32, #tpu.memory_space<vmem>> -> memref<1x512xi32, #tpu.memory_space<vmem>>
    %dma_start3A_1184 = tpu.memref_squeeze %dma_start3A_1183 : memref<1x512xi32, #tpu.memory_space<vmem>> -> memref<512xi32, #tpu.memory_space<vmem>>
    %dma_start3A_1185 = arith.constant 0 : i32
    %dma_start3A_1186 = arith.constant 0 : i32
    %dma_start3A_1187 = tpu.memref_slice %arg2[%dma_start3A_1185, %dma_start3A_1186] : memref<1000000x64xf32, #tpu.memory_space<hbm>> -> memref<1000000x64xf32, #tpu.memory_space<hbm>>
    tpu.enqueue_indirect_dma source(%dma_start3A_1187 : memref<1000000x64xf32, #tpu.memory_space<hbm>>) target(%dma_start3A_1181 : memref<512x64xf32, #tpu.memory_space<vmem>>) offsets(%dma_start3A_1184 : memref<512xi32, #tpu.memory_space<vmem>>) semaphore(%arg13 : memref<!tpu.dma_semaphore, #tpu.memory_space<semaphore_mem>>)
    %dma_wait3A_1188 = arith.constant 3 : i32
    %dma_wait3A_1189 = arith.constant 0 : i32
    %dma_wait3A_1190 = arith.constant 0 : i32
    %dma_wait3A_1191 = arith.constant 0 : i32
    %dma_wait3A_1192 = tpu.memref_slice %arg6[%dma_wait3A_1189, %dma_wait3A_1190, %dma_wait3A_1191] : memref<3x512x64xf32, #tpu.memory_space<vmem>> -> memref<1x512x64xf32, #tpu.memory_space<vmem>>
    %dma_wait3A_1193 = tpu.memref_squeeze %dma_wait3A_1192 : memref<1x512x64xf32, #tpu.memory_space<vmem>> -> memref<512x64xf32, #tpu.memory_space<vmem>>
    %dma_wait3A_1194 = arith.constant 0 : i32
    %dma_wait3A_1195 = tpu.memref_slice %arg5[%dma_wait3A_1188, %dma_wait3A_1194] : memref<4x512xi32, #tpu.memory_space<vmem>> -> memref<1x512xi32, #tpu.memory_space<vmem>>
    %dma_wait3A_1196 = tpu.memref_squeeze %dma_wait3A_1195 : memref<1x512xi32, #tpu.memory_space<vmem>> -> memref<512xi32, #tpu.memory_space<vmem>>
    %dma_wait3A_1197 = arith.constant 0 : i32
    %dma_wait3A_1198 = arith.constant 0 : i32
    %dma_wait3A_1199 = tpu.memref_slice %arg2[%dma_wait3A_1197, %dma_wait3A_1198] : memref<1000000x64xf32, #tpu.memory_space<hbm>> -> memref<1000000x64xf32, #tpu.memory_space<hbm>>
    tpu.wait_indirect_dma semaphore(%arg11 : memref<!tpu.dma_semaphore, #tpu.memory_space<semaphore_mem>>) src(%dma_wait3A_1199 : memref<1000000x64xf32, #tpu.memory_space<hbm>>) dst(%dma_wait3A_1193 : memref<512x64xf32, #tpu.memory_space<vmem>>)
    %add3A_1200 = arith.constant 7680 : i32
    %add3A_1201 = arith.addi %mul3A_2, %add3A_1200 : i32
    %dma_start3A_1202 = arith.constant 0 : i32
    %dma_start3A_1203 = arith.constant 0 : i32
    %dma_start3A_1204 = arith.constant 0 : i32
    %dma_start3A_1205 = tpu.memref_slice %arg6[%dma_start3A_1202, %dma_start3A_1203, %dma_start3A_1204] : memref<3x512x64xf32, #tpu.memory_space<vmem>> -> memref<1x512x64xf32, #tpu.memory_space<vmem>>
    %dma_start3A_1206 = tpu.memref_squeeze %dma_start3A_1205 : memref<1x512x64xf32, #tpu.memory_space<vmem>> -> memref<512x64xf32, #tpu.memory_space<vmem>>
    %dma_start3A_1207 = arith.constant 0 : i32
    %dma_start3A_1208 = tpu.memref_slice %arg4[%add3A_1201, %dma_start3A_1207] : memref<425984x64xf32, #tpu.memory_space<hbm>> -> memref<512x64xf32, #tpu.memory_space<hbm>>
    %dma_start3A_1209 = arith.constant 0 : i32
    %dma_start3A_1210 = tpu.memref_slice %arg4[%add3A_1201, %dma_start3A_1209] : memref<425984x64xf32, #tpu.memory_space<hbm>> -> memref<512x64xf32, #tpu.memory_space<hbm>>
    %dma_start3A_1211 = arith.constant 0 : i32
    %dma_start3A_1212 = arith.constant 0 : i32
    %dma_start3A_1213 = tpu.memref_slice %arg6[%dma_start3A_1202, %dma_start3A_1211, %dma_start3A_1212] : memref<3x512x64xf32, #tpu.memory_space<vmem>> -> memref<1x512x64xf32, #tpu.memory_space<vmem>>
    %dma_start3A_1214 = tpu.memref_squeeze %dma_start3A_1213 : memref<1x512x64xf32, #tpu.memory_space<vmem>> -> memref<512x64xf32, #tpu.memory_space<vmem>>
    tpu.enqueue_dma source(%dma_start3A_1214 : memref<512x64xf32, #tpu.memory_space<vmem>>) target(%dma_start3A_1210 : memref<512x64xf32, #tpu.memory_space<hbm>>) target_semaphore(%arg14 : memref<!tpu.dma_semaphore, #tpu.memory_space<semaphore_mem>>)
    %add3A_1215 = arith.constant 9728 : i32
    %add3A_1216 = arith.addi %mul3A_2, %add3A_1215 : i32
    %dma_start3A_1217 = arith.constant 3 : i32
    %dma_start3A_1218 = arith.constant 0 : i32
    %dma_start3A_1219 = tpu.memref_slice %arg5[%dma_start3A_1217, %dma_start3A_1218] : memref<4x512xi32, #tpu.memory_space<vmem>> -> memref<1x512xi32, #tpu.memory_space<vmem>>
    %dma_start3A_1220 = tpu.memref_squeeze %dma_start3A_1219 : memref<1x512xi32, #tpu.memory_space<vmem>> -> memref<512xi32, #tpu.memory_space<vmem>>
    %dma_start3A_1221 = tpu.memref_slice %arg3[%add3A_1216] : memref<425984xi32, #tpu.memory_space<hbm>> -> memref<512xi32, #tpu.memory_space<hbm>>
    %dma_start3A_1222 = arith.constant 0 : i32
    %dma_start3A_1223 = tpu.memref_slice %arg5[%dma_start3A_1217, %dma_start3A_1222] : memref<4x512xi32, #tpu.memory_space<vmem>> -> memref<1x512xi32, #tpu.memory_space<vmem>>
    %dma_start3A_1224 = tpu.memref_squeeze %dma_start3A_1223 : memref<1x512xi32, #tpu.memory_space<vmem>> -> memref<512xi32, #tpu.memory_space<vmem>>
    %dma_start3A_1225 = tpu.memref_slice %arg3[%add3A_1216] : memref<425984xi32, #tpu.memory_space<hbm>> -> memref<512xi32, #tpu.memory_space<hbm>>
    tpu.enqueue_dma source(%dma_start3A_1225 : memref<512xi32, #tpu.memory_space<hbm>>) target(%dma_start3A_1224 : memref<512xi32, #tpu.memory_space<vmem>>) target_semaphore(%arg10 : memref<!tpu.dma_semaphore, #tpu.memory_space<semaphore_mem>>)
    %dma_wait3A_1226 = arith.constant 0 : i32
    %dma_wait3A_1227 = arith.constant 0 : i32
    %dma_wait3A_1228 = arith.constant 0 : i32
    %dma_wait3A_1229 = tpu.memref_slice %arg6[%dma_wait3A_1226, %dma_wait3A_1227, %dma_wait3A_1228] : memref<3x512x64xf32, #tpu.memory_space<vmem>> -> memref<1x512x64xf32, #tpu.memory_space<vmem>>
    %dma_wait3A_1230 = tpu.memref_squeeze %dma_wait3A_1229 : memref<1x512x64xf32, #tpu.memory_space<vmem>> -> memref<512x64xf32, #tpu.memory_space<vmem>>
    %dma_wait3A_1231 = arith.constant 0 : i32
    %dma_wait3A_1232 = tpu.memref_slice %arg4[%add3A_1201, %dma_wait3A_1231] : memref<425984x64xf32, #tpu.memory_space<hbm>> -> memref<512x64xf32, #tpu.memory_space<hbm>>
    %dma_wait3A_1233 = arith.constant 0 : i32
    %dma_wait3A_1234 = tpu.memref_slice %arg4[%add3A_1201, %dma_wait3A_1233] : memref<425984x64xf32, #tpu.memory_space<hbm>> -> memref<512x64xf32, #tpu.memory_space<hbm>>
    %dma_wait3A_1235 = arith.constant 0 : i32
    %dma_wait3A_1236 = arith.constant 0 : i32
    %dma_wait3A_1237 = tpu.memref_slice %arg6[%dma_wait3A_1226, %dma_wait3A_1235, %dma_wait3A_1236] : memref<3x512x64xf32, #tpu.memory_space<vmem>> -> memref<1x512x64xf32, #tpu.memory_space<vmem>>
    %dma_wait3A_1238 = tpu.memref_squeeze %dma_wait3A_1237 : memref<1x512x64xf32, #tpu.memory_space<vmem>> -> memref<512x64xf32, #tpu.memory_space<vmem>>
    tpu.wait_dma2 semaphore(%arg14 : memref<!tpu.dma_semaphore, #tpu.memory_space<semaphore_mem>>) src(%dma_wait3A_1238 : memref<512x64xf32, #tpu.memory_space<vmem>>) dst(%dma_wait3A_1234 : memref<512x64xf32, #tpu.memory_space<hbm>>)
    %dma_wait3A_1239 = arith.constant 2 : i32
    %dma_wait3A_1240 = arith.constant 0 : i32
    %dma_wait3A_1241 = tpu.memref_slice %arg5[%dma_wait3A_1239, %dma_wait3A_1240] : memref<4x512xi32, #tpu.memory_space<vmem>> -> memref<1x512xi32, #tpu.memory_space<vmem>>
    %dma_wait3A_1242 = tpu.memref_squeeze %dma_wait3A_1241 : memref<1x512xi32, #tpu.memory_space<vmem>> -> memref<512xi32, #tpu.memory_space<vmem>>
    %dma_wait3A_1243 = tpu.memref_slice %arg3[%add3A_1144] : memref<425984xi32, #tpu.memory_space<hbm>> -> memref<512xi32, #tpu.memory_space<hbm>>
    %dma_wait3A_1244 = arith.constant 0 : i32
    %dma_wait3A_1245 = tpu.memref_slice %arg5[%dma_wait3A_1239, %dma_wait3A_1244] : memref<4x512xi32, #tpu.memory_space<vmem>> -> memref<1x512xi32, #tpu.memory_space<vmem>>
    %dma_wait3A_1246 = tpu.memref_squeeze %dma_wait3A_1245 : memref<1x512xi32, #tpu.memory_space<vmem>> -> memref<512xi32, #tpu.memory_space<vmem>>
    %dma_wait3A_1247 = tpu.memref_slice %arg3[%add3A_1144] : memref<425984xi32, #tpu.memory_space<hbm>> -> memref<512xi32, #tpu.memory_space<hbm>>
    tpu.wait_dma2 semaphore(%arg9 : memref<!tpu.dma_semaphore, #tpu.memory_space<semaphore_mem>>) src(%dma_wait3A_1247 : memref<512xi32, #tpu.memory_space<hbm>>) dst(%dma_wait3A_1246 : memref<512xi32, #tpu.memory_space<vmem>>)
    %dma_start3A_1248 = arith.constant 2 : i32
    %dma_start3A_1249 = arith.constant 0 : i32
    %dma_start3A_1250 = arith.constant 0 : i32
    %dma_start3A_1251 = arith.constant 0 : i32
    %dma_start3A_1252 = tpu.memref_slice %arg6[%dma_start3A_1249, %dma_start3A_1250, %dma_start3A_1251] : memref<3x512x64xf32, #tpu.memory_space<vmem>> -> memref<1x512x64xf32, #tpu.memory_space<vmem>>
    %dma_start3A_1253 = tpu.memref_squeeze %dma_start3A_1252 : memref<1x512x64xf32, #tpu.memory_space<vmem>> -> memref<512x64xf32, #tpu.memory_space<vmem>>
    %dma_start3A_1254 = arith.constant 0 : i32
    %dma_start3A_1255 = tpu.memref_slice %arg5[%dma_start3A_1248, %dma_start3A_1254] : memref<4x512xi32, #tpu.memory_space<vmem>> -> memref<1x512xi32, #tpu.memory_space<vmem>>
    %dma_start3A_1256 = tpu.memref_squeeze %dma_start3A_1255 : memref<1x512xi32, #tpu.memory_space<vmem>> -> memref<512xi32, #tpu.memory_space<vmem>>
    %dma_start3A_1257 = arith.constant 0 : i32
    %dma_start3A_1258 = arith.constant 0 : i32
    %dma_start3A_1259 = tpu.memref_slice %arg2[%dma_start3A_1257, %dma_start3A_1258] : memref<1000000x64xf32, #tpu.memory_space<hbm>> -> memref<1000000x64xf32, #tpu.memory_space<hbm>>
    tpu.enqueue_indirect_dma source(%dma_start3A_1259 : memref<1000000x64xf32, #tpu.memory_space<hbm>>) target(%dma_start3A_1253 : memref<512x64xf32, #tpu.memory_space<vmem>>) offsets(%dma_start3A_1256 : memref<512xi32, #tpu.memory_space<vmem>>) semaphore(%arg11 : memref<!tpu.dma_semaphore, #tpu.memory_space<semaphore_mem>>)
    %dma_wait3A_1260 = arith.constant 0 : i32
    %dma_wait3A_1261 = arith.constant 1 : i32
    %dma_wait3A_1262 = arith.constant 0 : i32
    %dma_wait3A_1263 = arith.constant 0 : i32
    %dma_wait3A_1264 = tpu.memref_slice %arg6[%dma_wait3A_1261, %dma_wait3A_1262, %dma_wait3A_1263] : memref<3x512x64xf32, #tpu.memory_space<vmem>> -> memref<1x512x64xf32, #tpu.memory_space<vmem>>
    %dma_wait3A_1265 = tpu.memref_squeeze %dma_wait3A_1264 : memref<1x512x64xf32, #tpu.memory_space<vmem>> -> memref<512x64xf32, #tpu.memory_space<vmem>>
    %dma_wait3A_1266 = arith.constant 0 : i32
    %dma_wait3A_1267 = tpu.memref_slice %arg5[%dma_wait3A_1260, %dma_wait3A_1266] : memref<4x512xi32, #tpu.memory_space<vmem>> -> memref<1x512xi32, #tpu.memory_space<vmem>>
    %dma_wait3A_1268 = tpu.memref_squeeze %dma_wait3A_1267 : memref<1x512xi32, #tpu.memory_space<vmem>> -> memref<512xi32, #tpu.memory_space<vmem>>
    %dma_wait3A_1269 = arith.constant 0 : i32
    %dma_wait3A_1270 = arith.constant 0 : i32
    %dma_wait3A_1271 = tpu.memref_slice %arg2[%dma_wait3A_1269, %dma_wait3A_1270] : memref<1000000x64xf32, #tpu.memory_space<hbm>> -> memref<1000000x64xf32, #tpu.memory_space<hbm>>
    tpu.wait_indirect_dma semaphore(%arg12 : memref<!tpu.dma_semaphore, #tpu.memory_space<semaphore_mem>>) src(%dma_wait3A_1271 : memref<1000000x64xf32, #tpu.memory_space<hbm>>) dst(%dma_wait3A_1265 : memref<512x64xf32, #tpu.memory_space<vmem>>)
    %add3A_1272 = arith.constant 8192 : i32
    %add3A_1273 = arith.addi %mul3A_2, %add3A_1272 : i32
    %dma_start3A_1274 = arith.constant 1 : i32
    %dma_start3A_1275 = arith.constant 0 : i32
    %dma_start3A_1276 = arith.constant 0 : i32
    %dma_start3A_1277 = tpu.memref_slice %arg6[%dma_start3A_1274, %dma_start3A_1275, %dma_start3A_1276] : memref<3x512x64xf32, #tpu.memory_space<vmem>> -> memref<1x512x64xf32, #tpu.memory_space<vmem>>
    %dma_start3A_1278 = tpu.memref_squeeze %dma_start3A_1277 : memref<1x512x64xf32, #tpu.memory_space<vmem>> -> memref<512x64xf32, #tpu.memory_space<vmem>>
    %dma_start3A_1279 = arith.constant 0 : i32
    %dma_start3A_1280 = tpu.memref_slice %arg4[%add3A_1273, %dma_start3A_1279] : memref<425984x64xf32, #tpu.memory_space<hbm>> -> memref<512x64xf32, #tpu.memory_space<hbm>>
    %dma_start3A_1281 = arith.constant 0 : i32
    %dma_start3A_1282 = tpu.memref_slice %arg4[%add3A_1273, %dma_start3A_1281] : memref<425984x64xf32, #tpu.memory_space<hbm>> -> memref<512x64xf32, #tpu.memory_space<hbm>>
    %dma_start3A_1283 = arith.constant 0 : i32
    %dma_start3A_1284 = arith.constant 0 : i32
    %dma_start3A_1285 = tpu.memref_slice %arg6[%dma_start3A_1274, %dma_start3A_1283, %dma_start3A_1284] : memref<3x512x64xf32, #tpu.memory_space<vmem>> -> memref<1x512x64xf32, #tpu.memory_space<vmem>>
    %dma_start3A_1286 = tpu.memref_squeeze %dma_start3A_1285 : memref<1x512x64xf32, #tpu.memory_space<vmem>> -> memref<512x64xf32, #tpu.memory_space<vmem>>
    tpu.enqueue_dma source(%dma_start3A_1286 : memref<512x64xf32, #tpu.memory_space<vmem>>) target(%dma_start3A_1282 : memref<512x64xf32, #tpu.memory_space<hbm>>) target_semaphore(%arg15 : memref<!tpu.dma_semaphore, #tpu.memory_space<semaphore_mem>>)
    %add3A_1287 = arith.constant 10240 : i32
    %add3A_1288 = arith.addi %mul3A_2, %add3A_1287 : i32
    %dma_start3A_1289 = arith.constant 0 : i32
    %dma_start3A_1290 = arith.constant 0 : i32
    %dma_start3A_1291 = tpu.memref_slice %arg5[%dma_start3A_1289, %dma_start3A_1290] : memref<4x512xi32, #tpu.memory_space<vmem>> -> memref<1x512xi32, #tpu.memory_space<vmem>>
    %dma_start3A_1292 = tpu.memref_squeeze %dma_start3A_1291 : memref<1x512xi32, #tpu.memory_space<vmem>> -> memref<512xi32, #tpu.memory_space<vmem>>
    %dma_start3A_1293 = tpu.memref_slice %arg3[%add3A_1288] : memref<425984xi32, #tpu.memory_space<hbm>> -> memref<512xi32, #tpu.memory_space<hbm>>
    %dma_start3A_1294 = arith.constant 0 : i32
    %dma_start3A_1295 = tpu.memref_slice %arg5[%dma_start3A_1289, %dma_start3A_1294] : memref<4x512xi32, #tpu.memory_space<vmem>> -> memref<1x512xi32, #tpu.memory_space<vmem>>
    %dma_start3A_1296 = tpu.memref_squeeze %dma_start3A_1295 : memref<1x512xi32, #tpu.memory_space<vmem>> -> memref<512xi32, #tpu.memory_space<vmem>>
    %dma_start3A_1297 = tpu.memref_slice %arg3[%add3A_1288] : memref<425984xi32, #tpu.memory_space<hbm>> -> memref<512xi32, #tpu.memory_space<hbm>>
    tpu.enqueue_dma source(%dma_start3A_1297 : memref<512xi32, #tpu.memory_space<hbm>>) target(%dma_start3A_1296 : memref<512xi32, #tpu.memory_space<vmem>>) target_semaphore(%arg7 : memref<!tpu.dma_semaphore, #tpu.memory_space<semaphore_mem>>)
    %dma_wait3A_1298 = arith.constant 1 : i32
    %dma_wait3A_1299 = arith.constant 0 : i32
    %dma_wait3A_1300 = arith.constant 0 : i32
    %dma_wait3A_1301 = tpu.memref_slice %arg6[%dma_wait3A_1298, %dma_wait3A_1299, %dma_wait3A_1300] : memref<3x512x64xf32, #tpu.memory_space<vmem>> -> memref<1x512x64xf32, #tpu.memory_space<vmem>>
    %dma_wait3A_1302 = tpu.memref_squeeze %dma_wait3A_1301 : memref<1x512x64xf32, #tpu.memory_space<vmem>> -> memref<512x64xf32, #tpu.memory_space<vmem>>
    %dma_wait3A_1303 = arith.constant 0 : i32
    %dma_wait3A_1304 = tpu.memref_slice %arg4[%add3A_1273, %dma_wait3A_1303] : memref<425984x64xf32, #tpu.memory_space<hbm>> -> memref<512x64xf32, #tpu.memory_space<hbm>>
    %dma_wait3A_1305 = arith.constant 0 : i32
    %dma_wait3A_1306 = tpu.memref_slice %arg4[%add3A_1273, %dma_wait3A_1305] : memref<425984x64xf32, #tpu.memory_space<hbm>> -> memref<512x64xf32, #tpu.memory_space<hbm>>
    %dma_wait3A_1307 = arith.constant 0 : i32
    %dma_wait3A_1308 = arith.constant 0 : i32
    %dma_wait3A_1309 = tpu.memref_slice %arg6[%dma_wait3A_1298, %dma_wait3A_1307, %dma_wait3A_1308] : memref<3x512x64xf32, #tpu.memory_space<vmem>> -> memref<1x512x64xf32, #tpu.memory_space<vmem>>
    %dma_wait3A_1310 = tpu.memref_squeeze %dma_wait3A_1309 : memref<1x512x64xf32, #tpu.memory_space<vmem>> -> memref<512x64xf32, #tpu.memory_space<vmem>>
    tpu.wait_dma2 semaphore(%arg15 : memref<!tpu.dma_semaphore, #tpu.memory_space<semaphore_mem>>) src(%dma_wait3A_1310 : memref<512x64xf32, #tpu.memory_space<vmem>>) dst(%dma_wait3A_1306 : memref<512x64xf32, #tpu.memory_space<hbm>>)
    %dma_wait3A_1311 = arith.constant 3 : i32
    %dma_wait3A_1312 = arith.constant 0 : i32
    %dma_wait3A_1313 = tpu.memref_slice %arg5[%dma_wait3A_1311, %dma_wait3A_1312] : memref<4x512xi32, #tpu.memory_space<vmem>> -> memref<1x512xi32, #tpu.memory_space<vmem>>
    %dma_wait3A_1314 = tpu.memref_squeeze %dma_wait3A_1313 : memref<1x512xi32, #tpu.memory_space<vmem>> -> memref<512xi32, #tpu.memory_space<vmem>>
    %dma_wait3A_1315 = tpu.memref_slice %arg3[%add3A_1216] : memref<425984xi32, #tpu.memory_space<hbm>> -> memref<512xi32, #tpu.memory_space<hbm>>
    %dma_wait3A_1316 = arith.constant 0 : i32
    %dma_wait3A_1317 = tpu.memref_slice %arg5[%dma_wait3A_1311, %dma_wait3A_1316] : memref<4x512xi32, #tpu.memory_space<vmem>> -> memref<1x512xi32, #tpu.memory_space<vmem>>
    %dma_wait3A_1318 = tpu.memref_squeeze %dma_wait3A_1317 : memref<1x512xi32, #tpu.memory_space<vmem>> -> memref<512xi32, #tpu.memory_space<vmem>>
    %dma_wait3A_1319 = tpu.memref_slice %arg3[%add3A_1216] : memref<425984xi32, #tpu.memory_space<hbm>> -> memref<512xi32, #tpu.memory_space<hbm>>
    tpu.wait_dma2 semaphore(%arg10 : memref<!tpu.dma_semaphore, #tpu.memory_space<semaphore_mem>>) src(%dma_wait3A_1319 : memref<512xi32, #tpu.memory_space<hbm>>) dst(%dma_wait3A_1318 : memref<512xi32, #tpu.memory_space<vmem>>)
    %dma_start3A_1320 = arith.constant 3 : i32
    %dma_start3A_1321 = arith.constant 1 : i32
    %dma_start3A_1322 = arith.constant 0 : i32
    %dma_start3A_1323 = arith.constant 0 : i32
    %dma_start3A_1324 = tpu.memref_slice %arg6[%dma_start3A_1321, %dma_start3A_1322, %dma_start3A_1323] : memref<3x512x64xf32, #tpu.memory_space<vmem>> -> memref<1x512x64xf32, #tpu.memory_space<vmem>>
    %dma_start3A_1325 = tpu.memref_squeeze %dma_start3A_1324 : memref<1x512x64xf32, #tpu.memory_space<vmem>> -> memref<512x64xf32, #tpu.memory_space<vmem>>
    %dma_start3A_1326 = arith.constant 0 : i32
    %dma_start3A_1327 = tpu.memref_slice %arg5[%dma_start3A_1320, %dma_start3A_1326] : memref<4x512xi32, #tpu.memory_space<vmem>> -> memref<1x512xi32, #tpu.memory_space<vmem>>
    %dma_start3A_1328 = tpu.memref_squeeze %dma_start3A_1327 : memref<1x512xi32, #tpu.memory_space<vmem>> -> memref<512xi32, #tpu.memory_space<vmem>>
    %dma_start3A_1329 = arith.constant 0 : i32
    %dma_start3A_1330 = arith.constant 0 : i32
    %dma_start3A_1331 = tpu.memref_slice %arg2[%dma_start3A_1329, %dma_start3A_1330] : memref<1000000x64xf32, #tpu.memory_space<hbm>> -> memref<1000000x64xf32, #tpu.memory_space<hbm>>
    tpu.enqueue_indirect_dma source(%dma_start3A_1331 : memref<1000000x64xf32, #tpu.memory_space<hbm>>) target(%dma_start3A_1325 : memref<512x64xf32, #tpu.memory_space<vmem>>) offsets(%dma_start3A_1328 : memref<512xi32, #tpu.memory_space<vmem>>) semaphore(%arg12 : memref<!tpu.dma_semaphore, #tpu.memory_space<semaphore_mem>>)
    %dma_wait3A_1332 = arith.constant 1 : i32
    %dma_wait3A_1333 = arith.constant 2 : i32
    %dma_wait3A_1334 = arith.constant 0 : i32
    %dma_wait3A_1335 = arith.constant 0 : i32
    %dma_wait3A_1336 = tpu.memref_slice %arg6[%dma_wait3A_1333, %dma_wait3A_1334, %dma_wait3A_1335] : memref<3x512x64xf32, #tpu.memory_space<vmem>> -> memref<1x512x64xf32, #tpu.memory_space<vmem>>
    %dma_wait3A_1337 = tpu.memref_squeeze %dma_wait3A_1336 : memref<1x512x64xf32, #tpu.memory_space<vmem>> -> memref<512x64xf32, #tpu.memory_space<vmem>>
    %dma_wait3A_1338 = arith.constant 0 : i32
    %dma_wait3A_1339 = tpu.memref_slice %arg5[%dma_wait3A_1332, %dma_wait3A_1338] : memref<4x512xi32, #tpu.memory_space<vmem>> -> memref<1x512xi32, #tpu.memory_space<vmem>>
    %dma_wait3A_1340 = tpu.memref_squeeze %dma_wait3A_1339 : memref<1x512xi32, #tpu.memory_space<vmem>> -> memref<512xi32, #tpu.memory_space<vmem>>
    %dma_wait3A_1341 = arith.constant 0 : i32
    %dma_wait3A_1342 = arith.constant 0 : i32
    %dma_wait3A_1343 = tpu.memref_slice %arg2[%dma_wait3A_1341, %dma_wait3A_1342] : memref<1000000x64xf32, #tpu.memory_space<hbm>> -> memref<1000000x64xf32, #tpu.memory_space<hbm>>
    tpu.wait_indirect_dma semaphore(%arg13 : memref<!tpu.dma_semaphore, #tpu.memory_space<semaphore_mem>>) src(%dma_wait3A_1343 : memref<1000000x64xf32, #tpu.memory_space<hbm>>) dst(%dma_wait3A_1337 : memref<512x64xf32, #tpu.memory_space<vmem>>)
    %add3A_1344 = arith.constant 8704 : i32
    %add3A_1345 = arith.addi %mul3A_2, %add3A_1344 : i32
    %dma_start3A_1346 = arith.constant 2 : i32
    %dma_start3A_1347 = arith.constant 0 : i32
    %dma_start3A_1348 = arith.constant 0 : i32
    %dma_start3A_1349 = tpu.memref_slice %arg6[%dma_start3A_1346, %dma_start3A_1347, %dma_start3A_1348] : memref<3x512x64xf32, #tpu.memory_space<vmem>> -> memref<1x512x64xf32, #tpu.memory_space<vmem>>
    %dma_start3A_1350 = tpu.memref_squeeze %dma_start3A_1349 : memref<1x512x64xf32, #tpu.memory_space<vmem>> -> memref<512x64xf32, #tpu.memory_space<vmem>>
    %dma_start3A_1351 = arith.constant 0 : i32
    %dma_start3A_1352 = tpu.memref_slice %arg4[%add3A_1345, %dma_start3A_1351] : memref<425984x64xf32, #tpu.memory_space<hbm>> -> memref<512x64xf32, #tpu.memory_space<hbm>>
    %dma_start3A_1353 = arith.constant 0 : i32
    %dma_start3A_1354 = tpu.memref_slice %arg4[%add3A_1345, %dma_start3A_1353] : memref<425984x64xf32, #tpu.memory_space<hbm>> -> memref<512x64xf32, #tpu.memory_space<hbm>>
    %dma_start3A_1355 = arith.constant 0 : i32
    %dma_start3A_1356 = arith.constant 0 : i32
    %dma_start3A_1357 = tpu.memref_slice %arg6[%dma_start3A_1346, %dma_start3A_1355, %dma_start3A_1356] : memref<3x512x64xf32, #tpu.memory_space<vmem>> -> memref<1x512x64xf32, #tpu.memory_space<vmem>>
    %dma_start3A_1358 = tpu.memref_squeeze %dma_start3A_1357 : memref<1x512x64xf32, #tpu.memory_space<vmem>> -> memref<512x64xf32, #tpu.memory_space<vmem>>
    tpu.enqueue_dma source(%dma_start3A_1358 : memref<512x64xf32, #tpu.memory_space<vmem>>) target(%dma_start3A_1354 : memref<512x64xf32, #tpu.memory_space<hbm>>) target_semaphore(%arg16 : memref<!tpu.dma_semaphore, #tpu.memory_space<semaphore_mem>>)
    %add3A_1359 = arith.constant 10752 : i32
    %add3A_1360 = arith.addi %mul3A_2, %add3A_1359 : i32
    %dma_start3A_1361 = arith.constant 1 : i32
    %dma_start3A_1362 = arith.constant 0 : i32
    %dma_start3A_1363 = tpu.memref_slice %arg5[%dma_start3A_1361, %dma_start3A_1362] : memref<4x512xi32, #tpu.memory_space<vmem>> -> memref<1x512xi32, #tpu.memory_space<vmem>>
    %dma_start3A_1364 = tpu.memref_squeeze %dma_start3A_1363 : memref<1x512xi32, #tpu.memory_space<vmem>> -> memref<512xi32, #tpu.memory_space<vmem>>
    %dma_start3A_1365 = tpu.memref_slice %arg3[%add3A_1360] : memref<425984xi32, #tpu.memory_space<hbm>> -> memref<512xi32, #tpu.memory_space<hbm>>
    %dma_start3A_1366 = arith.constant 0 : i32
    %dma_start3A_1367 = tpu.memref_slice %arg5[%dma_start3A_1361, %dma_start3A_1366] : memref<4x512xi32, #tpu.memory_space<vmem>> -> memref<1x512xi32, #tpu.memory_space<vmem>>
    %dma_start3A_1368 = tpu.memref_squeeze %dma_start3A_1367 : memref<1x512xi32, #tpu.memory_space<vmem>> -> memref<512xi32, #tpu.memory_space<vmem>>
    %dma_start3A_1369 = tpu.memref_slice %arg3[%add3A_1360] : memref<425984xi32, #tpu.memory_space<hbm>> -> memref<512xi32, #tpu.memory_space<hbm>>
    tpu.enqueue_dma source(%dma_start3A_1369 : memref<512xi32, #tpu.memory_space<hbm>>) target(%dma_start3A_1368 : memref<512xi32, #tpu.memory_space<vmem>>) target_semaphore(%arg8 : memref<!tpu.dma_semaphore, #tpu.memory_space<semaphore_mem>>)
    %dma_wait3A_1370 = arith.constant 2 : i32
    %dma_wait3A_1371 = arith.constant 0 : i32
    %dma_wait3A_1372 = arith.constant 0 : i32
    %dma_wait3A_1373 = tpu.memref_slice %arg6[%dma_wait3A_1370, %dma_wait3A_1371, %dma_wait3A_1372] : memref<3x512x64xf32, #tpu.memory_space<vmem>> -> memref<1x512x64xf32, #tpu.memory_space<vmem>>
    %dma_wait3A_1374 = tpu.memref_squeeze %dma_wait3A_1373 : memref<1x512x64xf32, #tpu.memory_space<vmem>> -> memref<512x64xf32, #tpu.memory_space<vmem>>
    %dma_wait3A_1375 = arith.constant 0 : i32
    %dma_wait3A_1376 = tpu.memref_slice %arg4[%add3A_1345, %dma_wait3A_1375] : memref<425984x64xf32, #tpu.memory_space<hbm>> -> memref<512x64xf32, #tpu.memory_space<hbm>>
    %dma_wait3A_1377 = arith.constant 0 : i32
    %dma_wait3A_1378 = tpu.memref_slice %arg4[%add3A_1345, %dma_wait3A_1377] : memref<425984x64xf32, #tpu.memory_space<hbm>> -> memref<512x64xf32, #tpu.memory_space<hbm>>
    %dma_wait3A_1379 = arith.constant 0 : i32
    %dma_wait3A_1380 = arith.constant 0 : i32
    %dma_wait3A_1381 = tpu.memref_slice %arg6[%dma_wait3A_1370, %dma_wait3A_1379, %dma_wait3A_1380] : memref<3x512x64xf32, #tpu.memory_space<vmem>> -> memref<1x512x64xf32, #tpu.memory_space<vmem>>
    %dma_wait3A_1382 = tpu.memref_squeeze %dma_wait3A_1381 : memref<1x512x64xf32, #tpu.memory_space<vmem>> -> memref<512x64xf32, #tpu.memory_space<vmem>>
    tpu.wait_dma2 semaphore(%arg16 : memref<!tpu.dma_semaphore, #tpu.memory_space<semaphore_mem>>) src(%dma_wait3A_1382 : memref<512x64xf32, #tpu.memory_space<vmem>>) dst(%dma_wait3A_1378 : memref<512x64xf32, #tpu.memory_space<hbm>>)
    %dma_wait3A_1383 = arith.constant 0 : i32
    %dma_wait3A_1384 = arith.constant 0 : i32
    %dma_wait3A_1385 = tpu.memref_slice %arg5[%dma_wait3A_1383, %dma_wait3A_1384] : memref<4x512xi32, #tpu.memory_space<vmem>> -> memref<1x512xi32, #tpu.memory_space<vmem>>
    %dma_wait3A_1386 = tpu.memref_squeeze %dma_wait3A_1385 : memref<1x512xi32, #tpu.memory_space<vmem>> -> memref<512xi32, #tpu.memory_space<vmem>>
    %dma_wait3A_1387 = tpu.memref_slice %arg3[%add3A_1288] : memref<425984xi32, #tpu.memory_space<hbm>> -> memref<512xi32, #tpu.memory_space<hbm>>
    %dma_wait3A_1388 = arith.constant 0 : i32
    %dma_wait3A_1389 = tpu.memref_slice %arg5[%dma_wait3A_1383, %dma_wait3A_1388] : memref<4x512xi32, #tpu.memory_space<vmem>> -> memref<1x512xi32, #tpu.memory_space<vmem>>
    %dma_wait3A_1390 = tpu.memref_squeeze %dma_wait3A_1389 : memref<1x512xi32, #tpu.memory_space<vmem>> -> memref<512xi32, #tpu.memory_space<vmem>>
    %dma_wait3A_1391 = tpu.memref_slice %arg3[%add3A_1288] : memref<425984xi32, #tpu.memory_space<hbm>> -> memref<512xi32, #tpu.memory_space<hbm>>
    tpu.wait_dma2 semaphore(%arg7 : memref<!tpu.dma_semaphore, #tpu.memory_space<semaphore_mem>>) src(%dma_wait3A_1391 : memref<512xi32, #tpu.memory_space<hbm>>) dst(%dma_wait3A_1390 : memref<512xi32, #tpu.memory_space<vmem>>)
    %dma_start3A_1392 = arith.constant 0 : i32
    %dma_start3A_1393 = arith.constant 2 : i32
    %dma_start3A_1394 = arith.constant 0 : i32
    %dma_start3A_1395 = arith.constant 0 : i32
    %dma_start3A_1396 = tpu.memref_slice %arg6[%dma_start3A_1393, %dma_start3A_1394, %dma_start3A_1395] : memref<3x512x64xf32, #tpu.memory_space<vmem>> -> memref<1x512x64xf32, #tpu.memory_space<vmem>>
    %dma_start3A_1397 = tpu.memref_squeeze %dma_start3A_1396 : memref<1x512x64xf32, #tpu.memory_space<vmem>> -> memref<512x64xf32, #tpu.memory_space<vmem>>
    %dma_start3A_1398 = arith.constant 0 : i32
    %dma_start3A_1399 = tpu.memref_slice %arg5[%dma_start3A_1392, %dma_start3A_1398] : memref<4x512xi32, #tpu.memory_space<vmem>> -> memref<1x512xi32, #tpu.memory_space<vmem>>
    %dma_start3A_1400 = tpu.memref_squeeze %dma_start3A_1399 : memref<1x512xi32, #tpu.memory_space<vmem>> -> memref<512xi32, #tpu.memory_space<vmem>>
    %dma_start3A_1401 = arith.constant 0 : i32
    %dma_start3A_1402 = arith.constant 0 : i32
    %dma_start3A_1403 = tpu.memref_slice %arg2[%dma_start3A_1401, %dma_start3A_1402] : memref<1000000x64xf32, #tpu.memory_space<hbm>> -> memref<1000000x64xf32, #tpu.memory_space<hbm>>
    tpu.enqueue_indirect_dma source(%dma_start3A_1403 : memref<1000000x64xf32, #tpu.memory_space<hbm>>) target(%dma_start3A_1397 : memref<512x64xf32, #tpu.memory_space<vmem>>) offsets(%dma_start3A_1400 : memref<512xi32, #tpu.memory_space<vmem>>) semaphore(%arg13 : memref<!tpu.dma_semaphore, #tpu.memory_space<semaphore_mem>>)
    %dma_wait3A_1404 = arith.constant 2 : i32
    %dma_wait3A_1405 = arith.constant 0 : i32
    %dma_wait3A_1406 = arith.constant 0 : i32
    %dma_wait3A_1407 = arith.constant 0 : i32
    %dma_wait3A_1408 = tpu.memref_slice %arg6[%dma_wait3A_1405, %dma_wait3A_1406, %dma_wait3A_1407] : memref<3x512x64xf32, #tpu.memory_space<vmem>> -> memref<1x512x64xf32, #tpu.memory_space<vmem>>
    %dma_wait3A_1409 = tpu.memref_squeeze %dma_wait3A_1408 : memref<1x512x64xf32, #tpu.memory_space<vmem>> -> memref<512x64xf32, #tpu.memory_space<vmem>>
    %dma_wait3A_1410 = arith.constant 0 : i32
    %dma_wait3A_1411 = tpu.memref_slice %arg5[%dma_wait3A_1404, %dma_wait3A_1410] : memref<4x512xi32, #tpu.memory_space<vmem>> -> memref<1x512xi32, #tpu.memory_space<vmem>>
    %dma_wait3A_1412 = tpu.memref_squeeze %dma_wait3A_1411 : memref<1x512xi32, #tpu.memory_space<vmem>> -> memref<512xi32, #tpu.memory_space<vmem>>
    %dma_wait3A_1413 = arith.constant 0 : i32
    %dma_wait3A_1414 = arith.constant 0 : i32
    %dma_wait3A_1415 = tpu.memref_slice %arg2[%dma_wait3A_1413, %dma_wait3A_1414] : memref<1000000x64xf32, #tpu.memory_space<hbm>> -> memref<1000000x64xf32, #tpu.memory_space<hbm>>
    tpu.wait_indirect_dma semaphore(%arg11 : memref<!tpu.dma_semaphore, #tpu.memory_space<semaphore_mem>>) src(%dma_wait3A_1415 : memref<1000000x64xf32, #tpu.memory_space<hbm>>) dst(%dma_wait3A_1409 : memref<512x64xf32, #tpu.memory_space<vmem>>)
    %add3A_1416 = arith.constant 9216 : i32
    %add3A_1417 = arith.addi %mul3A_2, %add3A_1416 : i32
    %dma_start3A_1418 = arith.constant 0 : i32
    %dma_start3A_1419 = arith.constant 0 : i32
    %dma_start3A_1420 = arith.constant 0 : i32
    %dma_start3A_1421 = tpu.memref_slice %arg6[%dma_start3A_1418, %dma_start3A_1419, %dma_start3A_1420] : memref<3x512x64xf32, #tpu.memory_space<vmem>> -> memref<1x512x64xf32, #tpu.memory_space<vmem>>
    %dma_start3A_1422 = tpu.memref_squeeze %dma_start3A_1421 : memref<1x512x64xf32, #tpu.memory_space<vmem>> -> memref<512x64xf32, #tpu.memory_space<vmem>>
    %dma_start3A_1423 = arith.constant 0 : i32
    %dma_start3A_1424 = tpu.memref_slice %arg4[%add3A_1417, %dma_start3A_1423] : memref<425984x64xf32, #tpu.memory_space<hbm>> -> memref<512x64xf32, #tpu.memory_space<hbm>>
    %dma_start3A_1425 = arith.constant 0 : i32
    %dma_start3A_1426 = tpu.memref_slice %arg4[%add3A_1417, %dma_start3A_1425] : memref<425984x64xf32, #tpu.memory_space<hbm>> -> memref<512x64xf32, #tpu.memory_space<hbm>>
    %dma_start3A_1427 = arith.constant 0 : i32
    %dma_start3A_1428 = arith.constant 0 : i32
    %dma_start3A_1429 = tpu.memref_slice %arg6[%dma_start3A_1418, %dma_start3A_1427, %dma_start3A_1428] : memref<3x512x64xf32, #tpu.memory_space<vmem>> -> memref<1x512x64xf32, #tpu.memory_space<vmem>>
    %dma_start3A_1430 = tpu.memref_squeeze %dma_start3A_1429 : memref<1x512x64xf32, #tpu.memory_space<vmem>> -> memref<512x64xf32, #tpu.memory_space<vmem>>
    tpu.enqueue_dma source(%dma_start3A_1430 : memref<512x64xf32, #tpu.memory_space<vmem>>) target(%dma_start3A_1426 : memref<512x64xf32, #tpu.memory_space<hbm>>) target_semaphore(%arg14 : memref<!tpu.dma_semaphore, #tpu.memory_space<semaphore_mem>>)
    %add3A_1431 = arith.constant 11264 : i32
    %add3A_1432 = arith.addi %mul3A_2, %add3A_1431 : i32
    %dma_start3A_1433 = arith.constant 2 : i32
    %dma_start3A_1434 = arith.constant 0 : i32
    %dma_start3A_1435 = tpu.memref_slice %arg5[%dma_start3A_1433, %dma_start3A_1434] : memref<4x512xi32, #tpu.memory_space<vmem>> -> memref<1x512xi32, #tpu.memory_space<vmem>>
    %dma_start3A_1436 = tpu.memref_squeeze %dma_start3A_1435 : memref<1x512xi32, #tpu.memory_space<vmem>> -> memref<512xi32, #tpu.memory_space<vmem>>
    %dma_start3A_1437 = tpu.memref_slice %arg3[%add3A_1432] : memref<425984xi32, #tpu.memory_space<hbm>> -> memref<512xi32, #tpu.memory_space<hbm>>
    %dma_start3A_1438 = arith.constant 0 : i32
    %dma_start3A_1439 = tpu.memref_slice %arg5[%dma_start3A_1433, %dma_start3A_1438] : memref<4x512xi32, #tpu.memory_space<vmem>> -> memref<1x512xi32, #tpu.memory_space<vmem>>
    %dma_start3A_1440 = tpu.memref_squeeze %dma_start3A_1439 : memref<1x512xi32, #tpu.memory_space<vmem>> -> memref<512xi32, #tpu.memory_space<vmem>>
    %dma_start3A_1441 = tpu.memref_slice %arg3[%add3A_1432] : memref<425984xi32, #tpu.memory_space<hbm>> -> memref<512xi32, #tpu.memory_space<hbm>>
    tpu.enqueue_dma source(%dma_start3A_1441 : memref<512xi32, #tpu.memory_space<hbm>>) target(%dma_start3A_1440 : memref<512xi32, #tpu.memory_space<vmem>>) target_semaphore(%arg9 : memref<!tpu.dma_semaphore, #tpu.memory_space<semaphore_mem>>)
    %dma_wait3A_1442 = arith.constant 0 : i32
    %dma_wait3A_1443 = arith.constant 0 : i32
    %dma_wait3A_1444 = arith.constant 0 : i32
    %dma_wait3A_1445 = tpu.memref_slice %arg6[%dma_wait3A_1442, %dma_wait3A_1443, %dma_wait3A_1444] : memref<3x512x64xf32, #tpu.memory_space<vmem>> -> memref<1x512x64xf32, #tpu.memory_space<vmem>>
    %dma_wait3A_1446 = tpu.memref_squeeze %dma_wait3A_1445 : memref<1x512x64xf32, #tpu.memory_space<vmem>> -> memref<512x64xf32, #tpu.memory_space<vmem>>
    %dma_wait3A_1447 = arith.constant 0 : i32
    %dma_wait3A_1448 = tpu.memref_slice %arg4[%add3A_1417, %dma_wait3A_1447] : memref<425984x64xf32, #tpu.memory_space<hbm>> -> memref<512x64xf32, #tpu.memory_space<hbm>>
    %dma_wait3A_1449 = arith.constant 0 : i32
    %dma_wait3A_1450 = tpu.memref_slice %arg4[%add3A_1417, %dma_wait3A_1449] : memref<425984x64xf32, #tpu.memory_space<hbm>> -> memref<512x64xf32, #tpu.memory_space<hbm>>
    %dma_wait3A_1451 = arith.constant 0 : i32
    %dma_wait3A_1452 = arith.constant 0 : i32
    %dma_wait3A_1453 = tpu.memref_slice %arg6[%dma_wait3A_1442, %dma_wait3A_1451, %dma_wait3A_1452] : memref<3x512x64xf32, #tpu.memory_space<vmem>> -> memref<1x512x64xf32, #tpu.memory_space<vmem>>
    %dma_wait3A_1454 = tpu.memref_squeeze %dma_wait3A_1453 : memref<1x512x64xf32, #tpu.memory_space<vmem>> -> memref<512x64xf32, #tpu.memory_space<vmem>>
    tpu.wait_dma2 semaphore(%arg14 : memref<!tpu.dma_semaphore, #tpu.memory_space<semaphore_mem>>) src(%dma_wait3A_1454 : memref<512x64xf32, #tpu.memory_space<vmem>>) dst(%dma_wait3A_1450 : memref<512x64xf32, #tpu.memory_space<hbm>>)
    %dma_wait3A_1455 = arith.constant 1 : i32
    %dma_wait3A_1456 = arith.constant 0 : i32
    %dma_wait3A_1457 = tpu.memref_slice %arg5[%dma_wait3A_1455, %dma_wait3A_1456] : memref<4x512xi32, #tpu.memory_space<vmem>> -> memref<1x512xi32, #tpu.memory_space<vmem>>
    %dma_wait3A_1458 = tpu.memref_squeeze %dma_wait3A_1457 : memref<1x512xi32, #tpu.memory_space<vmem>> -> memref<512xi32, #tpu.memory_space<vmem>>
    %dma_wait3A_1459 = tpu.memref_slice %arg3[%add3A_1360] : memref<425984xi32, #tpu.memory_space<hbm>> -> memref<512xi32, #tpu.memory_space<hbm>>
    %dma_wait3A_1460 = arith.constant 0 : i32
    %dma_wait3A_1461 = tpu.memref_slice %arg5[%dma_wait3A_1455, %dma_wait3A_1460] : memref<4x512xi32, #tpu.memory_space<vmem>> -> memref<1x512xi32, #tpu.memory_space<vmem>>
    %dma_wait3A_1462 = tpu.memref_squeeze %dma_wait3A_1461 : memref<1x512xi32, #tpu.memory_space<vmem>> -> memref<512xi32, #tpu.memory_space<vmem>>
    %dma_wait3A_1463 = tpu.memref_slice %arg3[%add3A_1360] : memref<425984xi32, #tpu.memory_space<hbm>> -> memref<512xi32, #tpu.memory_space<hbm>>
    tpu.wait_dma2 semaphore(%arg8 : memref<!tpu.dma_semaphore, #tpu.memory_space<semaphore_mem>>) src(%dma_wait3A_1463 : memref<512xi32, #tpu.memory_space<hbm>>) dst(%dma_wait3A_1462 : memref<512xi32, #tpu.memory_space<vmem>>)
    %dma_start3A_1464 = arith.constant 1 : i32
    %dma_start3A_1465 = arith.constant 0 : i32
    %dma_start3A_1466 = arith.constant 0 : i32
    %dma_start3A_1467 = arith.constant 0 : i32
    %dma_start3A_1468 = tpu.memref_slice %arg6[%dma_start3A_1465, %dma_start3A_1466, %dma_start3A_1467] : memref<3x512x64xf32, #tpu.memory_space<vmem>> -> memref<1x512x64xf32, #tpu.memory_space<vmem>>
    %dma_start3A_1469 = tpu.memref_squeeze %dma_start3A_1468 : memref<1x512x64xf32, #tpu.memory_space<vmem>> -> memref<512x64xf32, #tpu.memory_space<vmem>>
    %dma_start3A_1470 = arith.constant 0 : i32
    %dma_start3A_1471 = tpu.memref_slice %arg5[%dma_start3A_1464, %dma_start3A_1470] : memref<4x512xi32, #tpu.memory_space<vmem>> -> memref<1x512xi32, #tpu.memory_space<vmem>>
    %dma_start3A_1472 = tpu.memref_squeeze %dma_start3A_1471 : memref<1x512xi32, #tpu.memory_space<vmem>> -> memref<512xi32, #tpu.memory_space<vmem>>
    %dma_start3A_1473 = arith.constant 0 : i32
    %dma_start3A_1474 = arith.constant 0 : i32
    %dma_start3A_1475 = tpu.memref_slice %arg2[%dma_start3A_1473, %dma_start3A_1474] : memref<1000000x64xf32, #tpu.memory_space<hbm>> -> memref<1000000x64xf32, #tpu.memory_space<hbm>>
    tpu.enqueue_indirect_dma source(%dma_start3A_1475 : memref<1000000x64xf32, #tpu.memory_space<hbm>>) target(%dma_start3A_1469 : memref<512x64xf32, #tpu.memory_space<vmem>>) offsets(%dma_start3A_1472 : memref<512xi32, #tpu.memory_space<vmem>>) semaphore(%arg11 : memref<!tpu.dma_semaphore, #tpu.memory_space<semaphore_mem>>)
    %dma_wait3A_1476 = arith.constant 3 : i32
    %dma_wait3A_1477 = arith.constant 1 : i32
    %dma_wait3A_1478 = arith.constant 0 : i32
    %dma_wait3A_1479 = arith.constant 0 : i32
    %dma_wait3A_1480 = tpu.memref_slice %arg6[%dma_wait3A_1477, %dma_wait3A_1478, %dma_wait3A_1479] : memref<3x512x64xf32, #tpu.memory_space<vmem>> -> memref<1x512x64xf32, #tpu.memory_space<vmem>>
    %dma_wait3A_1481 = tpu.memref_squeeze %dma_wait3A_1480 : memref<1x512x64xf32, #tpu.memory_space<vmem>> -> memref<512x64xf32, #tpu.memory_space<vmem>>
    %dma_wait3A_1482 = arith.constant 0 : i32
    %dma_wait3A_1483 = tpu.memref_slice %arg5[%dma_wait3A_1476, %dma_wait3A_1482] : memref<4x512xi32, #tpu.memory_space<vmem>> -> memref<1x512xi32, #tpu.memory_space<vmem>>
    %dma_wait3A_1484 = tpu.memref_squeeze %dma_wait3A_1483 : memref<1x512xi32, #tpu.memory_space<vmem>> -> memref<512xi32, #tpu.memory_space<vmem>>
    %dma_wait3A_1485 = arith.constant 0 : i32
    %dma_wait3A_1486 = arith.constant 0 : i32
    %dma_wait3A_1487 = tpu.memref_slice %arg2[%dma_wait3A_1485, %dma_wait3A_1486] : memref<1000000x64xf32, #tpu.memory_space<hbm>> -> memref<1000000x64xf32, #tpu.memory_space<hbm>>
    tpu.wait_indirect_dma semaphore(%arg12 : memref<!tpu.dma_semaphore, #tpu.memory_space<semaphore_mem>>) src(%dma_wait3A_1487 : memref<1000000x64xf32, #tpu.memory_space<hbm>>) dst(%dma_wait3A_1481 : memref<512x64xf32, #tpu.memory_space<vmem>>)
    %add3A_1488 = arith.constant 9728 : i32
    %add3A_1489 = arith.addi %mul3A_2, %add3A_1488 : i32
    %dma_start3A_1490 = arith.constant 1 : i32
    %dma_start3A_1491 = arith.constant 0 : i32
    %dma_start3A_1492 = arith.constant 0 : i32
    %dma_start3A_1493 = tpu.memref_slice %arg6[%dma_start3A_1490, %dma_start3A_1491, %dma_start3A_1492] : memref<3x512x64xf32, #tpu.memory_space<vmem>> -> memref<1x512x64xf32, #tpu.memory_space<vmem>>
    %dma_start3A_1494 = tpu.memref_squeeze %dma_start3A_1493 : memref<1x512x64xf32, #tpu.memory_space<vmem>> -> memref<512x64xf32, #tpu.memory_space<vmem>>
    %dma_start3A_1495 = arith.constant 0 : i32
    %dma_start3A_1496 = tpu.memref_slice %arg4[%add3A_1489, %dma_start3A_1495] : memref<425984x64xf32, #tpu.memory_space<hbm>> -> memref<512x64xf32, #tpu.memory_space<hbm>>
    %dma_start3A_1497 = arith.constant 0 : i32
    %dma_start3A_1498 = tpu.memref_slice %arg4[%add3A_1489, %dma_start3A_1497] : memref<425984x64xf32, #tpu.memory_space<hbm>> -> memref<512x64xf32, #tpu.memory_space<hbm>>
    %dma_start3A_1499 = arith.constant 0 : i32
    %dma_start3A_1500 = arith.constant 0 : i32
    %dma_start3A_1501 = tpu.memref_slice %arg6[%dma_start3A_1490, %dma_start3A_1499, %dma_start3A_1500] : memref<3x512x64xf32, #tpu.memory_space<vmem>> -> memref<1x512x64xf32, #tpu.memory_space<vmem>>
    %dma_start3A_1502 = tpu.memref_squeeze %dma_start3A_1501 : memref<1x512x64xf32, #tpu.memory_space<vmem>> -> memref<512x64xf32, #tpu.memory_space<vmem>>
    tpu.enqueue_dma source(%dma_start3A_1502 : memref<512x64xf32, #tpu.memory_space<vmem>>) target(%dma_start3A_1498 : memref<512x64xf32, #tpu.memory_space<hbm>>) target_semaphore(%arg15 : memref<!tpu.dma_semaphore, #tpu.memory_space<semaphore_mem>>)
    %add3A_1503 = arith.constant 11776 : i32
    %add3A_1504 = arith.addi %mul3A_2, %add3A_1503 : i32
    %dma_start3A_1505 = arith.constant 3 : i32
    %dma_start3A_1506 = arith.constant 0 : i32
    %dma_start3A_1507 = tpu.memref_slice %arg5[%dma_start3A_1505, %dma_start3A_1506] : memref<4x512xi32, #tpu.memory_space<vmem>> -> memref<1x512xi32, #tpu.memory_space<vmem>>
    %dma_start3A_1508 = tpu.memref_squeeze %dma_start3A_1507 : memref<1x512xi32, #tpu.memory_space<vmem>> -> memref<512xi32, #tpu.memory_space<vmem>>
    %dma_start3A_1509 = tpu.memref_slice %arg3[%add3A_1504] : memref<425984xi32, #tpu.memory_space<hbm>> -> memref<512xi32, #tpu.memory_space<hbm>>
    %dma_start3A_1510 = arith.constant 0 : i32
    %dma_start3A_1511 = tpu.memref_slice %arg5[%dma_start3A_1505, %dma_start3A_1510] : memref<4x512xi32, #tpu.memory_space<vmem>> -> memref<1x512xi32, #tpu.memory_space<vmem>>
    %dma_start3A_1512 = tpu.memref_squeeze %dma_start3A_1511 : memref<1x512xi32, #tpu.memory_space<vmem>> -> memref<512xi32, #tpu.memory_space<vmem>>
    %dma_start3A_1513 = tpu.memref_slice %arg3[%add3A_1504] : memref<425984xi32, #tpu.memory_space<hbm>> -> memref<512xi32, #tpu.memory_space<hbm>>
    tpu.enqueue_dma source(%dma_start3A_1513 : memref<512xi32, #tpu.memory_space<hbm>>) target(%dma_start3A_1512 : memref<512xi32, #tpu.memory_space<vmem>>) target_semaphore(%arg10 : memref<!tpu.dma_semaphore, #tpu.memory_space<semaphore_mem>>)
    %dma_wait3A_1514 = arith.constant 1 : i32
    %dma_wait3A_1515 = arith.constant 0 : i32
    %dma_wait3A_1516 = arith.constant 0 : i32
    %dma_wait3A_1517 = tpu.memref_slice %arg6[%dma_wait3A_1514, %dma_wait3A_1515, %dma_wait3A_1516] : memref<3x512x64xf32, #tpu.memory_space<vmem>> -> memref<1x512x64xf32, #tpu.memory_space<vmem>>
    %dma_wait3A_1518 = tpu.memref_squeeze %dma_wait3A_1517 : memref<1x512x64xf32, #tpu.memory_space<vmem>> -> memref<512x64xf32, #tpu.memory_space<vmem>>
    %dma_wait3A_1519 = arith.constant 0 : i32
    %dma_wait3A_1520 = tpu.memref_slice %arg4[%add3A_1489, %dma_wait3A_1519] : memref<425984x64xf32, #tpu.memory_space<hbm>> -> memref<512x64xf32, #tpu.memory_space<hbm>>
    %dma_wait3A_1521 = arith.constant 0 : i32
    %dma_wait3A_1522 = tpu.memref_slice %arg4[%add3A_1489, %dma_wait3A_1521] : memref<425984x64xf32, #tpu.memory_space<hbm>> -> memref<512x64xf32, #tpu.memory_space<hbm>>
    %dma_wait3A_1523 = arith.constant 0 : i32
    %dma_wait3A_1524 = arith.constant 0 : i32
    %dma_wait3A_1525 = tpu.memref_slice %arg6[%dma_wait3A_1514, %dma_wait3A_1523, %dma_wait3A_1524] : memref<3x512x64xf32, #tpu.memory_space<vmem>> -> memref<1x512x64xf32, #tpu.memory_space<vmem>>
    %dma_wait3A_1526 = tpu.memref_squeeze %dma_wait3A_1525 : memref<1x512x64xf32, #tpu.memory_space<vmem>> -> memref<512x64xf32, #tpu.memory_space<vmem>>
    tpu.wait_dma2 semaphore(%arg15 : memref<!tpu.dma_semaphore, #tpu.memory_space<semaphore_mem>>) src(%dma_wait3A_1526 : memref<512x64xf32, #tpu.memory_space<vmem>>) dst(%dma_wait3A_1522 : memref<512x64xf32, #tpu.memory_space<hbm>>)
    %dma_wait3A_1527 = arith.constant 2 : i32
    %dma_wait3A_1528 = arith.constant 0 : i32
    %dma_wait3A_1529 = tpu.memref_slice %arg5[%dma_wait3A_1527, %dma_wait3A_1528] : memref<4x512xi32, #tpu.memory_space<vmem>> -> memref<1x512xi32, #tpu.memory_space<vmem>>
    %dma_wait3A_1530 = tpu.memref_squeeze %dma_wait3A_1529 : memref<1x512xi32, #tpu.memory_space<vmem>> -> memref<512xi32, #tpu.memory_space<vmem>>
    %dma_wait3A_1531 = tpu.memref_slice %arg3[%add3A_1432] : memref<425984xi32, #tpu.memory_space<hbm>> -> memref<512xi32, #tpu.memory_space<hbm>>
    %dma_wait3A_1532 = arith.constant 0 : i32
    %dma_wait3A_1533 = tpu.memref_slice %arg5[%dma_wait3A_1527, %dma_wait3A_1532] : memref<4x512xi32, #tpu.memory_space<vmem>> -> memref<1x512xi32, #tpu.memory_space<vmem>>
    %dma_wait3A_1534 = tpu.memref_squeeze %dma_wait3A_1533 : memref<1x512xi32, #tpu.memory_space<vmem>> -> memref<512xi32, #tpu.memory_space<vmem>>
    %dma_wait3A_1535 = tpu.memref_slice %arg3[%add3A_1432] : memref<425984xi32, #tpu.memory_space<hbm>> -> memref<512xi32, #tpu.memory_space<hbm>>
    tpu.wait_dma2 semaphore(%arg9 : memref<!tpu.dma_semaphore, #tpu.memory_space<semaphore_mem>>) src(%dma_wait3A_1535 : memref<512xi32, #tpu.memory_space<hbm>>) dst(%dma_wait3A_1534 : memref<512xi32, #tpu.memory_space<vmem>>)
    %dma_start3A_1536 = arith.constant 2 : i32
    %dma_start3A_1537 = arith.constant 1 : i32
    %dma_start3A_1538 = arith.constant 0 : i32
    %dma_start3A_1539 = arith.constant 0 : i32
    %dma_start3A_1540 = tpu.memref_slice %arg6[%dma_start3A_1537, %dma_start3A_1538, %dma_start3A_1539] : memref<3x512x64xf32, #tpu.memory_space<vmem>> -> memref<1x512x64xf32, #tpu.memory_space<vmem>>
    %dma_start3A_1541 = tpu.memref_squeeze %dma_start3A_1540 : memref<1x512x64xf32, #tpu.memory_space<vmem>> -> memref<512x64xf32, #tpu.memory_space<vmem>>
    %dma_start3A_1542 = arith.constant 0 : i32
    %dma_start3A_1543 = tpu.memref_slice %arg5[%dma_start3A_1536, %dma_start3A_1542] : memref<4x512xi32, #tpu.memory_space<vmem>> -> memref<1x512xi32, #tpu.memory_space<vmem>>
    %dma_start3A_1544 = tpu.memref_squeeze %dma_start3A_1543 : memref<1x512xi32, #tpu.memory_space<vmem>> -> memref<512xi32, #tpu.memory_space<vmem>>
    %dma_start3A_1545 = arith.constant 0 : i32
    %dma_start3A_1546 = arith.constant 0 : i32
    %dma_start3A_1547 = tpu.memref_slice %arg2[%dma_start3A_1545, %dma_start3A_1546] : memref<1000000x64xf32, #tpu.memory_space<hbm>> -> memref<1000000x64xf32, #tpu.memory_space<hbm>>
    tpu.enqueue_indirect_dma source(%dma_start3A_1547 : memref<1000000x64xf32, #tpu.memory_space<hbm>>) target(%dma_start3A_1541 : memref<512x64xf32, #tpu.memory_space<vmem>>) offsets(%dma_start3A_1544 : memref<512xi32, #tpu.memory_space<vmem>>) semaphore(%arg12 : memref<!tpu.dma_semaphore, #tpu.memory_space<semaphore_mem>>)
    %dma_wait3A_1548 = arith.constant 0 : i32
    %dma_wait3A_1549 = arith.constant 2 : i32
    %dma_wait3A_1550 = arith.constant 0 : i32
    %dma_wait3A_1551 = arith.constant 0 : i32
    %dma_wait3A_1552 = tpu.memref_slice %arg6[%dma_wait3A_1549, %dma_wait3A_1550, %dma_wait3A_1551] : memref<3x512x64xf32, #tpu.memory_space<vmem>> -> memref<1x512x64xf32, #tpu.memory_space<vmem>>
    %dma_wait3A_1553 = tpu.memref_squeeze %dma_wait3A_1552 : memref<1x512x64xf32, #tpu.memory_space<vmem>> -> memref<512x64xf32, #tpu.memory_space<vmem>>
    %dma_wait3A_1554 = arith.constant 0 : i32
    %dma_wait3A_1555 = tpu.memref_slice %arg5[%dma_wait3A_1548, %dma_wait3A_1554] : memref<4x512xi32, #tpu.memory_space<vmem>> -> memref<1x512xi32, #tpu.memory_space<vmem>>
    %dma_wait3A_1556 = tpu.memref_squeeze %dma_wait3A_1555 : memref<1x512xi32, #tpu.memory_space<vmem>> -> memref<512xi32, #tpu.memory_space<vmem>>
    %dma_wait3A_1557 = arith.constant 0 : i32
    %dma_wait3A_1558 = arith.constant 0 : i32
    %dma_wait3A_1559 = tpu.memref_slice %arg2[%dma_wait3A_1557, %dma_wait3A_1558] : memref<1000000x64xf32, #tpu.memory_space<hbm>> -> memref<1000000x64xf32, #tpu.memory_space<hbm>>
    tpu.wait_indirect_dma semaphore(%arg13 : memref<!tpu.dma_semaphore, #tpu.memory_space<semaphore_mem>>) src(%dma_wait3A_1559 : memref<1000000x64xf32, #tpu.memory_space<hbm>>) dst(%dma_wait3A_1553 : memref<512x64xf32, #tpu.memory_space<vmem>>)
    %add3A_1560 = arith.constant 10240 : i32
    %add3A_1561 = arith.addi %mul3A_2, %add3A_1560 : i32
    %dma_start3A_1562 = arith.constant 2 : i32
    %dma_start3A_1563 = arith.constant 0 : i32
    %dma_start3A_1564 = arith.constant 0 : i32
    %dma_start3A_1565 = tpu.memref_slice %arg6[%dma_start3A_1562, %dma_start3A_1563, %dma_start3A_1564] : memref<3x512x64xf32, #tpu.memory_space<vmem>> -> memref<1x512x64xf32, #tpu.memory_space<vmem>>
    %dma_start3A_1566 = tpu.memref_squeeze %dma_start3A_1565 : memref<1x512x64xf32, #tpu.memory_space<vmem>> -> memref<512x64xf32, #tpu.memory_space<vmem>>
    %dma_start3A_1567 = arith.constant 0 : i32
    %dma_start3A_1568 = tpu.memref_slice %arg4[%add3A_1561, %dma_start3A_1567] : memref<425984x64xf32, #tpu.memory_space<hbm>> -> memref<512x64xf32, #tpu.memory_space<hbm>>
    %dma_start3A_1569 = arith.constant 0 : i32
    %dma_start3A_1570 = tpu.memref_slice %arg4[%add3A_1561, %dma_start3A_1569] : memref<425984x64xf32, #tpu.memory_space<hbm>> -> memref<512x64xf32, #tpu.memory_space<hbm>>
    %dma_start3A_1571 = arith.constant 0 : i32
    %dma_start3A_1572 = arith.constant 0 : i32
    %dma_start3A_1573 = tpu.memref_slice %arg6[%dma_start3A_1562, %dma_start3A_1571, %dma_start3A_1572] : memref<3x512x64xf32, #tpu.memory_space<vmem>> -> memref<1x512x64xf32, #tpu.memory_space<vmem>>
    %dma_start3A_1574 = tpu.memref_squeeze %dma_start3A_1573 : memref<1x512x64xf32, #tpu.memory_space<vmem>> -> memref<512x64xf32, #tpu.memory_space<vmem>>
    tpu.enqueue_dma source(%dma_start3A_1574 : memref<512x64xf32, #tpu.memory_space<vmem>>) target(%dma_start3A_1570 : memref<512x64xf32, #tpu.memory_space<hbm>>) target_semaphore(%arg16 : memref<!tpu.dma_semaphore, #tpu.memory_space<semaphore_mem>>)
    %add3A_1575 = arith.constant 12288 : i32
    %add3A_1576 = arith.addi %mul3A_2, %add3A_1575 : i32
    %dma_start3A_1577 = arith.constant 0 : i32
    %dma_start3A_1578 = arith.constant 0 : i32
    %dma_start3A_1579 = tpu.memref_slice %arg5[%dma_start3A_1577, %dma_start3A_1578] : memref<4x512xi32, #tpu.memory_space<vmem>> -> memref<1x512xi32, #tpu.memory_space<vmem>>
    %dma_start3A_1580 = tpu.memref_squeeze %dma_start3A_1579 : memref<1x512xi32, #tpu.memory_space<vmem>> -> memref<512xi32, #tpu.memory_space<vmem>>
    %dma_start3A_1581 = tpu.memref_slice %arg3[%add3A_1576] : memref<425984xi32, #tpu.memory_space<hbm>> -> memref<512xi32, #tpu.memory_space<hbm>>
    %dma_start3A_1582 = arith.constant 0 : i32
    %dma_start3A_1583 = tpu.memref_slice %arg5[%dma_start3A_1577, %dma_start3A_1582] : memref<4x512xi32, #tpu.memory_space<vmem>> -> memref<1x512xi32, #tpu.memory_space<vmem>>
    %dma_start3A_1584 = tpu.memref_squeeze %dma_start3A_1583 : memref<1x512xi32, #tpu.memory_space<vmem>> -> memref<512xi32, #tpu.memory_space<vmem>>
    %dma_start3A_1585 = tpu.memref_slice %arg3[%add3A_1576] : memref<425984xi32, #tpu.memory_space<hbm>> -> memref<512xi32, #tpu.memory_space<hbm>>
    tpu.enqueue_dma source(%dma_start3A_1585 : memref<512xi32, #tpu.memory_space<hbm>>) target(%dma_start3A_1584 : memref<512xi32, #tpu.memory_space<vmem>>) target_semaphore(%arg7 : memref<!tpu.dma_semaphore, #tpu.memory_space<semaphore_mem>>)
    %dma_wait3A_1586 = arith.constant 2 : i32
    %dma_wait3A_1587 = arith.constant 0 : i32
    %dma_wait3A_1588 = arith.constant 0 : i32
    %dma_wait3A_1589 = tpu.memref_slice %arg6[%dma_wait3A_1586, %dma_wait3A_1587, %dma_wait3A_1588] : memref<3x512x64xf32, #tpu.memory_space<vmem>> -> memref<1x512x64xf32, #tpu.memory_space<vmem>>
    %dma_wait3A_1590 = tpu.memref_squeeze %dma_wait3A_1589 : memref<1x512x64xf32, #tpu.memory_space<vmem>> -> memref<512x64xf32, #tpu.memory_space<vmem>>
    %dma_wait3A_1591 = arith.constant 0 : i32
    %dma_wait3A_1592 = tpu.memref_slice %arg4[%add3A_1561, %dma_wait3A_1591] : memref<425984x64xf32, #tpu.memory_space<hbm>> -> memref<512x64xf32, #tpu.memory_space<hbm>>
    %dma_wait3A_1593 = arith.constant 0 : i32
    %dma_wait3A_1594 = tpu.memref_slice %arg4[%add3A_1561, %dma_wait3A_1593] : memref<425984x64xf32, #tpu.memory_space<hbm>> -> memref<512x64xf32, #tpu.memory_space<hbm>>
    %dma_wait3A_1595 = arith.constant 0 : i32
    %dma_wait3A_1596 = arith.constant 0 : i32
    %dma_wait3A_1597 = tpu.memref_slice %arg6[%dma_wait3A_1586, %dma_wait3A_1595, %dma_wait3A_1596] : memref<3x512x64xf32, #tpu.memory_space<vmem>> -> memref<1x512x64xf32, #tpu.memory_space<vmem>>
    %dma_wait3A_1598 = tpu.memref_squeeze %dma_wait3A_1597 : memref<1x512x64xf32, #tpu.memory_space<vmem>> -> memref<512x64xf32, #tpu.memory_space<vmem>>
    tpu.wait_dma2 semaphore(%arg16 : memref<!tpu.dma_semaphore, #tpu.memory_space<semaphore_mem>>) src(%dma_wait3A_1598 : memref<512x64xf32, #tpu.memory_space<vmem>>) dst(%dma_wait3A_1594 : memref<512x64xf32, #tpu.memory_space<hbm>>)
    %dma_wait3A_1599 = arith.constant 3 : i32
    %dma_wait3A_1600 = arith.constant 0 : i32
    %dma_wait3A_1601 = tpu.memref_slice %arg5[%dma_wait3A_1599, %dma_wait3A_1600] : memref<4x512xi32, #tpu.memory_space<vmem>> -> memref<1x512xi32, #tpu.memory_space<vmem>>
    %dma_wait3A_1602 = tpu.memref_squeeze %dma_wait3A_1601 : memref<1x512xi32, #tpu.memory_space<vmem>> -> memref<512xi32, #tpu.memory_space<vmem>>
    %dma_wait3A_1603 = tpu.memref_slice %arg3[%add3A_1504] : memref<425984xi32, #tpu.memory_space<hbm>> -> memref<512xi32, #tpu.memory_space<hbm>>
    %dma_wait3A_1604 = arith.constant 0 : i32
    %dma_wait3A_1605 = tpu.memref_slice %arg5[%dma_wait3A_1599, %dma_wait3A_1604] : memref<4x512xi32, #tpu.memory_space<vmem>> -> memref<1x512xi32, #tpu.memory_space<vmem>>
    %dma_wait3A_1606 = tpu.memref_squeeze %dma_wait3A_1605 : memref<1x512xi32, #tpu.memory_space<vmem>> -> memref<512xi32, #tpu.memory_space<vmem>>
    %dma_wait3A_1607 = tpu.memref_slice %arg3[%add3A_1504] : memref<425984xi32, #tpu.memory_space<hbm>> -> memref<512xi32, #tpu.memory_space<hbm>>
    tpu.wait_dma2 semaphore(%arg10 : memref<!tpu.dma_semaphore, #tpu.memory_space<semaphore_mem>>) src(%dma_wait3A_1607 : memref<512xi32, #tpu.memory_space<hbm>>) dst(%dma_wait3A_1606 : memref<512xi32, #tpu.memory_space<vmem>>)
    %dma_start3A_1608 = arith.constant 3 : i32
    %dma_start3A_1609 = arith.constant 2 : i32
    %dma_start3A_1610 = arith.constant 0 : i32
    %dma_start3A_1611 = arith.constant 0 : i32
    %dma_start3A_1612 = tpu.memref_slice %arg6[%dma_start3A_1609, %dma_start3A_1610, %dma_start3A_1611] : memref<3x512x64xf32, #tpu.memory_space<vmem>> -> memref<1x512x64xf32, #tpu.memory_space<vmem>>
    %dma_start3A_1613 = tpu.memref_squeeze %dma_start3A_1612 : memref<1x512x64xf32, #tpu.memory_space<vmem>> -> memref<512x64xf32, #tpu.memory_space<vmem>>
    %dma_start3A_1614 = arith.constant 0 : i32
    %dma_start3A_1615 = tpu.memref_slice %arg5[%dma_start3A_1608, %dma_start3A_1614] : memref<4x512xi32, #tpu.memory_space<vmem>> -> memref<1x512xi32, #tpu.memory_space<vmem>>
    %dma_start3A_1616 = tpu.memref_squeeze %dma_start3A_1615 : memref<1x512xi32, #tpu.memory_space<vmem>> -> memref<512xi32, #tpu.memory_space<vmem>>
    %dma_start3A_1617 = arith.constant 0 : i32
    %dma_start3A_1618 = arith.constant 0 : i32
    %dma_start3A_1619 = tpu.memref_slice %arg2[%dma_start3A_1617, %dma_start3A_1618] : memref<1000000x64xf32, #tpu.memory_space<hbm>> -> memref<1000000x64xf32, #tpu.memory_space<hbm>>
    tpu.enqueue_indirect_dma source(%dma_start3A_1619 : memref<1000000x64xf32, #tpu.memory_space<hbm>>) target(%dma_start3A_1613 : memref<512x64xf32, #tpu.memory_space<vmem>>) offsets(%dma_start3A_1616 : memref<512xi32, #tpu.memory_space<vmem>>) semaphore(%arg13 : memref<!tpu.dma_semaphore, #tpu.memory_space<semaphore_mem>>)
    %dma_wait3A_1620 = arith.constant 1 : i32
    %dma_wait3A_1621 = arith.constant 0 : i32
    %dma_wait3A_1622 = arith.constant 0 : i32
    %dma_wait3A_1623 = arith.constant 0 : i32
    %dma_wait3A_1624 = tpu.memref_slice %arg6[%dma_wait3A_1621, %dma_wait3A_1622, %dma_wait3A_1623] : memref<3x512x64xf32, #tpu.memory_space<vmem>> -> memref<1x512x64xf32, #tpu.memory_space<vmem>>
    %dma_wait3A_1625 = tpu.memref_squeeze %dma_wait3A_1624 : memref<1x512x64xf32, #tpu.memory_space<vmem>> -> memref<512x64xf32, #tpu.memory_space<vmem>>
    %dma_wait3A_1626 = arith.constant 0 : i32
    %dma_wait3A_1627 = tpu.memref_slice %arg5[%dma_wait3A_1620, %dma_wait3A_1626] : memref<4x512xi32, #tpu.memory_space<vmem>> -> memref<1x512xi32, #tpu.memory_space<vmem>>
    %dma_wait3A_1628 = tpu.memref_squeeze %dma_wait3A_1627 : memref<1x512xi32, #tpu.memory_space<vmem>> -> memref<512xi32, #tpu.memory_space<vmem>>
    %dma_wait3A_1629 = arith.constant 0 : i32
    %dma_wait3A_1630 = arith.constant 0 : i32
    %dma_wait3A_1631 = tpu.memref_slice %arg2[%dma_wait3A_1629, %dma_wait3A_1630] : memref<1000000x64xf32, #tpu.memory_space<hbm>> -> memref<1000000x64xf32, #tpu.memory_space<hbm>>
    tpu.wait_indirect_dma semaphore(%arg11 : memref<!tpu.dma_semaphore, #tpu.memory_space<semaphore_mem>>) src(%dma_wait3A_1631 : memref<1000000x64xf32, #tpu.memory_space<hbm>>) dst(%dma_wait3A_1625 : memref<512x64xf32, #tpu.memory_space<vmem>>)
    %add3A_1632 = arith.constant 10752 : i32
    %add3A_1633 = arith.addi %mul3A_2, %add3A_1632 : i32
    %dma_start3A_1634 = arith.constant 0 : i32
    %dma_start3A_1635 = arith.constant 0 : i32
    %dma_start3A_1636 = arith.constant 0 : i32
    %dma_start3A_1637 = tpu.memref_slice %arg6[%dma_start3A_1634, %dma_start3A_1635, %dma_start3A_1636] : memref<3x512x64xf32, #tpu.memory_space<vmem>> -> memref<1x512x64xf32, #tpu.memory_space<vmem>>
    %dma_start3A_1638 = tpu.memref_squeeze %dma_start3A_1637 : memref<1x512x64xf32, #tpu.memory_space<vmem>> -> memref<512x64xf32, #tpu.memory_space<vmem>>
    %dma_start3A_1639 = arith.constant 0 : i32
    %dma_start3A_1640 = tpu.memref_slice %arg4[%add3A_1633, %dma_start3A_1639] : memref<425984x64xf32, #tpu.memory_space<hbm>> -> memref<512x64xf32, #tpu.memory_space<hbm>>
    %dma_start3A_1641 = arith.constant 0 : i32
    %dma_start3A_1642 = tpu.memref_slice %arg4[%add3A_1633, %dma_start3A_1641] : memref<425984x64xf32, #tpu.memory_space<hbm>> -> memref<512x64xf32, #tpu.memory_space<hbm>>
    %dma_start3A_1643 = arith.constant 0 : i32
    %dma_start3A_1644 = arith.constant 0 : i32
    %dma_start3A_1645 = tpu.memref_slice %arg6[%dma_start3A_1634, %dma_start3A_1643, %dma_start3A_1644] : memref<3x512x64xf32, #tpu.memory_space<vmem>> -> memref<1x512x64xf32, #tpu.memory_space<vmem>>
    %dma_start3A_1646 = tpu.memref_squeeze %dma_start3A_1645 : memref<1x512x64xf32, #tpu.memory_space<vmem>> -> memref<512x64xf32, #tpu.memory_space<vmem>>
    tpu.enqueue_dma source(%dma_start3A_1646 : memref<512x64xf32, #tpu.memory_space<vmem>>) target(%dma_start3A_1642 : memref<512x64xf32, #tpu.memory_space<hbm>>) target_semaphore(%arg14 : memref<!tpu.dma_semaphore, #tpu.memory_space<semaphore_mem>>)
    %add3A_1647 = arith.constant 12800 : i32
    %add3A_1648 = arith.addi %mul3A_2, %add3A_1647 : i32
    %dma_start3A_1649 = arith.constant 1 : i32
    %dma_start3A_1650 = arith.constant 0 : i32
    %dma_start3A_1651 = tpu.memref_slice %arg5[%dma_start3A_1649, %dma_start3A_1650] : memref<4x512xi32, #tpu.memory_space<vmem>> -> memref<1x512xi32, #tpu.memory_space<vmem>>
    %dma_start3A_1652 = tpu.memref_squeeze %dma_start3A_1651 : memref<1x512xi32, #tpu.memory_space<vmem>> -> memref<512xi32, #tpu.memory_space<vmem>>
    %dma_start3A_1653 = tpu.memref_slice %arg3[%add3A_1648] : memref<425984xi32, #tpu.memory_space<hbm>> -> memref<512xi32, #tpu.memory_space<hbm>>
    %dma_start3A_1654 = arith.constant 0 : i32
    %dma_start3A_1655 = tpu.memref_slice %arg5[%dma_start3A_1649, %dma_start3A_1654] : memref<4x512xi32, #tpu.memory_space<vmem>> -> memref<1x512xi32, #tpu.memory_space<vmem>>
    %dma_start3A_1656 = tpu.memref_squeeze %dma_start3A_1655 : memref<1x512xi32, #tpu.memory_space<vmem>> -> memref<512xi32, #tpu.memory_space<vmem>>
    %dma_start3A_1657 = tpu.memref_slice %arg3[%add3A_1648] : memref<425984xi32, #tpu.memory_space<hbm>> -> memref<512xi32, #tpu.memory_space<hbm>>
    tpu.enqueue_dma source(%dma_start3A_1657 : memref<512xi32, #tpu.memory_space<hbm>>) target(%dma_start3A_1656 : memref<512xi32, #tpu.memory_space<vmem>>) target_semaphore(%arg8 : memref<!tpu.dma_semaphore, #tpu.memory_space<semaphore_mem>>)
    %dma_wait3A_1658 = arith.constant 0 : i32
    %dma_wait3A_1659 = arith.constant 0 : i32
    %dma_wait3A_1660 = arith.constant 0 : i32
    %dma_wait3A_1661 = tpu.memref_slice %arg6[%dma_wait3A_1658, %dma_wait3A_1659, %dma_wait3A_1660] : memref<3x512x64xf32, #tpu.memory_space<vmem>> -> memref<1x512x64xf32, #tpu.memory_space<vmem>>
    %dma_wait3A_1662 = tpu.memref_squeeze %dma_wait3A_1661 : memref<1x512x64xf32, #tpu.memory_space<vmem>> -> memref<512x64xf32, #tpu.memory_space<vmem>>
    %dma_wait3A_1663 = arith.constant 0 : i32
    %dma_wait3A_1664 = tpu.memref_slice %arg4[%add3A_1633, %dma_wait3A_1663] : memref<425984x64xf32, #tpu.memory_space<hbm>> -> memref<512x64xf32, #tpu.memory_space<hbm>>
    %dma_wait3A_1665 = arith.constant 0 : i32
    %dma_wait3A_1666 = tpu.memref_slice %arg4[%add3A_1633, %dma_wait3A_1665] : memref<425984x64xf32, #tpu.memory_space<hbm>> -> memref<512x64xf32, #tpu.memory_space<hbm>>
    %dma_wait3A_1667 = arith.constant 0 : i32
    %dma_wait3A_1668 = arith.constant 0 : i32
    %dma_wait3A_1669 = tpu.memref_slice %arg6[%dma_wait3A_1658, %dma_wait3A_1667, %dma_wait3A_1668] : memref<3x512x64xf32, #tpu.memory_space<vmem>> -> memref<1x512x64xf32, #tpu.memory_space<vmem>>
    %dma_wait3A_1670 = tpu.memref_squeeze %dma_wait3A_1669 : memref<1x512x64xf32, #tpu.memory_space<vmem>> -> memref<512x64xf32, #tpu.memory_space<vmem>>
    tpu.wait_dma2 semaphore(%arg14 : memref<!tpu.dma_semaphore, #tpu.memory_space<semaphore_mem>>) src(%dma_wait3A_1670 : memref<512x64xf32, #tpu.memory_space<vmem>>) dst(%dma_wait3A_1666 : memref<512x64xf32, #tpu.memory_space<hbm>>)
    %dma_wait3A_1671 = arith.constant 0 : i32
    %dma_wait3A_1672 = arith.constant 0 : i32
    %dma_wait3A_1673 = tpu.memref_slice %arg5[%dma_wait3A_1671, %dma_wait3A_1672] : memref<4x512xi32, #tpu.memory_space<vmem>> -> memref<1x512xi32, #tpu.memory_space<vmem>>
    %dma_wait3A_1674 = tpu.memref_squeeze %dma_wait3A_1673 : memref<1x512xi32, #tpu.memory_space<vmem>> -> memref<512xi32, #tpu.memory_space<vmem>>
    %dma_wait3A_1675 = tpu.memref_slice %arg3[%add3A_1576] : memref<425984xi32, #tpu.memory_space<hbm>> -> memref<512xi32, #tpu.memory_space<hbm>>
    %dma_wait3A_1676 = arith.constant 0 : i32
    %dma_wait3A_1677 = tpu.memref_slice %arg5[%dma_wait3A_1671, %dma_wait3A_1676] : memref<4x512xi32, #tpu.memory_space<vmem>> -> memref<1x512xi32, #tpu.memory_space<vmem>>
    %dma_wait3A_1678 = tpu.memref_squeeze %dma_wait3A_1677 : memref<1x512xi32, #tpu.memory_space<vmem>> -> memref<512xi32, #tpu.memory_space<vmem>>
    %dma_wait3A_1679 = tpu.memref_slice %arg3[%add3A_1576] : memref<425984xi32, #tpu.memory_space<hbm>> -> memref<512xi32, #tpu.memory_space<hbm>>
    tpu.wait_dma2 semaphore(%arg7 : memref<!tpu.dma_semaphore, #tpu.memory_space<semaphore_mem>>) src(%dma_wait3A_1679 : memref<512xi32, #tpu.memory_space<hbm>>) dst(%dma_wait3A_1678 : memref<512xi32, #tpu.memory_space<vmem>>)
    %dma_start3A_1680 = arith.constant 0 : i32
    %dma_start3A_1681 = arith.constant 0 : i32
    %dma_start3A_1682 = arith.constant 0 : i32
    %dma_start3A_1683 = arith.constant 0 : i32
    %dma_start3A_1684 = tpu.memref_slice %arg6[%dma_start3A_1681, %dma_start3A_1682, %dma_start3A_1683] : memref<3x512x64xf32, #tpu.memory_space<vmem>> -> memref<1x512x64xf32, #tpu.memory_space<vmem>>
    %dma_start3A_1685 = tpu.memref_squeeze %dma_start3A_1684 : memref<1x512x64xf32, #tpu.memory_space<vmem>> -> memref<512x64xf32, #tpu.memory_space<vmem>>
    %dma_start3A_1686 = arith.constant 0 : i32
    %dma_start3A_1687 = tpu.memref_slice %arg5[%dma_start3A_1680, %dma_start3A_1686] : memref<4x512xi32, #tpu.memory_space<vmem>> -> memref<1x512xi32, #tpu.memory_space<vmem>>
    %dma_start3A_1688 = tpu.memref_squeeze %dma_start3A_1687 : memref<1x512xi32, #tpu.memory_space<vmem>> -> memref<512xi32, #tpu.memory_space<vmem>>
    %dma_start3A_1689 = arith.constant 0 : i32
    %dma_start3A_1690 = arith.constant 0 : i32
    %dma_start3A_1691 = tpu.memref_slice %arg2[%dma_start3A_1689, %dma_start3A_1690] : memref<1000000x64xf32, #tpu.memory_space<hbm>> -> memref<1000000x64xf32, #tpu.memory_space<hbm>>
    tpu.enqueue_indirect_dma source(%dma_start3A_1691 : memref<1000000x64xf32, #tpu.memory_space<hbm>>) target(%dma_start3A_1685 : memref<512x64xf32, #tpu.memory_space<vmem>>) offsets(%dma_start3A_1688 : memref<512xi32, #tpu.memory_space<vmem>>) semaphore(%arg11 : memref<!tpu.dma_semaphore, #tpu.memory_space<semaphore_mem>>)
    %dma_wait3A_1692 = arith.constant 2 : i32
    %dma_wait3A_1693 = arith.constant 1 : i32
    %dma_wait3A_1694 = arith.constant 0 : i32
    %dma_wait3A_1695 = arith.constant 0 : i32
    %dma_wait3A_1696 = tpu.memref_slice %arg6[%dma_wait3A_1693, %dma_wait3A_1694, %dma_wait3A_1695] : memref<3x512x64xf32, #tpu.memory_space<vmem>> -> memref<1x512x64xf32, #tpu.memory_space<vmem>>
    %dma_wait3A_1697 = tpu.memref_squeeze %dma_wait3A_1696 : memref<1x512x64xf32, #tpu.memory_space<vmem>> -> memref<512x64xf32, #tpu.memory_space<vmem>>
    %dma_wait3A_1698 = arith.constant 0 : i32
    %dma_wait3A_1699 = tpu.memref_slice %arg5[%dma_wait3A_1692, %dma_wait3A_1698] : memref<4x512xi32, #tpu.memory_space<vmem>> -> memref<1x512xi32, #tpu.memory_space<vmem>>
    %dma_wait3A_1700 = tpu.memref_squeeze %dma_wait3A_1699 : memref<1x512xi32, #tpu.memory_space<vmem>> -> memref<512xi32, #tpu.memory_space<vmem>>
    %dma_wait3A_1701 = arith.constant 0 : i32
    %dma_wait3A_1702 = arith.constant 0 : i32
    %dma_wait3A_1703 = tpu.memref_slice %arg2[%dma_wait3A_1701, %dma_wait3A_1702] : memref<1000000x64xf32, #tpu.memory_space<hbm>> -> memref<1000000x64xf32, #tpu.memory_space<hbm>>
    tpu.wait_indirect_dma semaphore(%arg12 : memref<!tpu.dma_semaphore, #tpu.memory_space<semaphore_mem>>) src(%dma_wait3A_1703 : memref<1000000x64xf32, #tpu.memory_space<hbm>>) dst(%dma_wait3A_1697 : memref<512x64xf32, #tpu.memory_space<vmem>>)
    %add3A_1704 = arith.constant 11264 : i32
    %add3A_1705 = arith.addi %mul3A_2, %add3A_1704 : i32
    %dma_start3A_1706 = arith.constant 1 : i32
    %dma_start3A_1707 = arith.constant 0 : i32
    %dma_start3A_1708 = arith.constant 0 : i32
    %dma_start3A_1709 = tpu.memref_slice %arg6[%dma_start3A_1706, %dma_start3A_1707, %dma_start3A_1708] : memref<3x512x64xf32, #tpu.memory_space<vmem>> -> memref<1x512x64xf32, #tpu.memory_space<vmem>>
    %dma_start3A_1710 = tpu.memref_squeeze %dma_start3A_1709 : memref<1x512x64xf32, #tpu.memory_space<vmem>> -> memref<512x64xf32, #tpu.memory_space<vmem>>
    %dma_start3A_1711 = arith.constant 0 : i32
    %dma_start3A_1712 = tpu.memref_slice %arg4[%add3A_1705, %dma_start3A_1711] : memref<425984x64xf32, #tpu.memory_space<hbm>> -> memref<512x64xf32, #tpu.memory_space<hbm>>
    %dma_start3A_1713 = arith.constant 0 : i32
    %dma_start3A_1714 = tpu.memref_slice %arg4[%add3A_1705, %dma_start3A_1713] : memref<425984x64xf32, #tpu.memory_space<hbm>> -> memref<512x64xf32, #tpu.memory_space<hbm>>
    %dma_start3A_1715 = arith.constant 0 : i32
    %dma_start3A_1716 = arith.constant 0 : i32
    %dma_start3A_1717 = tpu.memref_slice %arg6[%dma_start3A_1706, %dma_start3A_1715, %dma_start3A_1716] : memref<3x512x64xf32, #tpu.memory_space<vmem>> -> memref<1x512x64xf32, #tpu.memory_space<vmem>>
    %dma_start3A_1718 = tpu.memref_squeeze %dma_start3A_1717 : memref<1x512x64xf32, #tpu.memory_space<vmem>> -> memref<512x64xf32, #tpu.memory_space<vmem>>
    tpu.enqueue_dma source(%dma_start3A_1718 : memref<512x64xf32, #tpu.memory_space<vmem>>) target(%dma_start3A_1714 : memref<512x64xf32, #tpu.memory_space<hbm>>) target_semaphore(%arg15 : memref<!tpu.dma_semaphore, #tpu.memory_space<semaphore_mem>>)
    %dma_wait3A_1719 = arith.constant 1 : i32
    %dma_wait3A_1720 = arith.constant 0 : i32
    %dma_wait3A_1721 = arith.constant 0 : i32
    %dma_wait3A_1722 = tpu.memref_slice %arg6[%dma_wait3A_1719, %dma_wait3A_1720, %dma_wait3A_1721] : memref<3x512x64xf32, #tpu.memory_space<vmem>> -> memref<1x512x64xf32, #tpu.memory_space<vmem>>
    %dma_wait3A_1723 = tpu.memref_squeeze %dma_wait3A_1722 : memref<1x512x64xf32, #tpu.memory_space<vmem>> -> memref<512x64xf32, #tpu.memory_space<vmem>>
    %dma_wait3A_1724 = arith.constant 0 : i32
    %dma_wait3A_1725 = tpu.memref_slice %arg4[%add3A_1705, %dma_wait3A_1724] : memref<425984x64xf32, #tpu.memory_space<hbm>> -> memref<512x64xf32, #tpu.memory_space<hbm>>
    %dma_wait3A_1726 = arith.constant 0 : i32
    %dma_wait3A_1727 = tpu.memref_slice %arg4[%add3A_1705, %dma_wait3A_1726] : memref<425984x64xf32, #tpu.memory_space<hbm>> -> memref<512x64xf32, #tpu.memory_space<hbm>>
    %dma_wait3A_1728 = arith.constant 0 : i32
    %dma_wait3A_1729 = arith.constant 0 : i32
    %dma_wait3A_1730 = tpu.memref_slice %arg6[%dma_wait3A_1719, %dma_wait3A_1728, %dma_wait3A_1729] : memref<3x512x64xf32, #tpu.memory_space<vmem>> -> memref<1x512x64xf32, #tpu.memory_space<vmem>>
    %dma_wait3A_1731 = tpu.memref_squeeze %dma_wait3A_1730 : memref<1x512x64xf32, #tpu.memory_space<vmem>> -> memref<512x64xf32, #tpu.memory_space<vmem>>
    tpu.wait_dma2 semaphore(%arg15 : memref<!tpu.dma_semaphore, #tpu.memory_space<semaphore_mem>>) src(%dma_wait3A_1731 : memref<512x64xf32, #tpu.memory_space<vmem>>) dst(%dma_wait3A_1727 : memref<512x64xf32, #tpu.memory_space<hbm>>)
    %dma_wait3A_1732 = arith.constant 1 : i32
    %dma_wait3A_1733 = arith.constant 0 : i32
    %dma_wait3A_1734 = tpu.memref_slice %arg5[%dma_wait3A_1732, %dma_wait3A_1733] : memref<4x512xi32, #tpu.memory_space<vmem>> -> memref<1x512xi32, #tpu.memory_space<vmem>>
    %dma_wait3A_1735 = tpu.memref_squeeze %dma_wait3A_1734 : memref<1x512xi32, #tpu.memory_space<vmem>> -> memref<512xi32, #tpu.memory_space<vmem>>
    %dma_wait3A_1736 = tpu.memref_slice %arg3[%add3A_1648] : memref<425984xi32, #tpu.memory_space<hbm>> -> memref<512xi32, #tpu.memory_space<hbm>>
    %dma_wait3A_1737 = arith.constant 0 : i32
    %dma_wait3A_1738 = tpu.memref_slice %arg5[%dma_wait3A_1732, %dma_wait3A_1737] : memref<4x512xi32, #tpu.memory_space<vmem>> -> memref<1x512xi32, #tpu.memory_space<vmem>>
    %dma_wait3A_1739 = tpu.memref_squeeze %dma_wait3A_1738 : memref<1x512xi32, #tpu.memory_space<vmem>> -> memref<512xi32, #tpu.memory_space<vmem>>
    %dma_wait3A_1740 = tpu.memref_slice %arg3[%add3A_1648] : memref<425984xi32, #tpu.memory_space<hbm>> -> memref<512xi32, #tpu.memory_space<hbm>>
    tpu.wait_dma2 semaphore(%arg8 : memref<!tpu.dma_semaphore, #tpu.memory_space<semaphore_mem>>) src(%dma_wait3A_1740 : memref<512xi32, #tpu.memory_space<hbm>>) dst(%dma_wait3A_1739 : memref<512xi32, #tpu.memory_space<vmem>>)
    %dma_start3A_1741 = arith.constant 1 : i32
    %dma_start3A_1742 = arith.constant 1 : i32
    %dma_start3A_1743 = arith.constant 0 : i32
    %dma_start3A_1744 = arith.constant 0 : i32
    %dma_start3A_1745 = tpu.memref_slice %arg6[%dma_start3A_1742, %dma_start3A_1743, %dma_start3A_1744] : memref<3x512x64xf32, #tpu.memory_space<vmem>> -> memref<1x512x64xf32, #tpu.memory_space<vmem>>
    %dma_start3A_1746 = tpu.memref_squeeze %dma_start3A_1745 : memref<1x512x64xf32, #tpu.memory_space<vmem>> -> memref<512x64xf32, #tpu.memory_space<vmem>>
    %dma_start3A_1747 = arith.constant 0 : i32
    %dma_start3A_1748 = tpu.memref_slice %arg5[%dma_start3A_1741, %dma_start3A_1747] : memref<4x512xi32, #tpu.memory_space<vmem>> -> memref<1x512xi32, #tpu.memory_space<vmem>>
    %dma_start3A_1749 = tpu.memref_squeeze %dma_start3A_1748 : memref<1x512xi32, #tpu.memory_space<vmem>> -> memref<512xi32, #tpu.memory_space<vmem>>
    %dma_start3A_1750 = arith.constant 0 : i32
    %dma_start3A_1751 = arith.constant 0 : i32
    %dma_start3A_1752 = tpu.memref_slice %arg2[%dma_start3A_1750, %dma_start3A_1751] : memref<1000000x64xf32, #tpu.memory_space<hbm>> -> memref<1000000x64xf32, #tpu.memory_space<hbm>>
    tpu.enqueue_indirect_dma source(%dma_start3A_1752 : memref<1000000x64xf32, #tpu.memory_space<hbm>>) target(%dma_start3A_1746 : memref<512x64xf32, #tpu.memory_space<vmem>>) offsets(%dma_start3A_1749 : memref<512xi32, #tpu.memory_space<vmem>>) semaphore(%arg12 : memref<!tpu.dma_semaphore, #tpu.memory_space<semaphore_mem>>)
    %dma_wait3A_1753 = arith.constant 3 : i32
    %dma_wait3A_1754 = arith.constant 2 : i32
    %dma_wait3A_1755 = arith.constant 0 : i32
    %dma_wait3A_1756 = arith.constant 0 : i32
    %dma_wait3A_1757 = tpu.memref_slice %arg6[%dma_wait3A_1754, %dma_wait3A_1755, %dma_wait3A_1756] : memref<3x512x64xf32, #tpu.memory_space<vmem>> -> memref<1x512x64xf32, #tpu.memory_space<vmem>>
    %dma_wait3A_1758 = tpu.memref_squeeze %dma_wait3A_1757 : memref<1x512x64xf32, #tpu.memory_space<vmem>> -> memref<512x64xf32, #tpu.memory_space<vmem>>
    %dma_wait3A_1759 = arith.constant 0 : i32
    %dma_wait3A_1760 = tpu.memref_slice %arg5[%dma_wait3A_1753, %dma_wait3A_1759] : memref<4x512xi32, #tpu.memory_space<vmem>> -> memref<1x512xi32, #tpu.memory_space<vmem>>
    %dma_wait3A_1761 = tpu.memref_squeeze %dma_wait3A_1760 : memref<1x512xi32, #tpu.memory_space<vmem>> -> memref<512xi32, #tpu.memory_space<vmem>>
    %dma_wait3A_1762 = arith.constant 0 : i32
    %dma_wait3A_1763 = arith.constant 0 : i32
    %dma_wait3A_1764 = tpu.memref_slice %arg2[%dma_wait3A_1762, %dma_wait3A_1763] : memref<1000000x64xf32, #tpu.memory_space<hbm>> -> memref<1000000x64xf32, #tpu.memory_space<hbm>>
    tpu.wait_indirect_dma semaphore(%arg13 : memref<!tpu.dma_semaphore, #tpu.memory_space<semaphore_mem>>) src(%dma_wait3A_1764 : memref<1000000x64xf32, #tpu.memory_space<hbm>>) dst(%dma_wait3A_1758 : memref<512x64xf32, #tpu.memory_space<vmem>>)
    %add3A_1765 = arith.constant 11776 : i32
    %add3A_1766 = arith.addi %mul3A_2, %add3A_1765 : i32
    %dma_start3A_1767 = arith.constant 2 : i32
    %dma_start3A_1768 = arith.constant 0 : i32
    %dma_start3A_1769 = arith.constant 0 : i32
    %dma_start3A_1770 = tpu.memref_slice %arg6[%dma_start3A_1767, %dma_start3A_1768, %dma_start3A_1769] : memref<3x512x64xf32, #tpu.memory_space<vmem>> -> memref<1x512x64xf32, #tpu.memory_space<vmem>>
    %dma_start3A_1771 = tpu.memref_squeeze %dma_start3A_1770 : memref<1x512x64xf32, #tpu.memory_space<vmem>> -> memref<512x64xf32, #tpu.memory_space<vmem>>
    %dma_start3A_1772 = arith.constant 0 : i32
    %dma_start3A_1773 = tpu.memref_slice %arg4[%add3A_1766, %dma_start3A_1772] : memref<425984x64xf32, #tpu.memory_space<hbm>> -> memref<512x64xf32, #tpu.memory_space<hbm>>
    %dma_start3A_1774 = arith.constant 0 : i32
    %dma_start3A_1775 = tpu.memref_slice %arg4[%add3A_1766, %dma_start3A_1774] : memref<425984x64xf32, #tpu.memory_space<hbm>> -> memref<512x64xf32, #tpu.memory_space<hbm>>
    %dma_start3A_1776 = arith.constant 0 : i32
    %dma_start3A_1777 = arith.constant 0 : i32
    %dma_start3A_1778 = tpu.memref_slice %arg6[%dma_start3A_1767, %dma_start3A_1776, %dma_start3A_1777] : memref<3x512x64xf32, #tpu.memory_space<vmem>> -> memref<1x512x64xf32, #tpu.memory_space<vmem>>
    %dma_start3A_1779 = tpu.memref_squeeze %dma_start3A_1778 : memref<1x512x64xf32, #tpu.memory_space<vmem>> -> memref<512x64xf32, #tpu.memory_space<vmem>>
    tpu.enqueue_dma source(%dma_start3A_1779 : memref<512x64xf32, #tpu.memory_space<vmem>>) target(%dma_start3A_1775 : memref<512x64xf32, #tpu.memory_space<hbm>>) target_semaphore(%arg16 : memref<!tpu.dma_semaphore, #tpu.memory_space<semaphore_mem>>)
    %dma_wait3A_1780 = arith.constant 0 : i32
    %dma_wait3A_1781 = arith.constant 0 : i32
    %dma_wait3A_1782 = arith.constant 0 : i32
    %dma_wait3A_1783 = arith.constant 0 : i32
    %dma_wait3A_1784 = tpu.memref_slice %arg6[%dma_wait3A_1781, %dma_wait3A_1782, %dma_wait3A_1783] : memref<3x512x64xf32, #tpu.memory_space<vmem>> -> memref<1x512x64xf32, #tpu.memory_space<vmem>>
    %dma_wait3A_1785 = tpu.memref_squeeze %dma_wait3A_1784 : memref<1x512x64xf32, #tpu.memory_space<vmem>> -> memref<512x64xf32, #tpu.memory_space<vmem>>
    %dma_wait3A_1786 = arith.constant 0 : i32
    %dma_wait3A_1787 = tpu.memref_slice %arg5[%dma_wait3A_1780, %dma_wait3A_1786] : memref<4x512xi32, #tpu.memory_space<vmem>> -> memref<1x512xi32, #tpu.memory_space<vmem>>
    %dma_wait3A_1788 = tpu.memref_squeeze %dma_wait3A_1787 : memref<1x512xi32, #tpu.memory_space<vmem>> -> memref<512xi32, #tpu.memory_space<vmem>>
    %dma_wait3A_1789 = arith.constant 0 : i32
    %dma_wait3A_1790 = arith.constant 0 : i32
    %dma_wait3A_1791 = tpu.memref_slice %arg2[%dma_wait3A_1789, %dma_wait3A_1790] : memref<1000000x64xf32, #tpu.memory_space<hbm>> -> memref<1000000x64xf32, #tpu.memory_space<hbm>>
    tpu.wait_indirect_dma semaphore(%arg11 : memref<!tpu.dma_semaphore, #tpu.memory_space<semaphore_mem>>) src(%dma_wait3A_1791 : memref<1000000x64xf32, #tpu.memory_space<hbm>>) dst(%dma_wait3A_1785 : memref<512x64xf32, #tpu.memory_space<vmem>>)
    %add3A_1792 = arith.constant 12288 : i32
    %add3A_1793 = arith.addi %mul3A_2, %add3A_1792 : i32
    %dma_start3A_1794 = arith.constant 0 : i32
    %dma_start3A_1795 = arith.constant 0 : i32
    %dma_start3A_1796 = arith.constant 0 : i32
    %dma_start3A_1797 = tpu.memref_slice %arg6[%dma_start3A_1794, %dma_start3A_1795, %dma_start3A_1796] : memref<3x512x64xf32, #tpu.memory_space<vmem>> -> memref<1x512x64xf32, #tpu.memory_space<vmem>>
    %dma_start3A_1798 = tpu.memref_squeeze %dma_start3A_1797 : memref<1x512x64xf32, #tpu.memory_space<vmem>> -> memref<512x64xf32, #tpu.memory_space<vmem>>
    %dma_start3A_1799 = arith.constant 0 : i32
    %dma_start3A_1800 = tpu.memref_slice %arg4[%add3A_1793, %dma_start3A_1799] : memref<425984x64xf32, #tpu.memory_space<hbm>> -> memref<512x64xf32, #tpu.memory_space<hbm>>
    %dma_start3A_1801 = arith.constant 0 : i32
    %dma_start3A_1802 = tpu.memref_slice %arg4[%add3A_1793, %dma_start3A_1801] : memref<425984x64xf32, #tpu.memory_space<hbm>> -> memref<512x64xf32, #tpu.memory_space<hbm>>
    %dma_start3A_1803 = arith.constant 0 : i32
    %dma_start3A_1804 = arith.constant 0 : i32
    %dma_start3A_1805 = tpu.memref_slice %arg6[%dma_start3A_1794, %dma_start3A_1803, %dma_start3A_1804] : memref<3x512x64xf32, #tpu.memory_space<vmem>> -> memref<1x512x64xf32, #tpu.memory_space<vmem>>
    %dma_start3A_1806 = tpu.memref_squeeze %dma_start3A_1805 : memref<1x512x64xf32, #tpu.memory_space<vmem>> -> memref<512x64xf32, #tpu.memory_space<vmem>>
    tpu.enqueue_dma source(%dma_start3A_1806 : memref<512x64xf32, #tpu.memory_space<vmem>>) target(%dma_start3A_1802 : memref<512x64xf32, #tpu.memory_space<hbm>>) target_semaphore(%arg14 : memref<!tpu.dma_semaphore, #tpu.memory_space<semaphore_mem>>)
    %dma_wait3A_1807 = arith.constant 1 : i32
    %dma_wait3A_1808 = arith.constant 1 : i32
    %dma_wait3A_1809 = arith.constant 0 : i32
    %dma_wait3A_1810 = arith.constant 0 : i32
    %dma_wait3A_1811 = tpu.memref_slice %arg6[%dma_wait3A_1808, %dma_wait3A_1809, %dma_wait3A_1810] : memref<3x512x64xf32, #tpu.memory_space<vmem>> -> memref<1x512x64xf32, #tpu.memory_space<vmem>>
    %dma_wait3A_1812 = tpu.memref_squeeze %dma_wait3A_1811 : memref<1x512x64xf32, #tpu.memory_space<vmem>> -> memref<512x64xf32, #tpu.memory_space<vmem>>
    %dma_wait3A_1813 = arith.constant 0 : i32
    %dma_wait3A_1814 = tpu.memref_slice %arg5[%dma_wait3A_1807, %dma_wait3A_1813] : memref<4x512xi32, #tpu.memory_space<vmem>> -> memref<1x512xi32, #tpu.memory_space<vmem>>
    %dma_wait3A_1815 = tpu.memref_squeeze %dma_wait3A_1814 : memref<1x512xi32, #tpu.memory_space<vmem>> -> memref<512xi32, #tpu.memory_space<vmem>>
    %dma_wait3A_1816 = arith.constant 0 : i32
    %dma_wait3A_1817 = arith.constant 0 : i32
    %dma_wait3A_1818 = tpu.memref_slice %arg2[%dma_wait3A_1816, %dma_wait3A_1817] : memref<1000000x64xf32, #tpu.memory_space<hbm>> -> memref<1000000x64xf32, #tpu.memory_space<hbm>>
    tpu.wait_indirect_dma semaphore(%arg12 : memref<!tpu.dma_semaphore, #tpu.memory_space<semaphore_mem>>) src(%dma_wait3A_1818 : memref<1000000x64xf32, #tpu.memory_space<hbm>>) dst(%dma_wait3A_1812 : memref<512x64xf32, #tpu.memory_space<vmem>>)
    %add3A_1819 = arith.constant 12800 : i32
    %add3A_1820 = arith.addi %mul3A_2, %add3A_1819 : i32
    %dma_start3A_1821 = arith.constant 1 : i32
    %dma_start3A_1822 = arith.constant 0 : i32
    %dma_start3A_1823 = arith.constant 0 : i32
    %dma_start3A_1824 = tpu.memref_slice %arg6[%dma_start3A_1821, %dma_start3A_1822, %dma_start3A_1823] : memref<3x512x64xf32, #tpu.memory_space<vmem>> -> memref<1x512x64xf32, #tpu.memory_space<vmem>>
    %dma_start3A_1825 = tpu.memref_squeeze %dma_start3A_1824 : memref<1x512x64xf32, #tpu.memory_space<vmem>> -> memref<512x64xf32, #tpu.memory_space<vmem>>
    %dma_start3A_1826 = arith.constant 0 : i32
    %dma_start3A_1827 = tpu.memref_slice %arg4[%add3A_1820, %dma_start3A_1826] : memref<425984x64xf32, #tpu.memory_space<hbm>> -> memref<512x64xf32, #tpu.memory_space<hbm>>
    %dma_start3A_1828 = arith.constant 0 : i32
    %dma_start3A_1829 = tpu.memref_slice %arg4[%add3A_1820, %dma_start3A_1828] : memref<425984x64xf32, #tpu.memory_space<hbm>> -> memref<512x64xf32, #tpu.memory_space<hbm>>
    %dma_start3A_1830 = arith.constant 0 : i32
    %dma_start3A_1831 = arith.constant 0 : i32
    %dma_start3A_1832 = tpu.memref_slice %arg6[%dma_start3A_1821, %dma_start3A_1830, %dma_start3A_1831] : memref<3x512x64xf32, #tpu.memory_space<vmem>> -> memref<1x512x64xf32, #tpu.memory_space<vmem>>
    %dma_start3A_1833 = tpu.memref_squeeze %dma_start3A_1832 : memref<1x512x64xf32, #tpu.memory_space<vmem>> -> memref<512x64xf32, #tpu.memory_space<vmem>>
    tpu.enqueue_dma source(%dma_start3A_1833 : memref<512x64xf32, #tpu.memory_space<vmem>>) target(%dma_start3A_1829 : memref<512x64xf32, #tpu.memory_space<hbm>>) target_semaphore(%arg15 : memref<!tpu.dma_semaphore, #tpu.memory_space<semaphore_mem>>)
    return
  }
}

</mosaic_0001>

<sc_bundles>
// kernel: kernel.3.cloned.1.call-start
scs
__scs_entry_jumppad:
0x0: {  	(pc) =	sbr.rel $0x88, $3  }
0x1: {  	(tag) =	ssettag $0x0;
	lr =	simm.s32 $0x1  }
0x2: {  	[smem:$0x3F9F] =	sst lr;
	_ =	strace $0xD0000000  }
0x3: {  	_ = 	snop  }
0x4: {  	_ = 	snop  }
0x5: {  	_ = 	snop  }
0x6: {  	_ = 	snop  }
0x7: {  	_ = 	snop  }
__scs_overlays_trampoline_lowered:
0x8: {  	[smem:$0x3FAE] =	sst s0  }
0x9: {  	[smem:$0x3FAF] =	sst s1  }
0xa: {  	[smem:$0x3FB0] =	sst s2  }
0xb: {  	[smem:$0x3FB1] =	sst s3  }
0xc: {  	[smem:$0x3FB2] =	sst s4  }
0xd: {  	[smem:$0x3FB3] =	sst s5  }
0xe: {  	[smem:$0x3FB4] =	sst s6  }
0xf: {  	[smem:$0x3FB5] =	sst s7  }
0x10: {  	[smem:$0x3FB6] =	sst s8  }
0x11: {  	[smem:$0x3FB7] =	sst s9;
	s0 =	simm.s32 @!p0 $0x0  }
0x12: {  	s1 =	sld [smem:$0x3F9D];
	s0 =	simm.s32 @p0 $0x1  }
0x13: {  	[smem:$0x3FB8] =	sst s0;
	s0 =	simm.s32 @!p1 $0x0  }
0x14: {  	s2 =	sld [smem:$0x3F9C];
	s0 =	simm.s32 @p1 $0x1  }
0x15: {  	[smem:$0x3FB9] =	sst s0;
	s0 =	simm.s32 @!p2 $0x0  }
0x16: {  	s3 =	sld [smem:$0x3FDB];
	s0 =	simm.s32 @p2 $0x1  }
0x17: {  	s4 =	simm.s32 $0x1BF5;
	[smem:$0x3FBB] =	sst s0  }
0x18: {  	s0 =	sld [smem:$0x3F9E];
	_ =	swait.ge [sflag:s4], $0x0  }
0x19: {  	s7 =	sld [smem:$0x3F9F]  }
0x1a: {  	s8 =	sadd.s32 $0xFFFFE003, lr  }
0x1b: {  	s9 =	sadd.s32 $0xFFFFFEF7, lr;
	s5 =	simm.s32 $0xFFFFFFFF;
	p2 =	slt.u32 s8, $0xFFFFF086  }
0x1c: {  	p1 =	slt.u32 s9, $0xF7A;
	s5 =	simm.s32 @!p2 $0x0  }
0x1d: {  	s5 =	simm.s32 @p1 $0x1;
	p0 =	seq.s32 s7, s2  }
0x1e: {  	s7 =	smul.u32 @!p0 $0xF7A, s2;
	p2 =	seq.s32 @!p0 s5, $0x0  }
0x1f: {  	s9 =	smul.u32 $0xF7A, s1;
	s8 =	simm.s32 @!p0 $0x1BF5;
	p2 =	por !p2, p0  }
0x20: {  	[sflag:s8] =	ssyncset.s32 @!p0 $0xFFFFF086;
	s6 =	sadd.s32 @!p0 s3, s7;
	s7 =	simm.s32 @!p0 $0x108  }
0x21: {  	s3 =	sadd.s32 s3, s9;
	s6 =	sadd.s32 @!p0 $0x88, s6;
	s7 =	simm.s32 @p2 $0x1082  }
0x22: {  	[simem:s7], [sflag:s8] =	dma.local @!p0 [hbm:s6], $0xF7A  }
0x23: {  	s9 =	sor.u32 $0xD0000000, s2;
	s6 =	simm.s32 $0x108;
	_ =	swait.ge @!p0 [sflag:s8], $0x0  }
0x24: {  	s3 =	sadd.s32 $0x88, s3;
	s6 =	simm.s32 @!p1 $0x1082;
	[sflag:s4] =	ssyncset.s32 $0xFFFFF086  }
0x25: {  	[simem:s6], [sflag:s4] =	dma.local [hbm:s3], $0xF7A  }
0x26: {  	[smem:$0x3F9F] =	sst s1;
	(tag) =	ssettag s2;
	_ =	strace s9  }
0x27: {  	s1 =	sld [smem:$0x3FAF]  }
0x28: {  	s2 =	sld [smem:$0x3FB0]  }
0x29: {  	s4 =	sld [smem:$0x3FB2]  }
0x2a: {  	p0 =	seq.s32 s5, $0x0;
	s5 =	sld [smem:$0x3FB3]  }
0x2b: {  	s6 =	sld [smem:$0x3FB4]  }
0x2c: {  	s7 =	sld [smem:$0x3FB5]  }
0x2d: {  	s3 =	simm.s32 $0x108;
	s8 =	sld [smem:$0x3FB6]  }
0x2e: {  	s3 =	simm.s32 @!p0 $0x1082;
	s9 =	sld [smem:$0x3FB7]  }
0x2f: {  	lr =	sadd.s32 s0, s3;
	s0 =	sld [smem:$0x3FAE]  }
0x30: {  	s3 =	sld [smem:$0x3FB1]  }
0x31: {  	[smem:$0x3FBA] =	sst s10  }
0x32: {  	s10 =	sld [smem:$0x3FB8];
	_ =	sdelay $0x3  }
0x33: {  	p0 =	seq.s32 s10, $0x1;
	s10 =	sld [smem:$0x3FBA];
	_ =	sdelay $0x3  }
0x34: {  	[smem:$0x3FBA] =	sst s10  }
0x35: {  	s10 =	sld [smem:$0x3FB9];
	_ =	sdelay $0x3  }
0x36: {  	p1 =	seq.s32 s10, $0x1;
	s10 =	sld [smem:$0x3FBA];
	_ =	sdelay $0x3  }
0x37: {  	[smem:$0x3FBA] =	sst s10  }
0x38: {  	s10 =	sld [smem:$0x3FBB]  }
0x39: {  	_ = 	snop;
	(pc) =	sbr.ind lr, $3  }
0x3a: {  	_ = 	snop  }
0x3b: {  	_ = 	snop  }
0x3c: {  	p2 =	seq.s32 s10, $0x1;
	s10 =	sld [smem:$0x3FBA]  }
0x3d: {  	_ =	shalt  }
0x3e: {  	_ =	shalt  }
0x3f: {  	_ =	shalt  }
0x40: {  	_ =	shalt  }
0x41: {  	_ =	shalt  }
0x42: {  	_ =	shalt  }
0x43: {  	_ =	shalt  }
0x44: {  	_ =	shalt  }
0x45: {  	_ =	shalt  }
0x46: {  	_ =	shalt  }
0x47: {  	_ =	shalt  }
0x48: {  	_ =	shalt  }
0x49: {  	_ =	shalt  }
0x4a: {  	_ =	shalt  }
0x4b: {  	_ =	shalt  }
0x4c: {  	_ =	shalt  }
0x4d: {  	_ =	shalt  }
0x4e: {  	_ =	shalt  }
0x4f: {  	_ =	shalt  }
0x50: {  	_ =	shalt  }
0x51: {  	_ =	shalt  }
0x52: {  	_ =	shalt  }
0x53: {  	_ =	shalt  }
0x54: {  	_ =	shalt  }
0x55: {  	_ =	shalt  }
0x56: {  	_ =	shalt  }
0x57: {  	_ =	shalt  }
0x58: {  	_ =	shalt  }
0x59: {  	_ =	shalt  }
0x5a: {  	_ =	shalt  }
0x5b: {  	_ =	shalt  }
0x5c: {  	_ =	shalt  }
0x5d: {  	_ =	shalt  }
0x5e: {  	_ =	shalt  }
0x5f: {  	_ =	shalt  }
0x60: {  	_ =	shalt  }
0x61: {  	_ =	shalt  }
0x62: {  	_ =	shalt  }
0x63: {  	_ =	shalt  }
0x64: {  	_ =	shalt  }
0x65: {  	_ =	shalt  }
0x66: {  	_ =	shalt  }
0x67: {  	_ =	shalt  }
0x68: {  	_ =	shalt  }
0x69: {  	_ =	shalt  }
0x6a: {  	_ =	shalt  }
0x6b: {  	_ =	shalt  }
0x6c: {  	_ =	shalt  }
0x6d: {  	_ =	shalt  }
0x6e: {  	_ =	shalt  }
0x6f: {  	_ =	shalt  }
0x70: {  	_ =	shalt  }
0x71: {  	_ =	shalt  }
0x72: {  	_ =	shalt  }
0x73: {  	_ =	shalt  }
0x74: {  	_ =	shalt  }
0x75: {  	_ =	shalt  }
0x76: {  	_ =	shalt  }
0x77: {  	_ =	shalt  }
0x78: {  	_ =	shalt  }
0x79: {  	_ =	shalt  }
0x7a: {  	_ =	shalt  }
0x7b: {  	_ =	shalt  }
0x7c: {  	_ =	shalt  }
0x7d: {  	_ =	shalt  }
0x7e: {  	_ =	shalt  }
0x7f: {  	_ =	shalt  }
0x80: {  	_ =	shalt  }
0x81: {  	_ =	shalt  }
0x82: {  	_ =	shalt  }
0x83: {  	_ =	shalt  }
0x84: {  	_ =	shalt  }
0x85: {  	_ =	shalt  }
0x86: {  	_ =	shalt  }
0x87: {  	_ =	shalt  }
.Lfunc_end0:
.L_simem_size_0:
called_computation.1_lowered:
.L_overlay_start_0:
0x88: {  	s2 =	sld [smem:$0x3FD9]  }
0x89: {  	s3 =	sld [smem:$0x3FFE];
	_ =	sdelay $0x1  }
0x8a: {  	s1 =	srdreg.scid  }
0x8b: {  	s0 =	sand.u32 $0x1, s1  }
0x8c: {  	s17 =	sshll.u32 s0, $0xA;
	s2 =	sadd.s32 s3, s2  }
0x8d: {  	s2 =	sadd.s32 s2, s17  }
0x8e: {  	[smem:$0x3FC6] =	sst s2  }
0x8f: {  	_ = 	snop  }
0x90: {  	s2 =	sld [smem:$0x3FC8]  }
0x91: {  	s18 =	sld [smem:$0x3FD0];
	(tm) =	ssettm $0x1  }
0x92: {  	s4 =	sld [smem:$0x3FFB];
	_ =	sdelay $0x3  }
0x93: {  	_ =	strace s4  }
0x94: {  	s4 =	sld [smem:$0x3FFC];
	_ =	sdelay $0x3  }
0x95: {  	_ =	strace s4  }
0x96: {  	s4 =	sld [smem:$0x3FFD];
	_ =	sdelay $0x3  }
0x97: {  	_ =	strace s4  }
0x98: {  	_ =	strace $0x8FFFFFFF  }
0x99: {  	s19 =	sld [smem:$0x3FDB];
	_ =	sdelay $0x1  }
0x9a: {  	s5 =	simm.s32 $_scs_section_size  }
0x9b: {  	s6 =	simm.s32 $_size__tile_overlayer_lowered;
	s7 =	simm.s32 $_tile_overlayer_lowered  }
0x9c: {  	s22 =	simm.s32 $0x1BFF;
	s21 =	sshll.u32 s7, $0x1;
	s4 =	sadd.s32 s5, s19  }
0x9d: {  	s8 =	simm.s32 $0x0;
	s20 =	sshll.u32 s6, $0x1;
	s6 =	sadd.s32 s21, s4  }
0x9e: {  	[timem:s8], [sflag:s22] =	dma.local [hbm:s6], s20  }
0x9f: {  	_ =	swait.ge [sflag:s22], s20  }
0xa0: {  	s5 =	ssub.s32 $0x0, s20;
	[sflag:s22] =	ssyncset.done $0x0  }
0xa1: {  	[sflag:s22] =	ssyncadd.s32 s5;
	_ =	sdelay $0x1  }
0xa2: {  	s23 =	simm.s32 $0x1B8B  }
0xa3: {  	_ =	swait.ge [sflag:s23], $0x1  }
0xa4: {  	[sflag:s23] =	ssyncset.done $0x0  }
0xa5: {  	s25 =	simm.s32 $0x1B8E;
	s24 =	sld [smem:$0x3FFE];
	[sflag:s23] =	ssyncadd.s32 $0xFFFFFFFF  }
0xa6: {  	s26 =	simm.s32 $execute0_lowered;
	[smem:$0x3FD2] =	sst s25  }
0xa7: {  	s6 =	sshll.u32 s26, $0x1;
	_ =	strace $0x80000046;
	[dreg:$0x1] =	wrdreg $0xFFFFFFFF  }
0xa8: {  	s28 =	simm.s32 $_size_execute0_lowered;
	s4 =	sadd.s32 s4, s6;
	[dreg:$0x0] =	wrdreg $0x0  }
0xa9: {  	s6 =	sshll.u32 s28, $0x1;
	[dreg:$0x2] =	wrdreg s4  }
0xaa: {  	[dreg:$0x3] =	wrdreg s6  }
0xab: {  	[dreg:$0x4] =	wrdreg $0xC0  }
0xac: {  	_ =	task [dreg:s8], $0x5FFFF  }
0xad: {  	[dreg:$0x1] =	wrdreg $0xFFFFFFFF  }
0xae: {  	[dreg:$0x0] =	wrdreg $0x60  }
0xaf: {  	[dreg:$0x2] =	wrdreg s24  }
0xb0: {  	[dreg:$0x3] =	wrdreg s2  }
0xb1: {  	[dreg:$0x4] =	wrdreg s18  }
0xb2: {  	[dreg:$0x5] =	wrdreg $0x9  }
0xb3: {  	_ =	task.clear_ibuf [dreg:s8], $0x6FFFF;
	_ =	strace $0x90000046  }
0xb4: {  	s29 =	simm.s32 $0x9;
	_ =	strace $0x80000048  }
0xb5: {  	_ =	swait.ge [sflag:s29], $0x1  }
0xb6: {  	[sflag:s29] =	ssyncadd.s32 $0xFFFFFFFF  }
0xb7: {  	_ =	strace $0x90000048  }
0xb8: {  	_ =	sfence  }
0xb9: {  	s30 =	sld [smem:$0x0];
	_ =	sdelay $0x2  }
0xba: {  	s31 =	sshll.u32 s1, $0xD;
	s1 =	sshrl.u32 s1, $0x2  }
0xbb: {  	s3 =	sand.u32 $0x4000, s31;
	s1 =	sadd.s32 s1, s30  }
0xbc: {  	s0 =	sor.u32 s3, s0;
	s1 =	sshll.u32 s1, $0x11  }
0xbd: {  	s0 =	sor.u32 s1, s0  }
0xbe: {  	s0 =	sadd.s32 $0x8F2B, s0  }
0xbf: {  	[sflag:s0] =	ssyncadd.remote.s32 $0x1  }
0xc0: {  	_ =	sfence.sel $0xFFFF  }
0xc1: {  	[dreg:$0x0] =	wrdreg $0xFFFFFFFF;
	(pc) =	sbr.abs _section_cstart, $3  }
0xc2: {  	[dreg:$0x1] =	wrdreg $0xFFFFFFFF  }
0xc3: {  	_ =	task.clear_ibuf [dreg:s8], $0x2FFFF;
	_ =	strace $0x9FFFFFFF  }
0xc4: {  	(tm) =	ssettm $0x7FFFFFFF  }
0xc5: {  	_ =	shalt  }
tec
execute0_lowered:
.L_overlay_start_1:
0x0: {  	(tag) =	ssettag $0x1  }
0x1: {  	s0 =	srdreg.scid;
	s3 =	rddreg [dreg:$0x0]  }
0x2: {  	s1 =	stileid.u32;
	s4 =	rddreg [dreg:$0x1]  }
0x3: {  	s2 =	simm.s32 $0x0;
	s28 =	simm.s32 $0x400;
	s30 =	simm.s32 $0x3  }
0x4: {  	p0 =	por $0x0, $0x0;
	s6 =	sand.u32 $0x1, s0;
	s22 =	sshll.u32 s1, $0x1  }
0x5: {  	s29 =	simm.s32 $0x4;
	s31 =	simm.s32 $0xA;
	s0 =	sor.u32 s6, s22  }
0x6: {  	[smem:$0x7FF] =	sst s2;
	s3 =	sadd.s32 $0xF42C00, s3;
	s5 =	smul.u32 $0x3400, s0  }
0x7: {  	s1 =	rddreg [dreg:$0x2];
	_ =	strace $0x80000047;
	s0 =	smul.u32 $0x1A000, s0  }
0x8: {  	s6 =	ssub.s32 $0x2, s6;
	s7 =	sshrl.u32 s5, $0x3;
	s8 =	sor.u32 $0x200, s5  }
0x9: {  	s24 =	sadd.s32 $0x400, s5;
	s10 =	sadd.s32 $0x600, s5;
	s0 =	sadd.s32 s1, s0  }
0xa: {  	s13 =	sadd.s32 $0xA00, s5;
	s21 =	sadd.s32 $0xC00, s5;
	s7 =	sadd.s32 s4, s7  }
0xb: {  	s9 =	sshrl.u32 s8, $0x3;
	s25 =	sshrl.u32 s24, $0x3;
	s11 =	sshrl.u32 s10, $0x3  }
0xc: {  	[dreg:$0x8] =	wrdreg s0;
	s8 =	sshll.u32 s8, $0x3;
	s17 =	sshrl.u32 s13, $0x3  }
0xd: {  	s19 =	sshll.u32 s24, $0x3;
	[dreg:$0x4] =	wrdreg s7;
	s23 =	sadd.s32 s4, s9  }
0xe: {  	s14 =	sshrl.u32 s21, $0x3;
	s7 =	sadd.s32 s4, s25;
	[dreg:$0x5] =	wrdreg s23  }
0xf: {  	s15 =	sshll.u32 s10, $0x3;
	s26 =	sadd.s32 s4, s11;
	[dreg:$0x6] =	wrdreg s7  }
0x10: {  	s10 =	simm.s32 $0x200;
	s16 =	sadd.s32 s1, s8;
	[dreg:$0x7] =	wrdreg s26  }
0x11: {  	s11 =	sadd.s32 $0x800, s5;
	s18 =	sadd.s32 s4, s17;
	[dreg:$0xa] =	wrdreg s16  }
0x12: {  	s20 =	sadd.s32 s1, s19;
	s22 =	sadd.s32 s1, s15;
	[dreg:$0xb] =	wrdreg s18  }
0x13: {  	s8 =	sshll.u32 s21, $0x3;
	s21 =	sadd.s32 $0x1400, s5;
	[dreg:$0xc] =	wrdreg s20  }
0x14: {  	s12 =	sshrl.u32 s11, $0x3;
	s16 =	sadd.s32 $0xE00, s5;
	[dreg:$0xe] =	wrdreg s22  }
0x15: {  	s7 =	sshll.u32 s11, $0x3;
	s26 =	sadd.s32 $0x1000, s5;
	s20 =	sadd.s32 s1, s8  }
0x16: {  	s8 =	sshll.u32 s21, $0x3;
	s0 =	sadd.s32 s4, s12;
	s23 =	sshrl.u32 s16, $0x3  }
0x17: {  	s25 =	sadd.s32 s1, s7;
	s9 =	sshrl.u32 s26, $0x3;
	s12 =	sshll.u32 s13, $0x3  }
0x18: {  	s13 =	sadd.s32 $0x1200, s5;
	[dreg:$0x14] =	wrdreg s20;
	s15 =	sshll.u32 s16, $0x3  }
0x19: {  	s16 =	sadd.s32 $0x1600, s5;
	s7 =	sshll.u32 s26, $0x3;
	s26 =	sadd.s32 $0x1800, s5  }
0x1a: {  	s20 =	sadd.s32 s1, s8;
	[dreg:$0x9] =	wrdreg s0;
	s0 =	sadd.s32 s4, s14  }
0x1b: {  	s24 =	sadd.s32 s4, s23;
	[dreg:$0x10] =	wrdreg s25;
	s17 =	sadd.s32 s1, s12  }
0x1c: {  	s18 =	sshrl.u32 s13, $0x3;
	s14 =	sshrl.u32 s21, $0x3;
	s22 =	sadd.s32 s1, s15  }
0x1d: {  	s23 =	sshrl.u32 s16, $0x3;
	s25 =	sadd.s32 s1, s7;
	[dreg:$0x1c] =	wrdreg s20  }
0x1e: {  	s12 =	sshll.u32 s13, $0x3;
	s13 =	sadd.s32 $0x1A00, s5;
	[dreg:$0xd] =	wrdreg s0  }
0x1f: {  	s21 =	sadd.s32 $0x1C00, s5;
	s15 =	sshll.u32 s16, $0x3;
	[dreg:$0xf] =	wrdreg s24  }
0x20: {  	s16 =	sadd.s32 $0x1E00, s5;
	s7 =	sshll.u32 s26, $0x3;
	[dreg:$0x12] =	wrdreg s17  }
0x21: {  	s0 =	sadd.s32 s4, s9;
	s19 =	sadd.s32 s4, s18;
	[dreg:$0x16] =	wrdreg s22  }
0x22: {  	s24 =	sadd.s32 s4, s23;
	[dreg:$0x18] =	wrdreg s25;
	s9 =	sshrl.u32 s26, $0x3  }
0x23: {  	s17 =	sadd.s32 s1, s12;
	s18 =	sshrl.u32 s13, $0x3;
	s22 =	sadd.s32 s1, s15  }
0x24: {  	s23 =	sshrl.u32 s16, $0x3;
	s25 =	sadd.s32 s1, s7;
	[dreg:$0x11] =	wrdreg s0  }
0x25: {  	s26 =	sadd.s32 $0x2000, s5;
	s12 =	sshll.u32 s13, $0x3;
	[dreg:$0x13] =	wrdreg s19  }
0x26: {  	s13 =	sadd.s32 $0x2200, s5;
	s8 =	sshll.u32 s21, $0x3;
	[dreg:$0x17] =	wrdreg s24  }
0x27: {  	s0 =	sadd.s32 s4, s14;
	[dreg:$0x1a] =	wrdreg s17;
	s19 =	sadd.s32 s4, s18  }
0x28: {  	s14 =	sshrl.u32 s21, $0x3;
	[dreg:$0x1e] =	wrdreg s22;
	s24 =	sadd.s32 s4, s23  }
0x29: {  	[smem:$0x7F1] =	sst s25;
	s17 =	sadd.s32 s1, s12;
	s18 =	sshrl.u32 s13, $0x3  }
0x2a: {  	s20 =	sadd.s32 s1, s8;
	s21 =	sadd.s32 $0x2400, s5;
	[dreg:$0x15] =	wrdreg s0  }
0x2b: {  	s23 =	sshll.u32 s16, $0x3;
	s7 =	sshll.u32 s26, $0x3;
	[dreg:$0x1b] =	wrdreg s19  }
0x2c: {  	s25 =	sshrl.u32 s6, $0x1;
	s11 =	sshll.u32 s13, $0x3;
	[dreg:$0x1f] =	wrdreg s24  }
0x2d: {  	s12 =	sadd.s32 $0x2A00, s5;
	s0 =	sadd.s32 s4, s9;
	[smem:$0x7F3] =	sst s17  }
0x2e: {  	s9 =	sshrl.u32 s26, $0x3;
	s19 =	sadd.s32 s4, s18;
	[smem:$0x7F5] =	sst s20  }
0x2f: {  	s22 =	sshrl.u32 s21, $0x3;
	s24 =	sadd.s32 $0x2600, s5;
	s17 =	sadd.s32 s1, s7  }
0x30: {  	s18 =	sadd.s32 $0x2800, s5;
	s11 =	sadd.s32 s1, s11;
	s13 =	sshrl.u32 s12, $0x3  }
0x31: {  	s8 =	sshll.u32 s21, $0x3;
	s21 =	sadd.s32 $0x2E00, s5;
	[dreg:$0x19] =	wrdreg s0  }
0x32: {  	s7 =	simm.s32 $0x8800;
	s0 =	sadd.s32 s4, s14;
	[smem:$0x7F4] =	sst s19  }
0x33: {  	s14 =	sadd.s32 s1, s23;
	s15 =	sshrl.u32 s24, $0x3;
	[smem:$0x7F9] =	sst s17  }
0x34: {  	s26 =	sshrl.u32 s18, $0x3;
	[smem:$0x7FB] =	sst s11;
	s11 =	ssub.s32 s6, s25  }
0x35: {  	s20 =	sshll.u32 s24, $0x3;
	s24 =	sshrl.u32 s21, $0x3;
	s25 =	sadd.s32 $0x3000, s5  }
0x36: {  	s17 =	sshll.u32 s12, $0x3;
	s21 =	sshll.u32 s21, $0x3;
	[dreg:$0x1d] =	wrdreg s0  }
0x37: {  	s12 =	simm.s32 $0x10800;
	s0 =	sadd.s32 s4, s9;
	[smem:$0x7F7] =	sst s14  }
0x38: {  	s16 =	sadd.s32 s4, s15;
	s14 =	sadd.s32 s4, s13;
	s15 =	sadd.s32 s1, s8  }
0x39: {  	s23 =	sadd.s32 s4, s24;
	s9 =	sshll.u32 s18, $0x3;
	s13 =	sshrl.u32 s25, $0x3  }
0x3a: {  	s24 =	sshll.u32 s25, $0x3;
	s6 =	sadd.s32 s1, s21;
	[smem:$0x7F2] =	sst s0  }
0x3b: {  	s25 =	smax.u32 s11, $0x1;
	s11 =	simm.s32 $0x5;
	[smem:$0x7F8] =	sst s16  }
0x3c: {  	s21 =	simm.s32 $0x9;
	s0 =	sadd.s32 s4, s22;
	[smem:$0x7FC] =	sst s14  }
0x3d: {  	s16 =	sadd.s32 $0x2C00, s5;
	[smem:$0x7FD] =	sst s15;
	s22 =	sadd.s32 s1, s20  }
0x3e: {  	s18 =	sadd.s32 s1, s9;
	s14 =	sadd.s32 $0x3200, s5;
	s15 =	sadd.s32 s1, s17  }
0x3f: {  	s5 =	sadd.s32 s1, s24;
	s24 =	simm.s32 $0x600;
	p1 =	sne.s32 s25, $0x1  }
0x40: {  	s17 =	simm.s32 $0x7;
	[smem:$0x7F6] =	sst s0;
	s0 =	sadd.s32 s4, s26  }
0x41: {  	s19 =	sshrl.u32 s16, $0x3;
	s20 =	sshrl.u32 s14, $0x3;
	s8 =	sshll.u32 s16, $0x3  }
.Ltmp0:
0x42: {  	[smem:$0x7FA] =	sst s0;
	s26 =	sadd.s32 s4, s19;
	(pc) =	sbr.rel @!p1 .LBB2_3-.Ltmp0, $4  }
0x43: {  	s19 =	sadd.s32 s4, s13;
	s16 =	sadd.s32 s4, s20;
	s9 =	sadd.s32 s1, s8  }
0x44: {  	s0 =	sshll.u32 s14, $0x3;
	s20 =	simm.s32 $0x1;
	s8 =	simm.s32 $0x800  }
0x45: {  	s14 =	simm.s32 $0x2;
	s13 =	simm.s32 $0x6;
	s4 =	sadd.s32 s1, s0  }
0x46: {  	s1 =	sadd.s32 $0xFFFFFFFF, s25;
	s25 =	simm.s32 $0x8;
	s0 =	rddreg [dreg:$0x4]  }
0x47: {  	[smem:$0x7EF] =	sst s1  }
0x48: {  	[tilespmem:s2], [sflag:$0x1] =	stream.linear.gather [hbm4b:s0+s2], $0x200, $0x38;
	[tilespmem:$0x18800] =	vst v63  }
0x49: {  	s1 =	rddreg [dreg:$0x5]  }
0x4a: {  	[tilespmem:s10], [sflag:$0x2] =	stream.linear.gather [hbm4b:s1+s2], $0x200, $0x38;
	[tilespmem:$0x18800] =	vst v63  }
0x4b: {  	s0 =	rddreg [dreg:$0x6]  }
0x4c: {  	[tilespmem:s28], [sflag:$0x3] =	stream.linear.gather [hbm4b:s0+s2], $0x200, $0x38;
	[tilespmem:$0x18800] =	vst v63  }
0x4d: {  	s1 =	rddreg [dreg:$0x7]  }
0x4e: {  	[tilespmem:s24], [sflag:$0x4] =	stream.linear.gather [hbm4b:s1+s2], $0x200, $0x38;
	[tilespmem:$0x18800] =	vst v63  }
0x4f: {  	_ =	swait.ge [sflag:s20], $0x200  }
0x50: {  	[sflag:s20] =	ssyncset.done $0x0  }
0x51: {  	[sflag:s20] =	ssyncadd.s32 $0xFFFFFE00  }
0x52: {  	[tilespmem:s8], [sflag:$0x5] =	stream.indirect.gather [hbm4b:s3+s10], $0x40, s2, s10, $0xb8;
	[tilespmem:$0x18800] =	vst v63  }
0x53: {  	_ =	swait.ge [sflag:s14], $0x200  }
0x54: {  	[sflag:s14] =	ssyncset.done $0x0  }
0x55: {  	[sflag:s14] =	ssyncadd.s32 $0xFFFFFE00  }
0x56: {  	[tilespmem:s7], [sflag:$0x6] =	stream.indirect.gather [hbm4b:s3+s10], $0x40, s10, s10, $0xb8;
	[tilespmem:$0x18800] =	vst v63  }
0x57: {  	_ =	swait.ge [sflag:s30], $0x200  }
0x58: {  	[sflag:s30] =	ssyncset.done $0x0  }
0x59: {  	[sflag:s30] =	ssyncadd.s32 $0xFFFFFE00  }
0x5a: {  	[tilespmem:s12], [sflag:$0x7] =	stream.indirect.gather [hbm4b:s3+s10], $0x40, s28, s10, $0xb8;
	[tilespmem:$0x18800] =	vst v63  }
0x5b: {  	_ =	swait.ge [sflag:s11], $0x8000  }
0x5c: {  	[sflag:s11] =	ssyncset.done $0x0  }
0x5d: {  	s0 =	rddreg [dreg:$0x8];
	[sflag:s11] =	ssyncadd.s32 $0xFFFF8000  }
0x5e: {  	[hbm4b:s0+s2] =	stream.linear.scatter [tilespmem:s8], [sflag:$0x8], $0x8000, $0x38;
	[tilespmem:$0x18800] =	vst v63  }
0x5f: {  	s1 =	rddreg [dreg:$0x9]  }
0x60: {  	[tilespmem:s2], [sflag:$0x1] =	stream.linear.gather [hbm4b:s1+s2], $0x200, $0x38;
	[tilespmem:$0x18800] =	vst v63  }
0x61: {  	_ =	swait.ge [sflag:s25], $0x8000  }
0x62: {  	[sflag:s25] =	ssyncset.done $0x0  }
0x63: {  	[sflag:s25] =	ssyncadd.s32 $0xFFFF8000  }
0x64: {  	_ =	swait.ge [sflag:s29], $0x200  }
0x65: {  	[sflag:s29] =	ssyncset.done $0x0  }
0x66: {  	[sflag:s29] =	ssyncadd.s32 $0xFFFFFE00  }
0x67: {  	[tilespmem:s8], [sflag:$0x5] =	stream.indirect.gather [hbm4b:s3+s10], $0x40, s24, s10, $0xb8;
	[tilespmem:$0x18800] =	vst v63  }
0x68: {  	_ =	swait.ge [sflag:s13], $0x8000  }
0x69: {  	[sflag:s13] =	ssyncset.done $0x0  }
0x6a: {  	s0 =	rddreg [dreg:$0xa];
	[sflag:s13] =	ssyncadd.s32 $0xFFFF8000  }
0x6b: {  	[hbm4b:s0+s2] =	stream.linear.scatter [tilespmem:s7], [sflag:$0x9], $0x8000, $0x38;
	[tilespmem:$0x18800] =	vst v63  }
0x6c: {  	s1 =	rddreg [dreg:$0xb]  }
0x6d: {  	[tilespmem:s10], [sflag:$0x2] =	stream.linear.gather [hbm4b:s1+s2], $0x200, $0x38;
	[tilespmem:$0x18800] =	vst v63  }
0x6e: {  	_ =	swait.ge [sflag:s21], $0x8000  }
0x6f: {  	[sflag:s21] =	ssyncset.done $0x0  }
0x70: {  	[sflag:s21] =	ssyncadd.s32 $0xFFFF8000  }
0x71: {  	_ =	swait.ge [sflag:s20], $0x200  }
0x72: {  	[sflag:s20] =	ssyncset.done $0x0  }
0x73: {  	[sflag:s20] =	ssyncadd.s32 $0xFFFFFE00  }
0x74: {  	[tilespmem:s7], [sflag:$0x6] =	stream.indirect.gather [hbm4b:s3+s10], $0x40, s2, s10, $0xb8;
	[tilespmem:$0x18800] =	vst v63  }
0x75: {  	_ =	swait.ge [sflag:s17], $0x8000  }
0x76: {  	[sflag:s17] =	ssyncset.done $0x0  }
0x77: {  	s0 =	rddreg [dreg:$0xc];
	[sflag:s17] =	ssyncadd.s32 $0xFFFF8000  }
0x78: {  	[hbm4b:s0+s2] =	stream.linear.scatter [tilespmem:s12], [sflag:$0xA], $0x8000, $0x38;
	[tilespmem:$0x18800] =	vst v63  }
0x79: {  	s1 =	rddreg [dreg:$0xd]  }
0x7a: {  	[tilespmem:s28], [sflag:$0x3] =	stream.linear.gather [hbm4b:s1+s2], $0x200, $0x38;
	[tilespmem:$0x18800] =	vst v63  }
0x7b: {  	_ =	swait.ge [sflag:s31], $0x8000  }
0x7c: {  	[sflag:s31] =	ssyncset.done $0x0  }
0x7d: {  	[sflag:s31] =	ssyncadd.s32 $0xFFFF8000  }
0x7e: {  	_ =	swait.ge [sflag:s14], $0x200  }
0x7f: {  	[sflag:s14] =	ssyncset.done $0x0  }
0x80: {  	[sflag:s14] =	ssyncadd.s32 $0xFFFFFE00  }
0x81: {  	[tilespmem:s12], [sflag:$0x7] =	stream.indirect.gather [hbm4b:s3+s10], $0x40, s10, s10, $0xb8;
	[tilespmem:$0x18800] =	vst v63  }
0x82: {  	_ =	swait.ge [sflag:s11], $0x8000  }
0x83: {  	[sflag:s11] =	ssyncset.done $0x0  }
0x84: {  	s0 =	rddreg [dreg:$0xe];
	[sflag:s11] =	ssyncadd.s32 $0xFFFF8000  }
0x85: {  	[hbm4b:s0+s2] =	stream.linear.scatter [tilespmem:s8], [sflag:$0x8], $0x8000, $0x38;
	[tilespmem:$0x18800] =	vst v63  }
0x86: {  	s1 =	rddreg [dreg:$0xf]  }
0x87: {  	[tilespmem:s24], [sflag:$0x4] =	stream.linear.gather [hbm4b:s1+s2], $0x200, $0x38;
	[tilespmem:$0x18800] =	vst v63  }
0x88: {  	_ =	swait.ge [sflag:s25], $0x8000  }
0x89: {  	[sflag:s25] =	ssyncset.done $0x0  }
0x8a: {  	[sflag:s25] =	ssyncadd.s32 $0xFFFF8000  }
0x8b: {  	_ =	swait.ge [sflag:s30], $0x200  }
0x8c: {  	[sflag:s30] =	ssyncset.done $0x0  }
0x8d: {  	[sflag:s30] =	ssyncadd.s32 $0xFFFFFE00  }
0x8e: {  	[tilespmem:s8], [sflag:$0x5] =	stream.indirect.gather [hbm4b:s3+s10], $0x40, s28, s10, $0xb8;
	[tilespmem:$0x18800] =	vst v63  }
0x8f: {  	_ =	swait.ge [sflag:s13], $0x8000  }
0x90: {  	[sflag:s13] =	ssyncset.done $0x0  }
0x91: {  	s0 =	rddreg [dreg:$0x10];
	[sflag:s13] =	ssyncadd.s32 $0xFFFF8000  }
0x92: {  	[hbm4b:s0+s2] =	stream.linear.scatter [tilespmem:s7], [sflag:$0x9], $0x8000, $0x38;
	[tilespmem:$0x18800] =	vst v63  }
0x93: {  	s1 =	rddreg [dreg:$0x11]  }
0x94: {  	[tilespmem:s2], [sflag:$0x1] =	stream.linear.gather [hbm4b:s1+s2], $0x200, $0x38;
	[tilespmem:$0x18800] =	vst v63  }
0x95: {  	_ =	swait.ge [sflag:s21], $0x8000  }
0x96: {  	[sflag:s21] =	ssyncset.done $0x0  }
0x97: {  	[sflag:s21] =	ssyncadd.s32 $0xFFFF8000  }
0x98: {  	_ =	swait.ge [sflag:s29], $0x200  }
0x99: {  	[sflag:s29] =	ssyncset.done $0x0  }
0x9a: {  	[sflag:s29] =	ssyncadd.s32 $0xFFFFFE00  }
0x9b: {  	[tilespmem:s7], [sflag:$0x6] =	stream.indirect.gather [hbm4b:s3+s10], $0x40, s24, s10, $0xb8;
	[tilespmem:$0x18800] =	vst v63  }
0x9c: {  	_ =	swait.ge [sflag:s17], $0x8000  }
0x9d: {  	[sflag:s17] =	ssyncset.done $0x0  }
0x9e: {  	s0 =	rddreg [dreg:$0x12];
	[sflag:s17] =	ssyncadd.s32 $0xFFFF8000  }
0x9f: {  	[hbm4b:s0+s2] =	stream.linear.scatter [tilespmem:s12], [sflag:$0xA], $0x8000, $0x38;
	[tilespmem:$0x18800] =	vst v63  }
0xa0: {  	s1 =	rddreg [dreg:$0x13]  }
0xa1: {  	[tilespmem:s10], [sflag:$0x2] =	stream.linear.gather [hbm4b:s1+s2], $0x200, $0x38;
	[tilespmem:$0x18800] =	vst v63  }
0xa2: {  	_ =	swait.ge [sflag:s31], $0x8000  }
0xa3: {  	[sflag:s31] =	ssyncset.done $0x0  }
0xa4: {  	[sflag:s31] =	ssyncadd.s32 $0xFFFF8000  }
0xa5: {  	_ =	swait.ge [sflag:s20], $0x200  }
0xa6: {  	[sflag:s20] =	ssyncset.done $0x0  }
0xa7: {  	[sflag:s20] =	ssyncadd.s32 $0xFFFFFE00  }
0xa8: {  	[tilespmem:s12], [sflag:$0x7] =	stream.indirect.gather [hbm4b:s3+s10], $0x40, s2, s10, $0xb8;
	[tilespmem:$0x18800] =	vst v63  }
0xa9: {  	_ =	swait.ge [sflag:s11], $0x8000  }
0xaa: {  	[sflag:s11] =	ssyncset.done $0x0  }
0xab: {  	s0 =	rddreg [dreg:$0x14];
	[sflag:s11] =	ssyncadd.s32 $0xFFFF8000  }
0xac: {  	[hbm4b:s0+s2] =	stream.linear.scatter [tilespmem:s8], [sflag:$0x8], $0x8000, $0x38;
	[tilespmem:$0x18800] =	vst v63  }
0xad: {  	s1 =	rddreg [dreg:$0x15]  }
0xae: {  	[tilespmem:s28], [sflag:$0x3] =	stream.linear.gather [hbm4b:s1+s2], $0x200, $0x38;
	[tilespmem:$0x18800] =	vst v63  }
0xaf: {  	_ =	swait.ge [sflag:s25], $0x8000  }
0xb0: {  	[sflag:s25] =	ssyncset.done $0x0  }
0xb1: {  	[sflag:s25] =	ssyncadd.s32 $0xFFFF8000  }
0xb2: {  	_ =	swait.ge [sflag:s14], $0x200  }
0xb3: {  	[sflag:s14] =	ssyncset.done $0x0  }
0xb4: {  	[sflag:s14] =	ssyncadd.s32 $0xFFFFFE00  }
0xb5: {  	[tilespmem:s8], [sflag:$0x5] =	stream.indirect.gather [hbm4b:s3+s10], $0x40, s10, s10, $0xb8;
	[tilespmem:$0x18800] =	vst v63  }
0xb6: {  	_ =	swait.ge [sflag:s13], $0x8000  }
0xb7: {  	[sflag:s13] =	ssyncset.done $0x0  }
0xb8: {  	s0 =	rddreg [dreg:$0x16];
	[sflag:s13] =	ssyncadd.s32 $0xFFFF8000  }
0xb9: {  	[hbm4b:s0+s2] =	stream.linear.scatter [tilespmem:s7], [sflag:$0x9], $0x8000, $0x38;
	[tilespmem:$0x18800] =	vst v63  }
0xba: {  	s1 =	rddreg [dreg:$0x17]  }
0xbb: {  	[tilespmem:s24], [sflag:$0x4] =	stream.linear.gather [hbm4b:s1+s2], $0x200, $0x38;
	[tilespmem:$0x18800] =	vst v63  }
0xbc: {  	_ =	swait.ge [sflag:s21], $0x8000  }
0xbd: {  	[sflag:s21] =	ssyncset.done $0x0  }
0xbe: {  	[sflag:s21] =	ssyncadd.s32 $0xFFFF8000  }
0xbf: {  	_ =	swait.ge [sflag:s30], $0x200  }
0xc0: {  	[sflag:s30] =	ssyncset.done $0x0  }
0xc1: {  	[sflag:s30] =	ssyncadd.s32 $0xFFFFFE00  }
0xc2: {  	[tilespmem:s7], [sflag:$0x6] =	stream.indirect.gather [hbm4b:s3+s10], $0x40, s28, s10, $0xb8;
	[tilespmem:$0x18800] =	vst v63  }
0xc3: {  	_ =	swait.ge [sflag:s17], $0x8000  }
0xc4: {  	[sflag:s17] =	ssyncset.done $0x0  }
0xc5: {  	s0 =	rddreg [dreg:$0x18];
	[sflag:s17] =	ssyncadd.s32 $0xFFFF8000  }
0xc6: {  	[hbm4b:s0+s2] =	stream.linear.scatter [tilespmem:s12], [sflag:$0xA], $0x8000, $0x38;
	[tilespmem:$0x18800] =	vst v63  }
0xc7: {  	s1 =	rddreg [dreg:$0x19]  }
0xc8: {  	[tilespmem:s2], [sflag:$0x1] =	stream.linear.gather [hbm4b:s1+s2], $0x200, $0x38;
	[tilespmem:$0x18800] =	vst v63  }
0xc9: {  	_ =	swait.ge [sflag:s31], $0x8000  }
0xca: {  	[sflag:s31] =	ssyncset.done $0x0  }
0xcb: {  	[sflag:s31] =	ssyncadd.s32 $0xFFFF8000  }
0xcc: {  	_ =	swait.ge [sflag:s29], $0x200  }
0xcd: {  	[sflag:s29] =	ssyncset.done $0x0  }
0xce: {  	[sflag:s29] =	ssyncadd.s32 $0xFFFFFE00  }
0xcf: {  	[tilespmem:s12], [sflag:$0x7] =	stream.indirect.gather [hbm4b:s3+s10], $0x40, s24, s10, $0xb8;
	[tilespmem:$0x18800] =	vst v63  }
0xd0: {  	_ =	swait.ge [sflag:s11], $0x8000  }
0xd1: {  	[sflag:s11] =	ssyncset.done $0x0  }
0xd2: {  	s0 =	rddreg [dreg:$0x1a];
	[sflag:s11] =	ssyncadd.s32 $0xFFFF8000  }
0xd3: {  	[hbm4b:s0+s2] =	stream.linear.scatter [tilespmem:s8], [sflag:$0x8], $0x8000, $0x38;
	[tilespmem:$0x18800] =	vst v63  }
0xd4: {  	s1 =	rddreg [dreg:$0x1b]  }
0xd5: {  	[tilespmem:s10], [sflag:$0x2] =	stream.linear.gather [hbm4b:s1+s2], $0x200, $0x38;
	[tilespmem:$0x18800] =	vst v63  }
0xd6: {  	_ =	swait.ge [sflag:s25], $0x8000  }
0xd7: {  	[sflag:s25] =	ssyncset.done $0x0  }
0xd8: {  	[sflag:s25] =	ssyncadd.s32 $0xFFFF8000  }
0xd9: {  	_ =	swait.ge [sflag:s20], $0x200  }
0xda: {  	[sflag:s20] =	ssyncset.done $0x0  }
0xdb: {  	[sflag:s20] =	ssyncadd.s32 $0xFFFFFE00  }
0xdc: {  	[tilespmem:s8], [sflag:$0x5] =	stream.indirect.gather [hbm4b:s3+s10], $0x40, s2, s10, $0xb8;
	[tilespmem:$0x18800] =	vst v63  }
0xdd: {  	_ =	swait.ge [sflag:s13], $0x8000  }
0xde: {  	[sflag:s13] =	ssyncset.done $0x0  }
0xdf: {  	s0 =	rddreg [dreg:$0x1c];
	[sflag:s13] =	ssyncadd.s32 $0xFFFF8000  }
0xe0: {  	[hbm4b:s0+s2] =	stream.linear.scatter [tilespmem:s7], [sflag:$0x9], $0x8000, $0x38;
	[tilespmem:$0x18800] =	vst v63  }
0xe1: {  	s1 =	rddreg [dreg:$0x1d]  }
0xe2: {  	[tilespmem:s28], [sflag:$0x3] =	stream.linear.gather [hbm4b:s1+s2], $0x200, $0x38;
	[tilespmem:$0x18800] =	vst v63  }
0xe3: {  	_ =	swait.ge [sflag:s21], $0x8000  }
0xe4: {  	[sflag:s21] =	ssyncset.done $0x0  }
0xe5: {  	[sflag:s21] =	ssyncadd.s32 $0xFFFF8000  }
0xe6: {  	_ =	swait.ge [sflag:s14], $0x200  }
0xe7: {  	[sflag:s14] =	ssyncset.done $0x0  }
0xe8: {  	[sflag:s14] =	ssyncadd.s32 $0xFFFFFE00  }
0xe9: {  	[tilespmem:s7], [sflag:$0x6] =	stream.indirect.gather [hbm4b:s3+s10], $0x40, s10, s10, $0xb8;
	[tilespmem:$0x18800] =	vst v63  }
0xea: {  	_ =	swait.ge [sflag:s17], $0x8000  }
0xeb: {  	[sflag:s17] =	ssyncset.done $0x0  }
0xec: {  	s0 =	rddreg [dreg:$0x1e];
	[sflag:s17] =	ssyncadd.s32 $0xFFFF8000  }
0xed: {  	[hbm4b:s0+s2] =	stream.linear.scatter [tilespmem:s12], [sflag:$0xA], $0x8000, $0x38;
	[tilespmem:$0x18800] =	vst v63  }
0xee: {  	s1 =	rddreg [dreg:$0x1f]  }
0xef: {  	[tilespmem:s24], [sflag:$0x4] =	stream.linear.gather [hbm4b:s1+s2], $0x200, $0x38;
	[tilespmem:$0x18800] =	vst v63  }
0xf0: {  	_ =	swait.ge [sflag:s31], $0x8000  }
0xf1: {  	[sflag:s31] =	ssyncset.done $0x0  }
0xf2: {  	[sflag:s31] =	ssyncadd.s32 $0xFFFF8000  }
0xf3: {  	_ =	swait.ge [sflag:s30], $0x200  }
0xf4: {  	[sflag:s30] =	ssyncset.done $0x0  }
0xf5: {  	[sflag:s30] =	ssyncadd.s32 $0xFFFFFE00  }
0xf6: {  	[tilespmem:s12], [sflag:$0x7] =	stream.indirect.gather [hbm4b:s3+s10], $0x40, s28, s10, $0xb8;
	[tilespmem:$0x18800] =	vst v63  }
0xf7: {  	_ =	swait.ge [sflag:s11], $0x8000  }
0xf8: {  	s0 =	sld [smem:$0x7F1]  }
0xf9: {  	[sflag:s11] =	ssyncset.done $0x0  }
0xfa: {  	s1 =	sld [smem:$0x7F2];
	[sflag:s11] =	ssyncadd.s32 $0xFFFF8000  }
0xfb: {  	[hbm4b:s0+s2] =	stream.linear.scatter [tilespmem:s8], [sflag:$0x8], $0x8000, $0x38;
	[tilespmem:$0x18800] =	vst v63  }
0xfc: {  	_ = 	snop  }
0xfd: {  	[tilespmem:s2], [sflag:$0x1] =	stream.linear.gather [hbm4b:s1+s2], $0x200, $0x38;
	[tilespmem:$0x18800] =	vst v63  }
0xfe: {  	_ =	swait.ge [sflag:s25], $0x8000  }
0xff: {  	[sflag:s25] =	ssyncset.done $0x0  }
0x100: {  	[sflag:s25] =	ssyncadd.s32 $0xFFFF8000  }
0x101: {  	_ =	swait.ge [sflag:s29], $0x200  }
0x102: {  	[sflag:s29] =	ssyncset.done $0x0  }
0x103: {  	[sflag:s29] =	ssyncadd.s32 $0xFFFFFE00  }
0x104: {  	[tilespmem:s8], [sflag:$0x5] =	stream.indirect.gather [hbm4b:s3+s10], $0x40, s24, s10, $0xb8;
	[tilespmem:$0x18800] =	vst v63  }
0x105: {  	_ =	swait.ge [sflag:s13], $0x8000  }
0x106: {  	s0 =	sld [smem:$0x7F3]  }
0x107: {  	[sflag:s13] =	ssyncset.done $0x0  }
0x108: {  	s1 =	sld [smem:$0x7F4];
	[sflag:s13] =	ssyncadd.s32 $0xFFFF8000  }
0x109: {  	[hbm4b:s0+s2] =	stream.linear.scatter [tilespmem:s7], [sflag:$0x9], $0x8000, $0x38;
	[tilespmem:$0x18800] =	vst v63  }
0x10a: {  	_ = 	snop  }
0x10b: {  	[tilespmem:s10], [sflag:$0x2] =	stream.linear.gather [hbm4b:s1+s2], $0x200, $0x38;
	[tilespmem:$0x18800] =	vst v63  }
0x10c: {  	_ =	swait.ge [sflag:s21], $0x8000  }
0x10d: {  	[sflag:s21] =	ssyncset.done $0x0  }
0x10e: {  	[sflag:s21] =	ssyncadd.s32 $0xFFFF8000  }
0x10f: {  	_ =	swait.ge [sflag:s20], $0x200  }
0x110: {  	[sflag:s20] =	ssyncset.done $0x0  }
0x111: {  	[sflag:s20] =	ssyncadd.s32 $0xFFFFFE00  }
0x112: {  	[tilespmem:s7], [sflag:$0x6] =	stream.indirect.gather [hbm4b:s3+s10], $0x40, s2, s10, $0xb8;
	[tilespmem:$0x18800] =	vst v63  }
0x113: {  	_ =	swait.ge [sflag:s17], $0x8000  }
0x114: {  	s0 =	sld [smem:$0x7F5]  }
0x115: {  	[sflag:s17] =	ssyncset.done $0x0  }
0x116: {  	s1 =	sld [smem:$0x7F6];
	[sflag:s17] =	ssyncadd.s32 $0xFFFF8000  }
0x117: {  	[hbm4b:s0+s2] =	stream.linear.scatter [tilespmem:s12], [sflag:$0xA], $0x8000, $0x38;
	[tilespmem:$0x18800] =	vst v63  }
0x118: {  	_ = 	snop  }
0x119: {  	[tilespmem:s28], [sflag:$0x3] =	stream.linear.gather [hbm4b:s1+s2], $0x200, $0x38;
	[tilespmem:$0x18800] =	vst v63  }
0x11a: {  	_ =	swait.ge [sflag:s31], $0x8000  }
0x11b: {  	[sflag:s31] =	ssyncset.done $0x0  }
0x11c: {  	[sflag:s31] =	ssyncadd.s32 $0xFFFF8000  }
0x11d: {  	_ =	swait.ge [sflag:s14], $0x200  }
0x11e: {  	[sflag:s14] =	ssyncset.done $0x0  }
0x11f: {  	[sflag:s14] =	ssyncadd.s32 $0xFFFFFE00  }
0x120: {  	[tilespmem:s12], [sflag:$0x7] =	stream.indirect.gather [hbm4b:s3+s10], $0x40, s10, s10, $0xb8;
	[tilespmem:$0x18800] =	vst v63  }
0x121: {  	_ =	swait.ge [sflag:s11], $0x8000  }
0x122: {  	s0 =	sld [smem:$0x7F7]  }
0x123: {  	[sflag:s11] =	ssyncset.done $0x0  }
0x124: {  	s1 =	sld [smem:$0x7F8];
	[sflag:s11] =	ssyncadd.s32 $0xFFFF8000  }
0x125: {  	[hbm4b:s0+s2] =	stream.linear.scatter [tilespmem:s8], [sflag:$0x8], $0x8000, $0x38;
	[tilespmem:$0x18800] =	vst v63  }
0x126: {  	_ = 	snop  }
0x127: {  	[tilespmem:s24], [sflag:$0x4] =	stream.linear.gather [hbm4b:s1+s2], $0x200, $0x38;
	[tilespmem:$0x18800] =	vst v63  }
0x128: {  	_ =	swait.ge [sflag:s25], $0x8000  }
0x129: {  	[sflag:s25] =	ssyncset.done $0x0  }
0x12a: {  	[sflag:s25] =	ssyncadd.s32 $0xFFFF8000  }
0x12b: {  	_ =	swait.ge [sflag:s30], $0x200  }
0x12c: {  	[sflag:s30] =	ssyncset.done $0x0  }
0x12d: {  	[sflag:s30] =	ssyncadd.s32 $0xFFFFFE00  }
0x12e: {  	[tilespmem:s8], [sflag:$0x5] =	stream.indirect.gather [hbm4b:s3+s10], $0x40, s28, s10, $0xb8;
	[tilespmem:$0x18800] =	vst v63  }
0x12f: {  	_ =	swait.ge [sflag:s13], $0x8000  }
0x130: {  	s0 =	sld [smem:$0x7F9]  }
0x131: {  	[sflag:s13] =	ssyncset.done $0x0  }
0x132: {  	s1 =	sld [smem:$0x7FA];
	[sflag:s13] =	ssyncadd.s32 $0xFFFF8000  }
0x133: {  	[hbm4b:s0+s2] =	stream.linear.scatter [tilespmem:s7], [sflag:$0x9], $0x8000, $0x38;
	[tilespmem:$0x18800] =	vst v63  }
0x134: {  	_ = 	snop  }
0x135: {  	[tilespmem:s2], [sflag:$0x1] =	stream.linear.gather [hbm4b:s1+s2], $0x200, $0x38;
	[tilespmem:$0x18800] =	vst v63  }
0x136: {  	_ =	swait.ge [sflag:s21], $0x8000  }
0x137: {  	[sflag:s21] =	ssyncset.done $0x0  }
0x138: {  	[sflag:s21] =	ssyncadd.s32 $0xFFFF8000  }
0x139: {  	_ =	swait.ge [sflag:s29], $0x200  }
0x13a: {  	[sflag:s29] =	ssyncset.done $0x0  }
0x13b: {  	[sflag:s29] =	ssyncadd.s32 $0xFFFFFE00  }
0x13c: {  	[tilespmem:s7], [sflag:$0x6] =	stream.indirect.gather [hbm4b:s3+s10], $0x40, s24, s10, $0xb8;
	[tilespmem:$0x18800] =	vst v63  }
0x13d: {  	_ =	swait.ge [sflag:s17], $0x8000  }
0x13e: {  	s0 =	sld [smem:$0x7FB]  }
0x13f: {  	[sflag:s17] =	ssyncset.done $0x0  }
0x140: {  	s1 =	sld [smem:$0x7FC];
	[sflag:s17] =	ssyncadd.s32 $0xFFFF8000  }
0x141: {  	[hbm4b:s0+s2] =	stream.linear.scatter [tilespmem:s12], [sflag:$0xA], $0x8000, $0x38;
	[tilespmem:$0x18800] =	vst v63  }
0x142: {  	_ = 	snop  }
0x143: {  	[tilespmem:s10], [sflag:$0x2] =	stream.linear.gather [hbm4b:s1+s2], $0x200, $0x38;
	[tilespmem:$0x18800] =	vst v63  }
0x144: {  	_ =	swait.ge [sflag:s31], $0x8000  }
0x145: {  	[sflag:s31] =	ssyncset.done $0x0  }
0x146: {  	[sflag:s31] =	ssyncadd.s32 $0xFFFF8000  }
0x147: {  	_ =	swait.ge [sflag:s20], $0x200  }
0x148: {  	[sflag:s20] =	ssyncset.done $0x0  }
0x149: {  	[sflag:s20] =	ssyncadd.s32 $0xFFFFFE00  }
0x14a: {  	[tilespmem:s12], [sflag:$0x7] =	stream.indirect.gather [hbm4b:s3+s10], $0x40, s2, s10, $0xb8;
	[tilespmem:$0x18800] =	vst v63  }
0x14b: {  	_ =	swait.ge [sflag:s11], $0x8000  }
0x14c: {  	s1 =	sld [smem:$0x7FD]  }
0x14d: {  	[sflag:s11] =	ssyncset.done $0x0  }
0x14e: {  	[sflag:s11] =	ssyncadd.s32 $0xFFFF8000  }
0x14f: {  	[hbm4b:s1+s2] =	stream.linear.scatter [tilespmem:s8], [sflag:$0x8], $0x8000, $0x38;
	[tilespmem:$0x18800] =	vst v63  }
0x150: {  	_ = 	snop  }
0x151: {  	[tilespmem:s28], [sflag:$0x3] =	stream.linear.gather [hbm4b:s26+s2], $0x200, $0x38;
	[tilespmem:$0x18800] =	vst v63  }
0x152: {  	_ =	swait.ge [sflag:s25], $0x8000  }
0x153: {  	[sflag:s25] =	ssyncset.done $0x0  }
0x154: {  	[sflag:s25] =	ssyncadd.s32 $0xFFFF8000  }
0x155: {  	_ =	swait.ge [sflag:s14], $0x200  }
0x156: {  	[sflag:s14] =	ssyncset.done $0x0  }
0x157: {  	[sflag:s14] =	ssyncadd.s32 $0xFFFFFE00  }
0x158: {  	[tilespmem:s8], [sflag:$0x5] =	stream.indirect.gather [hbm4b:s3+s10], $0x40, s10, s10, $0xb8;
	[tilespmem:$0x18800] =	vst v63  }
0x159: {  	_ =	swait.ge [sflag:s13], $0x8000  }
0x15a: {  	[sflag:s13] =	ssyncset.done $0x0  }
0x15b: {  	[sflag:s13] =	ssyncadd.s32 $0xFFFF8000  }
0x15c: {  	[hbm4b:s22+s2] =	stream.linear.scatter [tilespmem:s7], [sflag:$0x9], $0x8000, $0x38;
	[tilespmem:$0x18800] =	vst v63  }
0x15d: {  	_ = 	snop  }
0x15e: {  	[tilespmem:s24], [sflag:$0x4] =	stream.linear.gather [hbm4b:s23+s2], $0x200, $0x38;
	[tilespmem:$0x18800] =	vst v63  }
0x15f: {  	_ =	swait.ge [sflag:s21], $0x8000  }
0x160: {  	[sflag:s21] =	ssyncset.done $0x0  }
0x161: {  	[sflag:s21] =	ssyncadd.s32 $0xFFFF8000  }
0x162: {  	_ =	swait.ge [sflag:s30], $0x200  }
0x163: {  	[sflag:s30] =	ssyncset.done $0x0  }
0x164: {  	[sflag:s30] =	ssyncadd.s32 $0xFFFFFE00  }
0x165: {  	[tilespmem:s7], [sflag:$0x6] =	stream.indirect.gather [hbm4b:s3+s10], $0x40, s28, s10, $0xb8;
	[tilespmem:$0x18800] =	vst v63  }
0x166: {  	_ =	swait.ge [sflag:s17], $0x8000  }
0x167: {  	[sflag:s17] =	ssyncset.done $0x0  }
0x168: {  	[sflag:s17] =	ssyncadd.s32 $0xFFFF8000  }
0x169: {  	[hbm4b:s18+s2] =	stream.linear.scatter [tilespmem:s12], [sflag:$0xA], $0x8000, $0x38;
	[tilespmem:$0x18800] =	vst v63  }
0x16a: {  	_ = 	snop  }
0x16b: {  	[tilespmem:s2], [sflag:$0x1] =	stream.linear.gather [hbm4b:s19+s2], $0x200, $0x38;
	[tilespmem:$0x18800] =	vst v63  }
0x16c: {  	_ =	swait.ge [sflag:s31], $0x8000  }
0x16d: {  	[sflag:s31] =	ssyncset.done $0x0  }
0x16e: {  	[sflag:s31] =	ssyncadd.s32 $0xFFFF8000  }
0x16f: {  	_ =	swait.ge [sflag:s29], $0x200  }
0x170: {  	[sflag:s29] =	ssyncset.done $0x0  }
0x171: {  	[sflag:s29] =	ssyncadd.s32 $0xFFFFFE00  }
0x172: {  	[tilespmem:s12], [sflag:$0x7] =	stream.indirect.gather [hbm4b:s3+s10], $0x40, s24, s10, $0xb8;
	[tilespmem:$0x18800] =	vst v63  }
0x173: {  	_ =	swait.ge [sflag:s11], $0x8000  }
0x174: {  	[sflag:s11] =	ssyncset.done $0x0  }
0x175: {  	[sflag:s11] =	ssyncadd.s32 $0xFFFF8000  }
0x176: {  	[hbm4b:s15+s2] =	stream.linear.scatter [tilespmem:s8], [sflag:$0x8], $0x8000, $0x38;
	[tilespmem:$0x18800] =	vst v63  }
0x177: {  	_ = 	snop  }
0x178: {  	[tilespmem:s10], [sflag:$0x2] =	stream.linear.gather [hbm4b:s16+s2], $0x200, $0x38;
	[tilespmem:$0x18800] =	vst v63  }
0x179: {  	_ =	swait.ge [sflag:s25], $0x8000  }
0x17a: {  	[sflag:s25] =	ssyncset.done $0x0  }
0x17b: {  	[sflag:s25] =	ssyncadd.s32 $0xFFFF8000  }
0x17c: {  	_ =	swait.ge [sflag:s20], $0x200  }
0x17d: {  	[sflag:s20] =	ssyncset.done $0x0  }
0x17e: {  	[sflag:s20] =	ssyncadd.s32 $0xFFFFFE00  }
0x17f: {  	[tilespmem:s8], [sflag:$0x5] =	stream.indirect.gather [hbm4b:s3+s10], $0x40, s2, s10, $0xb8;
	[tilespmem:$0x18800] =	vst v63  }
0x180: {  	_ =	swait.ge [sflag:s13], $0x8000  }
0x181: {  	[sflag:s13] =	ssyncset.done $0x0  }
0x182: {  	[sflag:s13] =	ssyncadd.s32 $0xFFFF8000  }
0x183: {  	[hbm4b:s9+s2] =	stream.linear.scatter [tilespmem:s7], [sflag:$0x9], $0x8000, $0x38;
	[tilespmem:$0x18800] =	vst v63  }
0x184: {  	_ =	swait.ge [sflag:s21], $0x8000  }
0x185: {  	[sflag:s21] =	ssyncset.done $0x0  }
0x186: {  	[sflag:s21] =	ssyncadd.s32 $0xFFFF8000  }
0x187: {  	_ =	swait.ge [sflag:s14], $0x200  }
0x188: {  	[sflag:s14] =	ssyncset.done $0x0  }
0x189: {  	[sflag:s14] =	ssyncadd.s32 $0xFFFFFE00  }
0x18a: {  	[tilespmem:s7], [sflag:$0x6] =	stream.indirect.gather [hbm4b:s3+s10], $0x40, s10, s10, $0xb8;
	[tilespmem:$0x18800] =	vst v63  }
0x18b: {  	_ =	swait.ge [sflag:s17], $0x8000  }
0x18c: {  	[sflag:s17] =	ssyncset.done $0x0  }
0x18d: {  	[sflag:s17] =	ssyncadd.s32 $0xFFFF8000  }
0x18e: {  	[hbm4b:s6+s2] =	stream.linear.scatter [tilespmem:s12], [sflag:$0xA], $0x8000, $0x38;
	[tilespmem:$0x18800] =	vst v63  }
0x18f: {  	_ =	swait.ge [sflag:s11], $0x8000  }
0x190: {  	[sflag:s11] =	ssyncset.done $0x0  }
0x191: {  	[sflag:s11] =	ssyncadd.s32 $0xFFFF8000  }
0x192: {  	[hbm4b:s5+s2] =	stream.linear.scatter [tilespmem:s8], [sflag:$0x8], $0x8000, $0x38;
	[tilespmem:$0x18800] =	vst v63  }
0x193: {  	_ =	swait.ge [sflag:s13], $0x8000  }
0x194: {  	s1 =	sld [smem:$0x7EF];
	_ =	sdelay $0x2  }
0x195: {  	p1 =	sne.s32 s1, $0x1  }
.Ltmp1:
0x196: {  	_ = 	snop;
	(pc) =	sbr.rel @!p1 .LBB2_3-.Ltmp1, $3  }
0x197: {  	_ =	sdelay $0x1  }
0x198: {  	p0 =	por $0x1, $0x1;
	[sflag:s13] =	ssyncset.done $0x0;
	s0 =	rddreg [dreg:$0x4]  }
0x199: {  	[smem:$0x7F0] =	sst s26;
	[sflag:s13] =	ssyncadd.s32 $0xFFFF8000;
	s1 =	sadd.s32 $0xFFFFFFFF, s1  }
.LBB2_2:
0x19a: {  	[hbm4b:s4+s2] =	stream.linear.scatter [tilespmem:s7], [sflag:$0x9], $0x8000, $0x38;
	[tilespmem:$0x18800] =	vst v63  }
0x19b: {  	s26 =	smov.u32 s23;
	s23 =	smov.u32 s22  }
0x19c: {  	s22 =	smov.u32 s19;
	s19 =	smov.u32 s18;
	s18 =	smov.u32 s16  }
0x19d: {  	s16 =	smov.u32 s15;
	s15 =	smov.u32 s9;
	s9 =	smov.u32 s6  }
0x19e: {  	[tilespmem:s2], [sflag:$0x1] =	stream.linear.gather [hbm4b:s0+s2], $0x200, $0x38;
	[tilespmem:$0x18800] =	vst v63  }
0x19f: {  	s6 =	smov.u32 s5;
	s5 =	smov.u32 s4;
	s4 =	rddreg [dreg:$0x5]  }
0x1a0: {  	[tilespmem:s10], [sflag:$0x2] =	stream.linear.gather [hbm4b:s4+s2], $0x200, $0x38;
	[tilespmem:$0x18800] =	vst v63  }
0x1a1: {  	s0 =	rddreg [dreg:$0x6]  }
0x1a2: {  	[tilespmem:s28], [sflag:$0x3] =	stream.linear.gather [hbm4b:s0+s2], $0x200, $0x38;
	[tilespmem:$0x18800] =	vst v63  }
0x1a3: {  	s4 =	rddreg [dreg:$0x7]  }
0x1a4: {  	[tilespmem:s24], [sflag:$0x4] =	stream.linear.gather [hbm4b:s4+s2], $0x200, $0x38;
	[tilespmem:$0x18800] =	vst v63  }
0x1a5: {  	_ =	swait.ge [sflag:s20], $0x200  }
0x1a6: {  	[sflag:s20] =	ssyncset.done $0x0  }
0x1a7: {  	[sflag:s20] =	ssyncadd.s32 $0xFFFFFE00  }
0x1a8: {  	[tilespmem:s8], [sflag:$0x5] =	stream.indirect.gather [hbm4b:s3+s10], $0x40, s2, s10, $0xb8;
	[tilespmem:$0x18800] =	vst v63  }
0x1a9: {  	_ =	swait.ge [sflag:s14], $0x200  }
0x1aa: {  	[sflag:s14] =	ssyncset.done $0x0  }
0x1ab: {  	[sflag:s14] =	ssyncadd.s32 $0xFFFFFE00  }
0x1ac: {  	[tilespmem:s7], [sflag:$0x6] =	stream.indirect.gather [hbm4b:s3+s10], $0x40, s10, s10, $0xb8;
	[tilespmem:$0x18800] =	vst v63  }
0x1ad: {  	_ =	swait.ge [sflag:s30], $0x200  }
0x1ae: {  	[sflag:s30] =	ssyncset.done $0x0  }
0x1af: {  	[sflag:s30] =	ssyncadd.s32 $0xFFFFFE00  }
0x1b0: {  	[tilespmem:s12], [sflag:$0x7] =	stream.indirect.gather [hbm4b:s3+s10], $0x40, s28, s10, $0xb8;
	[tilespmem:$0x18800] =	vst v63  }
0x1b1: {  	_ =	swait.ge [sflag:s11], $0x8000  }
0x1b2: {  	[sflag:s11] =	ssyncset.done $0x0  }
0x1b3: {  	s0 =	rddreg [dreg:$0x8];
	[sflag:s11] =	ssyncadd.s32 $0xFFFF8000  }
0x1b4: {  	[hbm4b:s0+s2] =	stream.linear.scatter [tilespmem:s8], [sflag:$0x8], $0x8000, $0x38;
	[tilespmem:$0x18800] =	vst v63  }
0x1b5: {  	s4 =	rddreg [dreg:$0x9]  }
0x1b6: {  	[tilespmem:s2], [sflag:$0x1] =	stream.linear.gather [hbm4b:s4+s2], $0x200, $0x38;
	[tilespmem:$0x18800] =	vst v63  }
0x1b7: {  	_ =	swait.ge [sflag:s25], $0x8000  }
0x1b8: {  	[sflag:s25] =	ssyncset.done $0x0  }
0x1b9: {  	[sflag:s25] =	ssyncadd.s32 $0xFFFF8000  }
0x1ba: {  	_ =	swait.ge [sflag:s29], $0x200  }
0x1bb: {  	[sflag:s29] =	ssyncset.done $0x0  }
0x1bc: {  	[sflag:s29] =	ssyncadd.s32 $0xFFFFFE00  }
0x1bd: {  	[tilespmem:s8], [sflag:$0x5] =	stream.indirect.gather [hbm4b:s3+s10], $0x40, s24, s10, $0xb8;
	[tilespmem:$0x18800] =	vst v63  }
0x1be: {  	_ =	swait.ge [sflag:s13], $0x8000  }
0x1bf: {  	[sflag:s13] =	ssyncset.done $0x0  }
0x1c0: {  	s0 =	rddreg [dreg:$0xa];
	[sflag:s13] =	ssyncadd.s32 $0xFFFF8000  }
0x1c1: {  	[hbm4b:s0+s2] =	stream.linear.scatter [tilespmem:s7], [sflag:$0x9], $0x8000, $0x38;
	[tilespmem:$0x18800] =	vst v63  }
0x1c2: {  	s4 =	rddreg [dreg:$0xb]  }
0x1c3: {  	[tilespmem:s10], [sflag:$0x2] =	stream.linear.gather [hbm4b:s4+s2], $0x200, $0x38;
	[tilespmem:$0x18800] =	vst v63  }
0x1c4: {  	_ =	swait.ge [sflag:s21], $0x8000  }
0x1c5: {  	[sflag:s21] =	ssyncset.done $0x0  }
0x1c6: {  	[sflag:s21] =	ssyncadd.s32 $0xFFFF8000  }
0x1c7: {  	_ =	swait.ge [sflag:s20], $0x200  }
0x1c8: {  	[sflag:s20] =	ssyncset.done $0x0  }
0x1c9: {  	[sflag:s20] =	ssyncadd.s32 $0xFFFFFE00  }
0x1ca: {  	[tilespmem:s7], [sflag:$0x6] =	stream.indirect.gather [hbm4b:s3+s10], $0x40, s2, s10, $0xb8;
	[tilespmem:$0x18800] =	vst v63  }
0x1cb: {  	_ =	swait.ge [sflag:s17], $0x8000  }
0x1cc: {  	[sflag:s17] =	ssyncset.done $0x0  }
0x1cd: {  	s0 =	rddreg [dreg:$0xc];
	[sflag:s17] =	ssyncadd.s32 $0xFFFF8000  }
0x1ce: {  	[hbm4b:s0+s2] =	stream.linear.scatter [tilespmem:s12], [sflag:$0xA], $0x8000, $0x38;
	[tilespmem:$0x18800] =	vst v63  }
0x1cf: {  	s4 =	rddreg [dreg:$0xd]  }
0x1d0: {  	[tilespmem:s28], [sflag:$0x3] =	stream.linear.gather [hbm4b:s4+s2], $0x200, $0x38;
	[tilespmem:$0x18800] =	vst v63  }
0x1d1: {  	_ =	swait.ge [sflag:s31], $0x8000  }
0x1d2: {  	[sflag:s31] =	ssyncset.done $0x0  }
0x1d3: {  	[sflag:s31] =	ssyncadd.s32 $0xFFFF8000  }
0x1d4: {  	_ =	swait.ge [sflag:s14], $0x200  }
0x1d5: {  	[sflag:s14] =	ssyncset.done $0x0  }
0x1d6: {  	[sflag:s14] =	ssyncadd.s32 $0xFFFFFE00  }
0x1d7: {  	[tilespmem:s12], [sflag:$0x7] =	stream.indirect.gather [hbm4b:s3+s10], $0x40, s10, s10, $0xb8;
	[tilespmem:$0x18800] =	vst v63  }
0x1d8: {  	_ =	swait.ge [sflag:s11], $0x8000  }
0x1d9: {  	[sflag:s11] =	ssyncset.done $0x0  }
0x1da: {  	s0 =	rddreg [dreg:$0xe];
	[sflag:s11] =	ssyncadd.s32 $0xFFFF8000  }
0x1db: {  	[hbm4b:s0+s2] =	stream.linear.scatter [tilespmem:s8], [sflag:$0x8], $0x8000, $0x38;
	[tilespmem:$0x18800] =	vst v63  }
0x1dc: {  	s4 =	rddreg [dreg:$0xf]  }
0x1dd: {  	[tilespmem:s24], [sflag:$0x4] =	stream.linear.gather [hbm4b:s4+s2], $0x200, $0x38;
	[tilespmem:$0x18800] =	vst v63  }
0x1de: {  	_ =	swait.ge [sflag:s25], $0x8000  }
0x1df: {  	[sflag:s25] =	ssyncset.done $0x0  }
0x1e0: {  	[sflag:s25] =	ssyncadd.s32 $0xFFFF8000  }
0x1e1: {  	_ =	swait.ge [sflag:s30], $0x200  }
0x1e2: {  	[sflag:s30] =	ssyncset.done $0x0  }
0x1e3: {  	[sflag:s30] =	ssyncadd.s32 $0xFFFFFE00  }
0x1e4: {  	[tilespmem:s8], [sflag:$0x5] =	stream.indirect.gather [hbm4b:s3+s10], $0x40, s28, s10, $0xb8;
	[tilespmem:$0x18800] =	vst v63  }
0x1e5: {  	_ =	swait.ge [sflag:s13], $0x8000  }
0x1e6: {  	[sflag:s13] =	ssyncset.done $0x0  }
0x1e7: {  	s0 =	rddreg [dreg:$0x10];
	[sflag:s13] =	ssyncadd.s32 $0xFFFF8000  }
0x1e8: {  	[hbm4b:s0+s2] =	stream.linear.scatter [tilespmem:s7], [sflag:$0x9], $0x8000, $0x38;
	[tilespmem:$0x18800] =	vst v63  }
0x1e9: {  	s4 =	rddreg [dreg:$0x11]  }
0x1ea: {  	[tilespmem:s2], [sflag:$0x1] =	stream.linear.gather [hbm4b:s4+s2], $0x200, $0x38;
	[tilespmem:$0x18800] =	vst v63  }
0x1eb: {  	_ =	swait.ge [sflag:s21], $0x8000  }
0x1ec: {  	[sflag:s21] =	ssyncset.done $0x0  }
0x1ed: {  	[sflag:s21] =	ssyncadd.s32 $0xFFFF8000  }
0x1ee: {  	_ =	swait.ge [sflag:s29], $0x200  }
0x1ef: {  	[sflag:s29] =	ssyncset.done $0x0  }
0x1f0: {  	[sflag:s29] =	ssyncadd.s32 $0xFFFFFE00  }
0x1f1: {  	[tilespmem:s7], [sflag:$0x6] =	stream.indirect.gather [hbm4b:s3+s10], $0x40, s24, s10, $0xb8;
	[tilespmem:$0x18800] =	vst v63  }
0x1f2: {  	_ =	swait.ge [sflag:s17], $0x8000  }
0x1f3: {  	[sflag:s17] =	ssyncset.done $0x0  }
0x1f4: {  	s0 =	rddreg [dreg:$0x12];
	[sflag:s17] =	ssyncadd.s32 $0xFFFF8000  }
0x1f5: {  	[hbm4b:s0+s2] =	stream.linear.scatter [tilespmem:s12], [sflag:$0xA], $0x8000, $0x38;
	[tilespmem:$0x18800] =	vst v63  }
0x1f6: {  	s4 =	rddreg [dreg:$0x13]  }
0x1f7: {  	[tilespmem:s10], [sflag:$0x2] =	stream.linear.gather [hbm4b:s4+s2], $0x200, $0x38;
	[tilespmem:$0x18800] =	vst v63  }
0x1f8: {  	_ =	swait.ge [sflag:s31], $0x8000  }
0x1f9: {  	[sflag:s31] =	ssyncset.done $0x0  }
0x1fa: {  	[sflag:s31] =	ssyncadd.s32 $0xFFFF8000  }
0x1fb: {  	_ =	swait.ge [sflag:s20], $0x200  }
0x1fc: {  	[sflag:s20] =	ssyncset.done $0x0  }
0x1fd: {  	[sflag:s20] =	ssyncadd.s32 $0xFFFFFE00  }
0x1fe: {  	[tilespmem:s12], [sflag:$0x7] =	stream.indirect.gather [hbm4b:s3+s10], $0x40, s2, s10, $0xb8;
	[tilespmem:$0x18800] =	vst v63  }
0x1ff: {  	_ =	swait.ge [sflag:s11], $0x8000  }
0x200: {  	[sflag:s11] =	ssyncset.done $0x0  }
0x201: {  	s0 =	rddreg [dreg:$0x14];
	[sflag:s11] =	ssyncadd.s32 $0xFFFF8000  }
0x202: {  	[hbm4b:s0+s2] =	stream.linear.scatter [tilespmem:s8], [sflag:$0x8], $0x8000, $0x38;
	[tilespmem:$0x18800] =	vst v63  }
0x203: {  	s4 =	rddreg [dreg:$0x15]  }
0x204: {  	[tilespmem:s28], [sflag:$0x3] =	stream.linear.gather [hbm4b:s4+s2], $0x200, $0x38;
	[tilespmem:$0x18800] =	vst v63  }
0x205: {  	_ =	swait.ge [sflag:s25], $0x8000  }
0x206: {  	[sflag:s25] =	ssyncset.done $0x0  }
0x207: {  	[sflag:s25] =	ssyncadd.s32 $0xFFFF8000  }
0x208: {  	_ =	swait.ge [sflag:s14], $0x200  }
0x209: {  	[sflag:s14] =	ssyncset.done $0x0  }
0x20a: {  	[sflag:s14] =	ssyncadd.s32 $0xFFFFFE00  }
0x20b: {  	[tilespmem:s8], [sflag:$0x5] =	stream.indirect.gather [hbm4b:s3+s10], $0x40, s10, s10, $0xb8;
	[tilespmem:$0x18800] =	vst v63  }
0x20c: {  	_ =	swait.ge [sflag:s13], $0x8000  }
0x20d: {  	[sflag:s13] =	ssyncset.done $0x0  }
0x20e: {  	s0 =	rddreg [dreg:$0x16];
	[sflag:s13] =	ssyncadd.s32 $0xFFFF8000  }
0x20f: {  	[hbm4b:s0+s2] =	stream.linear.scatter [tilespmem:s7], [sflag:$0x9], $0x8000, $0x38;
	[tilespmem:$0x18800] =	vst v63  }
0x210: {  	s4 =	rddreg [dreg:$0x17]  }
0x211: {  	[tilespmem:s24], [sflag:$0x4] =	stream.linear.gather [hbm4b:s4+s2], $0x200, $0x38;
	[tilespmem:$0x18800] =	vst v63  }
0x212: {  	_ =	swait.ge [sflag:s21], $0x8000  }
0x213: {  	[sflag:s21] =	ssyncset.done $0x0  }
0x214: {  	[sflag:s21] =	ssyncadd.s32 $0xFFFF8000  }
0x215: {  	_ =	swait.ge [sflag:s30], $0x200  }
0x216: {  	[sflag:s30] =	ssyncset.done $0x0  }
0x217: {  	[sflag:s30] =	ssyncadd.s32 $0xFFFFFE00  }
0x218: {  	[tilespmem:s7], [sflag:$0x6] =	stream.indirect.gather [hbm4b:s3+s10], $0x40, s28, s10, $0xb8;
	[tilespmem:$0x18800] =	vst v63  }
0x219: {  	_ =	swait.ge [sflag:s17], $0x8000  }
0x21a: {  	[sflag:s17] =	ssyncset.done $0x0  }
0x21b: {  	s0 =	rddreg [dreg:$0x18];
	[sflag:s17] =	ssyncadd.s32 $0xFFFF8000  }
0x21c: {  	[hbm4b:s0+s2] =	stream.linear.scatter [tilespmem:s12], [sflag:$0xA], $0x8000, $0x38;
	[tilespmem:$0x18800] =	vst v63  }
0x21d: {  	s4 =	rddreg [dreg:$0x19]  }
0x21e: {  	[tilespmem:s2], [sflag:$0x1] =	stream.linear.gather [hbm4b:s4+s2], $0x200, $0x38;
	[tilespmem:$0x18800] =	vst v63  }
0x21f: {  	_ =	swait.ge [sflag:s31], $0x8000  }
0x220: {  	[sflag:s31] =	ssyncset.done $0x0  }
0x221: {  	[sflag:s31] =	ssyncadd.s32 $0xFFFF8000  }
0x222: {  	_ =	swait.ge [sflag:s29], $0x200  }
0x223: {  	[sflag:s29] =	ssyncset.done $0x0  }
0x224: {  	[sflag:s29] =	ssyncadd.s32 $0xFFFFFE00  }
0x225: {  	[tilespmem:s12], [sflag:$0x7] =	stream.indirect.gather [hbm4b:s3+s10], $0x40, s24, s10, $0xb8;
	[tilespmem:$0x18800] =	vst v63  }
0x226: {  	_ =	swait.ge [sflag:s11], $0x8000  }
0x227: {  	[sflag:s11] =	ssyncset.done $0x0  }
0x228: {  	s0 =	rddreg [dreg:$0x1a];
	[sflag:s11] =	ssyncadd.s32 $0xFFFF8000  }
0x229: {  	[hbm4b:s0+s2] =	stream.linear.scatter [tilespmem:s8], [sflag:$0x8], $0x8000, $0x38;
	[tilespmem:$0x18800] =	vst v63  }
0x22a: {  	s4 =	rddreg [dreg:$0x1b]  }
0x22b: {  	[tilespmem:s10], [sflag:$0x2] =	stream.linear.gather [hbm4b:s4+s2], $0x200, $0x38;
	[tilespmem:$0x18800] =	vst v63  }
0x22c: {  	_ =	swait.ge [sflag:s25], $0x8000  }
0x22d: {  	[sflag:s25] =	ssyncset.done $0x0  }
0x22e: {  	[sflag:s25] =	ssyncadd.s32 $0xFFFF8000  }
0x22f: {  	_ =	swait.ge [sflag:s20], $0x200  }
0x230: {  	[sflag:s20] =	ssyncset.done $0x0  }
0x231: {  	[sflag:s20] =	ssyncadd.s32 $0xFFFFFE00  }
0x232: {  	[tilespmem:s8], [sflag:$0x5] =	stream.indirect.gather [hbm4b:s3+s10], $0x40, s2, s10, $0xb8;
	[tilespmem:$0x18800] =	vst v63  }
0x233: {  	_ =	swait.ge [sflag:s13], $0x8000  }
0x234: {  	[sflag:s13] =	ssyncset.done $0x0  }
0x235: {  	s0 =	rddreg [dreg:$0x1c];
	[sflag:s13] =	ssyncadd.s32 $0xFFFF8000  }
0x236: {  	[hbm4b:s0+s2] =	stream.linear.scatter [tilespmem:s7], [sflag:$0x9], $0x8000, $0x38;
	[tilespmem:$0x18800] =	vst v63  }
0x237: {  	s4 =	rddreg [dreg:$0x1d]  }
0x238: {  	[tilespmem:s28], [sflag:$0x3] =	stream.linear.gather [hbm4b:s4+s2], $0x200, $0x38;
	[tilespmem:$0x18800] =	vst v63  }
0x239: {  	_ =	swait.ge [sflag:s21], $0x8000  }
0x23a: {  	[sflag:s21] =	ssyncset.done $0x0  }
0x23b: {  	[sflag:s21] =	ssyncadd.s32 $0xFFFF8000  }
0x23c: {  	_ =	swait.ge [sflag:s14], $0x200  }
0x23d: {  	[sflag:s14] =	ssyncset.done $0x0  }
0x23e: {  	[sflag:s14] =	ssyncadd.s32 $0xFFFFFE00  }
0x23f: {  	[tilespmem:s7], [sflag:$0x6] =	stream.indirect.gather [hbm4b:s3+s10], $0x40, s10, s10, $0xb8;
	[tilespmem:$0x18800] =	vst v63  }
0x240: {  	_ =	swait.ge [sflag:s17], $0x8000  }
0x241: {  	[sflag:s17] =	ssyncset.done $0x0  }
0x242: {  	s0 =	rddreg [dreg:$0x1e];
	[sflag:s17] =	ssyncadd.s32 $0xFFFF8000  }
0x243: {  	[hbm4b:s0+s2] =	stream.linear.scatter [tilespmem:s12], [sflag:$0xA], $0x8000, $0x38;
	[tilespmem:$0x18800] =	vst v63  }
0x244: {  	s4 =	rddreg [dreg:$0x1f]  }
0x245: {  	[tilespmem:s24], [sflag:$0x4] =	stream.linear.gather [hbm4b:s4+s2], $0x200, $0x38;
	[tilespmem:$0x18800] =	vst v63  }
0x246: {  	_ =	swait.ge [sflag:s31], $0x8000  }
0x247: {  	[sflag:s31] =	ssyncset.done $0x0  }
0x248: {  	[sflag:s31] =	ssyncadd.s32 $0xFFFF8000  }
0x249: {  	_ =	swait.ge [sflag:s30], $0x200  }
0x24a: {  	[sflag:s30] =	ssyncset.done $0x0  }
0x24b: {  	[sflag:s30] =	ssyncadd.s32 $0xFFFFFE00  }
0x24c: {  	[tilespmem:s12], [sflag:$0x7] =	stream.indirect.gather [hbm4b:s3+s10], $0x40, s28, s10, $0xb8;
	[tilespmem:$0x18800] =	vst v63  }
0x24d: {  	_ =	swait.ge [sflag:s11], $0x8000  }
0x24e: {  	s0 =	sld [smem:$0x7F1]  }
0x24f: {  	[sflag:s11] =	ssyncset.done $0x0  }
0x250: {  	s4 =	sld [smem:$0x7F2];
	[sflag:s11] =	ssyncadd.s32 $0xFFFF8000  }
0x251: {  	[hbm4b:s0+s2] =	stream.linear.scatter [tilespmem:s8], [sflag:$0x8], $0x8000, $0x38;
	[tilespmem:$0x18800] =	vst v63  }
0x252: {  	_ = 	snop  }
0x253: {  	[tilespmem:s2], [sflag:$0x1] =	stream.linear.gather [hbm4b:s4+s2], $0x200, $0x38;
	[tilespmem:$0x18800] =	vst v63  }
0x254: {  	_ =	swait.ge [sflag:s25], $0x8000  }
0x255: {  	[sflag:s25] =	ssyncset.done $0x0  }
0x256: {  	[sflag:s25] =	ssyncadd.s32 $0xFFFF8000  }
0x257: {  	_ =	swait.ge [sflag:s29], $0x200  }
0x258: {  	[sflag:s29] =	ssyncset.done $0x0  }
0x259: {  	[sflag:s29] =	ssyncadd.s32 $0xFFFFFE00  }
0x25a: {  	[tilespmem:s8], [sflag:$0x5] =	stream.indirect.gather [hbm4b:s3+s10], $0x40, s24, s10, $0xb8;
	[tilespmem:$0x18800] =	vst v63  }
0x25b: {  	_ =	swait.ge [sflag:s13], $0x8000  }
0x25c: {  	s0 =	sld [smem:$0x7F3]  }
0x25d: {  	[sflag:s13] =	ssyncset.done $0x0  }
0x25e: {  	s4 =	sld [smem:$0x7F4];
	[sflag:s13] =	ssyncadd.s32 $0xFFFF8000  }
0x25f: {  	[hbm4b:s0+s2] =	stream.linear.scatter [tilespmem:s7], [sflag:$0x9], $0x8000, $0x38;
	[tilespmem:$0x18800] =	vst v63  }
0x260: {  	_ = 	snop  }
0x261: {  	[tilespmem:s10], [sflag:$0x2] =	stream.linear.gather [hbm4b:s4+s2], $0x200, $0x38;
	[tilespmem:$0x18800] =	vst v63  }
0x262: {  	_ =	swait.ge [sflag:s21], $0x8000  }
0x263: {  	[sflag:s21] =	ssyncset.done $0x0  }
0x264: {  	[sflag:s21] =	ssyncadd.s32 $0xFFFF8000  }
0x265: {  	_ =	swait.ge [sflag:s20], $0x200  }
0x266: {  	[sflag:s20] =	ssyncset.done $0x0  }
0x267: {  	[sflag:s20] =	ssyncadd.s32 $0xFFFFFE00  }
0x268: {  	[tilespmem:s7], [sflag:$0x6] =	stream.indirect.gather [hbm4b:s3+s10], $0x40, s2, s10, $0xb8;
	[tilespmem:$0x18800] =	vst v63  }
0x269: {  	_ =	swait.ge [sflag:s17], $0x8000  }
0x26a: {  	s0 =	sld [smem:$0x7F5]  }
0x26b: {  	[sflag:s17] =	ssyncset.done $0x0  }
0x26c: {  	s4 =	sld [smem:$0x7F6];
	[sflag:s17] =	ssyncadd.s32 $0xFFFF8000  }
0x26d: {  	[hbm4b:s0+s2] =	stream.linear.scatter [tilespmem:s12], [sflag:$0xA], $0x8000, $0x38;
	[tilespmem:$0x18800] =	vst v63  }
0x26e: {  	_ = 	snop  }
0x26f: {  	[tilespmem:s28], [sflag:$0x3] =	stream.linear.gather [hbm4b:s4+s2], $0x200, $0x38;
	[tilespmem:$0x18800] =	vst v63  }
0x270: {  	_ =	swait.ge [sflag:s31], $0x8000  }
0x271: {  	[sflag:s31] =	ssyncset.done $0x0  }
0x272: {  	[sflag:s31] =	ssyncadd.s32 $0xFFFF8000  }
0x273: {  	_ =	swait.ge [sflag:s14], $0x200  }
0x274: {  	[sflag:s14] =	ssyncset.done $0x0  }
0x275: {  	[sflag:s14] =	ssyncadd.s32 $0xFFFFFE00  }
0x276: {  	[tilespmem:s12], [sflag:$0x7] =	stream.indirect.gather [hbm4b:s3+s10], $0x40, s10, s10, $0xb8;
	[tilespmem:$0x18800] =	vst v63  }
0x277: {  	_ =	swait.ge [sflag:s11], $0x8000  }
0x278: {  	s0 =	sld [smem:$0x7F7]  }
0x279: {  	[sflag:s11] =	ssyncset.done $0x0  }
0x27a: {  	s4 =	sld [smem:$0x7F8];
	[sflag:s11] =	ssyncadd.s32 $0xFFFF8000  }
0x27b: {  	[hbm4b:s0+s2] =	stream.linear.scatter [tilespmem:s8], [sflag:$0x8], $0x8000, $0x38;
	[tilespmem:$0x18800] =	vst v63  }
0x27c: {  	_ = 	snop  }
0x27d: {  	[tilespmem:s24], [sflag:$0x4] =	stream.linear.gather [hbm4b:s4+s2], $0x200, $0x38;
	[tilespmem:$0x18800] =	vst v63  }
0x27e: {  	_ =	swait.ge [sflag:s25], $0x8000  }
0x27f: {  	[sflag:s25] =	ssyncset.done $0x0  }
0x280: {  	[sflag:s25] =	ssyncadd.s32 $0xFFFF8000  }
0x281: {  	_ =	swait.ge [sflag:s30], $0x200  }
0x282: {  	[sflag:s30] =	ssyncset.done $0x0  }
0x283: {  	[sflag:s30] =	ssyncadd.s32 $0xFFFFFE00  }
0x284: {  	[tilespmem:s8], [sflag:$0x5] =	stream.indirect.gather [hbm4b:s3+s10], $0x40, s28, s10, $0xb8;
	[tilespmem:$0x18800] =	vst v63  }
0x285: {  	_ =	swait.ge [sflag:s13], $0x8000  }
0x286: {  	s0 =	sld [smem:$0x7F9]  }
0x287: {  	[sflag:s13] =	ssyncset.done $0x0  }
0x288: {  	s4 =	sld [smem:$0x7FA];
	[sflag:s13] =	ssyncadd.s32 $0xFFFF8000  }
0x289: {  	[hbm4b:s0+s2] =	stream.linear.scatter [tilespmem:s7], [sflag:$0x9], $0x8000, $0x38;
	[tilespmem:$0x18800] =	vst v63  }
0x28a: {  	_ = 	snop  }
0x28b: {  	[tilespmem:s2], [sflag:$0x1] =	stream.linear.gather [hbm4b:s4+s2], $0x200, $0x38;
	[tilespmem:$0x18800] =	vst v63  }
0x28c: {  	_ =	swait.ge [sflag:s21], $0x8000  }
0x28d: {  	[sflag:s21] =	ssyncset.done $0x0  }
0x28e: {  	[sflag:s21] =	ssyncadd.s32 $0xFFFF8000  }
0x28f: {  	_ =	swait.ge [sflag:s29], $0x200  }
0x290: {  	[sflag:s29] =	ssyncset.done $0x0  }
0x291: {  	[sflag:s29] =	ssyncadd.s32 $0xFFFFFE00  }
0x292: {  	[tilespmem:s7], [sflag:$0x6] =	stream.indirect.gather [hbm4b:s3+s10], $0x40, s24, s10, $0xb8;
	[tilespmem:$0x18800] =	vst v63  }
0x293: {  	_ =	swait.ge [sflag:s17], $0x8000  }
0x294: {  	s0 =	sld [smem:$0x7FB]  }
0x295: {  	[sflag:s17] =	ssyncset.done $0x0  }
0x296: {  	s4 =	sld [smem:$0x7FC];
	[sflag:s17] =	ssyncadd.s32 $0xFFFF8000  }
0x297: {  	[hbm4b:s0+s2] =	stream.linear.scatter [tilespmem:s12], [sflag:$0xA], $0x8000, $0x38;
	[tilespmem:$0x18800] =	vst v63  }
0x298: {  	_ = 	snop  }
0x299: {  	[tilespmem:s10], [sflag:$0x2] =	stream.linear.gather [hbm4b:s4+s2], $0x200, $0x38;
	[tilespmem:$0x18800] =	vst v63  }
0x29a: {  	s4 =	smov.u32 s5;
	s5 =	smov.u32 s6;
	s6 =	smov.u32 s9  }
0x29b: {  	s9 =	smov.u32 s15;
	s15 =	smov.u32 s16;
	s16 =	smov.u32 s18  }
0x29c: {  	s18 =	smov.u32 s19;
	s19 =	smov.u32 s22;
	s22 =	smov.u32 s23  }
0x29d: {  	s23 =	smov.u32 s26;
	s26 =	sld [smem:$0x7F0];
	_ =	swait.ge [sflag:s31], $0x8000  }
0x29e: {  	[sflag:s31] =	ssyncset.done $0x0  }
0x29f: {  	[sflag:s31] =	ssyncadd.s32 $0xFFFF8000  }
0x2a0: {  	_ =	swait.ge [sflag:s20], $0x200  }
0x2a1: {  	[sflag:s20] =	ssyncset.done $0x0  }
0x2a2: {  	[sflag:s20] =	ssyncadd.s32 $0xFFFFFE00  }
0x2a3: {  	[tilespmem:s12], [sflag:$0x7] =	stream.indirect.gather [hbm4b:s3+s10], $0x40, s2, s10, $0xb8;
	[tilespmem:$0x18800] =	vst v63  }
0x2a4: {  	_ =	swait.ge [sflag:s11], $0x8000  }
0x2a5: {  	s0 =	sld [smem:$0x7FD]  }
0x2a6: {  	[sflag:s11] =	ssyncset.done $0x0  }
0x2a7: {  	[sflag:s11] =	ssyncadd.s32 $0xFFFF8000  }
0x2a8: {  	[hbm4b:s0+s2] =	stream.linear.scatter [tilespmem:s8], [sflag:$0x8], $0x8000, $0x38;
	[tilespmem:$0x18800] =	vst v63  }
0x2a9: {  	_ = 	snop  }
0x2aa: {  	[tilespmem:s28], [sflag:$0x3] =	stream.linear.gather [hbm4b:s26+s2], $0x200, $0x38;
	[tilespmem:$0x18800] =	vst v63  }
0x2ab: {  	_ =	swait.ge [sflag:s25], $0x8000  }
0x2ac: {  	[sflag:s25] =	ssyncset.done $0x0  }
0x2ad: {  	[sflag:s25] =	ssyncadd.s32 $0xFFFF8000  }
0x2ae: {  	_ =	swait.ge [sflag:s14], $0x200  }
0x2af: {  	[sflag:s14] =	ssyncset.done $0x0  }
0x2b0: {  	[sflag:s14] =	ssyncadd.s32 $0xFFFFFE00  }
0x2b1: {  	[tilespmem:s8], [sflag:$0x5] =	stream.indirect.gather [hbm4b:s3+s10], $0x40, s10, s10, $0xb8;
	[tilespmem:$0x18800] =	vst v63  }
0x2b2: {  	_ =	swait.ge [sflag:s13], $0x8000  }
0x2b3: {  	[sflag:s13] =	ssyncset.done $0x0  }
0x2b4: {  	[sflag:s13] =	ssyncadd.s32 $0xFFFF8000  }
0x2b5: {  	[hbm4b:s22+s2] =	stream.linear.scatter [tilespmem:s7], [sflag:$0x9], $0x8000, $0x38;
	[tilespmem:$0x18800] =	vst v63  }
0x2b6: {  	_ = 	snop  }
0x2b7: {  	[tilespmem:s24], [sflag:$0x4] =	stream.linear.gather [hbm4b:s23+s2], $0x200, $0x38;
	[tilespmem:$0x18800] =	vst v63  }
0x2b8: {  	_ =	swait.ge [sflag:s21], $0x8000  }
0x2b9: {  	[sflag:s21] =	ssyncset.done $0x0  }
0x2ba: {  	[sflag:s21] =	ssyncadd.s32 $0xFFFF8000  }
0x2bb: {  	_ =	swait.ge [sflag:s30], $0x200  }
0x2bc: {  	[sflag:s30] =	ssyncset.done $0x0  }
0x2bd: {  	[sflag:s30] =	ssyncadd.s32 $0xFFFFFE00  }
0x2be: {  	[tilespmem:s7], [sflag:$0x6] =	stream.indirect.gather [hbm4b:s3+s10], $0x40, s28, s10, $0xb8;
	[tilespmem:$0x18800] =	vst v63  }
0x2bf: {  	_ =	swait.ge [sflag:s17], $0x8000  }
0x2c0: {  	[sflag:s17] =	ssyncset.done $0x0  }
0x2c1: {  	[sflag:s17] =	ssyncadd.s32 $0xFFFF8000  }
0x2c2: {  	[hbm4b:s18+s2] =	stream.linear.scatter [tilespmem:s12], [sflag:$0xA], $0x8000, $0x38;
	[tilespmem:$0x18800] =	vst v63  }
0x2c3: {  	_ = 	snop  }
0x2c4: {  	[tilespmem:s2], [sflag:$0x1] =	stream.linear.gather [hbm4b:s19+s2], $0x200, $0x38;
	[tilespmem:$0x18800] =	vst v63  }
0x2c5: {  	_ =	swait.ge [sflag:s31], $0x8000  }
0x2c6: {  	[sflag:s31] =	ssyncset.done $0x0  }
0x2c7: {  	[sflag:s31] =	ssyncadd.s32 $0xFFFF8000  }
0x2c8: {  	_ =	swait.ge [sflag:s29], $0x200  }
0x2c9: {  	[sflag:s29] =	ssyncset.done $0x0  }
0x2ca: {  	[sflag:s29] =	ssyncadd.s32 $0xFFFFFE00  }
0x2cb: {  	[tilespmem:s12], [sflag:$0x7] =	stream.indirect.gather [hbm4b:s3+s10], $0x40, s24, s10, $0xb8;
	[tilespmem:$0x18800] =	vst v63  }
0x2cc: {  	_ =	swait.ge [sflag:s11], $0x8000  }
0x2cd: {  	[sflag:s11] =	ssyncset.done $0x0  }
0x2ce: {  	[sflag:s11] =	ssyncadd.s32 $0xFFFF8000  }
0x2cf: {  	[hbm4b:s15+s2] =	stream.linear.scatter [tilespmem:s8], [sflag:$0x8], $0x8000, $0x38;
	[tilespmem:$0x18800] =	vst v63  }
0x2d0: {  	_ = 	snop  }
0x2d1: {  	[tilespmem:s10], [sflag:$0x2] =	stream.linear.gather [hbm4b:s16+s2], $0x200, $0x38;
	[tilespmem:$0x18800] =	vst v63  }
0x2d2: {  	_ =	swait.ge [sflag:s25], $0x8000  }
0x2d3: {  	[sflag:s25] =	ssyncset.done $0x0  }
0x2d4: {  	[sflag:s25] =	ssyncadd.s32 $0xFFFF8000  }
0x2d5: {  	_ =	swait.ge [sflag:s20], $0x200  }
0x2d6: {  	[sflag:s20] =	ssyncset.done $0x0  }
0x2d7: {  	[sflag:s20] =	ssyncadd.s32 $0xFFFFFE00  }
0x2d8: {  	[tilespmem:s8], [sflag:$0x5] =	stream.indirect.gather [hbm4b:s3+s10], $0x40, s2, s10, $0xb8;
	[tilespmem:$0x18800] =	vst v63  }
0x2d9: {  	_ =	swait.ge [sflag:s13], $0x8000  }
0x2da: {  	[sflag:s13] =	ssyncset.done $0x0  }
0x2db: {  	[sflag:s13] =	ssyncadd.s32 $0xFFFF8000  }
0x2dc: {  	[hbm4b:s9+s2] =	stream.linear.scatter [tilespmem:s7], [sflag:$0x9], $0x8000, $0x38;
	[tilespmem:$0x18800] =	vst v63  }
0x2dd: {  	_ =	swait.ge [sflag:s21], $0x8000  }
0x2de: {  	[sflag:s21] =	ssyncset.done $0x0  }
0x2df: {  	[sflag:s21] =	ssyncadd.s32 $0xFFFF8000  }
0x2e0: {  	_ =	swait.ge [sflag:s14], $0x200  }
0x2e1: {  	[sflag:s14] =	ssyncset.done $0x0  }
0x2e2: {  	[sflag:s14] =	ssyncadd.s32 $0xFFFFFE00  }
0x2e3: {  	[tilespmem:s7], [sflag:$0x6] =	stream.indirect.gather [hbm4b:s3+s10], $0x40, s10, s10, $0xb8;
	[tilespmem:$0x18800] =	vst v63  }
0x2e4: {  	_ =	swait.ge [sflag:s17], $0x8000  }
0x2e5: {  	[sflag:s17] =	ssyncset.done $0x0  }
0x2e6: {  	[sflag:s17] =	ssyncadd.s32 $0xFFFF8000  }
0x2e7: {  	[hbm4b:s6+s2] =	stream.linear.scatter [tilespmem:s12], [sflag:$0xA], $0x8000, $0x38;
	[tilespmem:$0x18800] =	vst v63  }
0x2e8: {  	_ =	swait.ge [sflag:s11], $0x8000  }
0x2e9: {  	p1 =	sne.s32 s1, $0x1;
	[sflag:s11] =	ssyncset.done $0x0  }
.Ltmp2:
0x2ea: {  	[sflag:s11] =	ssyncadd.s32 $0xFFFF8000;
	(pc) =	sbr.rel @p1 .LBB2_2-.Ltmp2, $4  }
0x2eb: {  	[hbm4b:s5+s2] =	stream.linear.scatter [tilespmem:s8], [sflag:$0x8], $0x8000, $0x38;
	[tilespmem:$0x18800] =	vst v63  }
0x2ec: {  	_ =	swait.ge [sflag:s13], $0x8000  }
0x2ed: {  	[sflag:s13] =	ssyncset.done $0x0  }
0x2ee: {  	s1 =	sadd.s32 $0xFFFFFFFF, s1;
	s0 =	rddreg [dreg:$0x4];
	[sflag:s13] =	ssyncadd.s32 $0xFFFF8000  }
.LBB2_3:
0x2ef: {  	[hbm4b:s4+s2] =	stream.linear.scatter @p0 [tilespmem:s7], [sflag:$0x9], $0x8000, $0x38;
	[tilespmem:$0x18800] =	vst v63  }
0x2f0: {  	_ = 	snop  }
0x2f1: {  	[tilespmem:s2], [sflag:$0x1] =	stream.linear.gather [hbm4b:s0+s2], $0x200, $0x38;
	[tilespmem:$0x18800] =	vst v63  }
0x2f2: {  	s1 =	rddreg [dreg:$0x5]  }
0x2f3: {  	[tilespmem:s10], [sflag:$0x2] =	stream.linear.gather [hbm4b:s1+s2], $0x200, $0x38;
	[tilespmem:$0x18800] =	vst v63  }
0x2f4: {  	s0 =	rddreg [dreg:$0x6]  }
0x2f5: {  	[tilespmem:s28], [sflag:$0x3] =	stream.linear.gather [hbm4b:s0+s2], $0x200, $0x38;
	[tilespmem:$0x18800] =	vst v63  }
0x2f6: {  	s1 =	rddreg [dreg:$0x7]  }
0x2f7: {  	[tilespmem:s24], [sflag:$0x4] =	stream.linear.gather [hbm4b:s1+s2], $0x200, $0x38;
	[tilespmem:$0x18800] =	vst v63  }
0x2f8: {  	_ =	swait.ge [sflag:s20], $0x200  }
0x2f9: {  	[sflag:s20] =	ssyncset.done $0x0  }
0x2fa: {  	[sflag:s20] =	ssyncadd.s32 $0xFFFFFE00  }
0x2fb: {  	[tilespmem:s8], [sflag:$0x5] =	stream.indirect.gather [hbm4b:s3+s10], $0x40, s2, s10, $0xb8;
	[tilespmem:$0x18800] =	vst v63  }
0x2fc: {  	_ =	swait.ge [sflag:s14], $0x200  }
0x2fd: {  	[sflag:s14] =	ssyncset.done $0x0  }
0x2fe: {  	[sflag:s14] =	ssyncadd.s32 $0xFFFFFE00  }
0x2ff: {  	[tilespmem:s7], [sflag:$0x6] =	stream.indirect.gather [hbm4b:s3+s10], $0x40, s10, s10, $0xb8;
	[tilespmem:$0x18800] =	vst v63  }
0x300: {  	_ =	swait.ge [sflag:s30], $0x200  }
0x301: {  	[sflag:s30] =	ssyncset.done $0x0  }
0x302: {  	[sflag:s30] =	ssyncadd.s32 $0xFFFFFE00  }
0x303: {  	[tilespmem:s12], [sflag:$0x7] =	stream.indirect.gather [hbm4b:s3+s10], $0x40, s28, s10, $0xb8;
	[tilespmem:$0x18800] =	vst v63  }
0x304: {  	_ =	swait.ge [sflag:s11], $0x8000  }
0x305: {  	[sflag:s11] =	ssyncset.done $0x0  }
0x306: {  	s0 =	rddreg [dreg:$0x8];
	[sflag:s11] =	ssyncadd.s32 $0xFFFF8000  }
0x307: {  	[hbm4b:s0+s2] =	stream.linear.scatter [tilespmem:s8], [sflag:$0x8], $0x8000, $0x38;
	[tilespmem:$0x18800] =	vst v63  }
0x308: {  	s1 =	rddreg [dreg:$0x9]  }
0x309: {  	[tilespmem:s2], [sflag:$0x1] =	stream.linear.gather [hbm4b:s1+s2], $0x200, $0x38;
	[tilespmem:$0x18800] =	vst v63  }
0x30a: {  	_ =	swait.ge [sflag:s25], $0x8000  }
0x30b: {  	[sflag:s25] =	ssyncset.done $0x0  }
0x30c: {  	[sflag:s25] =	ssyncadd.s32 $0xFFFF8000  }
0x30d: {  	_ =	swait.ge [sflag:s29], $0x200  }
0x30e: {  	[sflag:s29] =	ssyncset.done $0x0  }
0x30f: {  	[sflag:s29] =	ssyncadd.s32 $0xFFFFFE00  }
0x310: {  	[tilespmem:s8], [sflag:$0x5] =	stream.indirect.gather [hbm4b:s3+s10], $0x40, s24, s10, $0xb8;
	[tilespmem:$0x18800] =	vst v63  }
0x311: {  	_ =	swait.ge [sflag:s13], $0x8000  }
0x312: {  	[sflag:s13] =	ssyncset.done $0x0  }
0x313: {  	s0 =	rddreg [dreg:$0xa];
	[sflag:s13] =	ssyncadd.s32 $0xFFFF8000  }
0x314: {  	[hbm4b:s0+s2] =	stream.linear.scatter [tilespmem:s7], [sflag:$0x9], $0x8000, $0x38;
	[tilespmem:$0x18800] =	vst v63  }
0x315: {  	s1 =	rddreg [dreg:$0xb]  }
0x316: {  	[tilespmem:s10], [sflag:$0x2] =	stream.linear.gather [hbm4b:s1+s2], $0x200, $0x38;
	[tilespmem:$0x18800] =	vst v63  }
0x317: {  	_ =	swait.ge [sflag:s21], $0x8000  }
0x318: {  	[sflag:s21] =	ssyncset.done $0x0  }
0x319: {  	[sflag:s21] =	ssyncadd.s32 $0xFFFF8000  }
0x31a: {  	_ =	swait.ge [sflag:s20], $0x200  }
0x31b: {  	[sflag:s20] =	ssyncset.done $0x0  }
0x31c: {  	[sflag:s20] =	ssyncadd.s32 $0xFFFFFE00  }
0x31d: {  	[tilespmem:s7], [sflag:$0x6] =	stream.indirect.gather [hbm4b:s3+s10], $0x40, s2, s10, $0xb8;
	[tilespmem:$0x18800] =	vst v63  }
0x31e: {  	_ =	swait.ge [sflag:s17], $0x8000  }
0x31f: {  	[sflag:s17] =	ssyncset.done $0x0  }
0x320: {  	s0 =	rddreg [dreg:$0xc];
	[sflag:s17] =	ssyncadd.s32 $0xFFFF8000  }
0x321: {  	[hbm4b:s0+s2] =	stream.linear.scatter [tilespmem:s12], [sflag:$0xA], $0x8000, $0x38;
	[tilespmem:$0x18800] =	vst v63  }
0x322: {  	s1 =	rddreg [dreg:$0xd]  }
0x323: {  	[tilespmem:s28], [sflag:$0x3] =	stream.linear.gather [hbm4b:s1+s2], $0x200, $0x38;
	[tilespmem:$0x18800] =	vst v63  }
0x324: {  	_ =	swait.ge [sflag:s31], $0x8000  }
0x325: {  	[sflag:s31] =	ssyncset.done $0x0  }
0x326: {  	[sflag:s31] =	ssyncadd.s32 $0xFFFF8000  }
0x327: {  	_ =	swait.ge [sflag:s14], $0x200  }
0x328: {  	[sflag:s14] =	ssyncset.done $0x0  }
0x329: {  	[sflag:s14] =	ssyncadd.s32 $0xFFFFFE00  }
0x32a: {  	[tilespmem:s12], [sflag:$0x7] =	stream.indirect.gather [hbm4b:s3+s10], $0x40, s10, s10, $0xb8;
	[tilespmem:$0x18800] =	vst v63  }
0x32b: {  	_ =	swait.ge [sflag:s11], $0x8000  }
0x32c: {  	[sflag:s11] =	ssyncset.done $0x0  }
0x32d: {  	s0 =	rddreg [dreg:$0xe];
	[sflag:s11] =	ssyncadd.s32 $0xFFFF8000  }
0x32e: {  	[hbm4b:s0+s2] =	stream.linear.scatter [tilespmem:s8], [sflag:$0x8], $0x8000, $0x38;
	[tilespmem:$0x18800] =	vst v63  }
0x32f: {  	s1 =	rddreg [dreg:$0xf]  }
0x330: {  	[tilespmem:s24], [sflag:$0x4] =	stream.linear.gather [hbm4b:s1+s2], $0x200, $0x38;
	[tilespmem:$0x18800] =	vst v63  }
0x331: {  	_ =	swait.ge [sflag:s25], $0x8000  }
0x332: {  	[sflag:s25] =	ssyncset.done $0x0  }
0x333: {  	[sflag:s25] =	ssyncadd.s32 $0xFFFF8000  }
0x334: {  	_ =	swait.ge [sflag:s30], $0x200  }
0x335: {  	[sflag:s30] =	ssyncset.done $0x0  }
0x336: {  	[sflag:s30] =	ssyncadd.s32 $0xFFFFFE00  }
0x337: {  	[tilespmem:s8], [sflag:$0x5] =	stream.indirect.gather [hbm4b:s3+s10], $0x40, s28, s10, $0xb8;
	[tilespmem:$0x18800] =	vst v63  }
0x338: {  	_ =	swait.ge [sflag:s13], $0x8000  }
0x339: {  	[sflag:s13] =	ssyncset.done $0x0  }
0x33a: {  	s0 =	rddreg [dreg:$0x10];
	[sflag:s13] =	ssyncadd.s32 $0xFFFF8000  }
0x33b: {  	[hbm4b:s0+s2] =	stream.linear.scatter [tilespmem:s7], [sflag:$0x9], $0x8000, $0x38;
	[tilespmem:$0x18800] =	vst v63  }
0x33c: {  	s1 =	rddreg [dreg:$0x11]  }
0x33d: {  	[tilespmem:s2], [sflag:$0x1] =	stream.linear.gather [hbm4b:s1+s2], $0x200, $0x38;
	[tilespmem:$0x18800] =	vst v63  }
0x33e: {  	_ =	swait.ge [sflag:s21], $0x8000  }
0x33f: {  	[sflag:s21] =	ssyncset.done $0x0  }
0x340: {  	[sflag:s21] =	ssyncadd.s32 $0xFFFF8000  }
0x341: {  	_ =	swait.ge [sflag:s29], $0x200  }
0x342: {  	[sflag:s29] =	ssyncset.done $0x0  }
0x343: {  	[sflag:s29] =	ssyncadd.s32 $0xFFFFFE00  }
0x344: {  	[tilespmem:s7], [sflag:$0x6] =	stream.indirect.gather [hbm4b:s3+s10], $0x40, s24, s10, $0xb8;
	[tilespmem:$0x18800] =	vst v63  }
0x345: {  	_ =	swait.ge [sflag:s17], $0x8000  }
0x346: {  	[sflag:s17] =	ssyncset.done $0x0  }
0x347: {  	s0 =	rddreg [dreg:$0x12];
	[sflag:s17] =	ssyncadd.s32 $0xFFFF8000  }
0x348: {  	[hbm4b:s0+s2] =	stream.linear.scatter [tilespmem:s12], [sflag:$0xA], $0x8000, $0x38;
	[tilespmem:$0x18800] =	vst v63  }
0x349: {  	s1 =	rddreg [dreg:$0x13]  }
0x34a: {  	[tilespmem:s10], [sflag:$0x2] =	stream.linear.gather [hbm4b:s1+s2], $0x200, $0x38;
	[tilespmem:$0x18800] =	vst v63  }
0x34b: {  	_ =	swait.ge [sflag:s31], $0x8000  }
0x34c: {  	[sflag:s31] =	ssyncset.done $0x0  }
0x34d: {  	[sflag:s31] =	ssyncadd.s32 $0xFFFF8000  }
0x34e: {  	_ =	swait.ge [sflag:s20], $0x200  }
0x34f: {  	[sflag:s20] =	ssyncset.done $0x0  }
0x350: {  	[sflag:s20] =	ssyncadd.s32 $0xFFFFFE00  }
0x351: {  	[tilespmem:s12], [sflag:$0x7] =	stream.indirect.gather [hbm4b:s3+s10], $0x40, s2, s10, $0xb8;
	[tilespmem:$0x18800] =	vst v63  }
0x352: {  	_ =	swait.ge [sflag:s11], $0x8000  }
0x353: {  	[sflag:s11] =	ssyncset.done $0x0  }
0x354: {  	s0 =	rddreg [dreg:$0x14];
	[sflag:s11] =	ssyncadd.s32 $0xFFFF8000  }
0x355: {  	[hbm4b:s0+s2] =	stream.linear.scatter [tilespmem:s8], [sflag:$0x8], $0x8000, $0x38;
	[tilespmem:$0x18800] =	vst v63  }
0x356: {  	s1 =	rddreg [dreg:$0x15]  }
0x357: {  	[tilespmem:s28], [sflag:$0x3] =	stream.linear.gather [hbm4b:s1+s2], $0x200, $0x38;
	[tilespmem:$0x18800] =	vst v63  }
0x358: {  	_ =	swait.ge [sflag:s25], $0x8000  }
0x359: {  	[sflag:s25] =	ssyncset.done $0x0  }
0x35a: {  	[sflag:s25] =	ssyncadd.s32 $0xFFFF8000  }
0x35b: {  	_ =	swait.ge [sflag:s14], $0x200  }
0x35c: {  	[sflag:s14] =	ssyncset.done $0x0  }
0x35d: {  	[sflag:s14] =	ssyncadd.s32 $0xFFFFFE00  }
0x35e: {  	[tilespmem:s8], [sflag:$0x5] =	stream.indirect.gather [hbm4b:s3+s10], $0x40, s10, s10, $0xb8;
	[tilespmem:$0x18800] =	vst v63  }
0x35f: {  	_ =	swait.ge [sflag:s13], $0x8000  }
0x360: {  	[sflag:s13] =	ssyncset.done $0x0  }
0x361: {  	s0 =	rddreg [dreg:$0x16];
	[sflag:s13] =	ssyncadd.s32 $0xFFFF8000  }
0x362: {  	[hbm4b:s0+s2] =	stream.linear.scatter [tilespmem:s7], [sflag:$0x9], $0x8000, $0x38;
	[tilespmem:$0x18800] =	vst v63  }
0x363: {  	s1 =	rddreg [dreg:$0x17]  }
0x364: {  	[tilespmem:s24], [sflag:$0x4] =	stream.linear.gather [hbm4b:s1+s2], $0x200, $0x38;
	[tilespmem:$0x18800] =	vst v63  }
0x365: {  	_ =	swait.ge [sflag:s21], $0x8000  }
0x366: {  	[sflag:s21] =	ssyncset.done $0x0  }
0x367: {  	[sflag:s21] =	ssyncadd.s32 $0xFFFF8000  }
0x368: {  	_ =	swait.ge [sflag:s30], $0x200  }
0x369: {  	[sflag:s30] =	ssyncset.done $0x0  }
0x36a: {  	[sflag:s30] =	ssyncadd.s32 $0xFFFFFE00  }
0x36b: {  	[tilespmem:s7], [sflag:$0x6] =	stream.indirect.gather [hbm4b:s3+s10], $0x40, s28, s10, $0xb8;
	[tilespmem:$0x18800] =	vst v63  }
0x36c: {  	_ =	swait.ge [sflag:s17], $0x8000  }
0x36d: {  	[sflag:s17] =	ssyncset.done $0x0  }
0x36e: {  	s0 =	rddreg [dreg:$0x18];
	[sflag:s17] =	ssyncadd.s32 $0xFFFF8000  }
0x36f: {  	[hbm4b:s0+s2] =	stream.linear.scatter [tilespmem:s12], [sflag:$0xA], $0x8000, $0x38;
	[tilespmem:$0x18800] =	vst v63  }
0x370: {  	s1 =	rddreg [dreg:$0x19]  }
0x371: {  	[tilespmem:s2], [sflag:$0x1] =	stream.linear.gather [hbm4b:s1+s2], $0x200, $0x38;
	[tilespmem:$0x18800] =	vst v63  }
0x372: {  	_ =	swait.ge [sflag:s31], $0x8000  }
0x373: {  	[sflag:s31] =	ssyncset.done $0x0  }
0x374: {  	[sflag:s31] =	ssyncadd.s32 $0xFFFF8000  }
0x375: {  	_ =	swait.ge [sflag:s29], $0x200  }
0x376: {  	[sflag:s29] =	ssyncset.done $0x0  }
0x377: {  	[sflag:s29] =	ssyncadd.s32 $0xFFFFFE00  }
0x378: {  	[tilespmem:s12], [sflag:$0x7] =	stream.indirect.gather [hbm4b:s3+s10], $0x40, s24, s10, $0xb8;
	[tilespmem:$0x18800] =	vst v63  }
0x379: {  	_ =	swait.ge [sflag:s11], $0x8000  }
0x37a: {  	[sflag:s11] =	ssyncset.done $0x0  }
0x37b: {  	s0 =	rddreg [dreg:$0x1a];
	[sflag:s11] =	ssyncadd.s32 $0xFFFF8000  }
0x37c: {  	[hbm4b:s0+s2] =	stream.linear.scatter [tilespmem:s8], [sflag:$0x8], $0x8000, $0x38;
	[tilespmem:$0x18800] =	vst v63  }
0x37d: {  	s1 =	rddreg [dreg:$0x1b]  }
0x37e: {  	[tilespmem:s10], [sflag:$0x2] =	stream.linear.gather [hbm4b:s1+s2], $0x200, $0x38;
	[tilespmem:$0x18800] =	vst v63  }
0x37f: {  	_ =	swait.ge [sflag:s25], $0x8000  }
0x380: {  	[sflag:s25] =	ssyncset.done $0x0  }
0x381: {  	[sflag:s25] =	ssyncadd.s32 $0xFFFF8000  }
0x382: {  	_ =	swait.ge [sflag:s20], $0x200  }
0x383: {  	[sflag:s20] =	ssyncset.done $0x0  }
0x384: {  	[sflag:s20] =	ssyncadd.s32 $0xFFFFFE00  }
0x385: {  	[tilespmem:s8], [sflag:$0x5] =	stream.indirect.gather [hbm4b:s3+s10], $0x40, s2, s10, $0xb8;
	[tilespmem:$0x18800] =	vst v63  }
0x386: {  	_ =	swait.ge [sflag:s13], $0x8000  }
0x387: {  	[sflag:s13] =	ssyncset.done $0x0  }
0x388: {  	s0 =	rddreg [dreg:$0x1c];
	[sflag:s13] =	ssyncadd.s32 $0xFFFF8000  }
0x389: {  	[hbm4b:s0+s2] =	stream.linear.scatter [tilespmem:s7], [sflag:$0x9], $0x8000, $0x38;
	[tilespmem:$0x18800] =	vst v63  }
0x38a: {  	s1 =	rddreg [dreg:$0x1d]  }
0x38b: {  	[tilespmem:s28], [sflag:$0x3] =	stream.linear.gather [hbm4b:s1+s2], $0x200, $0x38;
	[tilespmem:$0x18800] =	vst v63  }
0x38c: {  	_ =	swait.ge [sflag:s21], $0x8000  }
0x38d: {  	[sflag:s21] =	ssyncset.done $0x0  }
0x38e: {  	[sflag:s21] =	ssyncadd.s32 $0xFFFF8000  }
0x38f: {  	_ =	swait.ge [sflag:s14], $0x200  }
0x390: {  	[sflag:s14] =	ssyncset.done $0x0  }
0x391: {  	[sflag:s14] =	ssyncadd.s32 $0xFFFFFE00  }
0x392: {  	[tilespmem:s7], [sflag:$0x6] =	stream.indirect.gather [hbm4b:s3+s10], $0x40, s10, s10, $0xb8;
	[tilespmem:$0x18800] =	vst v63  }
0x393: {  	_ =	swait.ge [sflag:s17], $0x8000  }
0x394: {  	[sflag:s17] =	ssyncset.done $0x0  }
0x395: {  	s0 =	rddreg [dreg:$0x1e];
	[sflag:s17] =	ssyncadd.s32 $0xFFFF8000  }
0x396: {  	[hbm4b:s0+s2] =	stream.linear.scatter [tilespmem:s12], [sflag:$0xA], $0x8000, $0x38;
	[tilespmem:$0x18800] =	vst v63  }
0x397: {  	s1 =	rddreg [dreg:$0x1f]  }
0x398: {  	[tilespmem:s24], [sflag:$0x4] =	stream.linear.gather [hbm4b:s1+s2], $0x200, $0x38;
	[tilespmem:$0x18800] =	vst v63  }
0x399: {  	_ =	swait.ge [sflag:s31], $0x8000  }
0x39a: {  	[sflag:s31] =	ssyncset.done $0x0  }
0x39b: {  	[sflag:s31] =	ssyncadd.s32 $0xFFFF8000  }
0x39c: {  	_ =	swait.ge [sflag:s30], $0x200  }
0x39d: {  	[sflag:s30] =	ssyncset.done $0x0  }
0x39e: {  	[sflag:s30] =	ssyncadd.s32 $0xFFFFFE00  }
0x39f: {  	[tilespmem:s12], [sflag:$0x7] =	stream.indirect.gather [hbm4b:s3+s10], $0x40, s28, s10, $0xb8;
	[tilespmem:$0x18800] =	vst v63  }
0x3a0: {  	_ =	swait.ge [sflag:s11], $0x8000  }
0x3a1: {  	s0 =	sld [smem:$0x7F1]  }
0x3a2: {  	[sflag:s11] =	ssyncset.done $0x0  }
0x3a3: {  	s1 =	sld [smem:$0x7F2];
	[sflag:s11] =	ssyncadd.s32 $0xFFFF8000  }
0x3a4: {  	[hbm4b:s0+s2] =	stream.linear.scatter [tilespmem:s8], [sflag:$0x8], $0x8000, $0x38;
	[tilespmem:$0x18800] =	vst v63  }
0x3a5: {  	_ = 	snop  }
0x3a6: {  	[tilespmem:s2], [sflag:$0x1] =	stream.linear.gather [hbm4b:s1+s2], $0x200, $0x38;
	[tilespmem:$0x18800] =	vst v63  }
0x3a7: {  	_ =	swait.ge [sflag:s25], $0x8000  }
0x3a8: {  	[sflag:s25] =	ssyncset.done $0x0  }
0x3a9: {  	[sflag:s25] =	ssyncadd.s32 $0xFFFF8000  }
0x3aa: {  	_ =	swait.ge [sflag:s29], $0x200  }
0x3ab: {  	[sflag:s29] =	ssyncset.done $0x0  }
0x3ac: {  	[sflag:s29] =	ssyncadd.s32 $0xFFFFFE00  }
0x3ad: {  	[tilespmem:s8], [sflag:$0x5] =	stream.indirect.gather [hbm4b:s3+s10], $0x40, s24, s10, $0xb8;
	[tilespmem:$0x18800] =	vst v63  }
0x3ae: {  	_ =	swait.ge [sflag:s13], $0x8000  }
0x3af: {  	s0 =	sld [smem:$0x7F3]  }
0x3b0: {  	[sflag:s13] =	ssyncset.done $0x0  }
0x3b1: {  	s1 =	sld [smem:$0x7F4];
	[sflag:s13] =	ssyncadd.s32 $0xFFFF8000  }
0x3b2: {  	[hbm4b:s0+s2] =	stream.linear.scatter [tilespmem:s7], [sflag:$0x9], $0x8000, $0x38;
	[tilespmem:$0x18800] =	vst v63  }
0x3b3: {  	_ = 	snop  }
0x3b4: {  	[tilespmem:s10], [sflag:$0x2] =	stream.linear.gather [hbm4b:s1+s2], $0x200, $0x38;
	[tilespmem:$0x18800] =	vst v63  }
0x3b5: {  	_ =	swait.ge [sflag:s21], $0x8000  }
0x3b6: {  	[sflag:s21] =	ssyncset.done $0x0  }
0x3b7: {  	[sflag:s21] =	ssyncadd.s32 $0xFFFF8000  }
0x3b8: {  	_ =	swait.ge [sflag:s20], $0x200  }
0x3b9: {  	[sflag:s20] =	ssyncset.done $0x0  }
0x3ba: {  	[sflag:s20] =	ssyncadd.s32 $0xFFFFFE00  }
0x3bb: {  	[tilespmem:s7], [sflag:$0x6] =	stream.indirect.gather [hbm4b:s3+s10], $0x40, s2, s10, $0xb8;
	[tilespmem:$0x18800] =	vst v63  }
0x3bc: {  	_ =	swait.ge [sflag:s17], $0x8000  }
0x3bd: {  	s0 =	sld [smem:$0x7F5]  }
0x3be: {  	[sflag:s17] =	ssyncset.done $0x0  }
0x3bf: {  	s1 =	sld [smem:$0x7F6];
	[sflag:s17] =	ssyncadd.s32 $0xFFFF8000  }
0x3c0: {  	[hbm4b:s0+s2] =	stream.linear.scatter [tilespmem:s12], [sflag:$0xA], $0x8000, $0x38;
	[tilespmem:$0x18800] =	vst v63  }
0x3c1: {  	_ = 	snop  }
0x3c2: {  	[tilespmem:s28], [sflag:$0x3] =	stream.linear.gather [hbm4b:s1+s2], $0x200, $0x38;
	[tilespmem:$0x18800] =	vst v63  }
0x3c3: {  	_ =	swait.ge [sflag:s31], $0x8000  }
0x3c4: {  	[sflag:s31] =	ssyncset.done $0x0  }
0x3c5: {  	[sflag:s31] =	ssyncadd.s32 $0xFFFF8000  }
0x3c6: {  	_ =	swait.ge [sflag:s14], $0x200  }
0x3c7: {  	[sflag:s14] =	ssyncset.done $0x0  }
0x3c8: {  	[sflag:s14] =	ssyncadd.s32 $0xFFFFFE00  }
0x3c9: {  	[tilespmem:s12], [sflag:$0x7] =	stream.indirect.gather [hbm4b:s3+s10], $0x40, s10, s10, $0xb8;
	[tilespmem:$0x18800] =	vst v63  }
0x3ca: {  	_ =	swait.ge [sflag:s11], $0x8000  }
0x3cb: {  	s0 =	sld [smem:$0x7F7]  }
0x3cc: {  	[sflag:s11] =	ssyncset.done $0x0  }
0x3cd: {  	s1 =	sld [smem:$0x7F8];
	[sflag:s11] =	ssyncadd.s32 $0xFFFF8000  }
0x3ce: {  	[hbm4b:s0+s2] =	stream.linear.scatter [tilespmem:s8], [sflag:$0x8], $0x8000, $0x38;
	[tilespmem:$0x18800] =	vst v63  }
0x3cf: {  	_ = 	snop  }
0x3d0: {  	[tilespmem:s24], [sflag:$0x4] =	stream.linear.gather [hbm4b:s1+s2], $0x200, $0x38;
	[tilespmem:$0x18800] =	vst v63  }
0x3d1: {  	_ =	swait.ge [sflag:s25], $0x8000  }
0x3d2: {  	[sflag:s25] =	ssyncset.done $0x0  }
0x3d3: {  	[sflag:s25] =	ssyncadd.s32 $0xFFFF8000  }
0x3d4: {  	_ =	swait.ge [sflag:s30], $0x200  }
0x3d5: {  	[sflag:s30] =	ssyncset.done $0x0  }
0x3d6: {  	[sflag:s30] =	ssyncadd.s32 $0xFFFFFE00  }
0x3d7: {  	[tilespmem:s8], [sflag:$0x5] =	stream.indirect.gather [hbm4b:s3+s10], $0x40, s28, s10, $0xb8;
	[tilespmem:$0x18800] =	vst v63  }
0x3d8: {  	_ =	swait.ge [sflag:s13], $0x8000  }
0x3d9: {  	s0 =	sld [smem:$0x7F9]  }
0x3da: {  	[sflag:s13] =	ssyncset.done $0x0  }
0x3db: {  	s1 =	sld [smem:$0x7FA];
	[sflag:s13] =	ssyncadd.s32 $0xFFFF8000  }
0x3dc: {  	[hbm4b:s0+s2] =	stream.linear.scatter [tilespmem:s7], [sflag:$0x9], $0x8000, $0x38;
	[tilespmem:$0x18800] =	vst v63  }
0x3dd: {  	_ = 	snop  }
0x3de: {  	[tilespmem:s2], [sflag:$0x1] =	stream.linear.gather [hbm4b:s1+s2], $0x200, $0x38;
	[tilespmem:$0x18800] =	vst v63  }
0x3df: {  	_ =	swait.ge [sflag:s21], $0x8000  }
0x3e0: {  	[sflag:s21] =	ssyncset.done $0x0  }
0x3e1: {  	[sflag:s21] =	ssyncadd.s32 $0xFFFF8000  }
0x3e2: {  	_ =	swait.ge [sflag:s29], $0x200  }
0x3e3: {  	[sflag:s29] =	ssyncset.done $0x0  }
0x3e4: {  	[sflag:s29] =	ssyncadd.s32 $0xFFFFFE00  }
0x3e5: {  	[tilespmem:s7], [sflag:$0x6] =	stream.indirect.gather [hbm4b:s3+s10], $0x40, s24, s10, $0xb8;
	[tilespmem:$0x18800] =	vst v63  }
0x3e6: {  	_ =	swait.ge [sflag:s17], $0x8000  }
0x3e7: {  	s0 =	sld [smem:$0x7FB]  }
0x3e8: {  	[sflag:s17] =	ssyncset.done $0x0  }
0x3e9: {  	s1 =	sld [smem:$0x7FC];
	[sflag:s17] =	ssyncadd.s32 $0xFFFF8000  }
0x3ea: {  	[hbm4b:s0+s2] =	stream.linear.scatter [tilespmem:s12], [sflag:$0xA], $0x8000, $0x38;
	[tilespmem:$0x18800] =	vst v63  }
0x3eb: {  	_ = 	snop  }
0x3ec: {  	[tilespmem:s10], [sflag:$0x2] =	stream.linear.gather [hbm4b:s1+s2], $0x200, $0x38;
	[tilespmem:$0x18800] =	vst v63  }
0x3ed: {  	_ =	swait.ge [sflag:s31], $0x8000  }
0x3ee: {  	[sflag:s31] =	ssyncset.done $0x0  }
0x3ef: {  	[sflag:s31] =	ssyncadd.s32 $0xFFFF8000  }
0x3f0: {  	_ =	swait.ge [sflag:s20], $0x200  }
0x3f1: {  	[sflag:s20] =	ssyncset.done $0x0  }
0x3f2: {  	[sflag:s20] =	ssyncadd.s32 $0xFFFFFE00  }
0x3f3: {  	[tilespmem:s12], [sflag:$0x7] =	stream.indirect.gather [hbm4b:s3+s10], $0x40, s2, s10, $0xb8;
	[tilespmem:$0x18800] =	vst v63  }
0x3f4: {  	_ =	swait.ge [sflag:s11], $0x8000  }
0x3f5: {  	s1 =	sld [smem:$0x7FD]  }
0x3f6: {  	[sflag:s11] =	ssyncset.done $0x0  }
0x3f7: {  	[sflag:s11] =	ssyncadd.s32 $0xFFFF8000  }
0x3f8: {  	[hbm4b:s1+s2] =	stream.linear.scatter [tilespmem:s8], [sflag:$0x8], $0x8000, $0x38;
	[tilespmem:$0x18800] =	vst v63  }
0x3f9: {  	_ = 	snop  }
0x3fa: {  	[tilespmem:s28], [sflag:$0x3] =	stream.linear.gather [hbm4b:s26+s2], $0x200, $0x38;
	[tilespmem:$0x18800] =	vst v63  }
0x3fb: {  	_ =	swait.ge [sflag:s25], $0x8000  }
0x3fc: {  	[sflag:s25] =	ssyncset.done $0x0  }
0x3fd: {  	[sflag:s25] =	ssyncadd.s32 $0xFFFF8000  }
0x3fe: {  	_ =	swait.ge [sflag:s14], $0x200  }
0x3ff: {  	[sflag:s14] =	ssyncset.done $0x0  }
0x400: {  	[sflag:s14] =	ssyncadd.s32 $0xFFFFFE00  }
0x401: {  	[tilespmem:s8], [sflag:$0x5] =	stream.indirect.gather [hbm4b:s3+s10], $0x40, s10, s10, $0xb8;
	[tilespmem:$0x18800] =	vst v63  }
0x402: {  	_ =	swait.ge [sflag:s13], $0x8000  }
0x403: {  	[sflag:s13] =	ssyncset.done $0x0  }
0x404: {  	[sflag:s13] =	ssyncadd.s32 $0xFFFF8000  }
0x405: {  	[hbm4b:s22+s2] =	stream.linear.scatter [tilespmem:s7], [sflag:$0x9], $0x8000, $0x38;
	[tilespmem:$0x18800] =	vst v63  }
0x406: {  	_ = 	snop  }
0x407: {  	[tilespmem:s24], [sflag:$0x4] =	stream.linear.gather [hbm4b:s23+s2], $0x200, $0x38;
	[tilespmem:$0x18800] =	vst v63  }
0x408: {  	_ =	swait.ge [sflag:s21], $0x8000  }
0x409: {  	[sflag:s21] =	ssyncset.done $0x0  }
0x40a: {  	[sflag:s21] =	ssyncadd.s32 $0xFFFF8000  }
0x40b: {  	_ =	swait.ge [sflag:s30], $0x200  }
0x40c: {  	[sflag:s30] =	ssyncset.done $0x0  }
0x40d: {  	[sflag:s30] =	ssyncadd.s32 $0xFFFFFE00  }
0x40e: {  	[tilespmem:s7], [sflag:$0x6] =	stream.indirect.gather [hbm4b:s3+s10], $0x40, s28, s10, $0xb8;
	[tilespmem:$0x18800] =	vst v63  }
0x40f: {  	_ =	swait.ge [sflag:s17], $0x8000  }
0x410: {  	[sflag:s17] =	ssyncset.done $0x0  }
0x411: {  	[sflag:s17] =	ssyncadd.s32 $0xFFFF8000  }
0x412: {  	[hbm4b:s18+s2] =	stream.linear.scatter [tilespmem:s12], [sflag:$0xA], $0x8000, $0x38;
	[tilespmem:$0x18800] =	vst v63  }
0x413: {  	_ = 	snop  }
0x414: {  	[tilespmem:s2], [sflag:$0x1] =	stream.linear.gather [hbm4b:s19+s2], $0x200, $0x38;
	[tilespmem:$0x18800] =	vst v63  }
0x415: {  	_ =	swait.ge [sflag:s31], $0x8000  }
0x416: {  	[sflag:s31] =	ssyncset.done $0x0  }
0x417: {  	[sflag:s31] =	ssyncadd.s32 $0xFFFF8000  }
0x418: {  	_ =	swait.ge [sflag:s29], $0x200  }
0x419: {  	[sflag:s29] =	ssyncset.done $0x0  }
0x41a: {  	[sflag:s29] =	ssyncadd.s32 $0xFFFFFE00  }
0x41b: {  	[tilespmem:s12], [sflag:$0x7] =	stream.indirect.gather [hbm4b:s3+s10], $0x40, s24, s10, $0xb8;
	[tilespmem:$0x18800] =	vst v63  }
0x41c: {  	_ =	swait.ge [sflag:s11], $0x8000  }
0x41d: {  	[sflag:s11] =	ssyncset.done $0x0  }
0x41e: {  	[sflag:s11] =	ssyncadd.s32 $0xFFFF8000  }
0x41f: {  	[hbm4b:s15+s2] =	stream.linear.scatter [tilespmem:s8], [sflag:$0x8], $0x8000, $0x38;
	[tilespmem:$0x18800] =	vst v63  }
0x420: {  	_ = 	snop  }
0x421: {  	[tilespmem:s10], [sflag:$0x2] =	stream.linear.gather [hbm4b:s16+s2], $0x200, $0x38;
	[tilespmem:$0x18800] =	vst v63  }
0x422: {  	_ =	swait.ge [sflag:s25], $0x8000  }
0x423: {  	[sflag:s25] =	ssyncset.done $0x0  }
0x424: {  	[sflag:s25] =	ssyncadd.s32 $0xFFFF8000  }
0x425: {  	_ =	swait.ge [sflag:s20], $0x200  }
0x426: {  	[sflag:s20] =	ssyncset.done $0x0  }
0x427: {  	[sflag:s20] =	ssyncadd.s32 $0xFFFFFE00  }
0x428: {  	[tilespmem:s8], [sflag:$0x5] =	stream.indirect.gather [hbm4b:s3+s10], $0x40, s2, s10, $0xb8;
	[tilespmem:$0x18800] =	vst v63  }
0x429: {  	_ =	swait.ge [sflag:s13], $0x8000  }
0x42a: {  	[sflag:s13] =	ssyncset.done $0x0  }
0x42b: {  	[sflag:s13] =	ssyncadd.s32 $0xFFFF8000  }
0x42c: {  	[hbm4b:s9+s2] =	stream.linear.scatter [tilespmem:s7], [sflag:$0x9], $0x8000, $0x38;
	[tilespmem:$0x18800] =	vst v63  }
0x42d: {  	_ =	swait.ge [sflag:s21], $0x8000  }
0x42e: {  	[sflag:s21] =	ssyncset.done $0x0  }
0x42f: {  	[sflag:s21] =	ssyncadd.s32 $0xFFFF8000  }
0x430: {  	_ =	swait.ge [sflag:s14], $0x200  }
0x431: {  	[sflag:s14] =	ssyncset.done $0x0  }
0x432: {  	[sflag:s14] =	ssyncadd.s32 $0xFFFFFE00  }
0x433: {  	[tilespmem:s7], [sflag:$0x6] =	stream.indirect.gather [hbm4b:s3+s10], $0x40, s10, s10, $0xb8;
	[tilespmem:$0x18800] =	vst v63  }
0x434: {  	_ =	swait.ge [sflag:s17], $0x8000  }
0x435: {  	[sflag:s17] =	ssyncset.done $0x0  }
0x436: {  	[sflag:s17] =	ssyncadd.s32 $0xFFFF8000  }
0x437: {  	[hbm4b:s6+s2] =	stream.linear.scatter [tilespmem:s12], [sflag:$0xA], $0x8000, $0x38;
	[tilespmem:$0x18800] =	vst v63  }
0x438: {  	_ =	swait.ge [sflag:s11], $0x8000  }
0x439: {  	[sflag:s11] =	ssyncset.done $0x0  }
0x43a: {  	[sflag:s11] =	ssyncadd.s32 $0xFFFF8000  }
0x43b: {  	[hbm4b:s5+s2] =	stream.linear.scatter [tilespmem:s8], [sflag:$0x8], $0x8000, $0x38;
	[tilespmem:$0x18800] =	vst v63  }
0x43c: {  	_ =	swait.ge [sflag:s13], $0x8000  }
0x43d: {  	[sflag:s13] =	ssyncset.done $0x0  }
0x43e: {  	[sflag:s13] =	ssyncadd.s32 $0xFFFF8000  }
0x43f: {  	[hbm4b:s4+s2] =	stream.linear.scatter [tilespmem:s7], [sflag:$0x9], $0x8000, $0x38;
	[tilespmem:$0x18800] =	vst v63  }
0x440: {  	_ =	sfence.sel $0x180000  }
0x441: {  	[bflag:$0x0] =	sbarrier.arrive $0xFFFF  }
0x442: {  	_ =	strace $0x90000047  }
0x443: {  	s31 =	stileid.u32;
	[bflag:$0x2] =	sbarrier.arrive $0xFFFF  }
0x444: {  	p0 =	sne.s32 s31, $0x0;
	s0 =	rddreg [dreg:$0x3]  }
0x445: {  	s0 =	sadd.s32 @!p0 $0x100000, s0  }
0x446: {  	[sflag:s0] =	ssyncadd.tile.s32 @!p0 $0x1;
	_ =	shalt  }
.Lfunc_end2:
_tile_overlayer_lowered:
.L_overlay_start_2:
0x447: {  	(tag) =	ssettag $0x2  }
0x448: {  	s0 =	rddreg [dreg:$0x0];
	s2 =	stileid.u32  }
0x449: {  	s1 =	rddreg [dreg:$0x1];
	p0 =	sne.s32 s2, $0x0  }
0x44a: {  	s3 =	rddreg [dreg:$0x2];
	[bflag:$0x3] =	sbarrier.arrive $0xFFFF;
	s2 =	simm.s32 @!p0 $0x1C0B  }
0x44b: {  	[timem:s3], [sflag:s2] =	dma.local @!p0 [hbm:s0], s1  }
0x44c: {  	s0 =	simm.s32 @!p0 $0xB  }
0x44d: {  	_ =	swait.ge @!p0 [sflag:s0], s1  }
0x44e: {  	s1 =	ssub.s32 @!p0 $0x0, s1;
	[sflag:s0] =	ssyncset.done @!p0 $0x0  }
0x44f: {  	[sflag:s0] =	ssyncadd.s32 @!p0 s1  }
0x450: {  	[bflag:$0x3] =	sbarrier.arrive $0xFFFF  }
0x451: {  	_ =	shalt  }

// kernel: sparse-core-data-format-call.cloned.1.call-start
scs
called_computation_lowered:
.L_overlay_start_0:
0x0: {  	s2 =	sld [smem:$0x3FD9]  }
0x1: {  	s3 =	sld [smem:$0x3FFE];
	_ =	sdelay $0x1  }
0x2: {  	s1 =	srdreg.scid  }
0x3: {  	s0 =	sand.u32 $0x1, s1  }
0x4: {  	s18 =	sshll.u32 s0, $0xA;
	s2 =	sadd.s32 s3, s2  }
0x5: {  	s2 =	sadd.s32 s2, s18  }
0x6: {  	[smem:$0x3FC6] =	sst s2  }
0x7: {  	_ = 	snop  }
0x8: {  	s2 =	sld [smem:$0x3FD0];
	(tm) =	ssettm $0x1  }
0x9: {  	s19 =	sld [smem:$0x3FFB];
	_ =	sdelay $0x3  }
0xa: {  	_ =	strace s19  }
0xb: {  	s3 =	sld [smem:$0x3FFC];
	_ =	sdelay $0x3  }
0xc: {  	_ =	strace s3  }
0xd: {  	s3 =	sld [smem:$0x3FFD];
	_ =	sdelay $0x3  }
0xe: {  	_ =	strace s3  }
0xf: {  	_ =	strace $0x8FFFFFFF  }
0x10: {  	s20 =	sld [smem:$0x3FDB];
	_ =	sdelay $0x1  }
0x11: {  	s4 =	simm.s32 $_scs_section_size  }
0x12: {  	s5 =	simm.s32 $_size__tile_overlayer_lowered;
	s6 =	simm.s32 $_tile_overlayer_lowered  }
0x13: {  	s23 =	simm.s32 $0x1BFF;
	s22 =	sshll.u32 s6, $0x1;
	s3 =	sadd.s32 s4, s20  }
0x14: {  	s7 =	simm.s32 $0x0;
	s21 =	sshll.u32 s5, $0x1;
	s5 =	sadd.s32 s22, s3  }
0x15: {  	[timem:s7], [sflag:s23] =	dma.local [hbm:s5], s21  }
0x16: {  	_ =	swait.ge [sflag:s23], s21  }
0x17: {  	s4 =	ssub.s32 $0x0, s21;
	[sflag:s23] =	ssyncset.done $0x0  }
0x18: {  	[sflag:s23] =	ssyncadd.s32 s4;
	_ =	sdelay $0x1  }
0x19: {  	s24 =	simm.s32 $0x1B8B  }
0x1a: {  	_ =	swait.ge [sflag:s24], $0x1  }
0x1b: {  	[sflag:s24] =	ssyncset.done $0x0  }
0x1c: {  	s26 =	simm.s32 $0x1B8E;
	s25 =	sld [smem:$0x3FFE];
	[sflag:s24] =	ssyncadd.s32 $0xFFFFFFFF  }
0x1d: {  	s27 =	simm.s32 $execute0_lowered;
	[smem:$0x3FD2] =	sst s26  }
0x1e: {  	s5 =	sshll.u32 s27, $0x1;
	_ =	strace $0x80000049;
	[dreg:$0x1] =	wrdreg $0xFFFFFFFF  }
0x1f: {  	s28 =	simm.s32 $_size_execute0_lowered;
	s3 =	sadd.s32 s3, s5;
	[dreg:$0x0] =	wrdreg $0x0  }
0x20: {  	s5 =	sshll.u32 s28, $0x1;
	[dreg:$0x2] =	wrdreg s3  }
0x21: {  	[dreg:$0x3] =	wrdreg s5  }
0x22: {  	[dreg:$0x4] =	wrdreg $0xC0  }
0x23: {  	_ =	task [dreg:s7], $0x5FFFF  }
0x24: {  	[dreg:$0x1] =	wrdreg $0xFFFFFFFF  }
0x25: {  	[dreg:$0x0] =	wrdreg $0x60  }
0x26: {  	[dreg:$0x2] =	wrdreg s25  }
0x27: {  	[dreg:$0x3] =	wrdreg s2  }
0x28: {  	[dreg:$0x4] =	wrdreg $0x9  }
0x29: {  	_ =	task.clear_ibuf [dreg:s7], $0x5FFFF;
	_ =	strace $0x90000049  }
0x2a: {  	s29 =	simm.s32 $0x9;
	_ =	strace $0x8000004B  }
0x2b: {  	_ =	swait.ge [sflag:s29], $0x1  }
0x2c: {  	[sflag:s29] =	ssyncadd.s32 $0xFFFFFFFF  }
0x2d: {  	_ =	strace $0x9000004B  }
0x2e: {  	_ =	sfence  }
0x2f: {  	s30 =	sld [smem:$0x0];
	_ =	sdelay $0x2  }
0x30: {  	s31 =	sshll.u32 s1, $0xD;
	s1 =	sshrl.u32 s1, $0x2  }
0x31: {  	s3 =	sand.u32 $0x4000, s31;
	s1 =	sadd.s32 s1, s30  }
0x32: {  	s0 =	sor.u32 s3, s0;
	s1 =	sshll.u32 s1, $0x11  }
0x33: {  	s0 =	sor.u32 s1, s0  }
0x34: {  	s0 =	sadd.s32 $0x8F2B, s0  }
0x35: {  	[sflag:s0] =	ssyncadd.remote.s32 $0x1  }
0x36: {  	_ =	sfence.sel $0xFFFF  }
0x37: {  	[dreg:$0x0] =	wrdreg $0xFFFFFFFF;
	(pc) =	sbr.abs _section_cstart, $3  }
0x38: {  	[dreg:$0x1] =	wrdreg $0xFFFFFFFF  }
0x39: {  	_ =	task.clear_ibuf [dreg:s7], $0x2FFFF;
	_ =	strace $0x9FFFFFFF  }
0x3a: {  	(tm) =	ssettm $0x7FFFFFFF  }
0x3b: {  	_ =	shalt  }
tec
execute0_lowered:
.L_overlay_start_1:
0x0: {  	(tag) =	ssettag $0x1  }
0x1: {  	s0 =	srdreg.scid  }
0x2: {  	s1 =	sshll.u32 s0, $0x4  }
0x3: {  	s4 =	rddreg [dreg:$0x0];
	s0 =	stileid.u32;
	s1 =	sand.u32 $0x10, s1  }
0x4: {  	s2 =	rddreg [dreg:$0x1];
	s7 =	simm.s32 $0x1;
	s1 =	sor.u32 s0, s1  }
0x5: {  	s8 =	simm.s32 $0x2;
	s11 =	simm.s32 $0x0;
	s3 =	sshll.u32 s1, $0x7  }
0x6: {  	s10 =	simm.s32 $0x0;
	s4 =	sadd.s32 $0x800, s4;
	s6 =	ssub.s32 $0x68000, s3  }
.Ltmp0:
0x7: {  	s1 =	rddreg [dreg:$0x2];
	s5 =	sand.u32 $0xF80, s6;
	(pc) =	sbr.rel .LBB1_1-.Ltmp0, $4  }
0x8: {  	_ =	strace $0x8000004A;
	s9 =	smov.u32 s3;
	p0 =	sne.s32 s5, $0x0  }
0x9: {  	s6 =	sshrl.u32 s6, $0xC;
	s5 =	simm.s32 $0x1;
	s7 =	simm.s32 @!p0 $0x0  }
0xa: {  	[sflag:s5] =	ssyncpa.u1 $0x0;
	p0 =	por $0x0, $0x0;
	s6 =	sadd.s32 s7, s6  }
0xb: {  	[sflag:s8] =	ssyncpa.u1 $0x0;
	s8 =	simm.s32 $0x340000;
	s7 =	sadd.s32 $0x1, s6  }
.LBB1_4:
0xc: {  	s14 =	sshll.u32 s11, $0x3  }
0xd: {  	s30 =	sand.u32 $0x7F, s11;
	s15 =	sand.u32 $0xFFFFFC00, s14  }
0xe: {  	s11 =	sor.u32 s30, s15  }
0xf: {  	s15 =	smulhi.u32 $0x4EC4EC4F, s11  }
0x10: {  	s14 =	smulhi.u32 $0x4EC4EC4F, s14  }
0x11: {  	s15 =	sshrl.u32 s15, $0x11  }
0x12: {  	s14 =	sshrl.u32 s14, $0x11;
	s15 =	smul.u32 $0x68000, s15  }
0x13: {  	s14 =	sand.u32 $0x3F, s14  }
0x14: {  	s14 =	smul.u32 $0xD000, s14;
	s11 =	ssub.s32 s11, s15  }
0x15: {  	[tilespmem:s13+$0x810 ss:$0x81] =	vst.msk $0xffff, v2;
	s15 =	sand.u32 $0x7, s11  }
0x16: {  	[tilespmem:s13+$0x1020 ss:$0x81] =	vst.msk $0xffff, v0;
	s14 =	sadd.s32 s2, s14;
	s11 =	sshrl.u32 s11, $0x3;
	s15 =	sshll.u32 s15, $0x12  }
0x17: {  	[tilespmem:s13+$0x0 ss:$0x81] =	vst.msk $0xffff, v1;
	s11 =	sadd.s32 s11, s14;
	s31 =	sor.u32 $0x400, s15  }
0x18: {  	[hbm4b:s11+s31] =	stream.strided.scatter [tilespmem:s12], [sflag:$0x2], $0x2000, s8, s31, $0x20;
	[tilespmem:$0x8080] =	vst v63  }
.LBB1_5:
0x19: {  	s13 =	sadd.s32 $0x1000, s9  }
0x1a: {  	p2 =	sgt.s32 s13, $0x67FFF  }
0x1b: {  	s13 =	smov.u32 @p2 s3;
	p2 =	sne.s32 s10, s7  }
.Ltmp1:
0x1c: {  	p1 =	slt.u32 s10, $0x2;
	(pc) =	sbr.rel @!p2 .LBB1_6-.Ltmp1, $4  }
0x1d: {  	s12 =	simm.s32 @!p1 $0x2  }
0x1e: {  	s14 =	sadd.s32 $0x1, s10;
	_ =	swait.ge @!p1 [sflag:s12], $0x2000  }
0x1f: {  	s11 =	smov.u32 s9;
	p0 =	por !p0, !p0;
	[sflag:s12] =	ssyncset.done @!p1 $0x0  }
0x20: {  	s10 =	smov.u32 s14;
	s9 =	smov.u32 s13;
	[sflag:s12] =	ssyncadd.s32 @!p1 $0xFFFFE000  }
.LBB1_1:
0x21: {  	p1 =	sge.u32 s10, s6  }
0x22: {  	s12 =	sand.u32 @!p1 $0x1FFFFFF, s9  }
0x23: {  	s13 =	smulhi.u32 @!p1 $0x2762763, s12;
	_ =	sdelay $0x1  }
0x24: {  	s13 =	sshrl.u32 @!p1 s13, $0xC  }
0x25: {  	s13 =	smul.u32 @!p1 $0x68000, s13;
	_ =	sdelay $0x1  }
0x26: {  	s31 =	sadd.s32 $0xFFFFFFFF, s10;
	s14 =	sxor.u32 @!p1 $0xFFFFFFFF, s10;
	s12 =	ssub.s32 @!p1 s12, s13  }
0x27: {  	s15 =	simm.s32 @!p1 $0x80;
	s14 =	sshll.u32 @!p1 s14, $0xD;
	s12 =	sshll.u32 @!p1 s12, $0x4  }
0x28: {  	s13 =	sand.u32 @!p1 $0x2000, s14;
	s14 =	simm.s32 @!p1 $0x40;
	s12 =	sadd.s32 @!p1 s4, s12  }
0x29: {  	[tilespmem:s13], [sflag:$0x1] =	stream.strided.gather @!p1 [hbm4b:s12+s14], $0x2000, s15, s14, $0x38;
	[tilespmem:$0x8080] =	vst v63  }
0x2a: {  	p1 =	sge.u32 s31, s6  }
.Ltmp2:
0x2b: {  	_ = 	snop;
	(pc) =	sbr.rel @p1 .LBB1_5-.Ltmp2, $1  }
0x2c: {  	_ =	sdelay $0x3  }
0x2d: {  	s12 =	simm.s32 $0x1  }
0x2e: {  	_ =	swait.ge [sflag:s5], $0x2000;
	s12 =	simm.s32 @!p0 $0x0  }
0x2f: {  	[sflag:s5] =	ssyncset.done $0x0;
	s13 =	sshll.u32 s12, $0xD  }
0x30: {  	[sflag:s5] =	ssyncadd.s32 $0xFFFFE000;
	s16 =	sor.u32 $0x20, s13  }
0x31: {  	s12 =	smul.u32 $0x8100, s12;
	v3 =	vld [tilespmem:s16+$0x10]  }
0x32: {  	s30 =	sand.u32 $0x1, s10;
	v2 =	vld [tilespmem:s16+$0xFFFFFFF0]  }
0x33: {  	s13 =	smul.u32 $0x8100, s30;
	s12 =	sshrl.u32 s12, $0x2;
	v0 =	vld [tilespmem:s16+$0x0]  }
0x34: {  	v1 =	vld [tilespmem:s16+$0xFFFFFFE0];
	s14 =	sor.u32 $0x4000, s12  }
0x35: {  	s31 =	sshrl.u32 s13, $0x2;
	s13 =	sadd.s32 $0x0, s14  }
0x36: {  	s15 =	simm.s32 $0x4;
	s16 =	sadd.s32 $0x40, s16;
	s12 =	sor.u32 $0x4000, s31;
	[tilespmem:s13+$0x1830 ss:$0x81] =	vst.msk $0xffff, v3  }
.LBB1_3:
0x37: {  	v3 =	vld [tilespmem:s16+$0x10];
	p1 =	sne.s32 s15, $0x1FC;
	[tilespmem:s13+$0x810 ss:$0x81] =	vst.msk $0xffff, v2;
	s17 =	smov.u32 s15;
	s15 =	sadd.s32 $0x4, s15  }
.Ltmp3:
0x38: {  	v2 =	vld [tilespmem:s16+$0xFFFFFFF0];
	[tilespmem:s13+$0x1020 ss:$0x81] =	vst.msk $0xffff, v0;
	(pc) =	sbr.rel @p1 .LBB1_3-.Ltmp3, $4  }
0x39: {  	v0 =	vld [tilespmem:s16+$0x0];
	[tilespmem:s13+$0x0 ss:$0x81] =	vst.msk $0xffff, v1  }
0x3a: {  	s13 =	sshra.s32 s17, $0x2;
	v1 =	vld [tilespmem:s16+$0xFFFFFFE0]  }
0x3b: {  	s13 =	sadd.s32 s13, s14  }
0x3c: {  	s16 =	sadd.s32 $0x40, s16;
	[tilespmem:s13+$0x1830 ss:$0x81] =	vst.msk $0xffff, v3  }
.Ltmp4:
0x3d: {  	_ = 	snop;
	(pc) =	sbr.rel .LBB1_4-.Ltmp4, $1  }
0x3e: {  	_ =	sdelay $0x3  }
.LBB1_6:
0x3f: {  	_ =	sfence.sel $0x180000  }
0x40: {  	s2 =	simm.s32 $0x1;
	[bflag:$0x0] =	sbarrier.arrive $0xFFFF  }
0x41: {  	s31 =	simm.s32 $0x2;
	[sflag:s2] =	ssyncpa.u1 $0x1  }
0x42: {  	[sflag:s31] =	ssyncpa.u1 $0x1  }
0x43: {  	p0 =	sne.s32 s0, $0x0;
	_ =	strace $0x9000004A  }
0x44: {  	s0 =	sadd.s32 @!p0 $0x100000, s1;
	[bflag:$0x2] =	sbarrier.arrive $0xFFFF  }
0x45: {  	[sflag:s0] =	ssyncadd.tile.s32 @!p0 $0x1;
	_ =	shalt  }
.Lfunc_end1:
_tile_overlayer_lowered:
.L_overlay_start_2:
0x46: {  	(tag) =	ssettag $0x2  }
0x47: {  	s0 =	rddreg [dreg:$0x0];
	s2 =	stileid.u32  }
0x48: {  	s1 =	rddreg [dreg:$0x1];
	p0 =	sne.s32 s2, $0x0  }
0x49: {  	s3 =	rddreg [dreg:$0x2];
	[bflag:$0x3] =	sbarrier.arrive $0xFFFF;
	s2 =	simm.s32 @!p0 $0x1C01  }
0x4a: {  	[timem:s3], [sflag:s2] =	dma.local @!p0 [hbm:s0], s1  }
0x4b: {  	s0 =	simm.s32 @!p0 $0x1  }
0x4c: {  	_ =	swait.ge @!p0 [sflag:s0], s1  }
0x4d: {  	s1 =	ssub.s32 @!p0 $0x0, s1;
	[sflag:s0] =	ssyncset.done @!p0 $0x0  }
0x4e: {  	[sflag:s0] =	ssyncadd.s32 @!p0 s1  }
0x4f: {  	[bflag:$0x3] =	sbarrier.arrive $0xFFFF  }
0x50: {  	_ =	shalt  }

</sc_bundles>
